<compile_context>
chip_gen: v7x
topology: tpu7x:2x2x1
jax: 0.10.2.dev20260603
libtpu: 0.0.44.dev20260713+nightly
codegen_flags: <defaults>
</compile_context>

<pallas_src>
import functools

import jax
import jax.numpy as jnp
from jax import lax
from jax.experimental import pallas as pl
from jax.experimental.pallas import tpu as pltpu
from jax.experimental.pallas import tpu_sc as plsc

_N = 10000
_E = 320000
_D = 128

_NC = 2
_NS = 16
_NW = _NC * _NS
_EPW = _E // _NW
_C = 80
_K = 25
_G = _EPW // (_C * _K)
_NP = 10240
_RPT = _NP // _NS
_QR = _RPT // _C
_BLK = 2048
_NB = _NP // _BLK


def _sc_body(x_hbm, src_hbm, dst_hbm, acc0_hbm, acc1_hbm, cnt_hbm,
             acc_sh, srcb, dstb, rows0, rows1, rows2, cnt,
             gsem0, gsem1, gsem2, zsem):
    c = lax.axis_index("c")
    s = lax.axis_index("s")
    wid = s * _NC + c

    zeros16 = jnp.zeros((16,), jnp.float32)
    ones16 = jnp.ones((16,), jnp.float32)

    def r_zero(t, carry):
        rows2[t // 8, pl.ds((t % 8) * 16, 16)] = zeros16
        return carry
    lax.fori_loop(0, _C * 8, r_zero, 0)

    base = s * _RPT
    zcps = [
        pltpu.async_copy(rows2, acc_sh.at[pl.ds(base + q * _C, _C)], zsem)
        for q in range(_QR)
    ]

    def cnt_zero(i, carry):
        cnt[pl.ds(i * 16, 16)] = zeros16
        return carry
    lax.fori_loop(0, _NP // 16, cnt_zero, 0)

    bufs = (rows0, rows1, rows2)
    sems = (gsem0, gsem1, gsem2)

    def counts(j):
        for k in range(_C // 16):
            dv = dstb[j, pl.ds(k * 16, 16)]
            plsc.addupdate_scatter(cnt, [dv], ones16)

    def gather(j, b):
        return pltpu.async_copy(x_hbm.at[srcb.at[j]], bufs[b], sems[b])

    def gwait(j, b):
        pltpu.make_async_copy(x_hbm.at[srcb.at[j]], bufs[b], sems[b]).wait()

    def scat(j, b):
        pltpu.sync_copy(bufs[b], acc_sh.at[dstb.at[j]], add=True)

    def triple(i, carry):
        j = 3 * i
        for b in range(3):
            gwait(j + b, b)
            scat(j + b, b)
            gather(j + 3 + b, b)
            counts(j + b)
        return carry

    for g in range(_G):
        pltpu.sync_copy(src_hbm.at[wid * _G + g], srcb)
        pltpu.sync_copy(dst_hbm.at[wid * _G + g], dstb)
        for b in range(3):
            gather(b, b)
        if g == 0:
            for cp in zcps:
                cp.wait()
            plsc.subcore_barrier()
        lax.fori_loop(0, (_K - 4) // 3, triple, 0)
        gwait(21, 0)
        scat(21, 0)
        gather(24, 0)
        counts(21)
        gwait(22, 1)
        scat(22, 1)
        counts(22)
        gwait(23, 2)
        scat(23, 2)
        counts(23)
        gwait(24, 0)
        scat(24, 0)
        counts(24)

    plsc.subcore_barrier()

    @pl.when(c == 0)
    def _():
        pltpu.sync_copy(acc_sh.at[pl.ds(base, _RPT)],
                        acc0_hbm.at[pl.ds(base, _RPT)])

    @pl.when(c == 1)
    def _():
        pltpu.sync_copy(acc_sh.at[pl.ds(base, _RPT)],
                        acc1_hbm.at[pl.ds(base, _RPT)])

    pltpu.sync_copy(cnt, cnt_hbm.at[pl.ds(wid * _NP, _NP)])


def _finalize_body(acc0_ref, acc1_ref, cnt_ref, w_ref, b_ref, o_ref):
    a = acc0_ref[...] + acc1_ref[...]
    ones_col = jnp.ones((_NW, 1), jnp.float32)
    csum = lax.dot_general(cnt_ref[...], ones_col, (((0,), (0,)), ((), ())),
                           preferred_element_type=jnp.float32)
    scale = 1.0 / jnp.maximum(csum, 1.0)
    h = a * scale
    o_ref[...] = (
        jnp.dot(h, w_ref[...], preferred_element_type=jnp.float32) + b_ref[...]
    )


@jax.jit
def kernel(x, edge_index, W, b):
    src = edge_index[0].reshape(_NW * _G, _K, _C)
    dst = edge_index[1].reshape(_NW * _G, _K, _C)

    mesh = plsc.VectorSubcoreMesh(core_axis_name="c", subcore_axis_name="s")
    sc_fn = pl.kernel(
        _sc_body,
        out_type=[
            jax.ShapeDtypeStruct((_NP, _D), jnp.float32),
            jax.ShapeDtypeStruct((_NP, _D), jnp.float32),
            jax.ShapeDtypeStruct((_NW * _NP,), jnp.float32),
        ],
        mesh=mesh,
        compiler_params=pltpu.CompilerParams(
            needs_layout_passes=False,
            disable_bounds_checks=True,
            disable_semaphore_checks=True,
        ),
        scratch_types=[
            pltpu.VMEM_SHARED((_NP, _D), jnp.float32),
            pltpu.VMEM((_K, _C), jnp.int32),
            pltpu.VMEM((_K, _C), jnp.int32),
            pltpu.VMEM((_C, _D), jnp.float32),
            pltpu.VMEM((_C, _D), jnp.float32),
            pltpu.VMEM((_C, _D), jnp.float32),
            pltpu.VMEM((_NP,), jnp.float32),
            pltpu.SemaphoreType.DMA,
            pltpu.SemaphoreType.DMA,
            pltpu.SemaphoreType.DMA,
            pltpu.SemaphoreType.DMA,
        ],
    )
    acc0, acc1, cnts = sc_fn(x, src, dst)
    cnts = cnts.reshape(_NW, _NP)

    out = pl.pallas_call(
        _finalize_body,
        grid=(_NB,),
        in_specs=[
            pl.BlockSpec((_BLK, _D), lambda i: (i, 0)),
            pl.BlockSpec((_BLK, _D), lambda i: (i, 0)),
            pl.BlockSpec((_NW, _BLK), lambda i: (0, i)),
            pl.BlockSpec((_D, _D), lambda i: (0, 0)),
            pl.BlockSpec((1, _D), lambda i: (0, 0)),
        ],
        out_specs=pl.BlockSpec((_BLK, _D), lambda i: (i, 0)),
        out_shape=jax.ShapeDtypeStruct((_N, _D), jnp.float32),
    )(acc0, acc1, cnts, W, b.reshape(1, _D))
    return out

# --- scband reference (transcript-rebuilt; emitter-appended) ---
"""Pipeline reference for scband-isnefeature-propagation-67379446940400 (READ-ONLY COPY).

The authoritative reference and input builder live on the scoring server;
editing this copy changes nothing except your own understanding.
"""

import jax, jax.numpy as jnp
import numpy as np

N = 10000
E = 320000
D_IN = 128
D_OUT = 128


def setup_inputs(seed: int = 0) -> dict:
    key = jax.random.key(seed)
    k1, k2, k3 = jax.random.split(key, 3)
    x = jax.random.normal(k1, (N, D_IN), dtype=jnp.float32)
    edge_index = jax.random.randint(k2, (2, E), 0, N, dtype=jnp.int32)
    # xavier_uniform init for weight [in_features, out_features]
    limit = float(np.sqrt(6.0 / (D_IN + D_OUT)))
    W = jax.random.uniform(k3, (D_IN, D_OUT), dtype=jnp.float32, minval=-limit, maxval=limit)
    b = jnp.zeros((D_OUT,), dtype=jnp.float32)
    return {"x": x, "edge_index": edge_index, "W": W, "b": b}


def reference(x, edge_index, W, b):
    # dropout p=0.0 (eval) -> identity
    h = jnp.matmul(x, W)
    src = edge_index[0]
    dst = edge_index[1]
    x_j = jnp.take(h, src, axis=0)
    # scatter_mean: sum per dst node, divided by clamped counts
    out = jax.ops.segment_sum(x_j, dst, num_segments=N)
    ones = jnp.ones((E,), dtype=h.dtype)
    count = jax.ops.segment_sum(ones, dst, num_segments=N)
    count = jnp.maximum(count, 1.0)[:, None]
    out = out / count
    out = out + b
    return out

if __name__ == "__main__":
    import jax
    _d = setup_inputs()
    print(jax.jit(kernel)(*tuple(_d.values())))

</pallas_src>

<mosaic_0001>
#map = affine_map<(d0, d1) -> (0, 0)>
#map1 = affine_map<(d0, d1) -> (0, 0, 0)>
#map2 = affine_map<(d0, d1) -> (0)>
module attributes {stable_mosaic.version = 14 : i64} {
  func.func @_sc_body(%arg0: i32, %arg1: i32, %arg2: memref<10000x128xf32, #tpu.memory_space<hbm>>, %arg3: memref<160x25x80xi32, #tpu.memory_space<hbm>>, %arg4: memref<160x25x80xi32, #tpu.memory_space<hbm>>, %arg5: memref<10240x128xf32, #tpu.memory_space<hbm>>, %arg6: memref<10240x128xf32, #tpu.memory_space<hbm>>, %arg7: memref<327680xf32, #tpu.memory_space<hbm>>, %arg8: memref<10240x128xf32, #tpu.memory_space<vmem_shared>>, %arg9: memref<25x80xi32, #tpu.memory_space<vmem>>, %arg10: memref<25x80xi32, #tpu.memory_space<vmem>>, %arg11: memref<80x128xf32, #tpu.memory_space<vmem>>, %arg12: memref<80x128xf32, #tpu.memory_space<vmem>>, %arg13: memref<80x128xf32, #tpu.memory_space<vmem>>, %arg14: memref<10240xf32, #tpu.memory_space<vmem>>, %arg15: memref<!tpu.dma_semaphore, #tpu.memory_space<semaphore_mem>>, %arg16: memref<!tpu.dma_semaphore, #tpu.memory_space<semaphore_mem>>, %arg17: memref<!tpu.dma_semaphore, #tpu.memory_space<semaphore_mem>>, %arg18: memref<!tpu.dma_semaphore, #tpu.memory_space<semaphore_mem>>) attributes {dimension_semantics = [#tpu.dimension_semantics<core_parallel>, #tpu.dimension_semantics<subcore_parallel>], iteration_bounds = array<i64: 2, 16>, scalar_prefetch = 0 : i64, scratch_operands = 11 : i64, tpu.core_type = #tpu.core_type<sc_vector_subcore>, window_params = [{transform_indices = #map}, {transform_indices = #map1}, {transform_indices = #map1}, {transform_indices = #map}, {transform_indices = #map}, {transform_indices = #map2}]} {
    %mul3A = arith.constant 2 : i32
    %mul3A_0 = arith.muli %arg1, %mul3A : i32
    %add3A = arith.addi %mul3A_0, %arg0 : i32
    %broadcast_in_dim3A = arith.constant 0.000000e+00 : f32
    %broadcast_in_dim3A_1 = vector.broadcast %broadcast_in_dim3A : f32 to vector<16xf32>
    %broadcast_in_dim3A_2 = arith.constant 1.000000e+00 : f32
    %broadcast_in_dim3A_3 = vector.broadcast %broadcast_in_dim3A_2 : f32 to vector<16xf32>
    %scan3A = arith.constant 0 : i32
    %scan3A_4 = arith.constant 0 : i32
    %scan3A_5 = arith.constant 640 : i32
    %scan3A_6 = arith.addi %scan3A_4, %scan3A_5 : i32
    %scan3A_7 = arith.constant 1 : i32
    scf.for %scan3A_873 = %scan3A_4 to %scan3A_6 step %scan3A_7  : i32 {
      %jit3A = arith.constant 8 : i32
      %div3A = arith.divsi %scan3A_873, %jit3A : i32
      %sign3A = arith.constant 0 : i32
      %sign3A_874 = arith.cmpi sgt, %scan3A_873, %sign3A : i32
      %sign3A_875 = arith.extui %sign3A_874 : i1 to i32
      %sign3A_876 = arith.constant 0 : i32
      %sign3A_877 = arith.cmpi slt, %scan3A_873, %sign3A_876 : i32
      %sign3A_878 = arith.extui %sign3A_877 : i1 to i32
      %sign3A_879 = arith.subi %sign3A_875, %sign3A_878 : i32
      %sign3A_880 = arith.constant 0 : i32
      %sign3A_881 = arith.cmpi sgt, %jit3A, %sign3A_880 : i32
      %sign3A_882 = arith.extui %sign3A_881 : i1 to i32
      %sign3A_883 = arith.constant 0 : i32
      %sign3A_884 = arith.cmpi slt, %jit3A, %sign3A_883 : i32
      %sign3A_885 = arith.extui %sign3A_884 : i1 to i32
      %sign3A_886 = arith.subi %sign3A_882, %sign3A_885 : i32
      %ne3A = arith.cmpi ne, %sign3A_879, %sign3A_886 : i32
      %rem3A = arith.remsi %scan3A_873, %jit3A : i32
      %ne3A_887 = arith.constant 0 : i32
      %ne3A_888 = arith.cmpi ne, %rem3A, %ne3A_887 : i32
      %and3A = arith.andi %ne3A, %ne3A_888 : i1
      %sub3A = arith.constant 1 : i32
      %sub3A_889 = arith.subi %div3A, %sub3A : i32
      %select_n3A = arith.select %and3A, %sub3A_889, %div3A : i32
      %jit3A_890 = arith.constant 8 : i32
      %eq3A_891 = arith.constant 0 : i32
      %eq3A_892 = arith.cmpi eq, %jit3A_890, %eq3A_891 : i32
      %jit3A_893 = arith.constant 1 : i32
      %select_n3A_894 = arith.select %eq3A_892, %jit3A_893, %jit3A_890 : i32
      %rem3A_895 = arith.remsi %scan3A_873, %select_n3A_894 : i32
      %ne3A_896 = arith.constant 0 : i32
      %ne3A_897 = arith.cmpi ne, %rem3A_895, %ne3A_896 : i32
      %lt3A = arith.constant 0 : i32
      %lt3A_898 = arith.cmpi slt, %rem3A_895, %lt3A : i32
      %lt3A_899 = arith.constant 0 : i32
      %lt3A_900 = arith.cmpi slt, %select_n3A_894, %lt3A_899 : i32
      %ne3A_901 = arith.xori %lt3A_898, %lt3A_900 : i1
      %and3A_902 = arith.andi %ne3A_901, %ne3A_897 : i1
      %add3A_903 = arith.addi %rem3A_895, %select_n3A_894 : i32
      %select_n3A_904 = arith.select %and3A_902, %add3A_903, %rem3A_895 : i32
      %mul3A_905 = arith.constant 16 : i32
      %mul3A_906 = arith.muli %select_n3A_904, %mul3A_905 : i32
      %swap3A = arith.index_cast %select_n3A : i32 to index
      %swap3A_907 = arith.index_cast %mul3A_906 : i32 to index
      %swap3A_908 = tpu.vector_load %arg13[%swap3A, %swap3A_907] {strides = array<i32>} : memref<80x128xf32, #tpu.memory_space<vmem>>, vector<16xf32>,
      tpu.vector_store %arg13[%swap3A, %swap3A_907], %broadcast_in_dim3A_1 {strides = array<i32>} : memref<80x128xf32, #tpu.memory_space<vmem>>, vector<16xf32>,
    }
    %scan3A_8 = arith.constant 640 : i32
    %mul3A_9 = arith.constant 640 : i32
    %mul3A_10 = arith.muli %arg1, %mul3A_9 : i32
    %add3A_11 = arith.constant 0 : i32
    %add3A_12 = arith.addi %mul3A_10, %add3A_11 : i32
    %dma_start3A = arith.constant 0 : i32
    %dma_start3A_13 = tpu.memref_slice %arg8[%add3A_12, %dma_start3A] : memref<10240x128xf32, #tpu.memory_space<vmem_shared>> -> memref<80x128xf32, #tpu.memory_space<vmem_shared>>
    %dma_start3A_14 = arith.constant 0 : i32
    %dma_start3A_15 = tpu.memref_slice %arg8[%add3A_12, %dma_start3A_14] : memref<10240x128xf32, #tpu.memory_space<vmem_shared>> -> memref<80x128xf32, #tpu.memory_space<vmem_shared>>
    tpu.enqueue_dma source(%arg13 : memref<80x128xf32, #tpu.memory_space<vmem>>) target(%dma_start3A_15 : memref<80x128xf32, #tpu.memory_space<vmem_shared>>) target_semaphore(%arg18 : memref<!tpu.dma_semaphore, #tpu.memory_space<semaphore_mem>>)
    %add3A_16 = arith.constant 80 : i32
    %add3A_17 = arith.addi %mul3A_10, %add3A_16 : i32
    %dma_start3A_18 = arith.constant 0 : i32
    %dma_start3A_19 = tpu.memref_slice %arg8[%add3A_17, %dma_start3A_18] : memref<10240x128xf32, #tpu.memory_space<vmem_shared>> -> memref<80x128xf32, #tpu.memory_space<vmem_shared>>
    %dma_start3A_20 = arith.constant 0 : i32
    %dma_start3A_21 = tpu.memref_slice %arg8[%add3A_17, %dma_start3A_20] : memref<10240x128xf32, #tpu.memory_space<vmem_shared>> -> memref<80x128xf32, #tpu.memory_space<vmem_shared>>
    tpu.enqueue_dma source(%arg13 : memref<80x128xf32, #tpu.memory_space<vmem>>) target(%dma_start3A_21 : memref<80x128xf32, #tpu.memory_space<vmem_shared>>) target_semaphore(%arg18 : memref<!tpu.dma_semaphore, #tpu.memory_space<semaphore_mem>>)
    %add3A_22 = arith.constant 160 : i32
    %add3A_23 = arith.addi %mul3A_10, %add3A_22 : i32
    %dma_start3A_24 = arith.constant 0 : i32
    %dma_start3A_25 = tpu.memref_slice %arg8[%add3A_23, %dma_start3A_24] : memref<10240x128xf32, #tpu.memory_space<vmem_shared>> -> memref<80x128xf32, #tpu.memory_space<vmem_shared>>
    %dma_start3A_26 = arith.constant 0 : i32
    %dma_start3A_27 = tpu.memref_slice %arg8[%add3A_23, %dma_start3A_26] : memref<10240x128xf32, #tpu.memory_space<vmem_shared>> -> memref<80x128xf32, #tpu.memory_space<vmem_shared>>
    tpu.enqueue_dma source(%arg13 : memref<80x128xf32, #tpu.memory_space<vmem>>) target(%dma_start3A_27 : memref<80x128xf32, #tpu.memory_space<vmem_shared>>) target_semaphore(%arg18 : memref<!tpu.dma_semaphore, #tpu.memory_space<semaphore_mem>>)
    %add3A_28 = arith.constant 240 : i32
    %add3A_29 = arith.addi %mul3A_10, %add3A_28 : i32
    %dma_start3A_30 = arith.constant 0 : i32
    %dma_start3A_31 = tpu.memref_slice %arg8[%add3A_29, %dma_start3A_30] : memref<10240x128xf32, #tpu.memory_space<vmem_shared>> -> memref<80x128xf32, #tpu.memory_space<vmem_shared>>
    %dma_start3A_32 = arith.constant 0 : i32
    %dma_start3A_33 = tpu.memref_slice %arg8[%add3A_29, %dma_start3A_32] : memref<10240x128xf32, #tpu.memory_space<vmem_shared>> -> memref<80x128xf32, #tpu.memory_space<vmem_shared>>
    tpu.enqueue_dma source(%arg13 : memref<80x128xf32, #tpu.memory_space<vmem>>) target(%dma_start3A_33 : memref<80x128xf32, #tpu.memory_space<vmem_shared>>) target_semaphore(%arg18 : memref<!tpu.dma_semaphore, #tpu.memory_space<semaphore_mem>>)
    %add3A_34 = arith.constant 320 : i32
    %add3A_35 = arith.addi %mul3A_10, %add3A_34 : i32
    %dma_start3A_36 = arith.constant 0 : i32
    %dma_start3A_37 = tpu.memref_slice %arg8[%add3A_35, %dma_start3A_36] : memref<10240x128xf32, #tpu.memory_space<vmem_shared>> -> memref<80x128xf32, #tpu.memory_space<vmem_shared>>
    %dma_start3A_38 = arith.constant 0 : i32
    %dma_start3A_39 = tpu.memref_slice %arg8[%add3A_35, %dma_start3A_38] : memref<10240x128xf32, #tpu.memory_space<vmem_shared>> -> memref<80x128xf32, #tpu.memory_space<vmem_shared>>
    tpu.enqueue_dma source(%arg13 : memref<80x128xf32, #tpu.memory_space<vmem>>) target(%dma_start3A_39 : memref<80x128xf32, #tpu.memory_space<vmem_shared>>) target_semaphore(%arg18 : memref<!tpu.dma_semaphore, #tpu.memory_space<semaphore_mem>>)
    %add3A_40 = arith.constant 400 : i32
    %add3A_41 = arith.addi %mul3A_10, %add3A_40 : i32
    %dma_start3A_42 = arith.constant 0 : i32
    %dma_start3A_43 = tpu.memref_slice %arg8[%add3A_41, %dma_start3A_42] : memref<10240x128xf32, #tpu.memory_space<vmem_shared>> -> memref<80x128xf32, #tpu.memory_space<vmem_shared>>
    %dma_start3A_44 = arith.constant 0 : i32
    %dma_start3A_45 = tpu.memref_slice %arg8[%add3A_41, %dma_start3A_44] : memref<10240x128xf32, #tpu.memory_space<vmem_shared>> -> memref<80x128xf32, #tpu.memory_space<vmem_shared>>
    tpu.enqueue_dma source(%arg13 : memref<80x128xf32, #tpu.memory_space<vmem>>) target(%dma_start3A_45 : memref<80x128xf32, #tpu.memory_space<vmem_shared>>) target_semaphore(%arg18 : memref<!tpu.dma_semaphore, #tpu.memory_space<semaphore_mem>>)
    %add3A_46 = arith.constant 480 : i32
    %add3A_47 = arith.addi %mul3A_10, %add3A_46 : i32
    %dma_start3A_48 = arith.constant 0 : i32
    %dma_start3A_49 = tpu.memref_slice %arg8[%add3A_47, %dma_start3A_48] : memref<10240x128xf32, #tpu.memory_space<vmem_shared>> -> memref<80x128xf32, #tpu.memory_space<vmem_shared>>
    %dma_start3A_50 = arith.constant 0 : i32
    %dma_start3A_51 = tpu.memref_slice %arg8[%add3A_47, %dma_start3A_50] : memref<10240x128xf32, #tpu.memory_space<vmem_shared>> -> memref<80x128xf32, #tpu.memory_space<vmem_shared>>
    tpu.enqueue_dma source(%arg13 : memref<80x128xf32, #tpu.memory_space<vmem>>) target(%dma_start3A_51 : memref<80x128xf32, #tpu.memory_space<vmem_shared>>) target_semaphore(%arg18 : memref<!tpu.dma_semaphore, #tpu.memory_space<semaphore_mem>>)
    %add3A_52 = arith.constant 560 : i32
    %add3A_53 = arith.addi %mul3A_10, %add3A_52 : i32
    %dma_start3A_54 = arith.constant 0 : i32
    %dma_start3A_55 = tpu.memref_slice %arg8[%add3A_53, %dma_start3A_54] : memref<10240x128xf32, #tpu.memory_space<vmem_shared>> -> memref<80x128xf32, #tpu.memory_space<vmem_shared>>
    %dma_start3A_56 = arith.constant 0 : i32
    %dma_start3A_57 = tpu.memref_slice %arg8[%add3A_53, %dma_start3A_56] : memref<10240x128xf32, #tpu.memory_space<vmem_shared>> -> memref<80x128xf32, #tpu.memory_space<vmem_shared>>
    tpu.enqueue_dma source(%arg13 : memref<80x128xf32, #tpu.memory_space<vmem>>) target(%dma_start3A_57 : memref<80x128xf32, #tpu.memory_space<vmem_shared>>) target_semaphore(%arg18 : memref<!tpu.dma_semaphore, #tpu.memory_space<semaphore_mem>>)
    %scan3A_58 = arith.constant 0 : i32
    %scan3A_59 = arith.constant 0 : i32
    %scan3A_60 = arith.constant 640 : i32
    %scan3A_61 = arith.addi %scan3A_59, %scan3A_60 : i32
    %scan3A_62 = arith.constant 1 : i32
    scf.for %scan3A_873 = %scan3A_59 to %scan3A_61 step %scan3A_62  : i32 {
      %mul3A_874 = arith.constant 16 : i32
      %mul3A_875 = arith.muli %scan3A_873, %mul3A_874 : i32
      %swap3A = arith.index_cast %mul3A_875 : i32 to index
      %swap3A_876 = tpu.vector_load %arg14[%swap3A] {strides = array<i32>} : memref<10240xf32, #tpu.memory_space<vmem>>, vector<16xf32>,
      tpu.vector_store %arg14[%swap3A], %broadcast_in_dim3A_1 {strides = array<i32>} : memref<10240xf32, #tpu.memory_space<vmem>>, vector<16xf32>,
    }
    %scan3A_63 = arith.constant 640 : i32
    %mul3A_64 = arith.constant 5 : i32
    %mul3A_65 = arith.muli %add3A, %mul3A_64 : i32
    %add3A_66 = arith.constant 0 : i32
    %add3A_67 = arith.addi %mul3A_65, %add3A_66 : i32
    "tpu.region"() ({
      %run_scoped3A_873 = tpu.sem_alloc : memref<!tpu.dma_semaphore, #tpu.memory_space<semaphore_mem>>
      %dma_start3A_874 = arith.constant 0 : i32
      %dma_start3A_875 = arith.constant 0 : i32
      %dma_start3A_876 = tpu.memref_slice %arg3[%add3A_67, %dma_start3A_874, %dma_start3A_875] : memref<160x25x80xi32, #tpu.memory_space<hbm>> -> memref<1x25x80xi32, #tpu.memory_space<hbm>>
      %dma_start3A_877 = tpu.memref_squeeze %dma_start3A_876 : memref<1x25x80xi32, #tpu.memory_space<hbm>> -> memref<25x80xi32, #tpu.memory_space<hbm>>
      %dma_start3A_878 = arith.constant 0 : i32
      %dma_start3A_879 = arith.constant 0 : i32
      %dma_start3A_880 = tpu.memref_slice %arg3[%add3A_67, %dma_start3A_878, %dma_start3A_879] : memref<160x25x80xi32, #tpu.memory_space<hbm>> -> memref<1x25x80xi32, #tpu.memory_space<hbm>>
      %dma_start3A_881 = tpu.memref_squeeze %dma_start3A_880 : memref<1x25x80xi32, #tpu.memory_space<hbm>> -> memref<25x80xi32, #tpu.memory_space<hbm>>
      tpu.enqueue_dma source(%dma_start3A_881 : memref<25x80xi32, #tpu.memory_space<hbm>>) target(%arg9 : memref<25x80xi32, #tpu.memory_space<vmem>>) target_semaphore(%run_scoped3A_873 : memref<!tpu.dma_semaphore, #tpu.memory_space<semaphore_mem>>)
      %dma_wait3A_882 = arith.constant 0 : i32
      %dma_wait3A_883 = arith.constant 0 : i32
      %dma_wait3A_884 = tpu.memref_slice %arg3[%add3A_67, %dma_wait3A_882, %dma_wait3A_883] : memref<160x25x80xi32, #tpu.memory_space<hbm>> -> memref<1x25x80xi32, #tpu.memory_space<hbm>>
      %dma_wait3A_885 = tpu.memref_squeeze %dma_wait3A_884 : memref<1x25x80xi32, #tpu.memory_space<hbm>> -> memref<25x80xi32, #tpu.memory_space<hbm>>
      %dma_wait3A_886 = arith.constant 0 : i32
      %dma_wait3A_887 = arith.constant 0 : i32
      %dma_wait3A_888 = tpu.memref_slice %arg3[%add3A_67, %dma_wait3A_886, %dma_wait3A_887] : memref<160x25x80xi32, #tpu.memory_space<hbm>> -> memref<1x25x80xi32, #tpu.memory_space<hbm>>
      %dma_wait3A_889 = tpu.memref_squeeze %dma_wait3A_888 : memref<1x25x80xi32, #tpu.memory_space<hbm>> -> memref<25x80xi32, #tpu.memory_space<hbm>>
      tpu.wait_dma2 semaphore(%run_scoped3A_873 : memref<!tpu.dma_semaphore, #tpu.memory_space<semaphore_mem>>) src(%dma_wait3A_889 : memref<25x80xi32, #tpu.memory_space<hbm>>) dst(%arg9 : memref<25x80xi32, #tpu.memory_space<vmem>>)
      tpu.yield
    }) : () -> ()
    %mul3A_68 = arith.constant 5 : i32
    %mul3A_69 = arith.muli %add3A, %mul3A_68 : i32
    %add3A_70 = arith.constant 0 : i32
    %add3A_71 = arith.addi %mul3A_69, %add3A_70 : i32
    "tpu.region"() ({
      %run_scoped3A_873 = tpu.sem_alloc : memref<!tpu.dma_semaphore, #tpu.memory_space<semaphore_mem>>
      %dma_start3A_874 = arith.constant 0 : i32
      %dma_start3A_875 = arith.constant 0 : i32
      %dma_start3A_876 = tpu.memref_slice %arg4[%add3A_71, %dma_start3A_874, %dma_start3A_875] : memref<160x25x80xi32, #tpu.memory_space<hbm>> -> memref<1x25x80xi32, #tpu.memory_space<hbm>>
      %dma_start3A_877 = tpu.memref_squeeze %dma_start3A_876 : memref<1x25x80xi32, #tpu.memory_space<hbm>> -> memref<25x80xi32, #tpu.memory_space<hbm>>
      %dma_start3A_878 = arith.constant 0 : i32
      %dma_start3A_879 = arith.constant 0 : i32
      %dma_start3A_880 = tpu.memref_slice %arg4[%add3A_71, %dma_start3A_878, %dma_start3A_879] : memref<160x25x80xi32, #tpu.memory_space<hbm>> -> memref<1x25x80xi32, #tpu.memory_space<hbm>>
      %dma_start3A_881 = tpu.memref_squeeze %dma_start3A_880 : memref<1x25x80xi32, #tpu.memory_space<hbm>> -> memref<25x80xi32, #tpu.memory_space<hbm>>
      tpu.enqueue_dma source(%dma_start3A_881 : memref<25x80xi32, #tpu.memory_space<hbm>>) target(%arg10 : memref<25x80xi32, #tpu.memory_space<vmem>>) target_semaphore(%run_scoped3A_873 : memref<!tpu.dma_semaphore, #tpu.memory_space<semaphore_mem>>)
      %dma_wait3A_882 = arith.constant 0 : i32
      %dma_wait3A_883 = arith.constant 0 : i32
      %dma_wait3A_884 = tpu.memref_slice %arg4[%add3A_71, %dma_wait3A_882, %dma_wait3A_883] : memref<160x25x80xi32, #tpu.memory_space<hbm>> -> memref<1x25x80xi32, #tpu.memory_space<hbm>>
      %dma_wait3A_885 = tpu.memref_squeeze %dma_wait3A_884 : memref<1x25x80xi32, #tpu.memory_space<hbm>> -> memref<25x80xi32, #tpu.memory_space<hbm>>
      %dma_wait3A_886 = arith.constant 0 : i32
      %dma_wait3A_887 = arith.constant 0 : i32
      %dma_wait3A_888 = tpu.memref_slice %arg4[%add3A_71, %dma_wait3A_886, %dma_wait3A_887] : memref<160x25x80xi32, #tpu.memory_space<hbm>> -> memref<1x25x80xi32, #tpu.memory_space<hbm>>
      %dma_wait3A_889 = tpu.memref_squeeze %dma_wait3A_888 : memref<1x25x80xi32, #tpu.memory_space<hbm>> -> memref<25x80xi32, #tpu.memory_space<hbm>>
      tpu.wait_dma2 semaphore(%run_scoped3A_873 : memref<!tpu.dma_semaphore, #tpu.memory_space<semaphore_mem>>) src(%dma_wait3A_889 : memref<25x80xi32, #tpu.memory_space<hbm>>) dst(%arg10 : memref<25x80xi32, #tpu.memory_space<vmem>>)
      tpu.yield
    }) : () -> ()
    %dma_start3A_72 = arith.constant 0 : i32
    %dma_start3A_73 = arith.constant 0 : i32
    %dma_start3A_74 = tpu.memref_slice %arg9[%dma_start3A_72, %dma_start3A_73] : memref<25x80xi32, #tpu.memory_space<vmem>> -> memref<1x80xi32, #tpu.memory_space<vmem>>
    %dma_start3A_75 = tpu.memref_squeeze %dma_start3A_74 : memref<1x80xi32, #tpu.memory_space<vmem>> -> memref<80xi32, #tpu.memory_space<vmem>>
    %dma_start3A_76 = arith.constant 0 : i32
    %dma_start3A_77 = arith.constant 0 : i32
    %dma_start3A_78 = tpu.memref_slice %arg2[%dma_start3A_76, %dma_start3A_77] : memref<10000x128xf32, #tpu.memory_space<hbm>> -> memref<10000x128xf32, #tpu.memory_space<hbm>>
    tpu.enqueue_indirect_dma source(%dma_start3A_78 : memref<10000x128xf32, #tpu.memory_space<hbm>>) target(%arg11 : memref<80x128xf32, #tpu.memory_space<vmem>>) offsets(%dma_start3A_75 : memref<80xi32, #tpu.memory_space<vmem>>) semaphore(%arg15 : memref<!tpu.dma_semaphore, #tpu.memory_space<semaphore_mem>>)
    %dma_start3A_79 = arith.constant 1 : i32
    %dma_start3A_80 = arith.constant 0 : i32
    %dma_start3A_81 = tpu.memref_slice %arg9[%dma_start3A_79, %dma_start3A_80] : memref<25x80xi32, #tpu.memory_space<vmem>> -> memref<1x80xi32, #tpu.memory_space<vmem>>
    %dma_start3A_82 = tpu.memref_squeeze %dma_start3A_81 : memref<1x80xi32, #tpu.memory_space<vmem>> -> memref<80xi32, #tpu.memory_space<vmem>>
    %dma_start3A_83 = arith.constant 0 : i32
    %dma_start3A_84 = arith.constant 0 : i32
    %dma_start3A_85 = tpu.memref_slice %arg2[%dma_start3A_83, %dma_start3A_84] : memref<10000x128xf32, #tpu.memory_space<hbm>> -> memref<10000x128xf32, #tpu.memory_space<hbm>>
    tpu.enqueue_indirect_dma source(%dma_start3A_85 : memref<10000x128xf32, #tpu.memory_space<hbm>>) target(%arg12 : memref<80x128xf32, #tpu.memory_space<vmem>>) offsets(%dma_start3A_82 : memref<80xi32, #tpu.memory_space<vmem>>) semaphore(%arg16 : memref<!tpu.dma_semaphore, #tpu.memory_space<semaphore_mem>>)
    %dma_start3A_86 = arith.constant 2 : i32
    %dma_start3A_87 = arith.constant 0 : i32
    %dma_start3A_88 = tpu.memref_slice %arg9[%dma_start3A_86, %dma_start3A_87] : memref<25x80xi32, #tpu.memory_space<vmem>> -> memref<1x80xi32, #tpu.memory_space<vmem>>
    %dma_start3A_89 = tpu.memref_squeeze %dma_start3A_88 : memref<1x80xi32, #tpu.memory_space<vmem>> -> memref<80xi32, #tpu.memory_space<vmem>>
    %dma_start3A_90 = arith.constant 0 : i32
    %dma_start3A_91 = arith.constant 0 : i32
    %dma_start3A_92 = tpu.memref_slice %arg2[%dma_start3A_90, %dma_start3A_91] : memref<10000x128xf32, #tpu.memory_space<hbm>> -> memref<10000x128xf32, #tpu.memory_space<hbm>>
    tpu.enqueue_indirect_dma source(%dma_start3A_92 : memref<10000x128xf32, #tpu.memory_space<hbm>>) target(%arg13 : memref<80x128xf32, #tpu.memory_space<vmem>>) offsets(%dma_start3A_89 : memref<80xi32, #tpu.memory_space<vmem>>) semaphore(%arg17 : memref<!tpu.dma_semaphore, #tpu.memory_space<semaphore_mem>>)
    %dma_wait3A = arith.constant 0 : i32
    %dma_wait3A_93 = tpu.memref_slice %arg8[%add3A_12, %dma_wait3A] : memref<10240x128xf32, #tpu.memory_space<vmem_shared>> -> memref<80x128xf32, #tpu.memory_space<vmem_shared>>
    %dma_wait3A_94 = arith.constant 0 : i32
    %dma_wait3A_95 = tpu.memref_slice %arg8[%add3A_12, %dma_wait3A_94] : memref<10240x128xf32, #tpu.memory_space<vmem_shared>> -> memref<80x128xf32, #tpu.memory_space<vmem_shared>>
    tpu.wait_dma2 semaphore(%arg18 : memref<!tpu.dma_semaphore, #tpu.memory_space<semaphore_mem>>) src(%arg13 : memref<80x128xf32, #tpu.memory_space<vmem>>) dst(%dma_wait3A_95 : memref<80x128xf32, #tpu.memory_space<vmem_shared>>)
    %dma_wait3A_96 = arith.constant 0 : i32
    %dma_wait3A_97 = tpu.memref_slice %arg8[%add3A_17, %dma_wait3A_96] : memref<10240x128xf32, #tpu.memory_space<vmem_shared>> -> memref<80x128xf32, #tpu.memory_space<vmem_shared>>
    %dma_wait3A_98 = arith.constant 0 : i32
    %dma_wait3A_99 = tpu.memref_slice %arg8[%add3A_17, %dma_wait3A_98] : memref<10240x128xf32, #tpu.memory_space<vmem_shared>> -> memref<80x128xf32, #tpu.memory_space<vmem_shared>>
    tpu.wait_dma2 semaphore(%arg18 : memref<!tpu.dma_semaphore, #tpu.memory_space<semaphore_mem>>) src(%arg13 : memref<80x128xf32, #tpu.memory_space<vmem>>) dst(%dma_wait3A_99 : memref<80x128xf32, #tpu.memory_space<vmem_shared>>)
    %dma_wait3A_100 = arith.constant 0 : i32
    %dma_wait3A_101 = tpu.memref_slice %arg8[%add3A_23, %dma_wait3A_100] : memref<10240x128xf32, #tpu.memory_space<vmem_shared>> -> memref<80x128xf32, #tpu.memory_space<vmem_shared>>
    %dma_wait3A_102 = arith.constant 0 : i32
    %dma_wait3A_103 = tpu.memref_slice %arg8[%add3A_23, %dma_wait3A_102] : memref<10240x128xf32, #tpu.memory_space<vmem_shared>> -> memref<80x128xf32, #tpu.memory_space<vmem_shared>>
    tpu.wait_dma2 semaphore(%arg18 : memref<!tpu.dma_semaphore, #tpu.memory_space<semaphore_mem>>) src(%arg13 : memref<80x128xf32, #tpu.memory_space<vmem>>) dst(%dma_wait3A_103 : memref<80x128xf32, #tpu.memory_space<vmem_shared>>)
    %dma_wait3A_104 = arith.constant 0 : i32
    %dma_wait3A_105 = tpu.memref_slice %arg8[%add3A_29, %dma_wait3A_104] : memref<10240x128xf32, #tpu.memory_space<vmem_shared>> -> memref<80x128xf32, #tpu.memory_space<vmem_shared>>
    %dma_wait3A_106 = arith.constant 0 : i32
    %dma_wait3A_107 = tpu.memref_slice %arg8[%add3A_29, %dma_wait3A_106] : memref<10240x128xf32, #tpu.memory_space<vmem_shared>> -> memref<80x128xf32, #tpu.memory_space<vmem_shared>>
    tpu.wait_dma2 semaphore(%arg18 : memref<!tpu.dma_semaphore, #tpu.memory_space<semaphore_mem>>) src(%arg13 : memref<80x128xf32, #tpu.memory_space<vmem>>) dst(%dma_wait3A_107 : memref<80x128xf32, #tpu.memory_space<vmem_shared>>)
    %dma_wait3A_108 = arith.constant 0 : i32
    %dma_wait3A_109 = tpu.memref_slice %arg8[%add3A_35, %dma_wait3A_108] : memref<10240x128xf32, #tpu.memory_space<vmem_shared>> -> memref<80x128xf32, #tpu.memory_space<vmem_shared>>
    %dma_wait3A_110 = arith.constant 0 : i32
    %dma_wait3A_111 = tpu.memref_slice %arg8[%add3A_35, %dma_wait3A_110] : memref<10240x128xf32, #tpu.memory_space<vmem_shared>> -> memref<80x128xf32, #tpu.memory_space<vmem_shared>>
    tpu.wait_dma2 semaphore(%arg18 : memref<!tpu.dma_semaphore, #tpu.memory_space<semaphore_mem>>) src(%arg13 : memref<80x128xf32, #tpu.memory_space<vmem>>) dst(%dma_wait3A_111 : memref<80x128xf32, #tpu.memory_space<vmem_shared>>)
    %dma_wait3A_112 = arith.constant 0 : i32
    %dma_wait3A_113 = tpu.memref_slice %arg8[%add3A_41, %dma_wait3A_112] : memref<10240x128xf32, #tpu.memory_space<vmem_shared>> -> memref<80x128xf32, #tpu.memory_space<vmem_shared>>
    %dma_wait3A_114 = arith.constant 0 : i32
    %dma_wait3A_115 = tpu.memref_slice %arg8[%add3A_41, %dma_wait3A_114] : memref<10240x128xf32, #tpu.memory_space<vmem_shared>> -> memref<80x128xf32, #tpu.memory_space<vmem_shared>>
    tpu.wait_dma2 semaphore(%arg18 : memref<!tpu.dma_semaphore, #tpu.memory_space<semaphore_mem>>) src(%arg13 : memref<80x128xf32, #tpu.memory_space<vmem>>) dst(%dma_wait3A_115 : memref<80x128xf32, #tpu.memory_space<vmem_shared>>)
    %dma_wait3A_116 = arith.constant 0 : i32
    %dma_wait3A_117 = tpu.memref_slice %arg8[%add3A_47, %dma_wait3A_116] : memref<10240x128xf32, #tpu.memory_space<vmem_shared>> -> memref<80x128xf32, #tpu.memory_space<vmem_shared>>
    %dma_wait3A_118 = arith.constant 0 : i32
    %dma_wait3A_119 = tpu.memref_slice %arg8[%add3A_47, %dma_wait3A_118] : memref<10240x128xf32, #tpu.memory_space<vmem_shared>> -> memref<80x128xf32, #tpu.memory_space<vmem_shared>>
    tpu.wait_dma2 semaphore(%arg18 : memref<!tpu.dma_semaphore, #tpu.memory_space<semaphore_mem>>) src(%arg13 : memref<80x128xf32, #tpu.memory_space<vmem>>) dst(%dma_wait3A_119 : memref<80x128xf32, #tpu.memory_space<vmem_shared>>)
    %dma_wait3A_120 = arith.constant 0 : i32
    %dma_wait3A_121 = tpu.memref_slice %arg8[%add3A_53, %dma_wait3A_120] : memref<10240x128xf32, #tpu.memory_space<vmem_shared>> -> memref<80x128xf32, #tpu.memory_space<vmem_shared>>
    %dma_wait3A_122 = arith.constant 0 : i32
    %dma_wait3A_123 = tpu.memref_slice %arg8[%add3A_53, %dma_wait3A_122] : memref<10240x128xf32, #tpu.memory_space<vmem_shared>> -> memref<80x128xf32, #tpu.memory_space<vmem_shared>>
    tpu.wait_dma2 semaphore(%arg18 : memref<!tpu.dma_semaphore, #tpu.memory_space<semaphore_mem>>) src(%arg13 : memref<80x128xf32, #tpu.memory_space<vmem>>) dst(%dma_wait3A_123 : memref<80x128xf32, #tpu.memory_space<vmem_shared>>)
    %barrier3A = arith.constant 0 : index
    tpu.barrier barrier_id(%barrier3A)
    %scan3A_124 = arith.constant 0 : i32
    %scan3A_125 = arith.constant 0 : i32
    %scan3A_126 = arith.constant 7 : i32
    %scan3A_127 = arith.addi %scan3A_125, %scan3A_126 : i32
    %scan3A_128 = arith.constant 1 : i32
    scf.for %scan3A_873 = %scan3A_125 to %scan3A_127 step %scan3A_128  : i32 {
      %mul3A_874 = arith.constant 3 : i32
      %mul3A_875 = arith.muli %mul3A_874, %scan3A_873 : i32
      %add3A_876 = arith.constant 0 : i32
      %add3A_877 = arith.addi %mul3A_875, %add3A_876 : i32
      %dma_wait3A_878 = arith.constant 0 : i32
      %dma_wait3A_879 = tpu.memref_slice %arg9[%add3A_877, %dma_wait3A_878] : memref<25x80xi32, #tpu.memory_space<vmem>> -> memref<1x80xi32, #tpu.memory_space<vmem>>
      %dma_wait3A_880 = tpu.memref_squeeze %dma_wait3A_879 : memref<1x80xi32, #tpu.memory_space<vmem>> -> memref<80xi32, #tpu.memory_space<vmem>>
      %dma_wait3A_881 = arith.constant 0 : i32
      %dma_wait3A_882 = arith.constant 0 : i32
      %dma_wait3A_883 = tpu.memref_slice %arg2[%dma_wait3A_881, %dma_wait3A_882] : memref<10000x128xf32, #tpu.memory_space<hbm>> -> memref<10000x128xf32, #tpu.memory_space<hbm>>
      tpu.wait_indirect_dma semaphore(%arg15 : memref<!tpu.dma_semaphore, #tpu.memory_space<semaphore_mem>>) src(%dma_wait3A_883 : memref<10000x128xf32, #tpu.memory_space<hbm>>) dst(%arg11 : memref<80x128xf32, #tpu.memory_space<vmem>>)
      %add3A_884 = arith.constant 0 : i32
      %add3A_885 = arith.addi %mul3A_875, %add3A_884 : i32
      "tpu.region"() ({
        %run_scoped3A_987 = tpu.sem_alloc : memref<!tpu.dma_semaphore, #tpu.memory_space<semaphore_mem>>
        %dma_start3A_988 = arith.constant 0 : i32
        %dma_start3A_989 = tpu.memref_slice %arg10[%add3A_885, %dma_start3A_988] : memref<25x80xi32, #tpu.memory_space<vmem>> -> memref<1x80xi32, #tpu.memory_space<vmem>>
        %dma_start3A_990 = tpu.memref_squeeze %dma_start3A_989 : memref<1x80xi32, #tpu.memory_space<vmem>> -> memref<80xi32, #tpu.memory_space<vmem>>
        %dma_start3A_991 = arith.constant 0 : i32
        %dma_start3A_992 = arith.constant 0 : i32
        %dma_start3A_993 = tpu.memref_slice %arg8[%dma_start3A_991, %dma_start3A_992] : memref<10240x128xf32, #tpu.memory_space<vmem_shared>> -> memref<10240x128xf32, #tpu.memory_space<vmem_shared>>
        tpu.enqueue_indirect_dma source(%arg11 : memref<80x128xf32, #tpu.memory_space<vmem>>) target(%dma_start3A_993 : memref<10240x128xf32, #tpu.memory_space<vmem_shared>>) offsets(%dma_start3A_990 : memref<80xi32, #tpu.memory_space<vmem>>) semaphore(%run_scoped3A_987 : memref<!tpu.dma_semaphore, #tpu.memory_space<semaphore_mem>>) {add = true}
        %dma_wait3A_994 = arith.constant 0 : i32
        %dma_wait3A_995 = tpu.memref_slice %arg10[%add3A_885, %dma_wait3A_994] : memref<25x80xi32, #tpu.memory_space<vmem>> -> memref<1x80xi32, #tpu.memory_space<vmem>>
        %dma_wait3A_996 = tpu.memref_squeeze %dma_wait3A_995 : memref<1x80xi32, #tpu.memory_space<vmem>> -> memref<80xi32, #tpu.memory_space<vmem>>
        %dma_wait3A_997 = arith.constant 0 : i32
        %dma_wait3A_998 = arith.constant 0 : i32
        %dma_wait3A_999 = tpu.memref_slice %arg8[%dma_wait3A_997, %dma_wait3A_998] : memref<10240x128xf32, #tpu.memory_space<vmem_shared>> -> memref<10240x128xf32, #tpu.memory_space<vmem_shared>>
        tpu.wait_indirect_dma semaphore(%run_scoped3A_987 : memref<!tpu.dma_semaphore, #tpu.memory_space<semaphore_mem>>) src(%arg11 : memref<80x128xf32, #tpu.memory_space<vmem>>) dst(%dma_wait3A_999 : memref<10240x128xf32, #tpu.memory_space<vmem_shared>>)
        tpu.yield
      }) : () -> ()
      %add3A_886 = arith.constant 3 : i32
      %add3A_887 = arith.addi %mul3A_875, %add3A_886 : i32
      %add3A_888 = arith.constant 0 : i32
      %add3A_889 = arith.addi %add3A_887, %add3A_888 : i32
      %dma_start3A_890 = arith.constant 0 : i32
      %dma_start3A_891 = tpu.memref_slice %arg9[%add3A_889, %dma_start3A_890] : memref<25x80xi32, #tpu.memory_space<vmem>> -> memref<1x80xi32, #tpu.memory_space<vmem>>
      %dma_start3A_892 = tpu.memref_squeeze %dma_start3A_891 : memref<1x80xi32, #tpu.memory_space<vmem>> -> memref<80xi32, #tpu.memory_space<vmem>>
      %dma_start3A_893 = arith.constant 0 : i32
      %dma_start3A_894 = arith.constant 0 : i32
      %dma_start3A_895 = tpu.memref_slice %arg2[%dma_start3A_893, %dma_start3A_894] : memref<10000x128xf32, #tpu.memory_space<hbm>> -> memref<10000x128xf32, #tpu.memory_space<hbm>>
      tpu.enqueue_indirect_dma source(%dma_start3A_895 : memref<10000x128xf32, #tpu.memory_space<hbm>>) target(%arg11 : memref<80x128xf32, #tpu.memory_space<vmem>>) offsets(%dma_start3A_892 : memref<80xi32, #tpu.memory_space<vmem>>) semaphore(%arg15 : memref<!tpu.dma_semaphore, #tpu.memory_space<semaphore_mem>>)
      %add3A_896 = arith.constant 0 : i32
      %add3A_897 = arith.addi %mul3A_875, %add3A_896 : i32
      %get3A_898 = arith.index_cast %add3A_897 : i32 to index
      %get3A_899 = arith.constant 0 : index
      %get3A_900 = tpu.vector_load %arg10[%get3A_898, %get3A_899] {strides = array<i32>} : memref<25x80xi32, #tpu.memory_space<vmem>>, vector<16xi32>,
      tpu.vector_store_idx %arg14[%get3A_900], %broadcast_in_dim3A_3 {add = true} : memref<10240xf32, #tpu.memory_space<vmem>>[vector<16xi32>], vector<16xf32>,
      %get3A_901 = arith.index_cast %add3A_897 : i32 to index
      %get3A_902 = arith.constant 16 : index
      %get3A_903 = tpu.vector_load %arg10[%get3A_901, %get3A_902] {strides = array<i32>} : memref<25x80xi32, #tpu.memory_space<vmem>>, vector<16xi32>,
      tpu.vector_store_idx %arg14[%get3A_903], %broadcast_in_dim3A_3 {add = true} : memref<10240xf32, #tpu.memory_space<vmem>>[vector<16xi32>], vector<16xf32>,
      %get3A_904 = arith.index_cast %add3A_897 : i32 to index
      %get3A_905 = arith.constant 32 : index
      %get3A_906 = tpu.vector_load %arg10[%get3A_904, %get3A_905] {strides = array<i32>} : memref<25x80xi32, #tpu.memory_space<vmem>>, vector<16xi32>,
      tpu.vector_store_idx %arg14[%get3A_906], %broadcast_in_dim3A_3 {add = true} : memref<10240xf32, #tpu.memory_space<vmem>>[vector<16xi32>], vector<16xf32>,
      %get3A_907 = arith.index_cast %add3A_897 : i32 to index
      %get3A_908 = arith.constant 48 : index
      %get3A_909 = tpu.vector_load %arg10[%get3A_907, %get3A_908] {strides = array<i32>} : memref<25x80xi32, #tpu.memory_space<vmem>>, vector<16xi32>,
      tpu.vector_store_idx %arg14[%get3A_909], %broadcast_in_dim3A_3 {add = true} : memref<10240xf32, #tpu.memory_space<vmem>>[vector<16xi32>], vector<16xf32>,
      %get3A_910 = arith.index_cast %add3A_897 : i32 to index
      %get3A_911 = arith.constant 64 : index
      %get3A_912 = tpu.vector_load %arg10[%get3A_910, %get3A_911] {strides = array<i32>} : memref<25x80xi32, #tpu.memory_space<vmem>>, vector<16xi32>,
      tpu.vector_store_idx %arg14[%get3A_912], %broadcast_in_dim3A_3 {add = true} : memref<10240xf32, #tpu.memory_space<vmem>>[vector<16xi32>], vector<16xf32>,
      %add3A_913 = arith.constant 1 : i32
      %add3A_914 = arith.addi %mul3A_875, %add3A_913 : i32
      %dma_wait3A_915 = arith.constant 0 : i32
      %dma_wait3A_916 = tpu.memref_slice %arg9[%add3A_914, %dma_wait3A_915] : memref<25x80xi32, #tpu.memory_space<vmem>> -> memref<1x80xi32, #tpu.memory_space<vmem>>
      %dma_wait3A_917 = tpu.memref_squeeze %dma_wait3A_916 : memref<1x80xi32, #tpu.memory_space<vmem>> -> memref<80xi32, #tpu.memory_space<vmem>>
      %dma_wait3A_918 = arith.constant 0 : i32
      %dma_wait3A_919 = arith.constant 0 : i32
      %dma_wait3A_920 = tpu.memref_slice %arg2[%dma_wait3A_918, %dma_wait3A_919] : memref<10000x128xf32, #tpu.memory_space<hbm>> -> memref<10000x128xf32, #tpu.memory_space<hbm>>
      tpu.wait_indirect_dma semaphore(%arg16 : memref<!tpu.dma_semaphore, #tpu.memory_space<semaphore_mem>>) src(%dma_wait3A_920 : memref<10000x128xf32, #tpu.memory_space<hbm>>) dst(%arg12 : memref<80x128xf32, #tpu.memory_space<vmem>>)
      %add3A_921 = arith.constant 1 : i32
      %add3A_922 = arith.addi %mul3A_875, %add3A_921 : i32
      "tpu.region"() ({
        %run_scoped3A_987 = tpu.sem_alloc : memref<!tpu.dma_semaphore, #tpu.memory_space<semaphore_mem>>
        %dma_start3A_988 = arith.constant 0 : i32
        %dma_start3A_989 = tpu.memref_slice %arg10[%add3A_922, %dma_start3A_988] : memref<25x80xi32, #tpu.memory_space<vmem>> -> memref<1x80xi32, #tpu.memory_space<vmem>>
        %dma_start3A_990 = tpu.memref_squeeze %dma_start3A_989 : memref<1x80xi32, #tpu.memory_space<vmem>> -> memref<80xi32, #tpu.memory_space<vmem>>
        %dma_start3A_991 = arith.constant 0 : i32
        %dma_start3A_992 = arith.constant 0 : i32
        %dma_start3A_993 = tpu.memref_slice %arg8[%dma_start3A_991, %dma_start3A_992] : memref<10240x128xf32, #tpu.memory_space<vmem_shared>> -> memref<10240x128xf32, #tpu.memory_space<vmem_shared>>
        tpu.enqueue_indirect_dma source(%arg12 : memref<80x128xf32, #tpu.memory_space<vmem>>) target(%dma_start3A_993 : memref<10240x128xf32, #tpu.memory_space<vmem_shared>>) offsets(%dma_start3A_990 : memref<80xi32, #tpu.memory_space<vmem>>) semaphore(%run_scoped3A_987 : memref<!tpu.dma_semaphore, #tpu.memory_space<semaphore_mem>>) {add = true}
        %dma_wait3A_994 = arith.constant 0 : i32
        %dma_wait3A_995 = tpu.memref_slice %arg10[%add3A_922, %dma_wait3A_994] : memref<25x80xi32, #tpu.memory_space<vmem>> -> memref<1x80xi32, #tpu.memory_space<vmem>>
        %dma_wait3A_996 = tpu.memref_squeeze %dma_wait3A_995 : memref<1x80xi32, #tpu.memory_space<vmem>> -> memref<80xi32, #tpu.memory_space<vmem>>
        %dma_wait3A_997 = arith.constant 0 : i32
        %dma_wait3A_998 = arith.constant 0 : i32
        %dma_wait3A_999 = tpu.memref_slice %arg8[%dma_wait3A_997, %dma_wait3A_998] : memref<10240x128xf32, #tpu.memory_space<vmem_shared>> -> memref<10240x128xf32, #tpu.memory_space<vmem_shared>>
        tpu.wait_indirect_dma semaphore(%run_scoped3A_987 : memref<!tpu.dma_semaphore, #tpu.memory_space<semaphore_mem>>) src(%arg12 : memref<80x128xf32, #tpu.memory_space<vmem>>) dst(%dma_wait3A_999 : memref<10240x128xf32, #tpu.memory_space<vmem_shared>>)
        tpu.yield
      }) : () -> ()
      %add3A_923 = arith.constant 3 : i32
      %add3A_924 = arith.addi %mul3A_875, %add3A_923 : i32
      %add3A_925 = arith.constant 1 : i32
      %add3A_926 = arith.addi %add3A_924, %add3A_925 : i32
      %dma_start3A_927 = arith.constant 0 : i32
      %dma_start3A_928 = tpu.memref_slice %arg9[%add3A_926, %dma_start3A_927] : memref<25x80xi32, #tpu.memory_space<vmem>> -> memref<1x80xi32, #tpu.memory_space<vmem>>
      %dma_start3A_929 = tpu.memref_squeeze %dma_start3A_928 : memref<1x80xi32, #tpu.memory_space<vmem>> -> memref<80xi32, #tpu.memory_space<vmem>>
      %dma_start3A_930 = arith.constant 0 : i32
      %dma_start3A_931 = arith.constant 0 : i32
      %dma_start3A_932 = tpu.memref_slice %arg2[%dma_start3A_930, %dma_start3A_931] : memref<10000x128xf32, #tpu.memory_space<hbm>> -> memref<10000x128xf32, #tpu.memory_space<hbm>>
      tpu.enqueue_indirect_dma source(%dma_start3A_932 : memref<10000x128xf32, #tpu.memory_space<hbm>>) target(%arg12 : memref<80x128xf32, #tpu.memory_space<vmem>>) offsets(%dma_start3A_929 : memref<80xi32, #tpu.memory_space<vmem>>) semaphore(%arg16 : memref<!tpu.dma_semaphore, #tpu.memory_space<semaphore_mem>>)
      %add3A_933 = arith.constant 1 : i32
      %add3A_934 = arith.addi %mul3A_875, %add3A_933 : i32
      %get3A_935 = arith.index_cast %add3A_934 : i32 to index
      %get3A_936 = arith.constant 0 : index
      %get3A_937 = tpu.vector_load %arg10[%get3A_935, %get3A_936] {strides = array<i32>} : memref<25x80xi32, #tpu.memory_space<vmem>>, vector<16xi32>,
      tpu.vector_store_idx %arg14[%get3A_937], %broadcast_in_dim3A_3 {add = true} : memref<10240xf32, #tpu.memory_space<vmem>>[vector<16xi32>], vector<16xf32>,
      %get3A_938 = arith.index_cast %add3A_934 : i32 to index
      %get3A_939 = arith.constant 16 : index
      %get3A_940 = tpu.vector_load %arg10[%get3A_938, %get3A_939] {strides = array<i32>} : memref<25x80xi32, #tpu.memory_space<vmem>>, vector<16xi32>,
      tpu.vector_store_idx %arg14[%get3A_940], %broadcast_in_dim3A_3 {add = true} : memref<10240xf32, #tpu.memory_space<vmem>>[vector<16xi32>], vector<16xf32>,
      %get3A_941 = arith.index_cast %add3A_934 : i32 to index
      %get3A_942 = arith.constant 32 : index
      %get3A_943 = tpu.vector_load %arg10[%get3A_941, %get3A_942] {strides = array<i32>} : memref<25x80xi32, #tpu.memory_space<vmem>>, vector<16xi32>,
      tpu.vector_store_idx %arg14[%get3A_943], %broadcast_in_dim3A_3 {add = true} : memref<10240xf32, #tpu.memory_space<vmem>>[vector<16xi32>], vector<16xf32>,
      %get3A_944 = arith.index_cast %add3A_934 : i32 to index
      %get3A_945 = arith.constant 48 : index
      %get3A_946 = tpu.vector_load %arg10[%get3A_944, %get3A_945] {strides = array<i32>} : memref<25x80xi32, #tpu.memory_space<vmem>>, vector<16xi32>,
      tpu.vector_store_idx %arg14[%get3A_946], %broadcast_in_dim3A_3 {add = true} : memref<10240xf32, #tpu.memory_space<vmem>>[vector<16xi32>], vector<16xf32>,
      %get3A_947 = arith.index_cast %add3A_934 : i32 to index
      %get3A_948 = arith.constant 64 : index
      %get3A_949 = tpu.vector_load %arg10[%get3A_947, %get3A_948] {strides = array<i32>} : memref<25x80xi32, #tpu.memory_space<vmem>>, vector<16xi32>,
      tpu.vector_store_idx %arg14[%get3A_949], %broadcast_in_dim3A_3 {add = true} : memref<10240xf32, #tpu.memory_space<vmem>>[vector<16xi32>], vector<16xf32>,
      %add3A_950 = arith.constant 2 : i32
      %add3A_951 = arith.addi %mul3A_875, %add3A_950 : i32
      %dma_wait3A_952 = arith.constant 0 : i32
      %dma_wait3A_953 = tpu.memref_slice %arg9[%add3A_951, %dma_wait3A_952] : memref<25x80xi32, #tpu.memory_space<vmem>> -> memref<1x80xi32, #tpu.memory_space<vmem>>
      %dma_wait3A_954 = tpu.memref_squeeze %dma_wait3A_953 : memref<1x80xi32, #tpu.memory_space<vmem>> -> memref<80xi32, #tpu.memory_space<vmem>>
      %dma_wait3A_955 = arith.constant 0 : i32
      %dma_wait3A_956 = arith.constant 0 : i32
      %dma_wait3A_957 = tpu.memref_slice %arg2[%dma_wait3A_955, %dma_wait3A_956] : memref<10000x128xf32, #tpu.memory_space<hbm>> -> memref<10000x128xf32, #tpu.memory_space<hbm>>
      tpu.wait_indirect_dma semaphore(%arg17 : memref<!tpu.dma_semaphore, #tpu.memory_space<semaphore_mem>>) src(%dma_wait3A_957 : memref<10000x128xf32, #tpu.memory_space<hbm>>) dst(%arg13 : memref<80x128xf32, #tpu.memory_space<vmem>>)
      %add3A_958 = arith.constant 2 : i32
      %add3A_959 = arith.addi %mul3A_875, %add3A_958 : i32
      "tpu.region"() ({
        %run_scoped3A_987 = tpu.sem_alloc : memref<!tpu.dma_semaphore, #tpu.memory_space<semaphore_mem>>
        %dma_start3A_988 = arith.constant 0 : i32
        %dma_start3A_989 = tpu.memref_slice %arg10[%add3A_959, %dma_start3A_988] : memref<25x80xi32, #tpu.memory_space<vmem>> -> memref<1x80xi32, #tpu.memory_space<vmem>>
        %dma_start3A_990 = tpu.memref_squeeze %dma_start3A_989 : memref<1x80xi32, #tpu.memory_space<vmem>> -> memref<80xi32, #tpu.memory_space<vmem>>
        %dma_start3A_991 = arith.constant 0 : i32
        %dma_start3A_992 = arith.constant 0 : i32
        %dma_start3A_993 = tpu.memref_slice %arg8[%dma_start3A_991, %dma_start3A_992] : memref<10240x128xf32, #tpu.memory_space<vmem_shared>> -> memref<10240x128xf32, #tpu.memory_space<vmem_shared>>
        tpu.enqueue_indirect_dma source(%arg13 : memref<80x128xf32, #tpu.memory_space<vmem>>) target(%dma_start3A_993 : memref<10240x128xf32, #tpu.memory_space<vmem_shared>>) offsets(%dma_start3A_990 : memref<80xi32, #tpu.memory_space<vmem>>) semaphore(%run_scoped3A_987 : memref<!tpu.dma_semaphore, #tpu.memory_space<semaphore_mem>>) {add = true}
        %dma_wait3A_994 = arith.constant 0 : i32
        %dma_wait3A_995 = tpu.memref_slice %arg10[%add3A_959, %dma_wait3A_994] : memref<25x80xi32, #tpu.memory_space<vmem>> -> memref<1x80xi32, #tpu.memory_space<vmem>>
        %dma_wait3A_996 = tpu.memref_squeeze %dma_wait3A_995 : memref<1x80xi32, #tpu.memory_space<vmem>> -> memref<80xi32, #tpu.memory_space<vmem>>
        %dma_wait3A_997 = arith.constant 0 : i32
        %dma_wait3A_998 = arith.constant 0 : i32
        %dma_wait3A_999 = tpu.memref_slice %arg8[%dma_wait3A_997, %dma_wait3A_998] : memref<10240x128xf32, #tpu.memory_space<vmem_shared>> -> memref<10240x128xf32, #tpu.memory_space<vmem_shared>>
        tpu.wait_indirect_dma semaphore(%run_scoped3A_987 : memref<!tpu.dma_semaphore, #tpu.memory_space<semaphore_mem>>) src(%arg13 : memref<80x128xf32, #tpu.memory_space<vmem>>) dst(%dma_wait3A_999 : memref<10240x128xf32, #tpu.memory_space<vmem_shared>>)
        tpu.yield
      }) : () -> ()
      %add3A_960 = arith.constant 3 : i32
      %add3A_961 = arith.addi %mul3A_875, %add3A_960 : i32
      %add3A_962 = arith.constant 2 : i32
      %add3A_963 = arith.addi %add3A_961, %add3A_962 : i32
      %dma_start3A_964 = arith.constant 0 : i32
      %dma_start3A_965 = tpu.memref_slice %arg9[%add3A_963, %dma_start3A_964] : memref<25x80xi32, #tpu.memory_space<vmem>> -> memref<1x80xi32, #tpu.memory_space<vmem>>
      %dma_start3A_966 = tpu.memref_squeeze %dma_start3A_965 : memref<1x80xi32, #tpu.memory_space<vmem>> -> memref<80xi32, #tpu.memory_space<vmem>>
      %dma_start3A_967 = arith.constant 0 : i32
      %dma_start3A_968 = arith.constant 0 : i32
      %dma_start3A_969 = tpu.memref_slice %arg2[%dma_start3A_967, %dma_start3A_968] : memref<10000x128xf32, #tpu.memory_space<hbm>> -> memref<10000x128xf32, #tpu.memory_space<hbm>>
      tpu.enqueue_indirect_dma source(%dma_start3A_969 : memref<10000x128xf32, #tpu.memory_space<hbm>>) target(%arg13 : memref<80x128xf32, #tpu.memory_space<vmem>>) offsets(%dma_start3A_966 : memref<80xi32, #tpu.memory_space<vmem>>) semaphore(%arg17 : memref<!tpu.dma_semaphore, #tpu.memory_space<semaphore_mem>>)
      %add3A_970 = arith.constant 2 : i32
      %add3A_971 = arith.addi %mul3A_875, %add3A_970 : i32
      %get3A_972 = arith.index_cast %add3A_971 : i32 to index
      %get3A_973 = arith.constant 0 : index
      %get3A_974 = tpu.vector_load %arg10[%get3A_972, %get3A_973] {strides = array<i32>} : memref<25x80xi32, #tpu.memory_space<vmem>>, vector<16xi32>,
      tpu.vector_store_idx %arg14[%get3A_974], %broadcast_in_dim3A_3 {add = true} : memref<10240xf32, #tpu.memory_space<vmem>>[vector<16xi32>], vector<16xf32>,
      %get3A_975 = arith.index_cast %add3A_971 : i32 to index
      %get3A_976 = arith.constant 16 : index
      %get3A_977 = tpu.vector_load %arg10[%get3A_975, %get3A_976] {strides = array<i32>} : memref<25x80xi32, #tpu.memory_space<vmem>>, vector<16xi32>,
      tpu.vector_store_idx %arg14[%get3A_977], %broadcast_in_dim3A_3 {add = true} : memref<10240xf32, #tpu.memory_space<vmem>>[vector<16xi32>], vector<16xf32>,
      %get3A_978 = arith.index_cast %add3A_971 : i32 to index
      %get3A_979 = arith.constant 32 : index
      %get3A_980 = tpu.vector_load %arg10[%get3A_978, %get3A_979] {strides = array<i32>} : memref<25x80xi32, #tpu.memory_space<vmem>>, vector<16xi32>,
      tpu.vector_store_idx %arg14[%get3A_980], %broadcast_in_dim3A_3 {add = true} : memref<10240xf32, #tpu.memory_space<vmem>>[vector<16xi32>], vector<16xf32>,
      %get3A_981 = arith.index_cast %add3A_971 : i32 to index
      %get3A_982 = arith.constant 48 : index
      %get3A_983 = tpu.vector_load %arg10[%get3A_981, %get3A_982] {strides = array<i32>} : memref<25x80xi32, #tpu.memory_space<vmem>>, vector<16xi32>,
      tpu.vector_store_idx %arg14[%get3A_983], %broadcast_in_dim3A_3 {add = true} : memref<10240xf32, #tpu.memory_space<vmem>>[vector<16xi32>], vector<16xf32>,
      %get3A_984 = arith.index_cast %add3A_971 : i32 to index
      %get3A_985 = arith.constant 64 : index
      %get3A_986 = tpu.vector_load %arg10[%get3A_984, %get3A_985] {strides = array<i32>} : memref<25x80xi32, #tpu.memory_space<vmem>>, vector<16xi32>,
      tpu.vector_store_idx %arg14[%get3A_986], %broadcast_in_dim3A_3 {add = true} : memref<10240xf32, #tpu.memory_space<vmem>>[vector<16xi32>], vector<16xf32>,
    }
    %scan3A_129 = arith.constant 7 : i32
    %dma_wait3A_130 = arith.constant 21 : i32
    %dma_wait3A_131 = arith.constant 0 : i32
    %dma_wait3A_132 = tpu.memref_slice %arg9[%dma_wait3A_130, %dma_wait3A_131] : memref<25x80xi32, #tpu.memory_space<vmem>> -> memref<1x80xi32, #tpu.memory_space<vmem>>
    %dma_wait3A_133 = tpu.memref_squeeze %dma_wait3A_132 : memref<1x80xi32, #tpu.memory_space<vmem>> -> memref<80xi32, #tpu.memory_space<vmem>>
    %dma_wait3A_134 = arith.constant 0 : i32
    %dma_wait3A_135 = arith.constant 0 : i32
    %dma_wait3A_136 = tpu.memref_slice %arg2[%dma_wait3A_134, %dma_wait3A_135] : memref<10000x128xf32, #tpu.memory_space<hbm>> -> memref<10000x128xf32, #tpu.memory_space<hbm>>
    tpu.wait_indirect_dma semaphore(%arg15 : memref<!tpu.dma_semaphore, #tpu.memory_space<semaphore_mem>>) src(%dma_wait3A_136 : memref<10000x128xf32, #tpu.memory_space<hbm>>) dst(%arg11 : memref<80x128xf32, #tpu.memory_space<vmem>>)
    %run_scoped3A = arith.constant 21 : i32
    "tpu.region"() ({
      %run_scoped3A_873 = tpu.sem_alloc : memref<!tpu.dma_semaphore, #tpu.memory_space<semaphore_mem>>
      %dma_start3A_874 = arith.constant 0 : i32
      %dma_start3A_875 = tpu.memref_slice %arg10[%run_scoped3A, %dma_start3A_874] : memref<25x80xi32, #tpu.memory_space<vmem>> -> memref<1x80xi32, #tpu.memory_space<vmem>>
      %dma_start3A_876 = tpu.memref_squeeze %dma_start3A_875 : memref<1x80xi32, #tpu.memory_space<vmem>> -> memref<80xi32, #tpu.memory_space<vmem>>
      %dma_start3A_877 = arith.constant 0 : i32
      %dma_start3A_878 = arith.constant 0 : i32
      %dma_start3A_879 = tpu.memref_slice %arg8[%dma_start3A_877, %dma_start3A_878] : memref<10240x128xf32, #tpu.memory_space<vmem_shared>> -> memref<10240x128xf32, #tpu.memory_space<vmem_shared>>
      tpu.enqueue_indirect_dma source(%arg11 : memref<80x128xf32, #tpu.memory_space<vmem>>) target(%dma_start3A_879 : memref<10240x128xf32, #tpu.memory_space<vmem_shared>>) offsets(%dma_start3A_876 : memref<80xi32, #tpu.memory_space<vmem>>) semaphore(%run_scoped3A_873 : memref<!tpu.dma_semaphore, #tpu.memory_space<semaphore_mem>>) {add = true}
      %dma_wait3A_880 = arith.constant 0 : i32
      %dma_wait3A_881 = tpu.memref_slice %arg10[%run_scoped3A, %dma_wait3A_880] : memref<25x80xi32, #tpu.memory_space<vmem>> -> memref<1x80xi32, #tpu.memory_space<vmem>>
      %dma_wait3A_882 = tpu.memref_squeeze %dma_wait3A_881 : memref<1x80xi32, #tpu.memory_space<vmem>> -> memref<80xi32, #tpu.memory_space<vmem>>
      %dma_wait3A_883 = arith.constant 0 : i32
      %dma_wait3A_884 = arith.constant 0 : i32
      %dma_wait3A_885 = tpu.memref_slice %arg8[%dma_wait3A_883, %dma_wait3A_884] : memref<10240x128xf32, #tpu.memory_space<vmem_shared>> -> memref<10240x128xf32, #tpu.memory_space<vmem_shared>>
      tpu.wait_indirect_dma semaphore(%run_scoped3A_873 : memref<!tpu.dma_semaphore, #tpu.memory_space<semaphore_mem>>) src(%arg11 : memref<80x128xf32, #tpu.memory_space<vmem>>) dst(%dma_wait3A_885 : memref<10240x128xf32, #tpu.memory_space<vmem_shared>>)
      tpu.yield
    }) : () -> ()
    %dma_start3A_137 = arith.constant 24 : i32
    %dma_start3A_138 = arith.constant 0 : i32
    %dma_start3A_139 = tpu.memref_slice %arg9[%dma_start3A_137, %dma_start3A_138] : memref<25x80xi32, #tpu.memory_space<vmem>> -> memref<1x80xi32, #tpu.memory_space<vmem>>
    %dma_start3A_140 = tpu.memref_squeeze %dma_start3A_139 : memref<1x80xi32, #tpu.memory_space<vmem>> -> memref<80xi32, #tpu.memory_space<vmem>>
    %dma_start3A_141 = arith.constant 0 : i32
    %dma_start3A_142 = arith.constant 0 : i32
    %dma_start3A_143 = tpu.memref_slice %arg2[%dma_start3A_141, %dma_start3A_142] : memref<10000x128xf32, #tpu.memory_space<hbm>> -> memref<10000x128xf32, #tpu.memory_space<hbm>>
    tpu.enqueue_indirect_dma source(%dma_start3A_143 : memref<10000x128xf32, #tpu.memory_space<hbm>>) target(%arg11 : memref<80x128xf32, #tpu.memory_space<vmem>>) offsets(%dma_start3A_140 : memref<80xi32, #tpu.memory_space<vmem>>) semaphore(%arg15 : memref<!tpu.dma_semaphore, #tpu.memory_space<semaphore_mem>>)
    %get3A = arith.constant 21 : i32
    %get3A_144 = arith.index_cast %get3A : i32 to index
    %get3A_145 = arith.constant 0 : index
    %get3A_146 = tpu.vector_load %arg10[%get3A_144, %get3A_145] {strides = array<i32>} : memref<25x80xi32, #tpu.memory_space<vmem>>, vector<16xi32>,
    tpu.vector_store_idx %arg14[%get3A_146], %broadcast_in_dim3A_3 {add = true} : memref<10240xf32, #tpu.memory_space<vmem>>[vector<16xi32>], vector<16xf32>,
    %get3A_147 = arith.constant 21 : i32
    %get3A_148 = arith.index_cast %get3A_147 : i32 to index
    %get3A_149 = arith.constant 16 : index
    %get3A_150 = tpu.vector_load %arg10[%get3A_148, %get3A_149] {strides = array<i32>} : memref<25x80xi32, #tpu.memory_space<vmem>>, vector<16xi32>,
    tpu.vector_store_idx %arg14[%get3A_150], %broadcast_in_dim3A_3 {add = true} : memref<10240xf32, #tpu.memory_space<vmem>>[vector<16xi32>], vector<16xf32>,
    %get3A_151 = arith.constant 21 : i32
    %get3A_152 = arith.index_cast %get3A_151 : i32 to index
    %get3A_153 = arith.constant 32 : index
    %get3A_154 = tpu.vector_load %arg10[%get3A_152, %get3A_153] {strides = array<i32>} : memref<25x80xi32, #tpu.memory_space<vmem>>, vector<16xi32>,
    tpu.vector_store_idx %arg14[%get3A_154], %broadcast_in_dim3A_3 {add = true} : memref<10240xf32, #tpu.memory_space<vmem>>[vector<16xi32>], vector<16xf32>,
    %get3A_155 = arith.constant 21 : i32
    %get3A_156 = arith.index_cast %get3A_155 : i32 to index
    %get3A_157 = arith.constant 48 : index
    %get3A_158 = tpu.vector_load %arg10[%get3A_156, %get3A_157] {strides = array<i32>} : memref<25x80xi32, #tpu.memory_space<vmem>>, vector<16xi32>,
    tpu.vector_store_idx %arg14[%get3A_158], %broadcast_in_dim3A_3 {add = true} : memref<10240xf32, #tpu.memory_space<vmem>>[vector<16xi32>], vector<16xf32>,
    %get3A_159 = arith.constant 21 : i32
    %get3A_160 = arith.index_cast %get3A_159 : i32 to index
    %get3A_161 = arith.constant 64 : index
    %get3A_162 = tpu.vector_load %arg10[%get3A_160, %get3A_161] {strides = array<i32>} : memref<25x80xi32, #tpu.memory_space<vmem>>, vector<16xi32>,
    tpu.vector_store_idx %arg14[%get3A_162], %broadcast_in_dim3A_3 {add = true} : memref<10240xf32, #tpu.memory_space<vmem>>[vector<16xi32>], vector<16xf32>,
    %dma_wait3A_163 = arith.constant 22 : i32
    %dma_wait3A_164 = arith.constant 0 : i32
    %dma_wait3A_165 = tpu.memref_slice %arg9[%dma_wait3A_163, %dma_wait3A_164] : memref<25x80xi32, #tpu.memory_space<vmem>> -> memref<1x80xi32, #tpu.memory_space<vmem>>
    %dma_wait3A_166 = tpu.memref_squeeze %dma_wait3A_165 : memref<1x80xi32, #tpu.memory_space<vmem>> -> memref<80xi32, #tpu.memory_space<vmem>>
    %dma_wait3A_167 = arith.constant 0 : i32
    %dma_wait3A_168 = arith.constant 0 : i32
    %dma_wait3A_169 = tpu.memref_slice %arg2[%dma_wait3A_167, %dma_wait3A_168] : memref<10000x128xf32, #tpu.memory_space<hbm>> -> memref<10000x128xf32, #tpu.memory_space<hbm>>
    tpu.wait_indirect_dma semaphore(%arg16 : memref<!tpu.dma_semaphore, #tpu.memory_space<semaphore_mem>>) src(%dma_wait3A_169 : memref<10000x128xf32, #tpu.memory_space<hbm>>) dst(%arg12 : memref<80x128xf32, #tpu.memory_space<vmem>>)
    %run_scoped3A_170 = arith.constant 22 : i32
    "tpu.region"() ({
      %run_scoped3A_873 = tpu.sem_alloc : memref<!tpu.dma_semaphore, #tpu.memory_space<semaphore_mem>>
      %dma_start3A_874 = arith.constant 0 : i32
      %dma_start3A_875 = tpu.memref_slice %arg10[%run_scoped3A_170, %dma_start3A_874] : memref<25x80xi32, #tpu.memory_space<vmem>> -> memref<1x80xi32, #tpu.memory_space<vmem>>
      %dma_start3A_876 = tpu.memref_squeeze %dma_start3A_875 : memref<1x80xi32, #tpu.memory_space<vmem>> -> memref<80xi32, #tpu.memory_space<vmem>>
      %dma_start3A_877 = arith.constant 0 : i32
      %dma_start3A_878 = arith.constant 0 : i32
      %dma_start3A_879 = tpu.memref_slice %arg8[%dma_start3A_877, %dma_start3A_878] : memref<10240x128xf32, #tpu.memory_space<vmem_shared>> -> memref<10240x128xf32, #tpu.memory_space<vmem_shared>>
      tpu.enqueue_indirect_dma source(%arg12 : memref<80x128xf32, #tpu.memory_space<vmem>>) target(%dma_start3A_879 : memref<10240x128xf32, #tpu.memory_space<vmem_shared>>) offsets(%dma_start3A_876 : memref<80xi32, #tpu.memory_space<vmem>>) semaphore(%run_scoped3A_873 : memref<!tpu.dma_semaphore, #tpu.memory_space<semaphore_mem>>) {add = true}
      %dma_wait3A_880 = arith.constant 0 : i32
      %dma_wait3A_881 = tpu.memref_slice %arg10[%run_scoped3A_170, %dma_wait3A_880] : memref<25x80xi32, #tpu.memory_space<vmem>> -> memref<1x80xi32, #tpu.memory_space<vmem>>
      %dma_wait3A_882 = tpu.memref_squeeze %dma_wait3A_881 : memref<1x80xi32, #tpu.memory_space<vmem>> -> memref<80xi32, #tpu.memory_space<vmem>>
      %dma_wait3A_883 = arith.constant 0 : i32
      %dma_wait3A_884 = arith.constant 0 : i32
      %dma_wait3A_885 = tpu.memref_slice %arg8[%dma_wait3A_883, %dma_wait3A_884] : memref<10240x128xf32, #tpu.memory_space<vmem_shared>> -> memref<10240x128xf32, #tpu.memory_space<vmem_shared>>
      tpu.wait_indirect_dma semaphore(%run_scoped3A_873 : memref<!tpu.dma_semaphore, #tpu.memory_space<semaphore_mem>>) src(%arg12 : memref<80x128xf32, #tpu.memory_space<vmem>>) dst(%dma_wait3A_885 : memref<10240x128xf32, #tpu.memory_space<vmem_shared>>)
      tpu.yield
    }) : () -> ()
    %get3A_171 = arith.constant 22 : i32
    %get3A_172 = arith.index_cast %get3A_171 : i32 to index
    %get3A_173 = arith.constant 0 : index
    %get3A_174 = tpu.vector_load %arg10[%get3A_172, %get3A_173] {strides = array<i32>} : memref<25x80xi32, #tpu.memory_space<vmem>>, vector<16xi32>,
    tpu.vector_store_idx %arg14[%get3A_174], %broadcast_in_dim3A_3 {add = true} : memref<10240xf32, #tpu.memory_space<vmem>>[vector<16xi32>], vector<16xf32>,
    %get3A_175 = arith.constant 22 : i32
    %get3A_176 = arith.index_cast %get3A_175 : i32 to index
    %get3A_177 = arith.constant 16 : index
    %get3A_178 = tpu.vector_load %arg10[%get3A_176, %get3A_177] {strides = array<i32>} : memref<25x80xi32, #tpu.memory_space<vmem>>, vector<16xi32>,
    tpu.vector_store_idx %arg14[%get3A_178], %broadcast_in_dim3A_3 {add = true} : memref<10240xf32, #tpu.memory_space<vmem>>[vector<16xi32>], vector<16xf32>,
    %get3A_179 = arith.constant 22 : i32
    %get3A_180 = arith.index_cast %get3A_179 : i32 to index
    %get3A_181 = arith.constant 32 : index
    %get3A_182 = tpu.vector_load %arg10[%get3A_180, %get3A_181] {strides = array<i32>} : memref<25x80xi32, #tpu.memory_space<vmem>>, vector<16xi32>,
    tpu.vector_store_idx %arg14[%get3A_182], %broadcast_in_dim3A_3 {add = true} : memref<10240xf32, #tpu.memory_space<vmem>>[vector<16xi32>], vector<16xf32>,
    %get3A_183 = arith.constant 22 : i32
    %get3A_184 = arith.index_cast %get3A_183 : i32 to index
    %get3A_185 = arith.constant 48 : index
    %get3A_186 = tpu.vector_load %arg10[%get3A_184, %get3A_185] {strides = array<i32>} : memref<25x80xi32, #tpu.memory_space<vmem>>, vector<16xi32>,
    tpu.vector_store_idx %arg14[%get3A_186], %broadcast_in_dim3A_3 {add = true} : memref<10240xf32, #tpu.memory_space<vmem>>[vector<16xi32>], vector<16xf32>,
    %get3A_187 = arith.constant 22 : i32
    %get3A_188 = arith.index_cast %get3A_187 : i32 to index
    %get3A_189 = arith.constant 64 : index
    %get3A_190 = tpu.vector_load %arg10[%get3A_188, %get3A_189] {strides = array<i32>} : memref<25x80xi32, #tpu.memory_space<vmem>>, vector<16xi32>,
    tpu.vector_store_idx %arg14[%get3A_190], %broadcast_in_dim3A_3 {add = true} : memref<10240xf32, #tpu.memory_space<vmem>>[vector<16xi32>], vector<16xf32>,
    %dma_wait3A_191 = arith.constant 23 : i32
    %dma_wait3A_192 = arith.constant 0 : i32
    %dma_wait3A_193 = tpu.memref_slice %arg9[%dma_wait3A_191, %dma_wait3A_192] : memref<25x80xi32, #tpu.memory_space<vmem>> -> memref<1x80xi32, #tpu.memory_space<vmem>>
    %dma_wait3A_194 = tpu.memref_squeeze %dma_wait3A_193 : memref<1x80xi32, #tpu.memory_space<vmem>> -> memref<80xi32, #tpu.memory_space<vmem>>
    %dma_wait3A_195 = arith.constant 0 : i32
    %dma_wait3A_196 = arith.constant 0 : i32
    %dma_wait3A_197 = tpu.memref_slice %arg2[%dma_wait3A_195, %dma_wait3A_196] : memref<10000x128xf32, #tpu.memory_space<hbm>> -> memref<10000x128xf32, #tpu.memory_space<hbm>>
    tpu.wait_indirect_dma semaphore(%arg17 : memref<!tpu.dma_semaphore, #tpu.memory_space<semaphore_mem>>) src(%dma_wait3A_197 : memref<10000x128xf32, #tpu.memory_space<hbm>>) dst(%arg13 : memref<80x128xf32, #tpu.memory_space<vmem>>)
    %run_scoped3A_198 = arith.constant 23 : i32
    "tpu.region"() ({
      %run_scoped3A_873 = tpu.sem_alloc : memref<!tpu.dma_semaphore, #tpu.memory_space<semaphore_mem>>
      %dma_start3A_874 = arith.constant 0 : i32
      %dma_start3A_875 = tpu.memref_slice %arg10[%run_scoped3A_198, %dma_start3A_874] : memref<25x80xi32, #tpu.memory_space<vmem>> -> memref<1x80xi32, #tpu.memory_space<vmem>>
      %dma_start3A_876 = tpu.memref_squeeze %dma_start3A_875 : memref<1x80xi32, #tpu.memory_space<vmem>> -> memref<80xi32, #tpu.memory_space<vmem>>
      %dma_start3A_877 = arith.constant 0 : i32
      %dma_start3A_878 = arith.constant 0 : i32
      %dma_start3A_879 = tpu.memref_slice %arg8[%dma_start3A_877, %dma_start3A_878] : memref<10240x128xf32, #tpu.memory_space<vmem_shared>> -> memref<10240x128xf32, #tpu.memory_space<vmem_shared>>
      tpu.enqueue_indirect_dma source(%arg13 : memref<80x128xf32, #tpu.memory_space<vmem>>) target(%dma_start3A_879 : memref<10240x128xf32, #tpu.memory_space<vmem_shared>>) offsets(%dma_start3A_876 : memref<80xi32, #tpu.memory_space<vmem>>) semaphore(%run_scoped3A_873 : memref<!tpu.dma_semaphore, #tpu.memory_space<semaphore_mem>>) {add = true}
      %dma_wait3A_880 = arith.constant 0 : i32
      %dma_wait3A_881 = tpu.memref_slice %arg10[%run_scoped3A_198, %dma_wait3A_880] : memref<25x80xi32, #tpu.memory_space<vmem>> -> memref<1x80xi32, #tpu.memory_space<vmem>>
      %dma_wait3A_882 = tpu.memref_squeeze %dma_wait3A_881 : memref<1x80xi32, #tpu.memory_space<vmem>> -> memref<80xi32, #tpu.memory_space<vmem>>
      %dma_wait3A_883 = arith.constant 0 : i32
      %dma_wait3A_884 = arith.constant 0 : i32
      %dma_wait3A_885 = tpu.memref_slice %arg8[%dma_wait3A_883, %dma_wait3A_884] : memref<10240x128xf32, #tpu.memory_space<vmem_shared>> -> memref<10240x128xf32, #tpu.memory_space<vmem_shared>>
      tpu.wait_indirect_dma semaphore(%run_scoped3A_873 : memref<!tpu.dma_semaphore, #tpu.memory_space<semaphore_mem>>) src(%arg13 : memref<80x128xf32, #tpu.memory_space<vmem>>) dst(%dma_wait3A_885 : memref<10240x128xf32, #tpu.memory_space<vmem_shared>>)
      tpu.yield
    }) : () -> ()
    %get3A_199 = arith.constant 23 : i32
    %get3A_200 = arith.index_cast %get3A_199 : i32 to index
    %get3A_201 = arith.constant 0 : index
    %get3A_202 = tpu.vector_load %arg10[%get3A_200, %get3A_201] {strides = array<i32>} : memref<25x80xi32, #tpu.memory_space<vmem>>, vector<16xi32>,
    tpu.vector_store_idx %arg14[%get3A_202], %broadcast_in_dim3A_3 {add = true} : memref<10240xf32, #tpu.memory_space<vmem>>[vector<16xi32>], vector<16xf32>,
    %get3A_203 = arith.constant 23 : i32
    %get3A_204 = arith.index_cast %get3A_203 : i32 to index
    %get3A_205 = arith.constant 16 : index
    %get3A_206 = tpu.vector_load %arg10[%get3A_204, %get3A_205] {strides = array<i32>} : memref<25x80xi32, #tpu.memory_space<vmem>>, vector<16xi32>,
    tpu.vector_store_idx %arg14[%get3A_206], %broadcast_in_dim3A_3 {add = true} : memref<10240xf32, #tpu.memory_space<vmem>>[vector<16xi32>], vector<16xf32>,
    %get3A_207 = arith.constant 23 : i32
    %get3A_208 = arith.index_cast %get3A_207 : i32 to index
    %get3A_209 = arith.constant 32 : index
    %get3A_210 = tpu.vector_load %arg10[%get3A_208, %get3A_209] {strides = array<i32>} : memref<25x80xi32, #tpu.memory_space<vmem>>, vector<16xi32>,
    tpu.vector_store_idx %arg14[%get3A_210], %broadcast_in_dim3A_3 {add = true} : memref<10240xf32, #tpu.memory_space<vmem>>[vector<16xi32>], vector<16xf32>,
    %get3A_211 = arith.constant 23 : i32
    %get3A_212 = arith.index_cast %get3A_211 : i32 to index
    %get3A_213 = arith.constant 48 : index
    %get3A_214 = tpu.vector_load %arg10[%get3A_212, %get3A_213] {strides = array<i32>} : memref<25x80xi32, #tpu.memory_space<vmem>>, vector<16xi32>,
    tpu.vector_store_idx %arg14[%get3A_214], %broadcast_in_dim3A_3 {add = true} : memref<10240xf32, #tpu.memory_space<vmem>>[vector<16xi32>], vector<16xf32>,
    %get3A_215 = arith.constant 23 : i32
    %get3A_216 = arith.index_cast %get3A_215 : i32 to index
    %get3A_217 = arith.constant 64 : index
    %get3A_218 = tpu.vector_load %arg10[%get3A_216, %get3A_217] {strides = array<i32>} : memref<25x80xi32, #tpu.memory_space<vmem>>, vector<16xi32>,
    tpu.vector_store_idx %arg14[%get3A_218], %broadcast_in_dim3A_3 {add = true} : memref<10240xf32, #tpu.memory_space<vmem>>[vector<16xi32>], vector<16xf32>,
    %dma_wait3A_219 = arith.constant 24 : i32
    %dma_wait3A_220 = arith.constant 0 : i32
    %dma_wait3A_221 = tpu.memref_slice %arg9[%dma_wait3A_219, %dma_wait3A_220] : memref<25x80xi32, #tpu.memory_space<vmem>> -> memref<1x80xi32, #tpu.memory_space<vmem>>
    %dma_wait3A_222 = tpu.memref_squeeze %dma_wait3A_221 : memref<1x80xi32, #tpu.memory_space<vmem>> -> memref<80xi32, #tpu.memory_space<vmem>>
    %dma_wait3A_223 = arith.constant 0 : i32
    %dma_wait3A_224 = arith.constant 0 : i32
    %dma_wait3A_225 = tpu.memref_slice %arg2[%dma_wait3A_223, %dma_wait3A_224] : memref<10000x128xf32, #tpu.memory_space<hbm>> -> memref<10000x128xf32, #tpu.memory_space<hbm>>
    tpu.wait_indirect_dma semaphore(%arg15 : memref<!tpu.dma_semaphore, #tpu.memory_space<semaphore_mem>>) src(%dma_wait3A_225 : memref<10000x128xf32, #tpu.memory_space<hbm>>) dst(%arg11 : memref<80x128xf32, #tpu.memory_space<vmem>>)
    %run_scoped3A_226 = arith.constant 24 : i32
    "tpu.region"() ({
      %run_scoped3A_873 = tpu.sem_alloc : memref<!tpu.dma_semaphore, #tpu.memory_space<semaphore_mem>>
      %dma_start3A_874 = arith.constant 0 : i32
      %dma_start3A_875 = tpu.memref_slice %arg10[%run_scoped3A_226, %dma_start3A_874] : memref<25x80xi32, #tpu.memory_space<vmem>> -> memref<1x80xi32, #tpu.memory_space<vmem>>
      %dma_start3A_876 = tpu.memref_squeeze %dma_start3A_875 : memref<1x80xi32, #tpu.memory_space<vmem>> -> memref<80xi32, #tpu.memory_space<vmem>>
      %dma_start3A_877 = arith.constant 0 : i32
      %dma_start3A_878 = arith.constant 0 : i32
      %dma_start3A_879 = tpu.memref_slice %arg8[%dma_start3A_877, %dma_start3A_878] : memref<10240x128xf32, #tpu.memory_space<vmem_shared>> -> memref<10240x128xf32, #tpu.memory_space<vmem_shared>>
      tpu.enqueue_indirect_dma source(%arg11 : memref<80x128xf32, #tpu.memory_space<vmem>>) target(%dma_start3A_879 : memref<10240x128xf32, #tpu.memory_space<vmem_shared>>) offsets(%dma_start3A_876 : memref<80xi32, #tpu.memory_space<vmem>>) semaphore(%run_scoped3A_873 : memref<!tpu.dma_semaphore, #tpu.memory_space<semaphore_mem>>) {add = true}
      %dma_wait3A_880 = arith.constant 0 : i32
      %dma_wait3A_881 = tpu.memref_slice %arg10[%run_scoped3A_226, %dma_wait3A_880] : memref<25x80xi32, #tpu.memory_space<vmem>> -> memref<1x80xi32, #tpu.memory_space<vmem>>
      %dma_wait3A_882 = tpu.memref_squeeze %dma_wait3A_881 : memref<1x80xi32, #tpu.memory_space<vmem>> -> memref<80xi32, #tpu.memory_space<vmem>>
      %dma_wait3A_883 = arith.constant 0 : i32
      %dma_wait3A_884 = arith.constant 0 : i32
      %dma_wait3A_885 = tpu.memref_slice %arg8[%dma_wait3A_883, %dma_wait3A_884] : memref<10240x128xf32, #tpu.memory_space<vmem_shared>> -> memref<10240x128xf32, #tpu.memory_space<vmem_shared>>
      tpu.wait_indirect_dma semaphore(%run_scoped3A_873 : memref<!tpu.dma_semaphore, #tpu.memory_space<semaphore_mem>>) src(%arg11 : memref<80x128xf32, #tpu.memory_space<vmem>>) dst(%dma_wait3A_885 : memref<10240x128xf32, #tpu.memory_space<vmem_shared>>)
      tpu.yield
    }) : () -> ()
    %get3A_227 = arith.constant 24 : i32
    %get3A_228 = arith.index_cast %get3A_227 : i32 to index
    %get3A_229 = arith.constant 0 : index
    %get3A_230 = tpu.vector_load %arg10[%get3A_228, %get3A_229] {strides = array<i32>} : memref<25x80xi32, #tpu.memory_space<vmem>>, vector<16xi32>,
    tpu.vector_store_idx %arg14[%get3A_230], %broadcast_in_dim3A_3 {add = true} : memref<10240xf32, #tpu.memory_space<vmem>>[vector<16xi32>], vector<16xf32>,
    %get3A_231 = arith.constant 24 : i32
    %get3A_232 = arith.index_cast %get3A_231 : i32 to index
    %get3A_233 = arith.constant 16 : index
    %get3A_234 = tpu.vector_load %arg10[%get3A_232, %get3A_233] {strides = array<i32>} : memref<25x80xi32, #tpu.memory_space<vmem>>, vector<16xi32>,
    tpu.vector_store_idx %arg14[%get3A_234], %broadcast_in_dim3A_3 {add = true} : memref<10240xf32, #tpu.memory_space<vmem>>[vector<16xi32>], vector<16xf32>,
    %get3A_235 = arith.constant 24 : i32
    %get3A_236 = arith.index_cast %get3A_235 : i32 to index
    %get3A_237 = arith.constant 32 : index
    %get3A_238 = tpu.vector_load %arg10[%get3A_236, %get3A_237] {strides = array<i32>} : memref<25x80xi32, #tpu.memory_space<vmem>>, vector<16xi32>,
    tpu.vector_store_idx %arg14[%get3A_238], %broadcast_in_dim3A_3 {add = true} : memref<10240xf32, #tpu.memory_space<vmem>>[vector<16xi32>], vector<16xf32>,
    %get3A_239 = arith.constant 24 : i32
    %get3A_240 = arith.index_cast %get3A_239 : i32 to index
    %get3A_241 = arith.constant 48 : index
    %get3A_242 = tpu.vector_load %arg10[%get3A_240, %get3A_241] {strides = array<i32>} : memref<25x80xi32, #tpu.memory_space<vmem>>, vector<16xi32>,
    tpu.vector_store_idx %arg14[%get3A_242], %broadcast_in_dim3A_3 {add = true} : memref<10240xf32, #tpu.memory_space<vmem>>[vector<16xi32>], vector<16xf32>,
    %get3A_243 = arith.constant 24 : i32
    %get3A_244 = arith.index_cast %get3A_243 : i32 to index
    %get3A_245 = arith.constant 64 : index
    %get3A_246 = tpu.vector_load %arg10[%get3A_244, %get3A_245] {strides = array<i32>} : memref<25x80xi32, #tpu.memory_space<vmem>>, vector<16xi32>,
    tpu.vector_store_idx %arg14[%get3A_246], %broadcast_in_dim3A_3 {add = true} : memref<10240xf32, #tpu.memory_space<vmem>>[vector<16xi32>], vector<16xf32>,
    %mul3A_247 = arith.constant 5 : i32
    %mul3A_248 = arith.muli %add3A, %mul3A_247 : i32
    %add3A_249 = arith.constant 1 : i32
    %add3A_250 = arith.addi %mul3A_248, %add3A_249 : i32
    "tpu.region"() ({
      %run_scoped3A_873 = tpu.sem_alloc : memref<!tpu.dma_semaphore, #tpu.memory_space<semaphore_mem>>
      %dma_start3A_874 = arith.constant 0 : i32
      %dma_start3A_875 = arith.constant 0 : i32
      %dma_start3A_876 = tpu.memref_slice %arg3[%add3A_250, %dma_start3A_874, %dma_start3A_875] : memref<160x25x80xi32, #tpu.memory_space<hbm>> -> memref<1x25x80xi32, #tpu.memory_space<hbm>>
      %dma_start3A_877 = tpu.memref_squeeze %dma_start3A_876 : memref<1x25x80xi32, #tpu.memory_space<hbm>> -> memref<25x80xi32, #tpu.memory_space<hbm>>
      %dma_start3A_878 = arith.constant 0 : i32
      %dma_start3A_879 = arith.constant 0 : i32
      %dma_start3A_880 = tpu.memref_slice %arg3[%add3A_250, %dma_start3A_878, %dma_start3A_879] : memref<160x25x80xi32, #tpu.memory_space<hbm>> -> memref<1x25x80xi32, #tpu.memory_space<hbm>>
      %dma_start3A_881 = tpu.memref_squeeze %dma_start3A_880 : memref<1x25x80xi32, #tpu.memory_space<hbm>> -> memref<25x80xi32, #tpu.memory_space<hbm>>
      tpu.enqueue_dma source(%dma_start3A_881 : memref<25x80xi32, #tpu.memory_space<hbm>>) target(%arg9 : memref<25x80xi32, #tpu.memory_space<vmem>>) target_semaphore(%run_scoped3A_873 : memref<!tpu.dma_semaphore, #tpu.memory_space<semaphore_mem>>)
      %dma_wait3A_882 = arith.constant 0 : i32
      %dma_wait3A_883 = arith.constant 0 : i32
      %dma_wait3A_884 = tpu.memref_slice %arg3[%add3A_250, %dma_wait3A_882, %dma_wait3A_883] : memref<160x25x80xi32, #tpu.memory_space<hbm>> -> memref<1x25x80xi32, #tpu.memory_space<hbm>>
      %dma_wait3A_885 = tpu.memref_squeeze %dma_wait3A_884 : memref<1x25x80xi32, #tpu.memory_space<hbm>> -> memref<25x80xi32, #tpu.memory_space<hbm>>
      %dma_wait3A_886 = arith.constant 0 : i32
      %dma_wait3A_887 = arith.constant 0 : i32
      %dma_wait3A_888 = tpu.memref_slice %arg3[%add3A_250, %dma_wait3A_886, %dma_wait3A_887] : memref<160x25x80xi32, #tpu.memory_space<hbm>> -> memref<1x25x80xi32, #tpu.memory_space<hbm>>
      %dma_wait3A_889 = tpu.memref_squeeze %dma_wait3A_888 : memref<1x25x80xi32, #tpu.memory_space<hbm>> -> memref<25x80xi32, #tpu.memory_space<hbm>>
      tpu.wait_dma2 semaphore(%run_scoped3A_873 : memref<!tpu.dma_semaphore, #tpu.memory_space<semaphore_mem>>) src(%dma_wait3A_889 : memref<25x80xi32, #tpu.memory_space<hbm>>) dst(%arg9 : memref<25x80xi32, #tpu.memory_space<vmem>>)
      tpu.yield
    }) : () -> ()
    %mul3A_251 = arith.constant 5 : i32
    %mul3A_252 = arith.muli %add3A, %mul3A_251 : i32
    %add3A_253 = arith.constant 1 : i32
    %add3A_254 = arith.addi %mul3A_252, %add3A_253 : i32
    "tpu.region"() ({
      %run_scoped3A_873 = tpu.sem_alloc : memref<!tpu.dma_semaphore, #tpu.memory_space<semaphore_mem>>
      %dma_start3A_874 = arith.constant 0 : i32
      %dma_start3A_875 = arith.constant 0 : i32
      %dma_start3A_876 = tpu.memref_slice %arg4[%add3A_254, %dma_start3A_874, %dma_start3A_875] : memref<160x25x80xi32, #tpu.memory_space<hbm>> -> memref<1x25x80xi32, #tpu.memory_space<hbm>>
      %dma_start3A_877 = tpu.memref_squeeze %dma_start3A_876 : memref<1x25x80xi32, #tpu.memory_space<hbm>> -> memref<25x80xi32, #tpu.memory_space<hbm>>
      %dma_start3A_878 = arith.constant 0 : i32
      %dma_start3A_879 = arith.constant 0 : i32
      %dma_start3A_880 = tpu.memref_slice %arg4[%add3A_254, %dma_start3A_878, %dma_start3A_879] : memref<160x25x80xi32, #tpu.memory_space<hbm>> -> memref<1x25x80xi32, #tpu.memory_space<hbm>>
      %dma_start3A_881 = tpu.memref_squeeze %dma_start3A_880 : memref<1x25x80xi32, #tpu.memory_space<hbm>> -> memref<25x80xi32, #tpu.memory_space<hbm>>
      tpu.enqueue_dma source(%dma_start3A_881 : memref<25x80xi32, #tpu.memory_space<hbm>>) target(%arg10 : memref<25x80xi32, #tpu.memory_space<vmem>>) target_semaphore(%run_scoped3A_873 : memref<!tpu.dma_semaphore, #tpu.memory_space<semaphore_mem>>)
      %dma_wait3A_882 = arith.constant 0 : i32
      %dma_wait3A_883 = arith.constant 0 : i32
      %dma_wait3A_884 = tpu.memref_slice %arg4[%add3A_254, %dma_wait3A_882, %dma_wait3A_883] : memref<160x25x80xi32, #tpu.memory_space<hbm>> -> memref<1x25x80xi32, #tpu.memory_space<hbm>>
      %dma_wait3A_885 = tpu.memref_squeeze %dma_wait3A_884 : memref<1x25x80xi32, #tpu.memory_space<hbm>> -> memref<25x80xi32, #tpu.memory_space<hbm>>
      %dma_wait3A_886 = arith.constant 0 : i32
      %dma_wait3A_887 = arith.constant 0 : i32
      %dma_wait3A_888 = tpu.memref_slice %arg4[%add3A_254, %dma_wait3A_886, %dma_wait3A_887] : memref<160x25x80xi32, #tpu.memory_space<hbm>> -> memref<1x25x80xi32, #tpu.memory_space<hbm>>
      %dma_wait3A_889 = tpu.memref_squeeze %dma_wait3A_888 : memref<1x25x80xi32, #tpu.memory_space<hbm>> -> memref<25x80xi32, #tpu.memory_space<hbm>>
      tpu.wait_dma2 semaphore(%run_scoped3A_873 : memref<!tpu.dma_semaphore, #tpu.memory_space<semaphore_mem>>) src(%dma_wait3A_889 : memref<25x80xi32, #tpu.memory_space<hbm>>) dst(%arg10 : memref<25x80xi32, #tpu.memory_space<vmem>>)
      tpu.yield
    }) : () -> ()
    %dma_start3A_255 = arith.constant 0 : i32
    %dma_start3A_256 = arith.constant 0 : i32
    %dma_start3A_257 = tpu.memref_slice %arg9[%dma_start3A_255, %dma_start3A_256] : memref<25x80xi32, #tpu.memory_space<vmem>> -> memref<1x80xi32, #tpu.memory_space<vmem>>
    %dma_start3A_258 = tpu.memref_squeeze %dma_start3A_257 : memref<1x80xi32, #tpu.memory_space<vmem>> -> memref<80xi32, #tpu.memory_space<vmem>>
    %dma_start3A_259 = arith.constant 0 : i32
    %dma_start3A_260 = arith.constant 0 : i32
    %dma_start3A_261 = tpu.memref_slice %arg2[%dma_start3A_259, %dma_start3A_260] : memref<10000x128xf32, #tpu.memory_space<hbm>> -> memref<10000x128xf32, #tpu.memory_space<hbm>>
    tpu.enqueue_indirect_dma source(%dma_start3A_261 : memref<10000x128xf32, #tpu.memory_space<hbm>>) target(%arg11 : memref<80x128xf32, #tpu.memory_space<vmem>>) offsets(%dma_start3A_258 : memref<80xi32, #tpu.memory_space<vmem>>) semaphore(%arg15 : memref<!tpu.dma_semaphore, #tpu.memory_space<semaphore_mem>>)
    %dma_start3A_262 = arith.constant 1 : i32
    %dma_start3A_263 = arith.constant 0 : i32
    %dma_start3A_264 = tpu.memref_slice %arg9[%dma_start3A_262, %dma_start3A_263] : memref<25x80xi32, #tpu.memory_space<vmem>> -> memref<1x80xi32, #tpu.memory_space<vmem>>
    %dma_start3A_265 = tpu.memref_squeeze %dma_start3A_264 : memref<1x80xi32, #tpu.memory_space<vmem>> -> memref<80xi32, #tpu.memory_space<vmem>>
    %dma_start3A_266 = arith.constant 0 : i32
    %dma_start3A_267 = arith.constant 0 : i32
    %dma_start3A_268 = tpu.memref_slice %arg2[%dma_start3A_266, %dma_start3A_267] : memref<10000x128xf32, #tpu.memory_space<hbm>> -> memref<10000x128xf32, #tpu.memory_space<hbm>>
    tpu.enqueue_indirect_dma source(%dma_start3A_268 : memref<10000x128xf32, #tpu.memory_space<hbm>>) target(%arg12 : memref<80x128xf32, #tpu.memory_space<vmem>>) offsets(%dma_start3A_265 : memref<80xi32, #tpu.memory_space<vmem>>) semaphore(%arg16 : memref<!tpu.dma_semaphore, #tpu.memory_space<semaphore_mem>>)
    %dma_start3A_269 = arith.constant 2 : i32
    %dma_start3A_270 = arith.constant 0 : i32
    %dma_start3A_271 = tpu.memref_slice %arg9[%dma_start3A_269, %dma_start3A_270] : memref<25x80xi32, #tpu.memory_space<vmem>> -> memref<1x80xi32, #tpu.memory_space<vmem>>
    %dma_start3A_272 = tpu.memref_squeeze %dma_start3A_271 : memref<1x80xi32, #tpu.memory_space<vmem>> -> memref<80xi32, #tpu.memory_space<vmem>>
    %dma_start3A_273 = arith.constant 0 : i32
    %dma_start3A_274 = arith.constant 0 : i32
    %dma_start3A_275 = tpu.memref_slice %arg2[%dma_start3A_273, %dma_start3A_274] : memref<10000x128xf32, #tpu.memory_space<hbm>> -> memref<10000x128xf32, #tpu.memory_space<hbm>>
    tpu.enqueue_indirect_dma source(%dma_start3A_275 : memref<10000x128xf32, #tpu.memory_space<hbm>>) target(%arg13 : memref<80x128xf32, #tpu.memory_space<vmem>>) offsets(%dma_start3A_272 : memref<80xi32, #tpu.memory_space<vmem>>) semaphore(%arg17 : memref<!tpu.dma_semaphore, #tpu.memory_space<semaphore_mem>>)
    %scan3A_276 = arith.constant 0 : i32
    %scan3A_277 = arith.constant 0 : i32
    %scan3A_278 = arith.constant 7 : i32
    %scan3A_279 = arith.addi %scan3A_277, %scan3A_278 : i32
    %scan3A_280 = arith.constant 1 : i32
    scf.for %scan3A_873 = %scan3A_277 to %scan3A_279 step %scan3A_280  : i32 {
      %mul3A_874 = arith.constant 3 : i32
      %mul3A_875 = arith.muli %mul3A_874, %scan3A_873 : i32
      %add3A_876 = arith.constant 0 : i32
      %add3A_877 = arith.addi %mul3A_875, %add3A_876 : i32
      %dma_wait3A_878 = arith.constant 0 : i32
      %dma_wait3A_879 = tpu.memref_slice %arg9[%add3A_877, %dma_wait3A_878] : memref<25x80xi32, #tpu.memory_space<vmem>> -> memref<1x80xi32, #tpu.memory_space<vmem>>
      %dma_wait3A_880 = tpu.memref_squeeze %dma_wait3A_879 : memref<1x80xi32, #tpu.memory_space<vmem>> -> memref<80xi32, #tpu.memory_space<vmem>>
      %dma_wait3A_881 = arith.constant 0 : i32
      %dma_wait3A_882 = arith.constant 0 : i32
      %dma_wait3A_883 = tpu.memref_slice %arg2[%dma_wait3A_881, %dma_wait3A_882] : memref<10000x128xf32, #tpu.memory_space<hbm>> -> memref<10000x128xf32, #tpu.memory_space<hbm>>
      tpu.wait_indirect_dma semaphore(%arg15 : memref<!tpu.dma_semaphore, #tpu.memory_space<semaphore_mem>>) src(%dma_wait3A_883 : memref<10000x128xf32, #tpu.memory_space<hbm>>) dst(%arg11 : memref<80x128xf32, #tpu.memory_space<vmem>>)
      %add3A_884 = arith.constant 0 : i32
      %add3A_885 = arith.addi %mul3A_875, %add3A_884 : i32
      "tpu.region"() ({
        %run_scoped3A_987 = tpu.sem_alloc : memref<!tpu.dma_semaphore, #tpu.memory_space<semaphore_mem>>
        %dma_start3A_988 = arith.constant 0 : i32
        %dma_start3A_989 = tpu.memref_slice %arg10[%add3A_885, %dma_start3A_988] : memref<25x80xi32, #tpu.memory_space<vmem>> -> memref<1x80xi32, #tpu.memory_space<vmem>>
        %dma_start3A_990 = tpu.memref_squeeze %dma_start3A_989 : memref<1x80xi32, #tpu.memory_space<vmem>> -> memref<80xi32, #tpu.memory_space<vmem>>
        %dma_start3A_991 = arith.constant 0 : i32
        %dma_start3A_992 = arith.constant 0 : i32
        %dma_start3A_993 = tpu.memref_slice %arg8[%dma_start3A_991, %dma_start3A_992] : memref<10240x128xf32, #tpu.memory_space<vmem_shared>> -> memref<10240x128xf32, #tpu.memory_space<vmem_shared>>
        tpu.enqueue_indirect_dma source(%arg11 : memref<80x128xf32, #tpu.memory_space<vmem>>) target(%dma_start3A_993 : memref<10240x128xf32, #tpu.memory_space<vmem_shared>>) offsets(%dma_start3A_990 : memref<80xi32, #tpu.memory_space<vmem>>) semaphore(%run_scoped3A_987 : memref<!tpu.dma_semaphore, #tpu.memory_space<semaphore_mem>>) {add = true}
        %dma_wait3A_994 = arith.constant 0 : i32
        %dma_wait3A_995 = tpu.memref_slice %arg10[%add3A_885, %dma_wait3A_994] : memref<25x80xi32, #tpu.memory_space<vmem>> -> memref<1x80xi32, #tpu.memory_space<vmem>>
        %dma_wait3A_996 = tpu.memref_squeeze %dma_wait3A_995 : memref<1x80xi32, #tpu.memory_space<vmem>> -> memref<80xi32, #tpu.memory_space<vmem>>
        %dma_wait3A_997 = arith.constant 0 : i32
        %dma_wait3A_998 = arith.constant 0 : i32
        %dma_wait3A_999 = tpu.memref_slice %arg8[%dma_wait3A_997, %dma_wait3A_998] : memref<10240x128xf32, #tpu.memory_space<vmem_shared>> -> memref<10240x128xf32, #tpu.memory_space<vmem_shared>>
        tpu.wait_indirect_dma semaphore(%run_scoped3A_987 : memref<!tpu.dma_semaphore, #tpu.memory_space<semaphore_mem>>) src(%arg11 : memref<80x128xf32, #tpu.memory_space<vmem>>) dst(%dma_wait3A_999 : memref<10240x128xf32, #tpu.memory_space<vmem_shared>>)
        tpu.yield
      }) : () -> ()
      %add3A_886 = arith.constant 3 : i32
      %add3A_887 = arith.addi %mul3A_875, %add3A_886 : i32
      %add3A_888 = arith.constant 0 : i32
      %add3A_889 = arith.addi %add3A_887, %add3A_888 : i32
      %dma_start3A_890 = arith.constant 0 : i32
      %dma_start3A_891 = tpu.memref_slice %arg9[%add3A_889, %dma_start3A_890] : memref<25x80xi32, #tpu.memory_space<vmem>> -> memref<1x80xi32, #tpu.memory_space<vmem>>
      %dma_start3A_892 = tpu.memref_squeeze %dma_start3A_891 : memref<1x80xi32, #tpu.memory_space<vmem>> -> memref<80xi32, #tpu.memory_space<vmem>>
      %dma_start3A_893 = arith.constant 0 : i32
      %dma_start3A_894 = arith.constant 0 : i32
      %dma_start3A_895 = tpu.memref_slice %arg2[%dma_start3A_893, %dma_start3A_894] : memref<10000x128xf32, #tpu.memory_space<hbm>> -> memref<10000x128xf32, #tpu.memory_space<hbm>>
      tpu.enqueue_indirect_dma source(%dma_start3A_895 : memref<10000x128xf32, #tpu.memory_space<hbm>>) target(%arg11 : memref<80x128xf32, #tpu.memory_space<vmem>>) offsets(%dma_start3A_892 : memref<80xi32, #tpu.memory_space<vmem>>) semaphore(%arg15 : memref<!tpu.dma_semaphore, #tpu.memory_space<semaphore_mem>>)
      %add3A_896 = arith.constant 0 : i32
      %add3A_897 = arith.addi %mul3A_875, %add3A_896 : i32
      %get3A_898 = arith.index_cast %add3A_897 : i32 to index
      %get3A_899 = arith.constant 0 : index
      %get3A_900 = tpu.vector_load %arg10[%get3A_898, %get3A_899] {strides = array<i32>} : memref<25x80xi32, #tpu.memory_space<vmem>>, vector<16xi32>,
      tpu.vector_store_idx %arg14[%get3A_900], %broadcast_in_dim3A_3 {add = true} : memref<10240xf32, #tpu.memory_space<vmem>>[vector<16xi32>], vector<16xf32>,
      %get3A_901 = arith.index_cast %add3A_897 : i32 to index
      %get3A_902 = arith.constant 16 : index
      %get3A_903 = tpu.vector_load %arg10[%get3A_901, %get3A_902] {strides = array<i32>} : memref<25x80xi32, #tpu.memory_space<vmem>>, vector<16xi32>,
      tpu.vector_store_idx %arg14[%get3A_903], %broadcast_in_dim3A_3 {add = true} : memref<10240xf32, #tpu.memory_space<vmem>>[vector<16xi32>], vector<16xf32>,
      %get3A_904 = arith.index_cast %add3A_897 : i32 to index
      %get3A_905 = arith.constant 32 : index
      %get3A_906 = tpu.vector_load %arg10[%get3A_904, %get3A_905] {strides = array<i32>} : memref<25x80xi32, #tpu.memory_space<vmem>>, vector<16xi32>,
      tpu.vector_store_idx %arg14[%get3A_906], %broadcast_in_dim3A_3 {add = true} : memref<10240xf32, #tpu.memory_space<vmem>>[vector<16xi32>], vector<16xf32>,
      %get3A_907 = arith.index_cast %add3A_897 : i32 to index
      %get3A_908 = arith.constant 48 : index
      %get3A_909 = tpu.vector_load %arg10[%get3A_907, %get3A_908] {strides = array<i32>} : memref<25x80xi32, #tpu.memory_space<vmem>>, vector<16xi32>,
      tpu.vector_store_idx %arg14[%get3A_909], %broadcast_in_dim3A_3 {add = true} : memref<10240xf32, #tpu.memory_space<vmem>>[vector<16xi32>], vector<16xf32>,
      %get3A_910 = arith.index_cast %add3A_897 : i32 to index
      %get3A_911 = arith.constant 64 : index
      %get3A_912 = tpu.vector_load %arg10[%get3A_910, %get3A_911] {strides = array<i32>} : memref<25x80xi32, #tpu.memory_space<vmem>>, vector<16xi32>,
      tpu.vector_store_idx %arg14[%get3A_912], %broadcast_in_dim3A_3 {add = true} : memref<10240xf32, #tpu.memory_space<vmem>>[vector<16xi32>], vector<16xf32>,
      %add3A_913 = arith.constant 1 : i32
      %add3A_914 = arith.addi %mul3A_875, %add3A_913 : i32
      %dma_wait3A_915 = arith.constant 0 : i32
      %dma_wait3A_916 = tpu.memref_slice %arg9[%add3A_914, %dma_wait3A_915] : memref<25x80xi32, #tpu.memory_space<vmem>> -> memref<1x80xi32, #tpu.memory_space<vmem>>
      %dma_wait3A_917 = tpu.memref_squeeze %dma_wait3A_916 : memref<1x80xi32, #tpu.memory_space<vmem>> -> memref<80xi32, #tpu.memory_space<vmem>>
      %dma_wait3A_918 = arith.constant 0 : i32
      %dma_wait3A_919 = arith.constant 0 : i32
      %dma_wait3A_920 = tpu.memref_slice %arg2[%dma_wait3A_918, %dma_wait3A_919] : memref<10000x128xf32, #tpu.memory_space<hbm>> -> memref<10000x128xf32, #tpu.memory_space<hbm>>
      tpu.wait_indirect_dma semaphore(%arg16 : memref<!tpu.dma_semaphore, #tpu.memory_space<semaphore_mem>>) src(%dma_wait3A_920 : memref<10000x128xf32, #tpu.memory_space<hbm>>) dst(%arg12 : memref<80x128xf32, #tpu.memory_space<vmem>>)
      %add3A_921 = arith.constant 1 : i32
      %add3A_922 = arith.addi %mul3A_875, %add3A_921 : i32
      "tpu.region"() ({
        %run_scoped3A_987 = tpu.sem_alloc : memref<!tpu.dma_semaphore, #tpu.memory_space<semaphore_mem>>
        %dma_start3A_988 = arith.constant 0 : i32
        %dma_start3A_989 = tpu.memref_slice %arg10[%add3A_922, %dma_start3A_988] : memref<25x80xi32, #tpu.memory_space<vmem>> -> memref<1x80xi32, #tpu.memory_space<vmem>>
        %dma_start3A_990 = tpu.memref_squeeze %dma_start3A_989 : memref<1x80xi32, #tpu.memory_space<vmem>> -> memref<80xi32, #tpu.memory_space<vmem>>
        %dma_start3A_991 = arith.constant 0 : i32
        %dma_start3A_992 = arith.constant 0 : i32
        %dma_start3A_993 = tpu.memref_slice %arg8[%dma_start3A_991, %dma_start3A_992] : memref<10240x128xf32, #tpu.memory_space<vmem_shared>> -> memref<10240x128xf32, #tpu.memory_space<vmem_shared>>
        tpu.enqueue_indirect_dma source(%arg12 : memref<80x128xf32, #tpu.memory_space<vmem>>) target(%dma_start3A_993 : memref<10240x128xf32, #tpu.memory_space<vmem_shared>>) offsets(%dma_start3A_990 : memref<80xi32, #tpu.memory_space<vmem>>) semaphore(%run_scoped3A_987 : memref<!tpu.dma_semaphore, #tpu.memory_space<semaphore_mem>>) {add = true}
        %dma_wait3A_994 = arith.constant 0 : i32
        %dma_wait3A_995 = tpu.memref_slice %arg10[%add3A_922, %dma_wait3A_994] : memref<25x80xi32, #tpu.memory_space<vmem>> -> memref<1x80xi32, #tpu.memory_space<vmem>>
        %dma_wait3A_996 = tpu.memref_squeeze %dma_wait3A_995 : memref<1x80xi32, #tpu.memory_space<vmem>> -> memref<80xi32, #tpu.memory_space<vmem>>
        %dma_wait3A_997 = arith.constant 0 : i32
        %dma_wait3A_998 = arith.constant 0 : i32
        %dma_wait3A_999 = tpu.memref_slice %arg8[%dma_wait3A_997, %dma_wait3A_998] : memref<10240x128xf32, #tpu.memory_space<vmem_shared>> -> memref<10240x128xf32, #tpu.memory_space<vmem_shared>>
        tpu.wait_indirect_dma semaphore(%run_scoped3A_987 : memref<!tpu.dma_semaphore, #tpu.memory_space<semaphore_mem>>) src(%arg12 : memref<80x128xf32, #tpu.memory_space<vmem>>) dst(%dma_wait3A_999 : memref<10240x128xf32, #tpu.memory_space<vmem_shared>>)
        tpu.yield
      }) : () -> ()
      %add3A_923 = arith.constant 3 : i32
      %add3A_924 = arith.addi %mul3A_875, %add3A_923 : i32
      %add3A_925 = arith.constant 1 : i32
      %add3A_926 = arith.addi %add3A_924, %add3A_925 : i32
      %dma_start3A_927 = arith.constant 0 : i32
      %dma_start3A_928 = tpu.memref_slice %arg9[%add3A_926, %dma_start3A_927] : memref<25x80xi32, #tpu.memory_space<vmem>> -> memref<1x80xi32, #tpu.memory_space<vmem>>
      %dma_start3A_929 = tpu.memref_squeeze %dma_start3A_928 : memref<1x80xi32, #tpu.memory_space<vmem>> -> memref<80xi32, #tpu.memory_space<vmem>>
      %dma_start3A_930 = arith.constant 0 : i32
      %dma_start3A_931 = arith.constant 0 : i32
      %dma_start3A_932 = tpu.memref_slice %arg2[%dma_start3A_930, %dma_start3A_931] : memref<10000x128xf32, #tpu.memory_space<hbm>> -> memref<10000x128xf32, #tpu.memory_space<hbm>>
      tpu.enqueue_indirect_dma source(%dma_start3A_932 : memref<10000x128xf32, #tpu.memory_space<hbm>>) target(%arg12 : memref<80x128xf32, #tpu.memory_space<vmem>>) offsets(%dma_start3A_929 : memref<80xi32, #tpu.memory_space<vmem>>) semaphore(%arg16 : memref<!tpu.dma_semaphore, #tpu.memory_space<semaphore_mem>>)
      %add3A_933 = arith.constant 1 : i32
      %add3A_934 = arith.addi %mul3A_875, %add3A_933 : i32
      %get3A_935 = arith.index_cast %add3A_934 : i32 to index
      %get3A_936 = arith.constant 0 : index
      %get3A_937 = tpu.vector_load %arg10[%get3A_935, %get3A_936] {strides = array<i32>} : memref<25x80xi32, #tpu.memory_space<vmem>>, vector<16xi32>,
      tpu.vector_store_idx %arg14[%get3A_937], %broadcast_in_dim3A_3 {add = true} : memref<10240xf32, #tpu.memory_space<vmem>>[vector<16xi32>], vector<16xf32>,
      %get3A_938 = arith.index_cast %add3A_934 : i32 to index
      %get3A_939 = arith.constant 16 : index
      %get3A_940 = tpu.vector_load %arg10[%get3A_938, %get3A_939] {strides = array<i32>} : memref<25x80xi32, #tpu.memory_space<vmem>>, vector<16xi32>,
      tpu.vector_store_idx %arg14[%get3A_940], %broadcast_in_dim3A_3 {add = true} : memref<10240xf32, #tpu.memory_space<vmem>>[vector<16xi32>], vector<16xf32>,
      %get3A_941 = arith.index_cast %add3A_934 : i32 to index
      %get3A_942 = arith.constant 32 : index
      %get3A_943 = tpu.vector_load %arg10[%get3A_941, %get3A_942] {strides = array<i32>} : memref<25x80xi32, #tpu.memory_space<vmem>>, vector<16xi32>,
      tpu.vector_store_idx %arg14[%get3A_943], %broadcast_in_dim3A_3 {add = true} : memref<10240xf32, #tpu.memory_space<vmem>>[vector<16xi32>], vector<16xf32>,
      %get3A_944 = arith.index_cast %add3A_934 : i32 to index
      %get3A_945 = arith.constant 48 : index
      %get3A_946 = tpu.vector_load %arg10[%get3A_944, %get3A_945] {strides = array<i32>} : memref<25x80xi32, #tpu.memory_space<vmem>>, vector<16xi32>,
      tpu.vector_store_idx %arg14[%get3A_946], %broadcast_in_dim3A_3 {add = true} : memref<10240xf32, #tpu.memory_space<vmem>>[vector<16xi32>], vector<16xf32>,
      %get3A_947 = arith.index_cast %add3A_934 : i32 to index
      %get3A_948 = arith.constant 64 : index
      %get3A_949 = tpu.vector_load %arg10[%get3A_947, %get3A_948] {strides = array<i32>} : memref<25x80xi32, #tpu.memory_space<vmem>>, vector<16xi32>,
      tpu.vector_store_idx %arg14[%get3A_949], %broadcast_in_dim3A_3 {add = true} : memref<10240xf32, #tpu.memory_space<vmem>>[vector<16xi32>], vector<16xf32>,
      %add3A_950 = arith.constant 2 : i32
      %add3A_951 = arith.addi %mul3A_875, %add3A_950 : i32
      %dma_wait3A_952 = arith.constant 0 : i32
      %dma_wait3A_953 = tpu.memref_slice %arg9[%add3A_951, %dma_wait3A_952] : memref<25x80xi32, #tpu.memory_space<vmem>> -> memref<1x80xi32, #tpu.memory_space<vmem>>
      %dma_wait3A_954 = tpu.memref_squeeze %dma_wait3A_953 : memref<1x80xi32, #tpu.memory_space<vmem>> -> memref<80xi32, #tpu.memory_space<vmem>>
      %dma_wait3A_955 = arith.constant 0 : i32
      %dma_wait3A_956 = arith.constant 0 : i32
      %dma_wait3A_957 = tpu.memref_slice %arg2[%dma_wait3A_955, %dma_wait3A_956] : memref<10000x128xf32, #tpu.memory_space<hbm>> -> memref<10000x128xf32, #tpu.memory_space<hbm>>
      tpu.wait_indirect_dma semaphore(%arg17 : memref<!tpu.dma_semaphore, #tpu.memory_space<semaphore_mem>>) src(%dma_wait3A_957 : memref<10000x128xf32, #tpu.memory_space<hbm>>) dst(%arg13 : memref<80x128xf32, #tpu.memory_space<vmem>>)
      %add3A_958 = arith.constant 2 : i32
      %add3A_959 = arith.addi %mul3A_875, %add3A_958 : i32
      "tpu.region"() ({
        %run_scoped3A_987 = tpu.sem_alloc : memref<!tpu.dma_semaphore, #tpu.memory_space<semaphore_mem>>
        %dma_start3A_988 = arith.constant 0 : i32
        %dma_start3A_989 = tpu.memref_slice %arg10[%add3A_959, %dma_start3A_988] : memref<25x80xi32, #tpu.memory_space<vmem>> -> memref<1x80xi32, #tpu.memory_space<vmem>>
        %dma_start3A_990 = tpu.memref_squeeze %dma_start3A_989 : memref<1x80xi32, #tpu.memory_space<vmem>> -> memref<80xi32, #tpu.memory_space<vmem>>
        %dma_start3A_991 = arith.constant 0 : i32
        %dma_start3A_992 = arith.constant 0 : i32
        %dma_start3A_993 = tpu.memref_slice %arg8[%dma_start3A_991, %dma_start3A_992] : memref<10240x128xf32, #tpu.memory_space<vmem_shared>> -> memref<10240x128xf32, #tpu.memory_space<vmem_shared>>
        tpu.enqueue_indirect_dma source(%arg13 : memref<80x128xf32, #tpu.memory_space<vmem>>) target(%dma_start3A_993 : memref<10240x128xf32, #tpu.memory_space<vmem_shared>>) offsets(%dma_start3A_990 : memref<80xi32, #tpu.memory_space<vmem>>) semaphore(%run_scoped3A_987 : memref<!tpu.dma_semaphore, #tpu.memory_space<semaphore_mem>>) {add = true}
        %dma_wait3A_994 = arith.constant 0 : i32
        %dma_wait3A_995 = tpu.memref_slice %arg10[%add3A_959, %dma_wait3A_994] : memref<25x80xi32, #tpu.memory_space<vmem>> -> memref<1x80xi32, #tpu.memory_space<vmem>>
        %dma_wait3A_996 = tpu.memref_squeeze %dma_wait3A_995 : memref<1x80xi32, #tpu.memory_space<vmem>> -> memref<80xi32, #tpu.memory_space<vmem>>
        %dma_wait3A_997 = arith.constant 0 : i32
        %dma_wait3A_998 = arith.constant 0 : i32
        %dma_wait3A_999 = tpu.memref_slice %arg8[%dma_wait3A_997, %dma_wait3A_998] : memref<10240x128xf32, #tpu.memory_space<vmem_shared>> -> memref<10240x128xf32, #tpu.memory_space<vmem_shared>>
        tpu.wait_indirect_dma semaphore(%run_scoped3A_987 : memref<!tpu.dma_semaphore, #tpu.memory_space<semaphore_mem>>) src(%arg13 : memref<80x128xf32, #tpu.memory_space<vmem>>) dst(%dma_wait3A_999 : memref<10240x128xf32, #tpu.memory_space<vmem_shared>>)
        tpu.yield
      }) : () -> ()
      %add3A_960 = arith.constant 3 : i32
      %add3A_961 = arith.addi %mul3A_875, %add3A_960 : i32
      %add3A_962 = arith.constant 2 : i32
      %add3A_963 = arith.addi %add3A_961, %add3A_962 : i32
      %dma_start3A_964 = arith.constant 0 : i32
      %dma_start3A_965 = tpu.memref_slice %arg9[%add3A_963, %dma_start3A_964] : memref<25x80xi32, #tpu.memory_space<vmem>> -> memref<1x80xi32, #tpu.memory_space<vmem>>
      %dma_start3A_966 = tpu.memref_squeeze %dma_start3A_965 : memref<1x80xi32, #tpu.memory_space<vmem>> -> memref<80xi32, #tpu.memory_space<vmem>>
      %dma_start3A_967 = arith.constant 0 : i32
      %dma_start3A_968 = arith.constant 0 : i32
      %dma_start3A_969 = tpu.memref_slice %arg2[%dma_start3A_967, %dma_start3A_968] : memref<10000x128xf32, #tpu.memory_space<hbm>> -> memref<10000x128xf32, #tpu.memory_space<hbm>>
      tpu.enqueue_indirect_dma source(%dma_start3A_969 : memref<10000x128xf32, #tpu.memory_space<hbm>>) target(%arg13 : memref<80x128xf32, #tpu.memory_space<vmem>>) offsets(%dma_start3A_966 : memref<80xi32, #tpu.memory_space<vmem>>) semaphore(%arg17 : memref<!tpu.dma_semaphore, #tpu.memory_space<semaphore_mem>>)
      %add3A_970 = arith.constant 2 : i32
      %add3A_971 = arith.addi %mul3A_875, %add3A_970 : i32
      %get3A_972 = arith.index_cast %add3A_971 : i32 to index
      %get3A_973 = arith.constant 0 : index
      %get3A_974 = tpu.vector_load %arg10[%get3A_972, %get3A_973] {strides = array<i32>} : memref<25x80xi32, #tpu.memory_space<vmem>>, vector<16xi32>,
      tpu.vector_store_idx %arg14[%get3A_974], %broadcast_in_dim3A_3 {add = true} : memref<10240xf32, #tpu.memory_space<vmem>>[vector<16xi32>], vector<16xf32>,
      %get3A_975 = arith.index_cast %add3A_971 : i32 to index
      %get3A_976 = arith.constant 16 : index
      %get3A_977 = tpu.vector_load %arg10[%get3A_975, %get3A_976] {strides = array<i32>} : memref<25x80xi32, #tpu.memory_space<vmem>>, vector<16xi32>,
      tpu.vector_store_idx %arg14[%get3A_977], %broadcast_in_dim3A_3 {add = true} : memref<10240xf32, #tpu.memory_space<vmem>>[vector<16xi32>], vector<16xf32>,
      %get3A_978 = arith.index_cast %add3A_971 : i32 to index
      %get3A_979 = arith.constant 32 : index
      %get3A_980 = tpu.vector_load %arg10[%get3A_978, %get3A_979] {strides = array<i32>} : memref<25x80xi32, #tpu.memory_space<vmem>>, vector<16xi32>,
      tpu.vector_store_idx %arg14[%get3A_980], %broadcast_in_dim3A_3 {add = true} : memref<10240xf32, #tpu.memory_space<vmem>>[vector<16xi32>], vector<16xf32>,
      %get3A_981 = arith.index_cast %add3A_971 : i32 to index
      %get3A_982 = arith.constant 48 : index
      %get3A_983 = tpu.vector_load %arg10[%get3A_981, %get3A_982] {strides = array<i32>} : memref<25x80xi32, #tpu.memory_space<vmem>>, vector<16xi32>,
      tpu.vector_store_idx %arg14[%get3A_983], %broadcast_in_dim3A_3 {add = true} : memref<10240xf32, #tpu.memory_space<vmem>>[vector<16xi32>], vector<16xf32>,
      %get3A_984 = arith.index_cast %add3A_971 : i32 to index
      %get3A_985 = arith.constant 64 : index
      %get3A_986 = tpu.vector_load %arg10[%get3A_984, %get3A_985] {strides = array<i32>} : memref<25x80xi32, #tpu.memory_space<vmem>>, vector<16xi32>,
      tpu.vector_store_idx %arg14[%get3A_986], %broadcast_in_dim3A_3 {add = true} : memref<10240xf32, #tpu.memory_space<vmem>>[vector<16xi32>], vector<16xf32>,
    }
    %scan3A_281 = arith.constant 7 : i32
    %dma_wait3A_282 = arith.constant 21 : i32
    %dma_wait3A_283 = arith.constant 0 : i32
    %dma_wait3A_284 = tpu.memref_slice %arg9[%dma_wait3A_282, %dma_wait3A_283] : memref<25x80xi32, #tpu.memory_space<vmem>> -> memref<1x80xi32, #tpu.memory_space<vmem>>
    %dma_wait3A_285 = tpu.memref_squeeze %dma_wait3A_284 : memref<1x80xi32, #tpu.memory_space<vmem>> -> memref<80xi32, #tpu.memory_space<vmem>>
    %dma_wait3A_286 = arith.constant 0 : i32
    %dma_wait3A_287 = arith.constant 0 : i32
    %dma_wait3A_288 = tpu.memref_slice %arg2[%dma_wait3A_286, %dma_wait3A_287] : memref<10000x128xf32, #tpu.memory_space<hbm>> -> memref<10000x128xf32, #tpu.memory_space<hbm>>
    tpu.wait_indirect_dma semaphore(%arg15 : memref<!tpu.dma_semaphore, #tpu.memory_space<semaphore_mem>>) src(%dma_wait3A_288 : memref<10000x128xf32, #tpu.memory_space<hbm>>) dst(%arg11 : memref<80x128xf32, #tpu.memory_space<vmem>>)
    %run_scoped3A_289 = arith.constant 21 : i32
    "tpu.region"() ({
      %run_scoped3A_873 = tpu.sem_alloc : memref<!tpu.dma_semaphore, #tpu.memory_space<semaphore_mem>>
      %dma_start3A_874 = arith.constant 0 : i32
      %dma_start3A_875 = tpu.memref_slice %arg10[%run_scoped3A_289, %dma_start3A_874] : memref<25x80xi32, #tpu.memory_space<vmem>> -> memref<1x80xi32, #tpu.memory_space<vmem>>
      %dma_start3A_876 = tpu.memref_squeeze %dma_start3A_875 : memref<1x80xi32, #tpu.memory_space<vmem>> -> memref<80xi32, #tpu.memory_space<vmem>>
      %dma_start3A_877 = arith.constant 0 : i32
      %dma_start3A_878 = arith.constant 0 : i32
      %dma_start3A_879 = tpu.memref_slice %arg8[%dma_start3A_877, %dma_start3A_878] : memref<10240x128xf32, #tpu.memory_space<vmem_shared>> -> memref<10240x128xf32, #tpu.memory_space<vmem_shared>>
      tpu.enqueue_indirect_dma source(%arg11 : memref<80x128xf32, #tpu.memory_space<vmem>>) target(%dma_start3A_879 : memref<10240x128xf32, #tpu.memory_space<vmem_shared>>) offsets(%dma_start3A_876 : memref<80xi32, #tpu.memory_space<vmem>>) semaphore(%run_scoped3A_873 : memref<!tpu.dma_semaphore, #tpu.memory_space<semaphore_mem>>) {add = true}
      %dma_wait3A_880 = arith.constant 0 : i32
      %dma_wait3A_881 = tpu.memref_slice %arg10[%run_scoped3A_289, %dma_wait3A_880] : memref<25x80xi32, #tpu.memory_space<vmem>> -> memref<1x80xi32, #tpu.memory_space<vmem>>
      %dma_wait3A_882 = tpu.memref_squeeze %dma_wait3A_881 : memref<1x80xi32, #tpu.memory_space<vmem>> -> memref<80xi32, #tpu.memory_space<vmem>>
      %dma_wait3A_883 = arith.constant 0 : i32
      %dma_wait3A_884 = arith.constant 0 : i32
      %dma_wait3A_885 = tpu.memref_slice %arg8[%dma_wait3A_883, %dma_wait3A_884] : memref<10240x128xf32, #tpu.memory_space<vmem_shared>> -> memref<10240x128xf32, #tpu.memory_space<vmem_shared>>
      tpu.wait_indirect_dma semaphore(%run_scoped3A_873 : memref<!tpu.dma_semaphore, #tpu.memory_space<semaphore_mem>>) src(%arg11 : memref<80x128xf32, #tpu.memory_space<vmem>>) dst(%dma_wait3A_885 : memref<10240x128xf32, #tpu.memory_space<vmem_shared>>)
      tpu.yield
    }) : () -> ()
    %dma_start3A_290 = arith.constant 24 : i32
    %dma_start3A_291 = arith.constant 0 : i32
    %dma_start3A_292 = tpu.memref_slice %arg9[%dma_start3A_290, %dma_start3A_291] : memref<25x80xi32, #tpu.memory_space<vmem>> -> memref<1x80xi32, #tpu.memory_space<vmem>>
    %dma_start3A_293 = tpu.memref_squeeze %dma_start3A_292 : memref<1x80xi32, #tpu.memory_space<vmem>> -> memref<80xi32, #tpu.memory_space<vmem>>
    %dma_start3A_294 = arith.constant 0 : i32
    %dma_start3A_295 = arith.constant 0 : i32
    %dma_start3A_296 = tpu.memref_slice %arg2[%dma_start3A_294, %dma_start3A_295] : memref<10000x128xf32, #tpu.memory_space<hbm>> -> memref<10000x128xf32, #tpu.memory_space<hbm>>
    tpu.enqueue_indirect_dma source(%dma_start3A_296 : memref<10000x128xf32, #tpu.memory_space<hbm>>) target(%arg11 : memref<80x128xf32, #tpu.memory_space<vmem>>) offsets(%dma_start3A_293 : memref<80xi32, #tpu.memory_space<vmem>>) semaphore(%arg15 : memref<!tpu.dma_semaphore, #tpu.memory_space<semaphore_mem>>)
    %get3A_297 = arith.constant 21 : i32
    %get3A_298 = arith.index_cast %get3A_297 : i32 to index
    %get3A_299 = arith.constant 0 : index
    %get3A_300 = tpu.vector_load %arg10[%get3A_298, %get3A_299] {strides = array<i32>} : memref<25x80xi32, #tpu.memory_space<vmem>>, vector<16xi32>,
    tpu.vector_store_idx %arg14[%get3A_300], %broadcast_in_dim3A_3 {add = true} : memref<10240xf32, #tpu.memory_space<vmem>>[vector<16xi32>], vector<16xf32>,
    %get3A_301 = arith.constant 21 : i32
    %get3A_302 = arith.index_cast %get3A_301 : i32 to index
    %get3A_303 = arith.constant 16 : index
    %get3A_304 = tpu.vector_load %arg10[%get3A_302, %get3A_303] {strides = array<i32>} : memref<25x80xi32, #tpu.memory_space<vmem>>, vector<16xi32>,
    tpu.vector_store_idx %arg14[%get3A_304], %broadcast_in_dim3A_3 {add = true} : memref<10240xf32, #tpu.memory_space<vmem>>[vector<16xi32>], vector<16xf32>,
    %get3A_305 = arith.constant 21 : i32
    %get3A_306 = arith.index_cast %get3A_305 : i32 to index
    %get3A_307 = arith.constant 32 : index
    %get3A_308 = tpu.vector_load %arg10[%get3A_306, %get3A_307] {strides = array<i32>} : memref<25x80xi32, #tpu.memory_space<vmem>>, vector<16xi32>,
    tpu.vector_store_idx %arg14[%get3A_308], %broadcast_in_dim3A_3 {add = true} : memref<10240xf32, #tpu.memory_space<vmem>>[vector<16xi32>], vector<16xf32>,
    %get3A_309 = arith.constant 21 : i32
    %get3A_310 = arith.index_cast %get3A_309 : i32 to index
    %get3A_311 = arith.constant 48 : index
    %get3A_312 = tpu.vector_load %arg10[%get3A_310, %get3A_311] {strides = array<i32>} : memref<25x80xi32, #tpu.memory_space<vmem>>, vector<16xi32>,
    tpu.vector_store_idx %arg14[%get3A_312], %broadcast_in_dim3A_3 {add = true} : memref<10240xf32, #tpu.memory_space<vmem>>[vector<16xi32>], vector<16xf32>,
    %get3A_313 = arith.constant 21 : i32
    %get3A_314 = arith.index_cast %get3A_313 : i32 to index
    %get3A_315 = arith.constant 64 : index
    %get3A_316 = tpu.vector_load %arg10[%get3A_314, %get3A_315] {strides = array<i32>} : memref<25x80xi32, #tpu.memory_space<vmem>>, vector<16xi32>,
    tpu.vector_store_idx %arg14[%get3A_316], %broadcast_in_dim3A_3 {add = true} : memref<10240xf32, #tpu.memory_space<vmem>>[vector<16xi32>], vector<16xf32>,
    %dma_wait3A_317 = arith.constant 22 : i32
    %dma_wait3A_318 = arith.constant 0 : i32
    %dma_wait3A_319 = tpu.memref_slice %arg9[%dma_wait3A_317, %dma_wait3A_318] : memref<25x80xi32, #tpu.memory_space<vmem>> -> memref<1x80xi32, #tpu.memory_space<vmem>>
    %dma_wait3A_320 = tpu.memref_squeeze %dma_wait3A_319 : memref<1x80xi32, #tpu.memory_space<vmem>> -> memref<80xi32, #tpu.memory_space<vmem>>
    %dma_wait3A_321 = arith.constant 0 : i32
    %dma_wait3A_322 = arith.constant 0 : i32
    %dma_wait3A_323 = tpu.memref_slice %arg2[%dma_wait3A_321, %dma_wait3A_322] : memref<10000x128xf32, #tpu.memory_space<hbm>> -> memref<10000x128xf32, #tpu.memory_space<hbm>>
    tpu.wait_indirect_dma semaphore(%arg16 : memref<!tpu.dma_semaphore, #tpu.memory_space<semaphore_mem>>) src(%dma_wait3A_323 : memref<10000x128xf32, #tpu.memory_space<hbm>>) dst(%arg12 : memref<80x128xf32, #tpu.memory_space<vmem>>)
    %run_scoped3A_324 = arith.constant 22 : i32
    "tpu.region"() ({
      %run_scoped3A_873 = tpu.sem_alloc : memref<!tpu.dma_semaphore, #tpu.memory_space<semaphore_mem>>
      %dma_start3A_874 = arith.constant 0 : i32
      %dma_start3A_875 = tpu.memref_slice %arg10[%run_scoped3A_324, %dma_start3A_874] : memref<25x80xi32, #tpu.memory_space<vmem>> -> memref<1x80xi32, #tpu.memory_space<vmem>>
      %dma_start3A_876 = tpu.memref_squeeze %dma_start3A_875 : memref<1x80xi32, #tpu.memory_space<vmem>> -> memref<80xi32, #tpu.memory_space<vmem>>
      %dma_start3A_877 = arith.constant 0 : i32
      %dma_start3A_878 = arith.constant 0 : i32
      %dma_start3A_879 = tpu.memref_slice %arg8[%dma_start3A_877, %dma_start3A_878] : memref<10240x128xf32, #tpu.memory_space<vmem_shared>> -> memref<10240x128xf32, #tpu.memory_space<vmem_shared>>
      tpu.enqueue_indirect_dma source(%arg12 : memref<80x128xf32, #tpu.memory_space<vmem>>) target(%dma_start3A_879 : memref<10240x128xf32, #tpu.memory_space<vmem_shared>>) offsets(%dma_start3A_876 : memref<80xi32, #tpu.memory_space<vmem>>) semaphore(%run_scoped3A_873 : memref<!tpu.dma_semaphore, #tpu.memory_space<semaphore_mem>>) {add = true}
      %dma_wait3A_880 = arith.constant 0 : i32
      %dma_wait3A_881 = tpu.memref_slice %arg10[%run_scoped3A_324, %dma_wait3A_880] : memref<25x80xi32, #tpu.memory_space<vmem>> -> memref<1x80xi32, #tpu.memory_space<vmem>>
      %dma_wait3A_882 = tpu.memref_squeeze %dma_wait3A_881 : memref<1x80xi32, #tpu.memory_space<vmem>> -> memref<80xi32, #tpu.memory_space<vmem>>
      %dma_wait3A_883 = arith.constant 0 : i32
      %dma_wait3A_884 = arith.constant 0 : i32
      %dma_wait3A_885 = tpu.memref_slice %arg8[%dma_wait3A_883, %dma_wait3A_884] : memref<10240x128xf32, #tpu.memory_space<vmem_shared>> -> memref<10240x128xf32, #tpu.memory_space<vmem_shared>>
      tpu.wait_indirect_dma semaphore(%run_scoped3A_873 : memref<!tpu.dma_semaphore, #tpu.memory_space<semaphore_mem>>) src(%arg12 : memref<80x128xf32, #tpu.memory_space<vmem>>) dst(%dma_wait3A_885 : memref<10240x128xf32, #tpu.memory_space<vmem_shared>>)
      tpu.yield
    }) : () -> ()
    %get3A_325 = arith.constant 22 : i32
    %get3A_326 = arith.index_cast %get3A_325 : i32 to index
    %get3A_327 = arith.constant 0 : index
    %get3A_328 = tpu.vector_load %arg10[%get3A_326, %get3A_327] {strides = array<i32>} : memref<25x80xi32, #tpu.memory_space<vmem>>, vector<16xi32>,
    tpu.vector_store_idx %arg14[%get3A_328], %broadcast_in_dim3A_3 {add = true} : memref<10240xf32, #tpu.memory_space<vmem>>[vector<16xi32>], vector<16xf32>,
    %get3A_329 = arith.constant 22 : i32
    %get3A_330 = arith.index_cast %get3A_329 : i32 to index
    %get3A_331 = arith.constant 16 : index
    %get3A_332 = tpu.vector_load %arg10[%get3A_330, %get3A_331] {strides = array<i32>} : memref<25x80xi32, #tpu.memory_space<vmem>>, vector<16xi32>,
    tpu.vector_store_idx %arg14[%get3A_332], %broadcast_in_dim3A_3 {add = true} : memref<10240xf32, #tpu.memory_space<vmem>>[vector<16xi32>], vector<16xf32>,
    %get3A_333 = arith.constant 22 : i32
    %get3A_334 = arith.index_cast %get3A_333 : i32 to index
    %get3A_335 = arith.constant 32 : index
    %get3A_336 = tpu.vector_load %arg10[%get3A_334, %get3A_335] {strides = array<i32>} : memref<25x80xi32, #tpu.memory_space<vmem>>, vector<16xi32>,
    tpu.vector_store_idx %arg14[%get3A_336], %broadcast_in_dim3A_3 {add = true} : memref<10240xf32, #tpu.memory_space<vmem>>[vector<16xi32>], vector<16xf32>,
    %get3A_337 = arith.constant 22 : i32
    %get3A_338 = arith.index_cast %get3A_337 : i32 to index
    %get3A_339 = arith.constant 48 : index
    %get3A_340 = tpu.vector_load %arg10[%get3A_338, %get3A_339] {strides = array<i32>} : memref<25x80xi32, #tpu.memory_space<vmem>>, vector<16xi32>,
    tpu.vector_store_idx %arg14[%get3A_340], %broadcast_in_dim3A_3 {add = true} : memref<10240xf32, #tpu.memory_space<vmem>>[vector<16xi32>], vector<16xf32>,
    %get3A_341 = arith.constant 22 : i32
    %get3A_342 = arith.index_cast %get3A_341 : i32 to index
    %get3A_343 = arith.constant 64 : index
    %get3A_344 = tpu.vector_load %arg10[%get3A_342, %get3A_343] {strides = array<i32>} : memref<25x80xi32, #tpu.memory_space<vmem>>, vector<16xi32>,
    tpu.vector_store_idx %arg14[%get3A_344], %broadcast_in_dim3A_3 {add = true} : memref<10240xf32, #tpu.memory_space<vmem>>[vector<16xi32>], vector<16xf32>,
    %dma_wait3A_345 = arith.constant 23 : i32
    %dma_wait3A_346 = arith.constant 0 : i32
    %dma_wait3A_347 = tpu.memref_slice %arg9[%dma_wait3A_345, %dma_wait3A_346] : memref<25x80xi32, #tpu.memory_space<vmem>> -> memref<1x80xi32, #tpu.memory_space<vmem>>
    %dma_wait3A_348 = tpu.memref_squeeze %dma_wait3A_347 : memref<1x80xi32, #tpu.memory_space<vmem>> -> memref<80xi32, #tpu.memory_space<vmem>>
    %dma_wait3A_349 = arith.constant 0 : i32
    %dma_wait3A_350 = arith.constant 0 : i32
    %dma_wait3A_351 = tpu.memref_slice %arg2[%dma_wait3A_349, %dma_wait3A_350] : memref<10000x128xf32, #tpu.memory_space<hbm>> -> memref<10000x128xf32, #tpu.memory_space<hbm>>
    tpu.wait_indirect_dma semaphore(%arg17 : memref<!tpu.dma_semaphore, #tpu.memory_space<semaphore_mem>>) src(%dma_wait3A_351 : memref<10000x128xf32, #tpu.memory_space<hbm>>) dst(%arg13 : memref<80x128xf32, #tpu.memory_space<vmem>>)
    %run_scoped3A_352 = arith.constant 23 : i32
    "tpu.region"() ({
      %run_scoped3A_873 = tpu.sem_alloc : memref<!tpu.dma_semaphore, #tpu.memory_space<semaphore_mem>>
      %dma_start3A_874 = arith.constant 0 : i32
      %dma_start3A_875 = tpu.memref_slice %arg10[%run_scoped3A_352, %dma_start3A_874] : memref<25x80xi32, #tpu.memory_space<vmem>> -> memref<1x80xi32, #tpu.memory_space<vmem>>
      %dma_start3A_876 = tpu.memref_squeeze %dma_start3A_875 : memref<1x80xi32, #tpu.memory_space<vmem>> -> memref<80xi32, #tpu.memory_space<vmem>>
      %dma_start3A_877 = arith.constant 0 : i32
      %dma_start3A_878 = arith.constant 0 : i32
      %dma_start3A_879 = tpu.memref_slice %arg8[%dma_start3A_877, %dma_start3A_878] : memref<10240x128xf32, #tpu.memory_space<vmem_shared>> -> memref<10240x128xf32, #tpu.memory_space<vmem_shared>>
      tpu.enqueue_indirect_dma source(%arg13 : memref<80x128xf32, #tpu.memory_space<vmem>>) target(%dma_start3A_879 : memref<10240x128xf32, #tpu.memory_space<vmem_shared>>) offsets(%dma_start3A_876 : memref<80xi32, #tpu.memory_space<vmem>>) semaphore(%run_scoped3A_873 : memref<!tpu.dma_semaphore, #tpu.memory_space<semaphore_mem>>) {add = true}
      %dma_wait3A_880 = arith.constant 0 : i32
      %dma_wait3A_881 = tpu.memref_slice %arg10[%run_scoped3A_352, %dma_wait3A_880] : memref<25x80xi32, #tpu.memory_space<vmem>> -> memref<1x80xi32, #tpu.memory_space<vmem>>
      %dma_wait3A_882 = tpu.memref_squeeze %dma_wait3A_881 : memref<1x80xi32, #tpu.memory_space<vmem>> -> memref<80xi32, #tpu.memory_space<vmem>>
      %dma_wait3A_883 = arith.constant 0 : i32
      %dma_wait3A_884 = arith.constant 0 : i32
      %dma_wait3A_885 = tpu.memref_slice %arg8[%dma_wait3A_883, %dma_wait3A_884] : memref<10240x128xf32, #tpu.memory_space<vmem_shared>> -> memref<10240x128xf32, #tpu.memory_space<vmem_shared>>
      tpu.wait_indirect_dma semaphore(%run_scoped3A_873 : memref<!tpu.dma_semaphore, #tpu.memory_space<semaphore_mem>>) src(%arg13 : memref<80x128xf32, #tpu.memory_space<vmem>>) dst(%dma_wait3A_885 : memref<10240x128xf32, #tpu.memory_space<vmem_shared>>)
      tpu.yield
    }) : () -> ()
    %get3A_353 = arith.constant 23 : i32
    %get3A_354 = arith.index_cast %get3A_353 : i32 to index
    %get3A_355 = arith.constant 0 : index
    %get3A_356 = tpu.vector_load %arg10[%get3A_354, %get3A_355] {strides = array<i32>} : memref<25x80xi32, #tpu.memory_space<vmem>>, vector<16xi32>,
    tpu.vector_store_idx %arg14[%get3A_356], %broadcast_in_dim3A_3 {add = true} : memref<10240xf32, #tpu.memory_space<vmem>>[vector<16xi32>], vector<16xf32>,
    %get3A_357 = arith.constant 23 : i32
    %get3A_358 = arith.index_cast %get3A_357 : i32 to index
    %get3A_359 = arith.constant 16 : index
    %get3A_360 = tpu.vector_load %arg10[%get3A_358, %get3A_359] {strides = array<i32>} : memref<25x80xi32, #tpu.memory_space<vmem>>, vector<16xi32>,
    tpu.vector_store_idx %arg14[%get3A_360], %broadcast_in_dim3A_3 {add = true} : memref<10240xf32, #tpu.memory_space<vmem>>[vector<16xi32>], vector<16xf32>,
    %get3A_361 = arith.constant 23 : i32
    %get3A_362 = arith.index_cast %get3A_361 : i32 to index
    %get3A_363 = arith.constant 32 : index
    %get3A_364 = tpu.vector_load %arg10[%get3A_362, %get3A_363] {strides = array<i32>} : memref<25x80xi32, #tpu.memory_space<vmem>>, vector<16xi32>,
    tpu.vector_store_idx %arg14[%get3A_364], %broadcast_in_dim3A_3 {add = true} : memref<10240xf32, #tpu.memory_space<vmem>>[vector<16xi32>], vector<16xf32>,
    %get3A_365 = arith.constant 23 : i32
    %get3A_366 = arith.index_cast %get3A_365 : i32 to index
    %get3A_367 = arith.constant 48 : index
    %get3A_368 = tpu.vector_load %arg10[%get3A_366, %get3A_367] {strides = array<i32>} : memref<25x80xi32, #tpu.memory_space<vmem>>, vector<16xi32>,
    tpu.vector_store_idx %arg14[%get3A_368], %broadcast_in_dim3A_3 {add = true} : memref<10240xf32, #tpu.memory_space<vmem>>[vector<16xi32>], vector<16xf32>,
    %get3A_369 = arith.constant 23 : i32
    %get3A_370 = arith.index_cast %get3A_369 : i32 to index
    %get3A_371 = arith.constant 64 : index
    %get3A_372 = tpu.vector_load %arg10[%get3A_370, %get3A_371] {strides = array<i32>} : memref<25x80xi32, #tpu.memory_space<vmem>>, vector<16xi32>,
    tpu.vector_store_idx %arg14[%get3A_372], %broadcast_in_dim3A_3 {add = true} : memref<10240xf32, #tpu.memory_space<vmem>>[vector<16xi32>], vector<16xf32>,
    %dma_wait3A_373 = arith.constant 24 : i32
    %dma_wait3A_374 = arith.constant 0 : i32
    %dma_wait3A_375 = tpu.memref_slice %arg9[%dma_wait3A_373, %dma_wait3A_374] : memref<25x80xi32, #tpu.memory_space<vmem>> -> memref<1x80xi32, #tpu.memory_space<vmem>>
    %dma_wait3A_376 = tpu.memref_squeeze %dma_wait3A_375 : memref<1x80xi32, #tpu.memory_space<vmem>> -> memref<80xi32, #tpu.memory_space<vmem>>
    %dma_wait3A_377 = arith.constant 0 : i32
    %dma_wait3A_378 = arith.constant 0 : i32
    %dma_wait3A_379 = tpu.memref_slice %arg2[%dma_wait3A_377, %dma_wait3A_378] : memref<10000x128xf32, #tpu.memory_space<hbm>> -> memref<10000x128xf32, #tpu.memory_space<hbm>>
    tpu.wait_indirect_dma semaphore(%arg15 : memref<!tpu.dma_semaphore, #tpu.memory_space<semaphore_mem>>) src(%dma_wait3A_379 : memref<10000x128xf32, #tpu.memory_space<hbm>>) dst(%arg11 : memref<80x128xf32, #tpu.memory_space<vmem>>)
    %run_scoped3A_380 = arith.constant 24 : i32
    "tpu.region"() ({
      %run_scoped3A_873 = tpu.sem_alloc : memref<!tpu.dma_semaphore, #tpu.memory_space<semaphore_mem>>
      %dma_start3A_874 = arith.constant 0 : i32
      %dma_start3A_875 = tpu.memref_slice %arg10[%run_scoped3A_380, %dma_start3A_874] : memref<25x80xi32, #tpu.memory_space<vmem>> -> memref<1x80xi32, #tpu.memory_space<vmem>>
      %dma_start3A_876 = tpu.memref_squeeze %dma_start3A_875 : memref<1x80xi32, #tpu.memory_space<vmem>> -> memref<80xi32, #tpu.memory_space<vmem>>
      %dma_start3A_877 = arith.constant 0 : i32
      %dma_start3A_878 = arith.constant 0 : i32
      %dma_start3A_879 = tpu.memref_slice %arg8[%dma_start3A_877, %dma_start3A_878] : memref<10240x128xf32, #tpu.memory_space<vmem_shared>> -> memref<10240x128xf32, #tpu.memory_space<vmem_shared>>
      tpu.enqueue_indirect_dma source(%arg11 : memref<80x128xf32, #tpu.memory_space<vmem>>) target(%dma_start3A_879 : memref<10240x128xf32, #tpu.memory_space<vmem_shared>>) offsets(%dma_start3A_876 : memref<80xi32, #tpu.memory_space<vmem>>) semaphore(%run_scoped3A_873 : memref<!tpu.dma_semaphore, #tpu.memory_space<semaphore_mem>>) {add = true}
      %dma_wait3A_880 = arith.constant 0 : i32
      %dma_wait3A_881 = tpu.memref_slice %arg10[%run_scoped3A_380, %dma_wait3A_880] : memref<25x80xi32, #tpu.memory_space<vmem>> -> memref<1x80xi32, #tpu.memory_space<vmem>>
      %dma_wait3A_882 = tpu.memref_squeeze %dma_wait3A_881 : memref<1x80xi32, #tpu.memory_space<vmem>> -> memref<80xi32, #tpu.memory_space<vmem>>
      %dma_wait3A_883 = arith.constant 0 : i32
      %dma_wait3A_884 = arith.constant 0 : i32
      %dma_wait3A_885 = tpu.memref_slice %arg8[%dma_wait3A_883, %dma_wait3A_884] : memref<10240x128xf32, #tpu.memory_space<vmem_shared>> -> memref<10240x128xf32, #tpu.memory_space<vmem_shared>>
      tpu.wait_indirect_dma semaphore(%run_scoped3A_873 : memref<!tpu.dma_semaphore, #tpu.memory_space<semaphore_mem>>) src(%arg11 : memref<80x128xf32, #tpu.memory_space<vmem>>) dst(%dma_wait3A_885 : memref<10240x128xf32, #tpu.memory_space<vmem_shared>>)
      tpu.yield
    }) : () -> ()
    %get3A_381 = arith.constant 24 : i32
    %get3A_382 = arith.index_cast %get3A_381 : i32 to index
    %get3A_383 = arith.constant 0 : index
    %get3A_384 = tpu.vector_load %arg10[%get3A_382, %get3A_383] {strides = array<i32>} : memref<25x80xi32, #tpu.memory_space<vmem>>, vector<16xi32>,
    tpu.vector_store_idx %arg14[%get3A_384], %broadcast_in_dim3A_3 {add = true} : memref<10240xf32, #tpu.memory_space<vmem>>[vector<16xi32>], vector<16xf32>,
    %get3A_385 = arith.constant 24 : i32
    %get3A_386 = arith.index_cast %get3A_385 : i32 to index
    %get3A_387 = arith.constant 16 : index
    %get3A_388 = tpu.vector_load %arg10[%get3A_386, %get3A_387] {strides = array<i32>} : memref<25x80xi32, #tpu.memory_space<vmem>>, vector<16xi32>,
    tpu.vector_store_idx %arg14[%get3A_388], %broadcast_in_dim3A_3 {add = true} : memref<10240xf32, #tpu.memory_space<vmem>>[vector<16xi32>], vector<16xf32>,
    %get3A_389 = arith.constant 24 : i32
    %get3A_390 = arith.index_cast %get3A_389 : i32 to index
    %get3A_391 = arith.constant 32 : index
    %get3A_392 = tpu.vector_load %arg10[%get3A_390, %get3A_391] {strides = array<i32>} : memref<25x80xi32, #tpu.memory_space<vmem>>, vector<16xi32>,
    tpu.vector_store_idx %arg14[%get3A_392], %broadcast_in_dim3A_3 {add = true} : memref<10240xf32, #tpu.memory_space<vmem>>[vector<16xi32>], vector<16xf32>,
    %get3A_393 = arith.constant 24 : i32
    %get3A_394 = arith.index_cast %get3A_393 : i32 to index
    %get3A_395 = arith.constant 48 : index
    %get3A_396 = tpu.vector_load %arg10[%get3A_394, %get3A_395] {strides = array<i32>} : memref<25x80xi32, #tpu.memory_space<vmem>>, vector<16xi32>,
    tpu.vector_store_idx %arg14[%get3A_396], %broadcast_in_dim3A_3 {add = true} : memref<10240xf32, #tpu.memory_space<vmem>>[vector<16xi32>], vector<16xf32>,
    %get3A_397 = arith.constant 24 : i32
    %get3A_398 = arith.index_cast %get3A_397 : i32 to index
    %get3A_399 = arith.constant 64 : index
    %get3A_400 = tpu.vector_load %arg10[%get3A_398, %get3A_399] {strides = array<i32>} : memref<25x80xi32, #tpu.memory_space<vmem>>, vector<16xi32>,
    tpu.vector_store_idx %arg14[%get3A_400], %broadcast_in_dim3A_3 {add = true} : memref<10240xf32, #tpu.memory_space<vmem>>[vector<16xi32>], vector<16xf32>,
    %mul3A_401 = arith.constant 5 : i32
    %mul3A_402 = arith.muli %add3A, %mul3A_401 : i32
    %add3A_403 = arith.constant 2 : i32
    %add3A_404 = arith.addi %mul3A_402, %add3A_403 : i32
    "tpu.region"() ({
      %run_scoped3A_873 = tpu.sem_alloc : memref<!tpu.dma_semaphore, #tpu.memory_space<semaphore_mem>>
      %dma_start3A_874 = arith.constant 0 : i32
      %dma_start3A_875 = arith.constant 0 : i32
      %dma_start3A_876 = tpu.memref_slice %arg3[%add3A_404, %dma_start3A_874, %dma_start3A_875] : memref<160x25x80xi32, #tpu.memory_space<hbm>> -> memref<1x25x80xi32, #tpu.memory_space<hbm>>
      %dma_start3A_877 = tpu.memref_squeeze %dma_start3A_876 : memref<1x25x80xi32, #tpu.memory_space<hbm>> -> memref<25x80xi32, #tpu.memory_space<hbm>>
      %dma_start3A_878 = arith.constant 0 : i32
      %dma_start3A_879 = arith.constant 0 : i32
      %dma_start3A_880 = tpu.memref_slice %arg3[%add3A_404, %dma_start3A_878, %dma_start3A_879] : memref<160x25x80xi32, #tpu.memory_space<hbm>> -> memref<1x25x80xi32, #tpu.memory_space<hbm>>
      %dma_start3A_881 = tpu.memref_squeeze %dma_start3A_880 : memref<1x25x80xi32, #tpu.memory_space<hbm>> -> memref<25x80xi32, #tpu.memory_space<hbm>>
      tpu.enqueue_dma source(%dma_start3A_881 : memref<25x80xi32, #tpu.memory_space<hbm>>) target(%arg9 : memref<25x80xi32, #tpu.memory_space<vmem>>) target_semaphore(%run_scoped3A_873 : memref<!tpu.dma_semaphore, #tpu.memory_space<semaphore_mem>>)
      %dma_wait3A_882 = arith.constant 0 : i32
      %dma_wait3A_883 = arith.constant 0 : i32
      %dma_wait3A_884 = tpu.memref_slice %arg3[%add3A_404, %dma_wait3A_882, %dma_wait3A_883] : memref<160x25x80xi32, #tpu.memory_space<hbm>> -> memref<1x25x80xi32, #tpu.memory_space<hbm>>
      %dma_wait3A_885 = tpu.memref_squeeze %dma_wait3A_884 : memref<1x25x80xi32, #tpu.memory_space<hbm>> -> memref<25x80xi32, #tpu.memory_space<hbm>>
      %dma_wait3A_886 = arith.constant 0 : i32
      %dma_wait3A_887 = arith.constant 0 : i32
      %dma_wait3A_888 = tpu.memref_slice %arg3[%add3A_404, %dma_wait3A_886, %dma_wait3A_887] : memref<160x25x80xi32, #tpu.memory_space<hbm>> -> memref<1x25x80xi32, #tpu.memory_space<hbm>>
      %dma_wait3A_889 = tpu.memref_squeeze %dma_wait3A_888 : memref<1x25x80xi32, #tpu.memory_space<hbm>> -> memref<25x80xi32, #tpu.memory_space<hbm>>
      tpu.wait_dma2 semaphore(%run_scoped3A_873 : memref<!tpu.dma_semaphore, #tpu.memory_space<semaphore_mem>>) src(%dma_wait3A_889 : memref<25x80xi32, #tpu.memory_space<hbm>>) dst(%arg9 : memref<25x80xi32, #tpu.memory_space<vmem>>)
      tpu.yield
    }) : () -> ()
    %mul3A_405 = arith.constant 5 : i32
    %mul3A_406 = arith.muli %add3A, %mul3A_405 : i32
    %add3A_407 = arith.constant 2 : i32
    %add3A_408 = arith.addi %mul3A_406, %add3A_407 : i32
    "tpu.region"() ({
      %run_scoped3A_873 = tpu.sem_alloc : memref<!tpu.dma_semaphore, #tpu.memory_space<semaphore_mem>>
      %dma_start3A_874 = arith.constant 0 : i32
      %dma_start3A_875 = arith.constant 0 : i32
      %dma_start3A_876 = tpu.memref_slice %arg4[%add3A_408, %dma_start3A_874, %dma_start3A_875] : memref<160x25x80xi32, #tpu.memory_space<hbm>> -> memref<1x25x80xi32, #tpu.memory_space<hbm>>
      %dma_start3A_877 = tpu.memref_squeeze %dma_start3A_876 : memref<1x25x80xi32, #tpu.memory_space<hbm>> -> memref<25x80xi32, #tpu.memory_space<hbm>>
      %dma_start3A_878 = arith.constant 0 : i32
      %dma_start3A_879 = arith.constant 0 : i32
      %dma_start3A_880 = tpu.memref_slice %arg4[%add3A_408, %dma_start3A_878, %dma_start3A_879] : memref<160x25x80xi32, #tpu.memory_space<hbm>> -> memref<1x25x80xi32, #tpu.memory_space<hbm>>
      %dma_start3A_881 = tpu.memref_squeeze %dma_start3A_880 : memref<1x25x80xi32, #tpu.memory_space<hbm>> -> memref<25x80xi32, #tpu.memory_space<hbm>>
      tpu.enqueue_dma source(%dma_start3A_881 : memref<25x80xi32, #tpu.memory_space<hbm>>) target(%arg10 : memref<25x80xi32, #tpu.memory_space<vmem>>) target_semaphore(%run_scoped3A_873 : memref<!tpu.dma_semaphore, #tpu.memory_space<semaphore_mem>>)
      %dma_wait3A_882 = arith.constant 0 : i32
      %dma_wait3A_883 = arith.constant 0 : i32
      %dma_wait3A_884 = tpu.memref_slice %arg4[%add3A_408, %dma_wait3A_882, %dma_wait3A_883] : memref<160x25x80xi32, #tpu.memory_space<hbm>> -> memref<1x25x80xi32, #tpu.memory_space<hbm>>
      %dma_wait3A_885 = tpu.memref_squeeze %dma_wait3A_884 : memref<1x25x80xi32, #tpu.memory_space<hbm>> -> memref<25x80xi32, #tpu.memory_space<hbm>>
      %dma_wait3A_886 = arith.constant 0 : i32
      %dma_wait3A_887 = arith.constant 0 : i32
      %dma_wait3A_888 = tpu.memref_slice %arg4[%add3A_408, %dma_wait3A_886, %dma_wait3A_887] : memref<160x25x80xi32, #tpu.memory_space<hbm>> -> memref<1x25x80xi32, #tpu.memory_space<hbm>>
      %dma_wait3A_889 = tpu.memref_squeeze %dma_wait3A_888 : memref<1x25x80xi32, #tpu.memory_space<hbm>> -> memref<25x80xi32, #tpu.memory_space<hbm>>
      tpu.wait_dma2 semaphore(%run_scoped3A_873 : memref<!tpu.dma_semaphore, #tpu.memory_space<semaphore_mem>>) src(%dma_wait3A_889 : memref<25x80xi32, #tpu.memory_space<hbm>>) dst(%arg10 : memref<25x80xi32, #tpu.memory_space<vmem>>)
      tpu.yield
    }) : () -> ()
    %dma_start3A_409 = arith.constant 0 : i32
    %dma_start3A_410 = arith.constant 0 : i32
    %dma_start3A_411 = tpu.memref_slice %arg9[%dma_start3A_409, %dma_start3A_410] : memref<25x80xi32, #tpu.memory_space<vmem>> -> memref<1x80xi32, #tpu.memory_space<vmem>>
    %dma_start3A_412 = tpu.memref_squeeze %dma_start3A_411 : memref<1x80xi32, #tpu.memory_space<vmem>> -> memref<80xi32, #tpu.memory_space<vmem>>
    %dma_start3A_413 = arith.constant 0 : i32
    %dma_start3A_414 = arith.constant 0 : i32
    %dma_start3A_415 = tpu.memref_slice %arg2[%dma_start3A_413, %dma_start3A_414] : memref<10000x128xf32, #tpu.memory_space<hbm>> -> memref<10000x128xf32, #tpu.memory_space<hbm>>
    tpu.enqueue_indirect_dma source(%dma_start3A_415 : memref<10000x128xf32, #tpu.memory_space<hbm>>) target(%arg11 : memref<80x128xf32, #tpu.memory_space<vmem>>) offsets(%dma_start3A_412 : memref<80xi32, #tpu.memory_space<vmem>>) semaphore(%arg15 : memref<!tpu.dma_semaphore, #tpu.memory_space<semaphore_mem>>)
    %dma_start3A_416 = arith.constant 1 : i32
    %dma_start3A_417 = arith.constant 0 : i32
    %dma_start3A_418 = tpu.memref_slice %arg9[%dma_start3A_416, %dma_start3A_417] : memref<25x80xi32, #tpu.memory_space<vmem>> -> memref<1x80xi32, #tpu.memory_space<vmem>>
    %dma_start3A_419 = tpu.memref_squeeze %dma_start3A_418 : memref<1x80xi32, #tpu.memory_space<vmem>> -> memref<80xi32, #tpu.memory_space<vmem>>
    %dma_start3A_420 = arith.constant 0 : i32
    %dma_start3A_421 = arith.constant 0 : i32
    %dma_start3A_422 = tpu.memref_slice %arg2[%dma_start3A_420, %dma_start3A_421] : memref<10000x128xf32, #tpu.memory_space<hbm>> -> memref<10000x128xf32, #tpu.memory_space<hbm>>
    tpu.enqueue_indirect_dma source(%dma_start3A_422 : memref<10000x128xf32, #tpu.memory_space<hbm>>) target(%arg12 : memref<80x128xf32, #tpu.memory_space<vmem>>) offsets(%dma_start3A_419 : memref<80xi32, #tpu.memory_space<vmem>>) semaphore(%arg16 : memref<!tpu.dma_semaphore, #tpu.memory_space<semaphore_mem>>)
    %dma_start3A_423 = arith.constant 2 : i32
    %dma_start3A_424 = arith.constant 0 : i32
    %dma_start3A_425 = tpu.memref_slice %arg9[%dma_start3A_423, %dma_start3A_424] : memref<25x80xi32, #tpu.memory_space<vmem>> -> memref<1x80xi32, #tpu.memory_space<vmem>>
    %dma_start3A_426 = tpu.memref_squeeze %dma_start3A_425 : memref<1x80xi32, #tpu.memory_space<vmem>> -> memref<80xi32, #tpu.memory_space<vmem>>
    %dma_start3A_427 = arith.constant 0 : i32
    %dma_start3A_428 = arith.constant 0 : i32
    %dma_start3A_429 = tpu.memref_slice %arg2[%dma_start3A_427, %dma_start3A_428] : memref<10000x128xf32, #tpu.memory_space<hbm>> -> memref<10000x128xf32, #tpu.memory_space<hbm>>
    tpu.enqueue_indirect_dma source(%dma_start3A_429 : memref<10000x128xf32, #tpu.memory_space<hbm>>) target(%arg13 : memref<80x128xf32, #tpu.memory_space<vmem>>) offsets(%dma_start3A_426 : memref<80xi32, #tpu.memory_space<vmem>>) semaphore(%arg17 : memref<!tpu.dma_semaphore, #tpu.memory_space<semaphore_mem>>)
    %scan3A_430 = arith.constant 0 : i32
    %scan3A_431 = arith.constant 0 : i32
    %scan3A_432 = arith.constant 7 : i32
    %scan3A_433 = arith.addi %scan3A_431, %scan3A_432 : i32
    %scan3A_434 = arith.constant 1 : i32
    scf.for %scan3A_873 = %scan3A_431 to %scan3A_433 step %scan3A_434  : i32 {
      %mul3A_874 = arith.constant 3 : i32
      %mul3A_875 = arith.muli %mul3A_874, %scan3A_873 : i32
      %add3A_876 = arith.constant 0 : i32
      %add3A_877 = arith.addi %mul3A_875, %add3A_876 : i32
      %dma_wait3A_878 = arith.constant 0 : i32
      %dma_wait3A_879 = tpu.memref_slice %arg9[%add3A_877, %dma_wait3A_878] : memref<25x80xi32, #tpu.memory_space<vmem>> -> memref<1x80xi32, #tpu.memory_space<vmem>>
      %dma_wait3A_880 = tpu.memref_squeeze %dma_wait3A_879 : memref<1x80xi32, #tpu.memory_space<vmem>> -> memref<80xi32, #tpu.memory_space<vmem>>
      %dma_wait3A_881 = arith.constant 0 : i32
      %dma_wait3A_882 = arith.constant 0 : i32
      %dma_wait3A_883 = tpu.memref_slice %arg2[%dma_wait3A_881, %dma_wait3A_882] : memref<10000x128xf32, #tpu.memory_space<hbm>> -> memref<10000x128xf32, #tpu.memory_space<hbm>>
      tpu.wait_indirect_dma semaphore(%arg15 : memref<!tpu.dma_semaphore, #tpu.memory_space<semaphore_mem>>) src(%dma_wait3A_883 : memref<10000x128xf32, #tpu.memory_space<hbm>>) dst(%arg11 : memref<80x128xf32, #tpu.memory_space<vmem>>)
      %add3A_884 = arith.constant 0 : i32
      %add3A_885 = arith.addi %mul3A_875, %add3A_884 : i32
      "tpu.region"() ({
        %run_scoped3A_987 = tpu.sem_alloc : memref<!tpu.dma_semaphore, #tpu.memory_space<semaphore_mem>>
        %dma_start3A_988 = arith.constant 0 : i32
        %dma_start3A_989 = tpu.memref_slice %arg10[%add3A_885, %dma_start3A_988] : memref<25x80xi32, #tpu.memory_space<vmem>> -> memref<1x80xi32, #tpu.memory_space<vmem>>
        %dma_start3A_990 = tpu.memref_squeeze %dma_start3A_989 : memref<1x80xi32, #tpu.memory_space<vmem>> -> memref<80xi32, #tpu.memory_space<vmem>>
        %dma_start3A_991 = arith.constant 0 : i32
        %dma_start3A_992 = arith.constant 0 : i32
        %dma_start3A_993 = tpu.memref_slice %arg8[%dma_start3A_991, %dma_start3A_992] : memref<10240x128xf32, #tpu.memory_space<vmem_shared>> -> memref<10240x128xf32, #tpu.memory_space<vmem_shared>>
        tpu.enqueue_indirect_dma source(%arg11 : memref<80x128xf32, #tpu.memory_space<vmem>>) target(%dma_start3A_993 : memref<10240x128xf32, #tpu.memory_space<vmem_shared>>) offsets(%dma_start3A_990 : memref<80xi32, #tpu.memory_space<vmem>>) semaphore(%run_scoped3A_987 : memref<!tpu.dma_semaphore, #tpu.memory_space<semaphore_mem>>) {add = true}
        %dma_wait3A_994 = arith.constant 0 : i32
        %dma_wait3A_995 = tpu.memref_slice %arg10[%add3A_885, %dma_wait3A_994] : memref<25x80xi32, #tpu.memory_space<vmem>> -> memref<1x80xi32, #tpu.memory_space<vmem>>
        %dma_wait3A_996 = tpu.memref_squeeze %dma_wait3A_995 : memref<1x80xi32, #tpu.memory_space<vmem>> -> memref<80xi32, #tpu.memory_space<vmem>>
        %dma_wait3A_997 = arith.constant 0 : i32
        %dma_wait3A_998 = arith.constant 0 : i32
        %dma_wait3A_999 = tpu.memref_slice %arg8[%dma_wait3A_997, %dma_wait3A_998] : memref<10240x128xf32, #tpu.memory_space<vmem_shared>> -> memref<10240x128xf32, #tpu.memory_space<vmem_shared>>
        tpu.wait_indirect_dma semaphore(%run_scoped3A_987 : memref<!tpu.dma_semaphore, #tpu.memory_space<semaphore_mem>>) src(%arg11 : memref<80x128xf32, #tpu.memory_space<vmem>>) dst(%dma_wait3A_999 : memref<10240x128xf32, #tpu.memory_space<vmem_shared>>)
        tpu.yield
      }) : () -> ()
      %add3A_886 = arith.constant 3 : i32
      %add3A_887 = arith.addi %mul3A_875, %add3A_886 : i32
      %add3A_888 = arith.constant 0 : i32
      %add3A_889 = arith.addi %add3A_887, %add3A_888 : i32
      %dma_start3A_890 = arith.constant 0 : i32
      %dma_start3A_891 = tpu.memref_slice %arg9[%add3A_889, %dma_start3A_890] : memref<25x80xi32, #tpu.memory_space<vmem>> -> memref<1x80xi32, #tpu.memory_space<vmem>>
      %dma_start3A_892 = tpu.memref_squeeze %dma_start3A_891 : memref<1x80xi32, #tpu.memory_space<vmem>> -> memref<80xi32, #tpu.memory_space<vmem>>
      %dma_start3A_893 = arith.constant 0 : i32
      %dma_start3A_894 = arith.constant 0 : i32
      %dma_start3A_895 = tpu.memref_slice %arg2[%dma_start3A_893, %dma_start3A_894] : memref<10000x128xf32, #tpu.memory_space<hbm>> -> memref<10000x128xf32, #tpu.memory_space<hbm>>
      tpu.enqueue_indirect_dma source(%dma_start3A_895 : memref<10000x128xf32, #tpu.memory_space<hbm>>) target(%arg11 : memref<80x128xf32, #tpu.memory_space<vmem>>) offsets(%dma_start3A_892 : memref<80xi32, #tpu.memory_space<vmem>>) semaphore(%arg15 : memref<!tpu.dma_semaphore, #tpu.memory_space<semaphore_mem>>)
      %add3A_896 = arith.constant 0 : i32
      %add3A_897 = arith.addi %mul3A_875, %add3A_896 : i32
      %get3A_898 = arith.index_cast %add3A_897 : i32 to index
      %get3A_899 = arith.constant 0 : index
      %get3A_900 = tpu.vector_load %arg10[%get3A_898, %get3A_899] {strides = array<i32>} : memref<25x80xi32, #tpu.memory_space<vmem>>, vector<16xi32>,
      tpu.vector_store_idx %arg14[%get3A_900], %broadcast_in_dim3A_3 {add = true} : memref<10240xf32, #tpu.memory_space<vmem>>[vector<16xi32>], vector<16xf32>,
      %get3A_901 = arith.index_cast %add3A_897 : i32 to index
      %get3A_902 = arith.constant 16 : index
      %get3A_903 = tpu.vector_load %arg10[%get3A_901, %get3A_902] {strides = array<i32>} : memref<25x80xi32, #tpu.memory_space<vmem>>, vector<16xi32>,
      tpu.vector_store_idx %arg14[%get3A_903], %broadcast_in_dim3A_3 {add = true} : memref<10240xf32, #tpu.memory_space<vmem>>[vector<16xi32>], vector<16xf32>,
      %get3A_904 = arith.index_cast %add3A_897 : i32 to index
      %get3A_905 = arith.constant 32 : index
      %get3A_906 = tpu.vector_load %arg10[%get3A_904, %get3A_905] {strides = array<i32>} : memref<25x80xi32, #tpu.memory_space<vmem>>, vector<16xi32>,
      tpu.vector_store_idx %arg14[%get3A_906], %broadcast_in_dim3A_3 {add = true} : memref<10240xf32, #tpu.memory_space<vmem>>[vector<16xi32>], vector<16xf32>,
      %get3A_907 = arith.index_cast %add3A_897 : i32 to index
      %get3A_908 = arith.constant 48 : index
      %get3A_909 = tpu.vector_load %arg10[%get3A_907, %get3A_908] {strides = array<i32>} : memref<25x80xi32, #tpu.memory_space<vmem>>, vector<16xi32>,
      tpu.vector_store_idx %arg14[%get3A_909], %broadcast_in_dim3A_3 {add = true} : memref<10240xf32, #tpu.memory_space<vmem>>[vector<16xi32>], vector<16xf32>,
      %get3A_910 = arith.index_cast %add3A_897 : i32 to index
      %get3A_911 = arith.constant 64 : index
      %get3A_912 = tpu.vector_load %arg10[%get3A_910, %get3A_911] {strides = array<i32>} : memref<25x80xi32, #tpu.memory_space<vmem>>, vector<16xi32>,
      tpu.vector_store_idx %arg14[%get3A_912], %broadcast_in_dim3A_3 {add = true} : memref<10240xf32, #tpu.memory_space<vmem>>[vector<16xi32>], vector<16xf32>,
      %add3A_913 = arith.constant 1 : i32
      %add3A_914 = arith.addi %mul3A_875, %add3A_913 : i32
      %dma_wait3A_915 = arith.constant 0 : i32
      %dma_wait3A_916 = tpu.memref_slice %arg9[%add3A_914, %dma_wait3A_915] : memref<25x80xi32, #tpu.memory_space<vmem>> -> memref<1x80xi32, #tpu.memory_space<vmem>>
      %dma_wait3A_917 = tpu.memref_squeeze %dma_wait3A_916 : memref<1x80xi32, #tpu.memory_space<vmem>> -> memref<80xi32, #tpu.memory_space<vmem>>
      %dma_wait3A_918 = arith.constant 0 : i32
      %dma_wait3A_919 = arith.constant 0 : i32
      %dma_wait3A_920 = tpu.memref_slice %arg2[%dma_wait3A_918, %dma_wait3A_919] : memref<10000x128xf32, #tpu.memory_space<hbm>> -> memref<10000x128xf32, #tpu.memory_space<hbm>>
      tpu.wait_indirect_dma semaphore(%arg16 : memref<!tpu.dma_semaphore, #tpu.memory_space<semaphore_mem>>) src(%dma_wait3A_920 : memref<10000x128xf32, #tpu.memory_space<hbm>>) dst(%arg12 : memref<80x128xf32, #tpu.memory_space<vmem>>)
      %add3A_921 = arith.constant 1 : i32
      %add3A_922 = arith.addi %mul3A_875, %add3A_921 : i32
      "tpu.region"() ({
        %run_scoped3A_987 = tpu.sem_alloc : memref<!tpu.dma_semaphore, #tpu.memory_space<semaphore_mem>>
        %dma_start3A_988 = arith.constant 0 : i32
        %dma_start3A_989 = tpu.memref_slice %arg10[%add3A_922, %dma_start3A_988] : memref<25x80xi32, #tpu.memory_space<vmem>> -> memref<1x80xi32, #tpu.memory_space<vmem>>
        %dma_start3A_990 = tpu.memref_squeeze %dma_start3A_989 : memref<1x80xi32, #tpu.memory_space<vmem>> -> memref<80xi32, #tpu.memory_space<vmem>>
        %dma_start3A_991 = arith.constant 0 : i32
        %dma_start3A_992 = arith.constant 0 : i32
        %dma_start3A_993 = tpu.memref_slice %arg8[%dma_start3A_991, %dma_start3A_992] : memref<10240x128xf32, #tpu.memory_space<vmem_shared>> -> memref<10240x128xf32, #tpu.memory_space<vmem_shared>>
        tpu.enqueue_indirect_dma source(%arg12 : memref<80x128xf32, #tpu.memory_space<vmem>>) target(%dma_start3A_993 : memref<10240x128xf32, #tpu.memory_space<vmem_shared>>) offsets(%dma_start3A_990 : memref<80xi32, #tpu.memory_space<vmem>>) semaphore(%run_scoped3A_987 : memref<!tpu.dma_semaphore, #tpu.memory_space<semaphore_mem>>) {add = true}
        %dma_wait3A_994 = arith.constant 0 : i32
        %dma_wait3A_995 = tpu.memref_slice %arg10[%add3A_922, %dma_wait3A_994] : memref<25x80xi32, #tpu.memory_space<vmem>> -> memref<1x80xi32, #tpu.memory_space<vmem>>
        %dma_wait3A_996 = tpu.memref_squeeze %dma_wait3A_995 : memref<1x80xi32, #tpu.memory_space<vmem>> -> memref<80xi32, #tpu.memory_space<vmem>>
        %dma_wait3A_997 = arith.constant 0 : i32
        %dma_wait3A_998 = arith.constant 0 : i32
        %dma_wait3A_999 = tpu.memref_slice %arg8[%dma_wait3A_997, %dma_wait3A_998] : memref<10240x128xf32, #tpu.memory_space<vmem_shared>> -> memref<10240x128xf32, #tpu.memory_space<vmem_shared>>
        tpu.wait_indirect_dma semaphore(%run_scoped3A_987 : memref<!tpu.dma_semaphore, #tpu.memory_space<semaphore_mem>>) src(%arg12 : memref<80x128xf32, #tpu.memory_space<vmem>>) dst(%dma_wait3A_999 : memref<10240x128xf32, #tpu.memory_space<vmem_shared>>)
        tpu.yield
      }) : () -> ()
      %add3A_923 = arith.constant 3 : i32
      %add3A_924 = arith.addi %mul3A_875, %add3A_923 : i32
      %add3A_925 = arith.constant 1 : i32
      %add3A_926 = arith.addi %add3A_924, %add3A_925 : i32
      %dma_start3A_927 = arith.constant 0 : i32
      %dma_start3A_928 = tpu.memref_slice %arg9[%add3A_926, %dma_start3A_927] : memref<25x80xi32, #tpu.memory_space<vmem>> -> memref<1x80xi32, #tpu.memory_space<vmem>>
      %dma_start3A_929 = tpu.memref_squeeze %dma_start3A_928 : memref<1x80xi32, #tpu.memory_space<vmem>> -> memref<80xi32, #tpu.memory_space<vmem>>
      %dma_start3A_930 = arith.constant 0 : i32
      %dma_start3A_931 = arith.constant 0 : i32
      %dma_start3A_932 = tpu.memref_slice %arg2[%dma_start3A_930, %dma_start3A_931] : memref<10000x128xf32, #tpu.memory_space<hbm>> -> memref<10000x128xf32, #tpu.memory_space<hbm>>
      tpu.enqueue_indirect_dma source(%dma_start3A_932 : memref<10000x128xf32, #tpu.memory_space<hbm>>) target(%arg12 : memref<80x128xf32, #tpu.memory_space<vmem>>) offsets(%dma_start3A_929 : memref<80xi32, #tpu.memory_space<vmem>>) semaphore(%arg16 : memref<!tpu.dma_semaphore, #tpu.memory_space<semaphore_mem>>)
      %add3A_933 = arith.constant 1 : i32
      %add3A_934 = arith.addi %mul3A_875, %add3A_933 : i32
      %get3A_935 = arith.index_cast %add3A_934 : i32 to index
      %get3A_936 = arith.constant 0 : index
      %get3A_937 = tpu.vector_load %arg10[%get3A_935, %get3A_936] {strides = array<i32>} : memref<25x80xi32, #tpu.memory_space<vmem>>, vector<16xi32>,
      tpu.vector_store_idx %arg14[%get3A_937], %broadcast_in_dim3A_3 {add = true} : memref<10240xf32, #tpu.memory_space<vmem>>[vector<16xi32>], vector<16xf32>,
      %get3A_938 = arith.index_cast %add3A_934 : i32 to index
      %get3A_939 = arith.constant 16 : index
      %get3A_940 = tpu.vector_load %arg10[%get3A_938, %get3A_939] {strides = array<i32>} : memref<25x80xi32, #tpu.memory_space<vmem>>, vector<16xi32>,
      tpu.vector_store_idx %arg14[%get3A_940], %broadcast_in_dim3A_3 {add = true} : memref<10240xf32, #tpu.memory_space<vmem>>[vector<16xi32>], vector<16xf32>,
      %get3A_941 = arith.index_cast %add3A_934 : i32 to index
      %get3A_942 = arith.constant 32 : index
      %get3A_943 = tpu.vector_load %arg10[%get3A_941, %get3A_942] {strides = array<i32>} : memref<25x80xi32, #tpu.memory_space<vmem>>, vector<16xi32>,
      tpu.vector_store_idx %arg14[%get3A_943], %broadcast_in_dim3A_3 {add = true} : memref<10240xf32, #tpu.memory_space<vmem>>[vector<16xi32>], vector<16xf32>,
      %get3A_944 = arith.index_cast %add3A_934 : i32 to index
      %get3A_945 = arith.constant 48 : index
      %get3A_946 = tpu.vector_load %arg10[%get3A_944, %get3A_945] {strides = array<i32>} : memref<25x80xi32, #tpu.memory_space<vmem>>, vector<16xi32>,
      tpu.vector_store_idx %arg14[%get3A_946], %broadcast_in_dim3A_3 {add = true} : memref<10240xf32, #tpu.memory_space<vmem>>[vector<16xi32>], vector<16xf32>,
      %get3A_947 = arith.index_cast %add3A_934 : i32 to index
      %get3A_948 = arith.constant 64 : index
      %get3A_949 = tpu.vector_load %arg10[%get3A_947, %get3A_948] {strides = array<i32>} : memref<25x80xi32, #tpu.memory_space<vmem>>, vector<16xi32>,
      tpu.vector_store_idx %arg14[%get3A_949], %broadcast_in_dim3A_3 {add = true} : memref<10240xf32, #tpu.memory_space<vmem>>[vector<16xi32>], vector<16xf32>,
      %add3A_950 = arith.constant 2 : i32
      %add3A_951 = arith.addi %mul3A_875, %add3A_950 : i32
      %dma_wait3A_952 = arith.constant 0 : i32
      %dma_wait3A_953 = tpu.memref_slice %arg9[%add3A_951, %dma_wait3A_952] : memref<25x80xi32, #tpu.memory_space<vmem>> -> memref<1x80xi32, #tpu.memory_space<vmem>>
      %dma_wait3A_954 = tpu.memref_squeeze %dma_wait3A_953 : memref<1x80xi32, #tpu.memory_space<vmem>> -> memref<80xi32, #tpu.memory_space<vmem>>
      %dma_wait3A_955 = arith.constant 0 : i32
      %dma_wait3A_956 = arith.constant 0 : i32
      %dma_wait3A_957 = tpu.memref_slice %arg2[%dma_wait3A_955, %dma_wait3A_956] : memref<10000x128xf32, #tpu.memory_space<hbm>> -> memref<10000x128xf32, #tpu.memory_space<hbm>>
      tpu.wait_indirect_dma semaphore(%arg17 : memref<!tpu.dma_semaphore, #tpu.memory_space<semaphore_mem>>) src(%dma_wait3A_957 : memref<10000x128xf32, #tpu.memory_space<hbm>>) dst(%arg13 : memref<80x128xf32, #tpu.memory_space<vmem>>)
      %add3A_958 = arith.constant 2 : i32
      %add3A_959 = arith.addi %mul3A_875, %add3A_958 : i32
      "tpu.region"() ({
        %run_scoped3A_987 = tpu.sem_alloc : memref<!tpu.dma_semaphore, #tpu.memory_space<semaphore_mem>>
        %dma_start3A_988 = arith.constant 0 : i32
        %dma_start3A_989 = tpu.memref_slice %arg10[%add3A_959, %dma_start3A_988] : memref<25x80xi32, #tpu.memory_space<vmem>> -> memref<1x80xi32, #tpu.memory_space<vmem>>
        %dma_start3A_990 = tpu.memref_squeeze %dma_start3A_989 : memref<1x80xi32, #tpu.memory_space<vmem>> -> memref<80xi32, #tpu.memory_space<vmem>>
        %dma_start3A_991 = arith.constant 0 : i32
        %dma_start3A_992 = arith.constant 0 : i32
        %dma_start3A_993 = tpu.memref_slice %arg8[%dma_start3A_991, %dma_start3A_992] : memref<10240x128xf32, #tpu.memory_space<vmem_shared>> -> memref<10240x128xf32, #tpu.memory_space<vmem_shared>>
        tpu.enqueue_indirect_dma source(%arg13 : memref<80x128xf32, #tpu.memory_space<vmem>>) target(%dma_start3A_993 : memref<10240x128xf32, #tpu.memory_space<vmem_shared>>) offsets(%dma_start3A_990 : memref<80xi32, #tpu.memory_space<vmem>>) semaphore(%run_scoped3A_987 : memref<!tpu.dma_semaphore, #tpu.memory_space<semaphore_mem>>) {add = true}
        %dma_wait3A_994 = arith.constant 0 : i32
        %dma_wait3A_995 = tpu.memref_slice %arg10[%add3A_959, %dma_wait3A_994] : memref<25x80xi32, #tpu.memory_space<vmem>> -> memref<1x80xi32, #tpu.memory_space<vmem>>
        %dma_wait3A_996 = tpu.memref_squeeze %dma_wait3A_995 : memref<1x80xi32, #tpu.memory_space<vmem>> -> memref<80xi32, #tpu.memory_space<vmem>>
        %dma_wait3A_997 = arith.constant 0 : i32
        %dma_wait3A_998 = arith.constant 0 : i32
        %dma_wait3A_999 = tpu.memref_slice %arg8[%dma_wait3A_997, %dma_wait3A_998] : memref<10240x128xf32, #tpu.memory_space<vmem_shared>> -> memref<10240x128xf32, #tpu.memory_space<vmem_shared>>
        tpu.wait_indirect_dma semaphore(%run_scoped3A_987 : memref<!tpu.dma_semaphore, #tpu.memory_space<semaphore_mem>>) src(%arg13 : memref<80x128xf32, #tpu.memory_space<vmem>>) dst(%dma_wait3A_999 : memref<10240x128xf32, #tpu.memory_space<vmem_shared>>)
        tpu.yield
      }) : () -> ()
      %add3A_960 = arith.constant 3 : i32
      %add3A_961 = arith.addi %mul3A_875, %add3A_960 : i32
      %add3A_962 = arith.constant 2 : i32
      %add3A_963 = arith.addi %add3A_961, %add3A_962 : i32
      %dma_start3A_964 = arith.constant 0 : i32
      %dma_start3A_965 = tpu.memref_slice %arg9[%add3A_963, %dma_start3A_964] : memref<25x80xi32, #tpu.memory_space<vmem>> -> memref<1x80xi32, #tpu.memory_space<vmem>>
      %dma_start3A_966 = tpu.memref_squeeze %dma_start3A_965 : memref<1x80xi32, #tpu.memory_space<vmem>> -> memref<80xi32, #tpu.memory_space<vmem>>
      %dma_start3A_967 = arith.constant 0 : i32
      %dma_start3A_968 = arith.constant 0 : i32
      %dma_start3A_969 = tpu.memref_slice %arg2[%dma_start3A_967, %dma_start3A_968] : memref<10000x128xf32, #tpu.memory_space<hbm>> -> memref<10000x128xf32, #tpu.memory_space<hbm>>
      tpu.enqueue_indirect_dma source(%dma_start3A_969 : memref<10000x128xf32, #tpu.memory_space<hbm>>) target(%arg13 : memref<80x128xf32, #tpu.memory_space<vmem>>) offsets(%dma_start3A_966 : memref<80xi32, #tpu.memory_space<vmem>>) semaphore(%arg17 : memref<!tpu.dma_semaphore, #tpu.memory_space<semaphore_mem>>)
      %add3A_970 = arith.constant 2 : i32
      %add3A_971 = arith.addi %mul3A_875, %add3A_970 : i32
      %get3A_972 = arith.index_cast %add3A_971 : i32 to index
      %get3A_973 = arith.constant 0 : index
      %get3A_974 = tpu.vector_load %arg10[%get3A_972, %get3A_973] {strides = array<i32>} : memref<25x80xi32, #tpu.memory_space<vmem>>, vector<16xi32>,
      tpu.vector_store_idx %arg14[%get3A_974], %broadcast_in_dim3A_3 {add = true} : memref<10240xf32, #tpu.memory_space<vmem>>[vector<16xi32>], vector<16xf32>,
      %get3A_975 = arith.index_cast %add3A_971 : i32 to index
      %get3A_976 = arith.constant 16 : index
      %get3A_977 = tpu.vector_load %arg10[%get3A_975, %get3A_976] {strides = array<i32>} : memref<25x80xi32, #tpu.memory_space<vmem>>, vector<16xi32>,
      tpu.vector_store_idx %arg14[%get3A_977], %broadcast_in_dim3A_3 {add = true} : memref<10240xf32, #tpu.memory_space<vmem>>[vector<16xi32>], vector<16xf32>,
      %get3A_978 = arith.index_cast %add3A_971 : i32 to index
      %get3A_979 = arith.constant 32 : index
      %get3A_980 = tpu.vector_load %arg10[%get3A_978, %get3A_979] {strides = array<i32>} : memref<25x80xi32, #tpu.memory_space<vmem>>, vector<16xi32>,
      tpu.vector_store_idx %arg14[%get3A_980], %broadcast_in_dim3A_3 {add = true} : memref<10240xf32, #tpu.memory_space<vmem>>[vector<16xi32>], vector<16xf32>,
      %get3A_981 = arith.index_cast %add3A_971 : i32 to index
      %get3A_982 = arith.constant 48 : index
      %get3A_983 = tpu.vector_load %arg10[%get3A_981, %get3A_982] {strides = array<i32>} : memref<25x80xi32, #tpu.memory_space<vmem>>, vector<16xi32>,
      tpu.vector_store_idx %arg14[%get3A_983], %broadcast_in_dim3A_3 {add = true} : memref<10240xf32, #tpu.memory_space<vmem>>[vector<16xi32>], vector<16xf32>,
      %get3A_984 = arith.index_cast %add3A_971 : i32 to index
      %get3A_985 = arith.constant 64 : index
      %get3A_986 = tpu.vector_load %arg10[%get3A_984, %get3A_985] {strides = array<i32>} : memref<25x80xi32, #tpu.memory_space<vmem>>, vector<16xi32>,
      tpu.vector_store_idx %arg14[%get3A_986], %broadcast_in_dim3A_3 {add = true} : memref<10240xf32, #tpu.memory_space<vmem>>[vector<16xi32>], vector<16xf32>,
    }
    %scan3A_435 = arith.constant 7 : i32
    %dma_wait3A_436 = arith.constant 21 : i32
    %dma_wait3A_437 = arith.constant 0 : i32
    %dma_wait3A_438 = tpu.memref_slice %arg9[%dma_wait3A_436, %dma_wait3A_437] : memref<25x80xi32, #tpu.memory_space<vmem>> -> memref<1x80xi32, #tpu.memory_space<vmem>>
    %dma_wait3A_439 = tpu.memref_squeeze %dma_wait3A_438 : memref<1x80xi32, #tpu.memory_space<vmem>> -> memref<80xi32, #tpu.memory_space<vmem>>
    %dma_wait3A_440 = arith.constant 0 : i32
    %dma_wait3A_441 = arith.constant 0 : i32
    %dma_wait3A_442 = tpu.memref_slice %arg2[%dma_wait3A_440, %dma_wait3A_441] : memref<10000x128xf32, #tpu.memory_space<hbm>> -> memref<10000x128xf32, #tpu.memory_space<hbm>>
    tpu.wait_indirect_dma semaphore(%arg15 : memref<!tpu.dma_semaphore, #tpu.memory_space<semaphore_mem>>) src(%dma_wait3A_442 : memref<10000x128xf32, #tpu.memory_space<hbm>>) dst(%arg11 : memref<80x128xf32, #tpu.memory_space<vmem>>)
    %run_scoped3A_443 = arith.constant 21 : i32
    "tpu.region"() ({
      %run_scoped3A_873 = tpu.sem_alloc : memref<!tpu.dma_semaphore, #tpu.memory_space<semaphore_mem>>
      %dma_start3A_874 = arith.constant 0 : i32
      %dma_start3A_875 = tpu.memref_slice %arg10[%run_scoped3A_443, %dma_start3A_874] : memref<25x80xi32, #tpu.memory_space<vmem>> -> memref<1x80xi32, #tpu.memory_space<vmem>>
      %dma_start3A_876 = tpu.memref_squeeze %dma_start3A_875 : memref<1x80xi32, #tpu.memory_space<vmem>> -> memref<80xi32, #tpu.memory_space<vmem>>
      %dma_start3A_877 = arith.constant 0 : i32
      %dma_start3A_878 = arith.constant 0 : i32
      %dma_start3A_879 = tpu.memref_slice %arg8[%dma_start3A_877, %dma_start3A_878] : memref<10240x128xf32, #tpu.memory_space<vmem_shared>> -> memref<10240x128xf32, #tpu.memory_space<vmem_shared>>
      tpu.enqueue_indirect_dma source(%arg11 : memref<80x128xf32, #tpu.memory_space<vmem>>) target(%dma_start3A_879 : memref<10240x128xf32, #tpu.memory_space<vmem_shared>>) offsets(%dma_start3A_876 : memref<80xi32, #tpu.memory_space<vmem>>) semaphore(%run_scoped3A_873 : memref<!tpu.dma_semaphore, #tpu.memory_space<semaphore_mem>>) {add = true}
      %dma_wait3A_880 = arith.constant 0 : i32
      %dma_wait3A_881 = tpu.memref_slice %arg10[%run_scoped3A_443, %dma_wait3A_880] : memref<25x80xi32, #tpu.memory_space<vmem>> -> memref<1x80xi32, #tpu.memory_space<vmem>>
      %dma_wait3A_882 = tpu.memref_squeeze %dma_wait3A_881 : memref<1x80xi32, #tpu.memory_space<vmem>> -> memref<80xi32, #tpu.memory_space<vmem>>
      %dma_wait3A_883 = arith.constant 0 : i32
      %dma_wait3A_884 = arith.constant 0 : i32
      %dma_wait3A_885 = tpu.memref_slice %arg8[%dma_wait3A_883, %dma_wait3A_884] : memref<10240x128xf32, #tpu.memory_space<vmem_shared>> -> memref<10240x128xf32, #tpu.memory_space<vmem_shared>>
      tpu.wait_indirect_dma semaphore(%run_scoped3A_873 : memref<!tpu.dma_semaphore, #tpu.memory_space<semaphore_mem>>) src(%arg11 : memref<80x128xf32, #tpu.memory_space<vmem>>) dst(%dma_wait3A_885 : memref<10240x128xf32, #tpu.memory_space<vmem_shared>>)
      tpu.yield
    }) : () -> ()
    %dma_start3A_444 = arith.constant 24 : i32
    %dma_start3A_445 = arith.constant 0 : i32
    %dma_start3A_446 = tpu.memref_slice %arg9[%dma_start3A_444, %dma_start3A_445] : memref<25x80xi32, #tpu.memory_space<vmem>> -> memref<1x80xi32, #tpu.memory_space<vmem>>
    %dma_start3A_447 = tpu.memref_squeeze %dma_start3A_446 : memref<1x80xi32, #tpu.memory_space<vmem>> -> memref<80xi32, #tpu.memory_space<vmem>>
    %dma_start3A_448 = arith.constant 0 : i32
    %dma_start3A_449 = arith.constant 0 : i32
    %dma_start3A_450 = tpu.memref_slice %arg2[%dma_start3A_448, %dma_start3A_449] : memref<10000x128xf32, #tpu.memory_space<hbm>> -> memref<10000x128xf32, #tpu.memory_space<hbm>>
    tpu.enqueue_indirect_dma source(%dma_start3A_450 : memref<10000x128xf32, #tpu.memory_space<hbm>>) target(%arg11 : memref<80x128xf32, #tpu.memory_space<vmem>>) offsets(%dma_start3A_447 : memref<80xi32, #tpu.memory_space<vmem>>) semaphore(%arg15 : memref<!tpu.dma_semaphore, #tpu.memory_space<semaphore_mem>>)
    %get3A_451 = arith.constant 21 : i32
    %get3A_452 = arith.index_cast %get3A_451 : i32 to index
    %get3A_453 = arith.constant 0 : index
    %get3A_454 = tpu.vector_load %arg10[%get3A_452, %get3A_453] {strides = array<i32>} : memref<25x80xi32, #tpu.memory_space<vmem>>, vector<16xi32>,
    tpu.vector_store_idx %arg14[%get3A_454], %broadcast_in_dim3A_3 {add = true} : memref<10240xf32, #tpu.memory_space<vmem>>[vector<16xi32>], vector<16xf32>,
    %get3A_455 = arith.constant 21 : i32
    %get3A_456 = arith.index_cast %get3A_455 : i32 to index
    %get3A_457 = arith.constant 16 : index
    %get3A_458 = tpu.vector_load %arg10[%get3A_456, %get3A_457] {strides = array<i32>} : memref<25x80xi32, #tpu.memory_space<vmem>>, vector<16xi32>,
    tpu.vector_store_idx %arg14[%get3A_458], %broadcast_in_dim3A_3 {add = true} : memref<10240xf32, #tpu.memory_space<vmem>>[vector<16xi32>], vector<16xf32>,
    %get3A_459 = arith.constant 21 : i32
    %get3A_460 = arith.index_cast %get3A_459 : i32 to index
    %get3A_461 = arith.constant 32 : index
    %get3A_462 = tpu.vector_load %arg10[%get3A_460, %get3A_461] {strides = array<i32>} : memref<25x80xi32, #tpu.memory_space<vmem>>, vector<16xi32>,
    tpu.vector_store_idx %arg14[%get3A_462], %broadcast_in_dim3A_3 {add = true} : memref<10240xf32, #tpu.memory_space<vmem>>[vector<16xi32>], vector<16xf32>,
    %get3A_463 = arith.constant 21 : i32
    %get3A_464 = arith.index_cast %get3A_463 : i32 to index
    %get3A_465 = arith.constant 48 : index
    %get3A_466 = tpu.vector_load %arg10[%get3A_464, %get3A_465] {strides = array<i32>} : memref<25x80xi32, #tpu.memory_space<vmem>>, vector<16xi32>,
    tpu.vector_store_idx %arg14[%get3A_466], %broadcast_in_dim3A_3 {add = true} : memref<10240xf32, #tpu.memory_space<vmem>>[vector<16xi32>], vector<16xf32>,
    %get3A_467 = arith.constant 21 : i32
    %get3A_468 = arith.index_cast %get3A_467 : i32 to index
    %get3A_469 = arith.constant 64 : index
    %get3A_470 = tpu.vector_load %arg10[%get3A_468, %get3A_469] {strides = array<i32>} : memref<25x80xi32, #tpu.memory_space<vmem>>, vector<16xi32>,
    tpu.vector_store_idx %arg14[%get3A_470], %broadcast_in_dim3A_3 {add = true} : memref<10240xf32, #tpu.memory_space<vmem>>[vector<16xi32>], vector<16xf32>,
    %dma_wait3A_471 = arith.constant 22 : i32
    %dma_wait3A_472 = arith.constant 0 : i32
    %dma_wait3A_473 = tpu.memref_slice %arg9[%dma_wait3A_471, %dma_wait3A_472] : memref<25x80xi32, #tpu.memory_space<vmem>> -> memref<1x80xi32, #tpu.memory_space<vmem>>
    %dma_wait3A_474 = tpu.memref_squeeze %dma_wait3A_473 : memref<1x80xi32, #tpu.memory_space<vmem>> -> memref<80xi32, #tpu.memory_space<vmem>>
    %dma_wait3A_475 = arith.constant 0 : i32
    %dma_wait3A_476 = arith.constant 0 : i32
    %dma_wait3A_477 = tpu.memref_slice %arg2[%dma_wait3A_475, %dma_wait3A_476] : memref<10000x128xf32, #tpu.memory_space<hbm>> -> memref<10000x128xf32, #tpu.memory_space<hbm>>
    tpu.wait_indirect_dma semaphore(%arg16 : memref<!tpu.dma_semaphore, #tpu.memory_space<semaphore_mem>>) src(%dma_wait3A_477 : memref<10000x128xf32, #tpu.memory_space<hbm>>) dst(%arg12 : memref<80x128xf32, #tpu.memory_space<vmem>>)
    %run_scoped3A_478 = arith.constant 22 : i32
    "tpu.region"() ({
      %run_scoped3A_873 = tpu.sem_alloc : memref<!tpu.dma_semaphore, #tpu.memory_space<semaphore_mem>>
      %dma_start3A_874 = arith.constant 0 : i32
      %dma_start3A_875 = tpu.memref_slice %arg10[%run_scoped3A_478, %dma_start3A_874] : memref<25x80xi32, #tpu.memory_space<vmem>> -> memref<1x80xi32, #tpu.memory_space<vmem>>
      %dma_start3A_876 = tpu.memref_squeeze %dma_start3A_875 : memref<1x80xi32, #tpu.memory_space<vmem>> -> memref<80xi32, #tpu.memory_space<vmem>>
      %dma_start3A_877 = arith.constant 0 : i32
      %dma_start3A_878 = arith.constant 0 : i32
      %dma_start3A_879 = tpu.memref_slice %arg8[%dma_start3A_877, %dma_start3A_878] : memref<10240x128xf32, #tpu.memory_space<vmem_shared>> -> memref<10240x128xf32, #tpu.memory_space<vmem_shared>>
      tpu.enqueue_indirect_dma source(%arg12 : memref<80x128xf32, #tpu.memory_space<vmem>>) target(%dma_start3A_879 : memref<10240x128xf32, #tpu.memory_space<vmem_shared>>) offsets(%dma_start3A_876 : memref<80xi32, #tpu.memory_space<vmem>>) semaphore(%run_scoped3A_873 : memref<!tpu.dma_semaphore, #tpu.memory_space<semaphore_mem>>) {add = true}
      %dma_wait3A_880 = arith.constant 0 : i32
      %dma_wait3A_881 = tpu.memref_slice %arg10[%run_scoped3A_478, %dma_wait3A_880] : memref<25x80xi32, #tpu.memory_space<vmem>> -> memref<1x80xi32, #tpu.memory_space<vmem>>
      %dma_wait3A_882 = tpu.memref_squeeze %dma_wait3A_881 : memref<1x80xi32, #tpu.memory_space<vmem>> -> memref<80xi32, #tpu.memory_space<vmem>>
      %dma_wait3A_883 = arith.constant 0 : i32
      %dma_wait3A_884 = arith.constant 0 : i32
      %dma_wait3A_885 = tpu.memref_slice %arg8[%dma_wait3A_883, %dma_wait3A_884] : memref<10240x128xf32, #tpu.memory_space<vmem_shared>> -> memref<10240x128xf32, #tpu.memory_space<vmem_shared>>
      tpu.wait_indirect_dma semaphore(%run_scoped3A_873 : memref<!tpu.dma_semaphore, #tpu.memory_space<semaphore_mem>>) src(%arg12 : memref<80x128xf32, #tpu.memory_space<vmem>>) dst(%dma_wait3A_885 : memref<10240x128xf32, #tpu.memory_space<vmem_shared>>)
      tpu.yield
    }) : () -> ()
    %get3A_479 = arith.constant 22 : i32
    %get3A_480 = arith.index_cast %get3A_479 : i32 to index
    %get3A_481 = arith.constant 0 : index
    %get3A_482 = tpu.vector_load %arg10[%get3A_480, %get3A_481] {strides = array<i32>} : memref<25x80xi32, #tpu.memory_space<vmem>>, vector<16xi32>,
    tpu.vector_store_idx %arg14[%get3A_482], %broadcast_in_dim3A_3 {add = true} : memref<10240xf32, #tpu.memory_space<vmem>>[vector<16xi32>], vector<16xf32>,
    %get3A_483 = arith.constant 22 : i32
    %get3A_484 = arith.index_cast %get3A_483 : i32 to index
    %get3A_485 = arith.constant 16 : index
    %get3A_486 = tpu.vector_load %arg10[%get3A_484, %get3A_485] {strides = array<i32>} : memref<25x80xi32, #tpu.memory_space<vmem>>, vector<16xi32>,
    tpu.vector_store_idx %arg14[%get3A_486], %broadcast_in_dim3A_3 {add = true} : memref<10240xf32, #tpu.memory_space<vmem>>[vector<16xi32>], vector<16xf32>,
    %get3A_487 = arith.constant 22 : i32
    %get3A_488 = arith.index_cast %get3A_487 : i32 to index
    %get3A_489 = arith.constant 32 : index
    %get3A_490 = tpu.vector_load %arg10[%get3A_488, %get3A_489] {strides = array<i32>} : memref<25x80xi32, #tpu.memory_space<vmem>>, vector<16xi32>,
    tpu.vector_store_idx %arg14[%get3A_490], %broadcast_in_dim3A_3 {add = true} : memref<10240xf32, #tpu.memory_space<vmem>>[vector<16xi32>], vector<16xf32>,
    %get3A_491 = arith.constant 22 : i32
    %get3A_492 = arith.index_cast %get3A_491 : i32 to index
    %get3A_493 = arith.constant 48 : index
    %get3A_494 = tpu.vector_load %arg10[%get3A_492, %get3A_493] {strides = array<i32>} : memref<25x80xi32, #tpu.memory_space<vmem>>, vector<16xi32>,
    tpu.vector_store_idx %arg14[%get3A_494], %broadcast_in_dim3A_3 {add = true} : memref<10240xf32, #tpu.memory_space<vmem>>[vector<16xi32>], vector<16xf32>,
    %get3A_495 = arith.constant 22 : i32
    %get3A_496 = arith.index_cast %get3A_495 : i32 to index
    %get3A_497 = arith.constant 64 : index
    %get3A_498 = tpu.vector_load %arg10[%get3A_496, %get3A_497] {strides = array<i32>} : memref<25x80xi32, #tpu.memory_space<vmem>>, vector<16xi32>,
    tpu.vector_store_idx %arg14[%get3A_498], %broadcast_in_dim3A_3 {add = true} : memref<10240xf32, #tpu.memory_space<vmem>>[vector<16xi32>], vector<16xf32>,
    %dma_wait3A_499 = arith.constant 23 : i32
    %dma_wait3A_500 = arith.constant 0 : i32
    %dma_wait3A_501 = tpu.memref_slice %arg9[%dma_wait3A_499, %dma_wait3A_500] : memref<25x80xi32, #tpu.memory_space<vmem>> -> memref<1x80xi32, #tpu.memory_space<vmem>>
    %dma_wait3A_502 = tpu.memref_squeeze %dma_wait3A_501 : memref<1x80xi32, #tpu.memory_space<vmem>> -> memref<80xi32, #tpu.memory_space<vmem>>
    %dma_wait3A_503 = arith.constant 0 : i32
    %dma_wait3A_504 = arith.constant 0 : i32
    %dma_wait3A_505 = tpu.memref_slice %arg2[%dma_wait3A_503, %dma_wait3A_504] : memref<10000x128xf32, #tpu.memory_space<hbm>> -> memref<10000x128xf32, #tpu.memory_space<hbm>>
    tpu.wait_indirect_dma semaphore(%arg17 : memref<!tpu.dma_semaphore, #tpu.memory_space<semaphore_mem>>) src(%dma_wait3A_505 : memref<10000x128xf32, #tpu.memory_space<hbm>>) dst(%arg13 : memref<80x128xf32, #tpu.memory_space<vmem>>)
    %run_scoped3A_506 = arith.constant 23 : i32
    "tpu.region"() ({
      %run_scoped3A_873 = tpu.sem_alloc : memref<!tpu.dma_semaphore, #tpu.memory_space<semaphore_mem>>
      %dma_start3A_874 = arith.constant 0 : i32
      %dma_start3A_875 = tpu.memref_slice %arg10[%run_scoped3A_506, %dma_start3A_874] : memref<25x80xi32, #tpu.memory_space<vmem>> -> memref<1x80xi32, #tpu.memory_space<vmem>>
      %dma_start3A_876 = tpu.memref_squeeze %dma_start3A_875 : memref<1x80xi32, #tpu.memory_space<vmem>> -> memref<80xi32, #tpu.memory_space<vmem>>
      %dma_start3A_877 = arith.constant 0 : i32
      %dma_start3A_878 = arith.constant 0 : i32
      %dma_start3A_879 = tpu.memref_slice %arg8[%dma_start3A_877, %dma_start3A_878] : memref<10240x128xf32, #tpu.memory_space<vmem_shared>> -> memref<10240x128xf32, #tpu.memory_space<vmem_shared>>
      tpu.enqueue_indirect_dma source(%arg13 : memref<80x128xf32, #tpu.memory_space<vmem>>) target(%dma_start3A_879 : memref<10240x128xf32, #tpu.memory_space<vmem_shared>>) offsets(%dma_start3A_876 : memref<80xi32, #tpu.memory_space<vmem>>) semaphore(%run_scoped3A_873 : memref<!tpu.dma_semaphore, #tpu.memory_space<semaphore_mem>>) {add = true}
      %dma_wait3A_880 = arith.constant 0 : i32
      %dma_wait3A_881 = tpu.memref_slice %arg10[%run_scoped3A_506, %dma_wait3A_880] : memref<25x80xi32, #tpu.memory_space<vmem>> -> memref<1x80xi32, #tpu.memory_space<vmem>>
      %dma_wait3A_882 = tpu.memref_squeeze %dma_wait3A_881 : memref<1x80xi32, #tpu.memory_space<vmem>> -> memref<80xi32, #tpu.memory_space<vmem>>
      %dma_wait3A_883 = arith.constant 0 : i32
      %dma_wait3A_884 = arith.constant 0 : i32
      %dma_wait3A_885 = tpu.memref_slice %arg8[%dma_wait3A_883, %dma_wait3A_884] : memref<10240x128xf32, #tpu.memory_space<vmem_shared>> -> memref<10240x128xf32, #tpu.memory_space<vmem_shared>>
      tpu.wait_indirect_dma semaphore(%run_scoped3A_873 : memref<!tpu.dma_semaphore, #tpu.memory_space<semaphore_mem>>) src(%arg13 : memref<80x128xf32, #tpu.memory_space<vmem>>) dst(%dma_wait3A_885 : memref<10240x128xf32, #tpu.memory_space<vmem_shared>>)
      tpu.yield
    }) : () -> ()
    %get3A_507 = arith.constant 23 : i32
    %get3A_508 = arith.index_cast %get3A_507 : i32 to index
    %get3A_509 = arith.constant 0 : index
    %get3A_510 = tpu.vector_load %arg10[%get3A_508, %get3A_509] {strides = array<i32>} : memref<25x80xi32, #tpu.memory_space<vmem>>, vector<16xi32>,
    tpu.vector_store_idx %arg14[%get3A_510], %broadcast_in_dim3A_3 {add = true} : memref<10240xf32, #tpu.memory_space<vmem>>[vector<16xi32>], vector<16xf32>,
    %get3A_511 = arith.constant 23 : i32
    %get3A_512 = arith.index_cast %get3A_511 : i32 to index
    %get3A_513 = arith.constant 16 : index
    %get3A_514 = tpu.vector_load %arg10[%get3A_512, %get3A_513] {strides = array<i32>} : memref<25x80xi32, #tpu.memory_space<vmem>>, vector<16xi32>,
    tpu.vector_store_idx %arg14[%get3A_514], %broadcast_in_dim3A_3 {add = true} : memref<10240xf32, #tpu.memory_space<vmem>>[vector<16xi32>], vector<16xf32>,
    %get3A_515 = arith.constant 23 : i32
    %get3A_516 = arith.index_cast %get3A_515 : i32 to index
    %get3A_517 = arith.constant 32 : index
    %get3A_518 = tpu.vector_load %arg10[%get3A_516, %get3A_517] {strides = array<i32>} : memref<25x80xi32, #tpu.memory_space<vmem>>, vector<16xi32>,
    tpu.vector_store_idx %arg14[%get3A_518], %broadcast_in_dim3A_3 {add = true} : memref<10240xf32, #tpu.memory_space<vmem>>[vector<16xi32>], vector<16xf32>,
    %get3A_519 = arith.constant 23 : i32
    %get3A_520 = arith.index_cast %get3A_519 : i32 to index
    %get3A_521 = arith.constant 48 : index
    %get3A_522 = tpu.vector_load %arg10[%get3A_520, %get3A_521] {strides = array<i32>} : memref<25x80xi32, #tpu.memory_space<vmem>>, vector<16xi32>,
    tpu.vector_store_idx %arg14[%get3A_522], %broadcast_in_dim3A_3 {add = true} : memref<10240xf32, #tpu.memory_space<vmem>>[vector<16xi32>], vector<16xf32>,
    %get3A_523 = arith.constant 23 : i32
    %get3A_524 = arith.index_cast %get3A_523 : i32 to index
    %get3A_525 = arith.constant 64 : index
    %get3A_526 = tpu.vector_load %arg10[%get3A_524, %get3A_525] {strides = array<i32>} : memref<25x80xi32, #tpu.memory_space<vmem>>, vector<16xi32>,
    tpu.vector_store_idx %arg14[%get3A_526], %broadcast_in_dim3A_3 {add = true} : memref<10240xf32, #tpu.memory_space<vmem>>[vector<16xi32>], vector<16xf32>,
    %dma_wait3A_527 = arith.constant 24 : i32
    %dma_wait3A_528 = arith.constant 0 : i32
    %dma_wait3A_529 = tpu.memref_slice %arg9[%dma_wait3A_527, %dma_wait3A_528] : memref<25x80xi32, #tpu.memory_space<vmem>> -> memref<1x80xi32, #tpu.memory_space<vmem>>
    %dma_wait3A_530 = tpu.memref_squeeze %dma_wait3A_529 : memref<1x80xi32, #tpu.memory_space<vmem>> -> memref<80xi32, #tpu.memory_space<vmem>>
    %dma_wait3A_531 = arith.constant 0 : i32
    %dma_wait3A_532 = arith.constant 0 : i32
    %dma_wait3A_533 = tpu.memref_slice %arg2[%dma_wait3A_531, %dma_wait3A_532] : memref<10000x128xf32, #tpu.memory_space<hbm>> -> memref<10000x128xf32, #tpu.memory_space<hbm>>
    tpu.wait_indirect_dma semaphore(%arg15 : memref<!tpu.dma_semaphore, #tpu.memory_space<semaphore_mem>>) src(%dma_wait3A_533 : memref<10000x128xf32, #tpu.memory_space<hbm>>) dst(%arg11 : memref<80x128xf32, #tpu.memory_space<vmem>>)
    %run_scoped3A_534 = arith.constant 24 : i32
    "tpu.region"() ({
      %run_scoped3A_873 = tpu.sem_alloc : memref<!tpu.dma_semaphore, #tpu.memory_space<semaphore_mem>>
      %dma_start3A_874 = arith.constant 0 : i32
      %dma_start3A_875 = tpu.memref_slice %arg10[%run_scoped3A_534, %dma_start3A_874] : memref<25x80xi32, #tpu.memory_space<vmem>> -> memref<1x80xi32, #tpu.memory_space<vmem>>
      %dma_start3A_876 = tpu.memref_squeeze %dma_start3A_875 : memref<1x80xi32, #tpu.memory_space<vmem>> -> memref<80xi32, #tpu.memory_space<vmem>>
      %dma_start3A_877 = arith.constant 0 : i32
      %dma_start3A_878 = arith.constant 0 : i32
      %dma_start3A_879 = tpu.memref_slice %arg8[%dma_start3A_877, %dma_start3A_878] : memref<10240x128xf32, #tpu.memory_space<vmem_shared>> -> memref<10240x128xf32, #tpu.memory_space<vmem_shared>>
      tpu.enqueue_indirect_dma source(%arg11 : memref<80x128xf32, #tpu.memory_space<vmem>>) target(%dma_start3A_879 : memref<10240x128xf32, #tpu.memory_space<vmem_shared>>) offsets(%dma_start3A_876 : memref<80xi32, #tpu.memory_space<vmem>>) semaphore(%run_scoped3A_873 : memref<!tpu.dma_semaphore, #tpu.memory_space<semaphore_mem>>) {add = true}
      %dma_wait3A_880 = arith.constant 0 : i32
      %dma_wait3A_881 = tpu.memref_slice %arg10[%run_scoped3A_534, %dma_wait3A_880] : memref<25x80xi32, #tpu.memory_space<vmem>> -> memref<1x80xi32, #tpu.memory_space<vmem>>
      %dma_wait3A_882 = tpu.memref_squeeze %dma_wait3A_881 : memref<1x80xi32, #tpu.memory_space<vmem>> -> memref<80xi32, #tpu.memory_space<vmem>>
      %dma_wait3A_883 = arith.constant 0 : i32
      %dma_wait3A_884 = arith.constant 0 : i32
      %dma_wait3A_885 = tpu.memref_slice %arg8[%dma_wait3A_883, %dma_wait3A_884] : memref<10240x128xf32, #tpu.memory_space<vmem_shared>> -> memref<10240x128xf32, #tpu.memory_space<vmem_shared>>
      tpu.wait_indirect_dma semaphore(%run_scoped3A_873 : memref<!tpu.dma_semaphore, #tpu.memory_space<semaphore_mem>>) src(%arg11 : memref<80x128xf32, #tpu.memory_space<vmem>>) dst(%dma_wait3A_885 : memref<10240x128xf32, #tpu.memory_space<vmem_shared>>)
      tpu.yield
    }) : () -> ()
    %get3A_535 = arith.constant 24 : i32
    %get3A_536 = arith.index_cast %get3A_535 : i32 to index
    %get3A_537 = arith.constant 0 : index
    %get3A_538 = tpu.vector_load %arg10[%get3A_536, %get3A_537] {strides = array<i32>} : memref<25x80xi32, #tpu.memory_space<vmem>>, vector<16xi32>,
    tpu.vector_store_idx %arg14[%get3A_538], %broadcast_in_dim3A_3 {add = true} : memref<10240xf32, #tpu.memory_space<vmem>>[vector<16xi32>], vector<16xf32>,
    %get3A_539 = arith.constant 24 : i32
    %get3A_540 = arith.index_cast %get3A_539 : i32 to index
    %get3A_541 = arith.constant 16 : index
    %get3A_542 = tpu.vector_load %arg10[%get3A_540, %get3A_541] {strides = array<i32>} : memref<25x80xi32, #tpu.memory_space<vmem>>, vector<16xi32>,
    tpu.vector_store_idx %arg14[%get3A_542], %broadcast_in_dim3A_3 {add = true} : memref<10240xf32, #tpu.memory_space<vmem>>[vector<16xi32>], vector<16xf32>,
    %get3A_543 = arith.constant 24 : i32
    %get3A_544 = arith.index_cast %get3A_543 : i32 to index
    %get3A_545 = arith.constant 32 : index
    %get3A_546 = tpu.vector_load %arg10[%get3A_544, %get3A_545] {strides = array<i32>} : memref<25x80xi32, #tpu.memory_space<vmem>>, vector<16xi32>,
    tpu.vector_store_idx %arg14[%get3A_546], %broadcast_in_dim3A_3 {add = true} : memref<10240xf32, #tpu.memory_space<vmem>>[vector<16xi32>], vector<16xf32>,
    %get3A_547 = arith.constant 24 : i32
    %get3A_548 = arith.index_cast %get3A_547 : i32 to index
    %get3A_549 = arith.constant 48 : index
    %get3A_550 = tpu.vector_load %arg10[%get3A_548, %get3A_549] {strides = array<i32>} : memref<25x80xi32, #tpu.memory_space<vmem>>, vector<16xi32>,
    tpu.vector_store_idx %arg14[%get3A_550], %broadcast_in_dim3A_3 {add = true} : memref<10240xf32, #tpu.memory_space<vmem>>[vector<16xi32>], vector<16xf32>,
    %get3A_551 = arith.constant 24 : i32
    %get3A_552 = arith.index_cast %get3A_551 : i32 to index
    %get3A_553 = arith.constant 64 : index
    %get3A_554 = tpu.vector_load %arg10[%get3A_552, %get3A_553] {strides = array<i32>} : memref<25x80xi32, #tpu.memory_space<vmem>>, vector<16xi32>,
    tpu.vector_store_idx %arg14[%get3A_554], %broadcast_in_dim3A_3 {add = true} : memref<10240xf32, #tpu.memory_space<vmem>>[vector<16xi32>], vector<16xf32>,
    %mul3A_555 = arith.constant 5 : i32
    %mul3A_556 = arith.muli %add3A, %mul3A_555 : i32
    %add3A_557 = arith.constant 3 : i32
    %add3A_558 = arith.addi %mul3A_556, %add3A_557 : i32
    "tpu.region"() ({
      %run_scoped3A_873 = tpu.sem_alloc : memref<!tpu.dma_semaphore, #tpu.memory_space<semaphore_mem>>
      %dma_start3A_874 = arith.constant 0 : i32
      %dma_start3A_875 = arith.constant 0 : i32
      %dma_start3A_876 = tpu.memref_slice %arg3[%add3A_558, %dma_start3A_874, %dma_start3A_875] : memref<160x25x80xi32, #tpu.memory_space<hbm>> -> memref<1x25x80xi32, #tpu.memory_space<hbm>>
      %dma_start3A_877 = tpu.memref_squeeze %dma_start3A_876 : memref<1x25x80xi32, #tpu.memory_space<hbm>> -> memref<25x80xi32, #tpu.memory_space<hbm>>
      %dma_start3A_878 = arith.constant 0 : i32
      %dma_start3A_879 = arith.constant 0 : i32
      %dma_start3A_880 = tpu.memref_slice %arg3[%add3A_558, %dma_start3A_878, %dma_start3A_879] : memref<160x25x80xi32, #tpu.memory_space<hbm>> -> memref<1x25x80xi32, #tpu.memory_space<hbm>>
      %dma_start3A_881 = tpu.memref_squeeze %dma_start3A_880 : memref<1x25x80xi32, #tpu.memory_space<hbm>> -> memref<25x80xi32, #tpu.memory_space<hbm>>
      tpu.enqueue_dma source(%dma_start3A_881 : memref<25x80xi32, #tpu.memory_space<hbm>>) target(%arg9 : memref<25x80xi32, #tpu.memory_space<vmem>>) target_semaphore(%run_scoped3A_873 : memref<!tpu.dma_semaphore, #tpu.memory_space<semaphore_mem>>)
      %dma_wait3A_882 = arith.constant 0 : i32
      %dma_wait3A_883 = arith.constant 0 : i32
      %dma_wait3A_884 = tpu.memref_slice %arg3[%add3A_558, %dma_wait3A_882, %dma_wait3A_883] : memref<160x25x80xi32, #tpu.memory_space<hbm>> -> memref<1x25x80xi32, #tpu.memory_space<hbm>>
      %dma_wait3A_885 = tpu.memref_squeeze %dma_wait3A_884 : memref<1x25x80xi32, #tpu.memory_space<hbm>> -> memref<25x80xi32, #tpu.memory_space<hbm>>
      %dma_wait3A_886 = arith.constant 0 : i32
      %dma_wait3A_887 = arith.constant 0 : i32
      %dma_wait3A_888 = tpu.memref_slice %arg3[%add3A_558, %dma_wait3A_886, %dma_wait3A_887] : memref<160x25x80xi32, #tpu.memory_space<hbm>> -> memref<1x25x80xi32, #tpu.memory_space<hbm>>
      %dma_wait3A_889 = tpu.memref_squeeze %dma_wait3A_888 : memref<1x25x80xi32, #tpu.memory_space<hbm>> -> memref<25x80xi32, #tpu.memory_space<hbm>>
      tpu.wait_dma2 semaphore(%run_scoped3A_873 : memref<!tpu.dma_semaphore, #tpu.memory_space<semaphore_mem>>) src(%dma_wait3A_889 : memref<25x80xi32, #tpu.memory_space<hbm>>) dst(%arg9 : memref<25x80xi32, #tpu.memory_space<vmem>>)
      tpu.yield
    }) : () -> ()
    %mul3A_559 = arith.constant 5 : i32
    %mul3A_560 = arith.muli %add3A, %mul3A_559 : i32
    %add3A_561 = arith.constant 3 : i32
    %add3A_562 = arith.addi %mul3A_560, %add3A_561 : i32
    "tpu.region"() ({
      %run_scoped3A_873 = tpu.sem_alloc : memref<!tpu.dma_semaphore, #tpu.memory_space<semaphore_mem>>
      %dma_start3A_874 = arith.constant 0 : i32
      %dma_start3A_875 = arith.constant 0 : i32
      %dma_start3A_876 = tpu.memref_slice %arg4[%add3A_562, %dma_start3A_874, %dma_start3A_875] : memref<160x25x80xi32, #tpu.memory_space<hbm>> -> memref<1x25x80xi32, #tpu.memory_space<hbm>>
      %dma_start3A_877 = tpu.memref_squeeze %dma_start3A_876 : memref<1x25x80xi32, #tpu.memory_space<hbm>> -> memref<25x80xi32, #tpu.memory_space<hbm>>
      %dma_start3A_878 = arith.constant 0 : i32
      %dma_start3A_879 = arith.constant 0 : i32
      %dma_start3A_880 = tpu.memref_slice %arg4[%add3A_562, %dma_start3A_878, %dma_start3A_879] : memref<160x25x80xi32, #tpu.memory_space<hbm>> -> memref<1x25x80xi32, #tpu.memory_space<hbm>>
      %dma_start3A_881 = tpu.memref_squeeze %dma_start3A_880 : memref<1x25x80xi32, #tpu.memory_space<hbm>> -> memref<25x80xi32, #tpu.memory_space<hbm>>
      tpu.enqueue_dma source(%dma_start3A_881 : memref<25x80xi32, #tpu.memory_space<hbm>>) target(%arg10 : memref<25x80xi32, #tpu.memory_space<vmem>>) target_semaphore(%run_scoped3A_873 : memref<!tpu.dma_semaphore, #tpu.memory_space<semaphore_mem>>)
      %dma_wait3A_882 = arith.constant 0 : i32
      %dma_wait3A_883 = arith.constant 0 : i32
      %dma_wait3A_884 = tpu.memref_slice %arg4[%add3A_562, %dma_wait3A_882, %dma_wait3A_883] : memref<160x25x80xi32, #tpu.memory_space<hbm>> -> memref<1x25x80xi32, #tpu.memory_space<hbm>>
      %dma_wait3A_885 = tpu.memref_squeeze %dma_wait3A_884 : memref<1x25x80xi32, #tpu.memory_space<hbm>> -> memref<25x80xi32, #tpu.memory_space<hbm>>
      %dma_wait3A_886 = arith.constant 0 : i32
      %dma_wait3A_887 = arith.constant 0 : i32
      %dma_wait3A_888 = tpu.memref_slice %arg4[%add3A_562, %dma_wait3A_886, %dma_wait3A_887] : memref<160x25x80xi32, #tpu.memory_space<hbm>> -> memref<1x25x80xi32, #tpu.memory_space<hbm>>
      %dma_wait3A_889 = tpu.memref_squeeze %dma_wait3A_888 : memref<1x25x80xi32, #tpu.memory_space<hbm>> -> memref<25x80xi32, #tpu.memory_space<hbm>>
      tpu.wait_dma2 semaphore(%run_scoped3A_873 : memref<!tpu.dma_semaphore, #tpu.memory_space<semaphore_mem>>) src(%dma_wait3A_889 : memref<25x80xi32, #tpu.memory_space<hbm>>) dst(%arg10 : memref<25x80xi32, #tpu.memory_space<vmem>>)
      tpu.yield
    }) : () -> ()
    %dma_start3A_563 = arith.constant 0 : i32
    %dma_start3A_564 = arith.constant 0 : i32
    %dma_start3A_565 = tpu.memref_slice %arg9[%dma_start3A_563, %dma_start3A_564] : memref<25x80xi32, #tpu.memory_space<vmem>> -> memref<1x80xi32, #tpu.memory_space<vmem>>
    %dma_start3A_566 = tpu.memref_squeeze %dma_start3A_565 : memref<1x80xi32, #tpu.memory_space<vmem>> -> memref<80xi32, #tpu.memory_space<vmem>>
    %dma_start3A_567 = arith.constant 0 : i32
    %dma_start3A_568 = arith.constant 0 : i32
    %dma_start3A_569 = tpu.memref_slice %arg2[%dma_start3A_567, %dma_start3A_568] : memref<10000x128xf32, #tpu.memory_space<hbm>> -> memref<10000x128xf32, #tpu.memory_space<hbm>>
    tpu.enqueue_indirect_dma source(%dma_start3A_569 : memref<10000x128xf32, #tpu.memory_space<hbm>>) target(%arg11 : memref<80x128xf32, #tpu.memory_space<vmem>>) offsets(%dma_start3A_566 : memref<80xi32, #tpu.memory_space<vmem>>) semaphore(%arg15 : memref<!tpu.dma_semaphore, #tpu.memory_space<semaphore_mem>>)
    %dma_start3A_570 = arith.constant 1 : i32
    %dma_start3A_571 = arith.constant 0 : i32
    %dma_start3A_572 = tpu.memref_slice %arg9[%dma_start3A_570, %dma_start3A_571] : memref<25x80xi32, #tpu.memory_space<vmem>> -> memref<1x80xi32, #tpu.memory_space<vmem>>
    %dma_start3A_573 = tpu.memref_squeeze %dma_start3A_572 : memref<1x80xi32, #tpu.memory_space<vmem>> -> memref<80xi32, #tpu.memory_space<vmem>>
    %dma_start3A_574 = arith.constant 0 : i32
    %dma_start3A_575 = arith.constant 0 : i32
    %dma_start3A_576 = tpu.memref_slice %arg2[%dma_start3A_574, %dma_start3A_575] : memref<10000x128xf32, #tpu.memory_space<hbm>> -> memref<10000x128xf32, #tpu.memory_space<hbm>>
    tpu.enqueue_indirect_dma source(%dma_start3A_576 : memref<10000x128xf32, #tpu.memory_space<hbm>>) target(%arg12 : memref<80x128xf32, #tpu.memory_space<vmem>>) offsets(%dma_start3A_573 : memref<80xi32, #tpu.memory_space<vmem>>) semaphore(%arg16 : memref<!tpu.dma_semaphore, #tpu.memory_space<semaphore_mem>>)
    %dma_start3A_577 = arith.constant 2 : i32
    %dma_start3A_578 = arith.constant 0 : i32
    %dma_start3A_579 = tpu.memref_slice %arg9[%dma_start3A_577, %dma_start3A_578] : memref<25x80xi32, #tpu.memory_space<vmem>> -> memref<1x80xi32, #tpu.memory_space<vmem>>
    %dma_start3A_580 = tpu.memref_squeeze %dma_start3A_579 : memref<1x80xi32, #tpu.memory_space<vmem>> -> memref<80xi32, #tpu.memory_space<vmem>>
    %dma_start3A_581 = arith.constant 0 : i32
    %dma_start3A_582 = arith.constant 0 : i32
    %dma_start3A_583 = tpu.memref_slice %arg2[%dma_start3A_581, %dma_start3A_582] : memref<10000x128xf32, #tpu.memory_space<hbm>> -> memref<10000x128xf32, #tpu.memory_space<hbm>>
    tpu.enqueue_indirect_dma source(%dma_start3A_583 : memref<10000x128xf32, #tpu.memory_space<hbm>>) target(%arg13 : memref<80x128xf32, #tpu.memory_space<vmem>>) offsets(%dma_start3A_580 : memref<80xi32, #tpu.memory_space<vmem>>) semaphore(%arg17 : memref<!tpu.dma_semaphore, #tpu.memory_space<semaphore_mem>>)
    %scan3A_584 = arith.constant 0 : i32
    %scan3A_585 = arith.constant 0 : i32
    %scan3A_586 = arith.constant 7 : i32
    %scan3A_587 = arith.addi %scan3A_585, %scan3A_586 : i32
    %scan3A_588 = arith.constant 1 : i32
    scf.for %scan3A_873 = %scan3A_585 to %scan3A_587 step %scan3A_588  : i32 {
      %mul3A_874 = arith.constant 3 : i32
      %mul3A_875 = arith.muli %mul3A_874, %scan3A_873 : i32
      %add3A_876 = arith.constant 0 : i32
      %add3A_877 = arith.addi %mul3A_875, %add3A_876 : i32
      %dma_wait3A_878 = arith.constant 0 : i32
      %dma_wait3A_879 = tpu.memref_slice %arg9[%add3A_877, %dma_wait3A_878] : memref<25x80xi32, #tpu.memory_space<vmem>> -> memref<1x80xi32, #tpu.memory_space<vmem>>
      %dma_wait3A_880 = tpu.memref_squeeze %dma_wait3A_879 : memref<1x80xi32, #tpu.memory_space<vmem>> -> memref<80xi32, #tpu.memory_space<vmem>>
      %dma_wait3A_881 = arith.constant 0 : i32
      %dma_wait3A_882 = arith.constant 0 : i32
      %dma_wait3A_883 = tpu.memref_slice %arg2[%dma_wait3A_881, %dma_wait3A_882] : memref<10000x128xf32, #tpu.memory_space<hbm>> -> memref<10000x128xf32, #tpu.memory_space<hbm>>
      tpu.wait_indirect_dma semaphore(%arg15 : memref<!tpu.dma_semaphore, #tpu.memory_space<semaphore_mem>>) src(%dma_wait3A_883 : memref<10000x128xf32, #tpu.memory_space<hbm>>) dst(%arg11 : memref<80x128xf32, #tpu.memory_space<vmem>>)
      %add3A_884 = arith.constant 0 : i32
      %add3A_885 = arith.addi %mul3A_875, %add3A_884 : i32
      "tpu.region"() ({
        %run_scoped3A_987 = tpu.sem_alloc : memref<!tpu.dma_semaphore, #tpu.memory_space<semaphore_mem>>
        %dma_start3A_988 = arith.constant 0 : i32
        %dma_start3A_989 = tpu.memref_slice %arg10[%add3A_885, %dma_start3A_988] : memref<25x80xi32, #tpu.memory_space<vmem>> -> memref<1x80xi32, #tpu.memory_space<vmem>>
        %dma_start3A_990 = tpu.memref_squeeze %dma_start3A_989 : memref<1x80xi32, #tpu.memory_space<vmem>> -> memref<80xi32, #tpu.memory_space<vmem>>
        %dma_start3A_991 = arith.constant 0 : i32
        %dma_start3A_992 = arith.constant 0 : i32
        %dma_start3A_993 = tpu.memref_slice %arg8[%dma_start3A_991, %dma_start3A_992] : memref<10240x128xf32, #tpu.memory_space<vmem_shared>> -> memref<10240x128xf32, #tpu.memory_space<vmem_shared>>
        tpu.enqueue_indirect_dma source(%arg11 : memref<80x128xf32, #tpu.memory_space<vmem>>) target(%dma_start3A_993 : memref<10240x128xf32, #tpu.memory_space<vmem_shared>>) offsets(%dma_start3A_990 : memref<80xi32, #tpu.memory_space<vmem>>) semaphore(%run_scoped3A_987 : memref<!tpu.dma_semaphore, #tpu.memory_space<semaphore_mem>>) {add = true}
        %dma_wait3A_994 = arith.constant 0 : i32
        %dma_wait3A_995 = tpu.memref_slice %arg10[%add3A_885, %dma_wait3A_994] : memref<25x80xi32, #tpu.memory_space<vmem>> -> memref<1x80xi32, #tpu.memory_space<vmem>>
        %dma_wait3A_996 = tpu.memref_squeeze %dma_wait3A_995 : memref<1x80xi32, #tpu.memory_space<vmem>> -> memref<80xi32, #tpu.memory_space<vmem>>
        %dma_wait3A_997 = arith.constant 0 : i32
        %dma_wait3A_998 = arith.constant 0 : i32
        %dma_wait3A_999 = tpu.memref_slice %arg8[%dma_wait3A_997, %dma_wait3A_998] : memref<10240x128xf32, #tpu.memory_space<vmem_shared>> -> memref<10240x128xf32, #tpu.memory_space<vmem_shared>>
        tpu.wait_indirect_dma semaphore(%run_scoped3A_987 : memref<!tpu.dma_semaphore, #tpu.memory_space<semaphore_mem>>) src(%arg11 : memref<80x128xf32, #tpu.memory_space<vmem>>) dst(%dma_wait3A_999 : memref<10240x128xf32, #tpu.memory_space<vmem_shared>>)
        tpu.yield
      }) : () -> ()
      %add3A_886 = arith.constant 3 : i32
      %add3A_887 = arith.addi %mul3A_875, %add3A_886 : i32
      %add3A_888 = arith.constant 0 : i32
      %add3A_889 = arith.addi %add3A_887, %add3A_888 : i32
      %dma_start3A_890 = arith.constant 0 : i32
      %dma_start3A_891 = tpu.memref_slice %arg9[%add3A_889, %dma_start3A_890] : memref<25x80xi32, #tpu.memory_space<vmem>> -> memref<1x80xi32, #tpu.memory_space<vmem>>
      %dma_start3A_892 = tpu.memref_squeeze %dma_start3A_891 : memref<1x80xi32, #tpu.memory_space<vmem>> -> memref<80xi32, #tpu.memory_space<vmem>>
      %dma_start3A_893 = arith.constant 0 : i32
      %dma_start3A_894 = arith.constant 0 : i32
      %dma_start3A_895 = tpu.memref_slice %arg2[%dma_start3A_893, %dma_start3A_894] : memref<10000x128xf32, #tpu.memory_space<hbm>> -> memref<10000x128xf32, #tpu.memory_space<hbm>>
      tpu.enqueue_indirect_dma source(%dma_start3A_895 : memref<10000x128xf32, #tpu.memory_space<hbm>>) target(%arg11 : memref<80x128xf32, #tpu.memory_space<vmem>>) offsets(%dma_start3A_892 : memref<80xi32, #tpu.memory_space<vmem>>) semaphore(%arg15 : memref<!tpu.dma_semaphore, #tpu.memory_space<semaphore_mem>>)
      %add3A_896 = arith.constant 0 : i32
      %add3A_897 = arith.addi %mul3A_875, %add3A_896 : i32
      %get3A_898 = arith.index_cast %add3A_897 : i32 to index
      %get3A_899 = arith.constant 0 : index
      %get3A_900 = tpu.vector_load %arg10[%get3A_898, %get3A_899] {strides = array<i32>} : memref<25x80xi32, #tpu.memory_space<vmem>>, vector<16xi32>,
      tpu.vector_store_idx %arg14[%get3A_900], %broadcast_in_dim3A_3 {add = true} : memref<10240xf32, #tpu.memory_space<vmem>>[vector<16xi32>], vector<16xf32>,
      %get3A_901 = arith.index_cast %add3A_897 : i32 to index
      %get3A_902 = arith.constant 16 : index
      %get3A_903 = tpu.vector_load %arg10[%get3A_901, %get3A_902] {strides = array<i32>} : memref<25x80xi32, #tpu.memory_space<vmem>>, vector<16xi32>,
      tpu.vector_store_idx %arg14[%get3A_903], %broadcast_in_dim3A_3 {add = true} : memref<10240xf32, #tpu.memory_space<vmem>>[vector<16xi32>], vector<16xf32>,
      %get3A_904 = arith.index_cast %add3A_897 : i32 to index
      %get3A_905 = arith.constant 32 : index
      %get3A_906 = tpu.vector_load %arg10[%get3A_904, %get3A_905] {strides = array<i32>} : memref<25x80xi32, #tpu.memory_space<vmem>>, vector<16xi32>,
      tpu.vector_store_idx %arg14[%get3A_906], %broadcast_in_dim3A_3 {add = true} : memref<10240xf32, #tpu.memory_space<vmem>>[vector<16xi32>], vector<16xf32>,
      %get3A_907 = arith.index_cast %add3A_897 : i32 to index
      %get3A_908 = arith.constant 48 : index
      %get3A_909 = tpu.vector_load %arg10[%get3A_907, %get3A_908] {strides = array<i32>} : memref<25x80xi32, #tpu.memory_space<vmem>>, vector<16xi32>,
      tpu.vector_store_idx %arg14[%get3A_909], %broadcast_in_dim3A_3 {add = true} : memref<10240xf32, #tpu.memory_space<vmem>>[vector<16xi32>], vector<16xf32>,
      %get3A_910 = arith.index_cast %add3A_897 : i32 to index
      %get3A_911 = arith.constant 64 : index
      %get3A_912 = tpu.vector_load %arg10[%get3A_910, %get3A_911] {strides = array<i32>} : memref<25x80xi32, #tpu.memory_space<vmem>>, vector<16xi32>,
      tpu.vector_store_idx %arg14[%get3A_912], %broadcast_in_dim3A_3 {add = true} : memref<10240xf32, #tpu.memory_space<vmem>>[vector<16xi32>], vector<16xf32>,
      %add3A_913 = arith.constant 1 : i32
      %add3A_914 = arith.addi %mul3A_875, %add3A_913 : i32
      %dma_wait3A_915 = arith.constant 0 : i32
      %dma_wait3A_916 = tpu.memref_slice %arg9[%add3A_914, %dma_wait3A_915] : memref<25x80xi32, #tpu.memory_space<vmem>> -> memref<1x80xi32, #tpu.memory_space<vmem>>
      %dma_wait3A_917 = tpu.memref_squeeze %dma_wait3A_916 : memref<1x80xi32, #tpu.memory_space<vmem>> -> memref<80xi32, #tpu.memory_space<vmem>>
      %dma_wait3A_918 = arith.constant 0 : i32
      %dma_wait3A_919 = arith.constant 0 : i32
      %dma_wait3A_920 = tpu.memref_slice %arg2[%dma_wait3A_918, %dma_wait3A_919] : memref<10000x128xf32, #tpu.memory_space<hbm>> -> memref<10000x128xf32, #tpu.memory_space<hbm>>
      tpu.wait_indirect_dma semaphore(%arg16 : memref<!tpu.dma_semaphore, #tpu.memory_space<semaphore_mem>>) src(%dma_wait3A_920 : memref<10000x128xf32, #tpu.memory_space<hbm>>) dst(%arg12 : memref<80x128xf32, #tpu.memory_space<vmem>>)
      %add3A_921 = arith.constant 1 : i32
      %add3A_922 = arith.addi %mul3A_875, %add3A_921 : i32
      "tpu.region"() ({
        %run_scoped3A_987 = tpu.sem_alloc : memref<!tpu.dma_semaphore, #tpu.memory_space<semaphore_mem>>
        %dma_start3A_988 = arith.constant 0 : i32
        %dma_start3A_989 = tpu.memref_slice %arg10[%add3A_922, %dma_start3A_988] : memref<25x80xi32, #tpu.memory_space<vmem>> -> memref<1x80xi32, #tpu.memory_space<vmem>>
        %dma_start3A_990 = tpu.memref_squeeze %dma_start3A_989 : memref<1x80xi32, #tpu.memory_space<vmem>> -> memref<80xi32, #tpu.memory_space<vmem>>
        %dma_start3A_991 = arith.constant 0 : i32
        %dma_start3A_992 = arith.constant 0 : i32
        %dma_start3A_993 = tpu.memref_slice %arg8[%dma_start3A_991, %dma_start3A_992] : memref<10240x128xf32, #tpu.memory_space<vmem_shared>> -> memref<10240x128xf32, #tpu.memory_space<vmem_shared>>
        tpu.enqueue_indirect_dma source(%arg12 : memref<80x128xf32, #tpu.memory_space<vmem>>) target(%dma_start3A_993 : memref<10240x128xf32, #tpu.memory_space<vmem_shared>>) offsets(%dma_start3A_990 : memref<80xi32, #tpu.memory_space<vmem>>) semaphore(%run_scoped3A_987 : memref<!tpu.dma_semaphore, #tpu.memory_space<semaphore_mem>>) {add = true}
        %dma_wait3A_994 = arith.constant 0 : i32
        %dma_wait3A_995 = tpu.memref_slice %arg10[%add3A_922, %dma_wait3A_994] : memref<25x80xi32, #tpu.memory_space<vmem>> -> memref<1x80xi32, #tpu.memory_space<vmem>>
        %dma_wait3A_996 = tpu.memref_squeeze %dma_wait3A_995 : memref<1x80xi32, #tpu.memory_space<vmem>> -> memref<80xi32, #tpu.memory_space<vmem>>
        %dma_wait3A_997 = arith.constant 0 : i32
        %dma_wait3A_998 = arith.constant 0 : i32
        %dma_wait3A_999 = tpu.memref_slice %arg8[%dma_wait3A_997, %dma_wait3A_998] : memref<10240x128xf32, #tpu.memory_space<vmem_shared>> -> memref<10240x128xf32, #tpu.memory_space<vmem_shared>>
        tpu.wait_indirect_dma semaphore(%run_scoped3A_987 : memref<!tpu.dma_semaphore, #tpu.memory_space<semaphore_mem>>) src(%arg12 : memref<80x128xf32, #tpu.memory_space<vmem>>) dst(%dma_wait3A_999 : memref<10240x128xf32, #tpu.memory_space<vmem_shared>>)
        tpu.yield
      }) : () -> ()
      %add3A_923 = arith.constant 3 : i32
      %add3A_924 = arith.addi %mul3A_875, %add3A_923 : i32
      %add3A_925 = arith.constant 1 : i32
      %add3A_926 = arith.addi %add3A_924, %add3A_925 : i32
      %dma_start3A_927 = arith.constant 0 : i32
      %dma_start3A_928 = tpu.memref_slice %arg9[%add3A_926, %dma_start3A_927] : memref<25x80xi32, #tpu.memory_space<vmem>> -> memref<1x80xi32, #tpu.memory_space<vmem>>
      %dma_start3A_929 = tpu.memref_squeeze %dma_start3A_928 : memref<1x80xi32, #tpu.memory_space<vmem>> -> memref<80xi32, #tpu.memory_space<vmem>>
      %dma_start3A_930 = arith.constant 0 : i32
      %dma_start3A_931 = arith.constant 0 : i32
      %dma_start3A_932 = tpu.memref_slice %arg2[%dma_start3A_930, %dma_start3A_931] : memref<10000x128xf32, #tpu.memory_space<hbm>> -> memref<10000x128xf32, #tpu.memory_space<hbm>>
      tpu.enqueue_indirect_dma source(%dma_start3A_932 : memref<10000x128xf32, #tpu.memory_space<hbm>>) target(%arg12 : memref<80x128xf32, #tpu.memory_space<vmem>>) offsets(%dma_start3A_929 : memref<80xi32, #tpu.memory_space<vmem>>) semaphore(%arg16 : memref<!tpu.dma_semaphore, #tpu.memory_space<semaphore_mem>>)
      %add3A_933 = arith.constant 1 : i32
      %add3A_934 = arith.addi %mul3A_875, %add3A_933 : i32
      %get3A_935 = arith.index_cast %add3A_934 : i32 to index
      %get3A_936 = arith.constant 0 : index
      %get3A_937 = tpu.vector_load %arg10[%get3A_935, %get3A_936] {strides = array<i32>} : memref<25x80xi32, #tpu.memory_space<vmem>>, vector<16xi32>,
      tpu.vector_store_idx %arg14[%get3A_937], %broadcast_in_dim3A_3 {add = true} : memref<10240xf32, #tpu.memory_space<vmem>>[vector<16xi32>], vector<16xf32>,
      %get3A_938 = arith.index_cast %add3A_934 : i32 to index
      %get3A_939 = arith.constant 16 : index
      %get3A_940 = tpu.vector_load %arg10[%get3A_938, %get3A_939] {strides = array<i32>} : memref<25x80xi32, #tpu.memory_space<vmem>>, vector<16xi32>,
      tpu.vector_store_idx %arg14[%get3A_940], %broadcast_in_dim3A_3 {add = true} : memref<10240xf32, #tpu.memory_space<vmem>>[vector<16xi32>], vector<16xf32>,
      %get3A_941 = arith.index_cast %add3A_934 : i32 to index
      %get3A_942 = arith.constant 32 : index
      %get3A_943 = tpu.vector_load %arg10[%get3A_941, %get3A_942] {strides = array<i32>} : memref<25x80xi32, #tpu.memory_space<vmem>>, vector<16xi32>,
      tpu.vector_store_idx %arg14[%get3A_943], %broadcast_in_dim3A_3 {add = true} : memref<10240xf32, #tpu.memory_space<vmem>>[vector<16xi32>], vector<16xf32>,
      %get3A_944 = arith.index_cast %add3A_934 : i32 to index
      %get3A_945 = arith.constant 48 : index
      %get3A_946 = tpu.vector_load %arg10[%get3A_944, %get3A_945] {strides = array<i32>} : memref<25x80xi32, #tpu.memory_space<vmem>>, vector<16xi32>,
      tpu.vector_store_idx %arg14[%get3A_946], %broadcast_in_dim3A_3 {add = true} : memref<10240xf32, #tpu.memory_space<vmem>>[vector<16xi32>], vector<16xf32>,
      %get3A_947 = arith.index_cast %add3A_934 : i32 to index
      %get3A_948 = arith.constant 64 : index
      %get3A_949 = tpu.vector_load %arg10[%get3A_947, %get3A_948] {strides = array<i32>} : memref<25x80xi32, #tpu.memory_space<vmem>>, vector<16xi32>,
      tpu.vector_store_idx %arg14[%get3A_949], %broadcast_in_dim3A_3 {add = true} : memref<10240xf32, #tpu.memory_space<vmem>>[vector<16xi32>], vector<16xf32>,
      %add3A_950 = arith.constant 2 : i32
      %add3A_951 = arith.addi %mul3A_875, %add3A_950 : i32
      %dma_wait3A_952 = arith.constant 0 : i32
      %dma_wait3A_953 = tpu.memref_slice %arg9[%add3A_951, %dma_wait3A_952] : memref<25x80xi32, #tpu.memory_space<vmem>> -> memref<1x80xi32, #tpu.memory_space<vmem>>
      %dma_wait3A_954 = tpu.memref_squeeze %dma_wait3A_953 : memref<1x80xi32, #tpu.memory_space<vmem>> -> memref<80xi32, #tpu.memory_space<vmem>>
      %dma_wait3A_955 = arith.constant 0 : i32
      %dma_wait3A_956 = arith.constant 0 : i32
      %dma_wait3A_957 = tpu.memref_slice %arg2[%dma_wait3A_955, %dma_wait3A_956] : memref<10000x128xf32, #tpu.memory_space<hbm>> -> memref<10000x128xf32, #tpu.memory_space<hbm>>
      tpu.wait_indirect_dma semaphore(%arg17 : memref<!tpu.dma_semaphore, #tpu.memory_space<semaphore_mem>>) src(%dma_wait3A_957 : memref<10000x128xf32, #tpu.memory_space<hbm>>) dst(%arg13 : memref<80x128xf32, #tpu.memory_space<vmem>>)
      %add3A_958 = arith.constant 2 : i32
      %add3A_959 = arith.addi %mul3A_875, %add3A_958 : i32
      "tpu.region"() ({
        %run_scoped3A_987 = tpu.sem_alloc : memref<!tpu.dma_semaphore, #tpu.memory_space<semaphore_mem>>
        %dma_start3A_988 = arith.constant 0 : i32
        %dma_start3A_989 = tpu.memref_slice %arg10[%add3A_959, %dma_start3A_988] : memref<25x80xi32, #tpu.memory_space<vmem>> -> memref<1x80xi32, #tpu.memory_space<vmem>>
        %dma_start3A_990 = tpu.memref_squeeze %dma_start3A_989 : memref<1x80xi32, #tpu.memory_space<vmem>> -> memref<80xi32, #tpu.memory_space<vmem>>
        %dma_start3A_991 = arith.constant 0 : i32
        %dma_start3A_992 = arith.constant 0 : i32
        %dma_start3A_993 = tpu.memref_slice %arg8[%dma_start3A_991, %dma_start3A_992] : memref<10240x128xf32, #tpu.memory_space<vmem_shared>> -> memref<10240x128xf32, #tpu.memory_space<vmem_shared>>
        tpu.enqueue_indirect_dma source(%arg13 : memref<80x128xf32, #tpu.memory_space<vmem>>) target(%dma_start3A_993 : memref<10240x128xf32, #tpu.memory_space<vmem_shared>>) offsets(%dma_start3A_990 : memref<80xi32, #tpu.memory_space<vmem>>) semaphore(%run_scoped3A_987 : memref<!tpu.dma_semaphore, #tpu.memory_space<semaphore_mem>>) {add = true}
        %dma_wait3A_994 = arith.constant 0 : i32
        %dma_wait3A_995 = tpu.memref_slice %arg10[%add3A_959, %dma_wait3A_994] : memref<25x80xi32, #tpu.memory_space<vmem>> -> memref<1x80xi32, #tpu.memory_space<vmem>>
        %dma_wait3A_996 = tpu.memref_squeeze %dma_wait3A_995 : memref<1x80xi32, #tpu.memory_space<vmem>> -> memref<80xi32, #tpu.memory_space<vmem>>
        %dma_wait3A_997 = arith.constant 0 : i32
        %dma_wait3A_998 = arith.constant 0 : i32
        %dma_wait3A_999 = tpu.memref_slice %arg8[%dma_wait3A_997, %dma_wait3A_998] : memref<10240x128xf32, #tpu.memory_space<vmem_shared>> -> memref<10240x128xf32, #tpu.memory_space<vmem_shared>>
        tpu.wait_indirect_dma semaphore(%run_scoped3A_987 : memref<!tpu.dma_semaphore, #tpu.memory_space<semaphore_mem>>) src(%arg13 : memref<80x128xf32, #tpu.memory_space<vmem>>) dst(%dma_wait3A_999 : memref<10240x128xf32, #tpu.memory_space<vmem_shared>>)
        tpu.yield
      }) : () -> ()
      %add3A_960 = arith.constant 3 : i32
      %add3A_961 = arith.addi %mul3A_875, %add3A_960 : i32
      %add3A_962 = arith.constant 2 : i32
      %add3A_963 = arith.addi %add3A_961, %add3A_962 : i32
      %dma_start3A_964 = arith.constant 0 : i32
      %dma_start3A_965 = tpu.memref_slice %arg9[%add3A_963, %dma_start3A_964] : memref<25x80xi32, #tpu.memory_space<vmem>> -> memref<1x80xi32, #tpu.memory_space<vmem>>
      %dma_start3A_966 = tpu.memref_squeeze %dma_start3A_965 : memref<1x80xi32, #tpu.memory_space<vmem>> -> memref<80xi32, #tpu.memory_space<vmem>>
      %dma_start3A_967 = arith.constant 0 : i32
      %dma_start3A_968 = arith.constant 0 : i32
      %dma_start3A_969 = tpu.memref_slice %arg2[%dma_start3A_967, %dma_start3A_968] : memref<10000x128xf32, #tpu.memory_space<hbm>> -> memref<10000x128xf32, #tpu.memory_space<hbm>>
      tpu.enqueue_indirect_dma source(%dma_start3A_969 : memref<10000x128xf32, #tpu.memory_space<hbm>>) target(%arg13 : memref<80x128xf32, #tpu.memory_space<vmem>>) offsets(%dma_start3A_966 : memref<80xi32, #tpu.memory_space<vmem>>) semaphore(%arg17 : memref<!tpu.dma_semaphore, #tpu.memory_space<semaphore_mem>>)
      %add3A_970 = arith.constant 2 : i32
      %add3A_971 = arith.addi %mul3A_875, %add3A_970 : i32
      %get3A_972 = arith.index_cast %add3A_971 : i32 to index
      %get3A_973 = arith.constant 0 : index
      %get3A_974 = tpu.vector_load %arg10[%get3A_972, %get3A_973] {strides = array<i32>} : memref<25x80xi32, #tpu.memory_space<vmem>>, vector<16xi32>,
      tpu.vector_store_idx %arg14[%get3A_974], %broadcast_in_dim3A_3 {add = true} : memref<10240xf32, #tpu.memory_space<vmem>>[vector<16xi32>], vector<16xf32>,
      %get3A_975 = arith.index_cast %add3A_971 : i32 to index
      %get3A_976 = arith.constant 16 : index
      %get3A_977 = tpu.vector_load %arg10[%get3A_975, %get3A_976] {strides = array<i32>} : memref<25x80xi32, #tpu.memory_space<vmem>>, vector<16xi32>,
      tpu.vector_store_idx %arg14[%get3A_977], %broadcast_in_dim3A_3 {add = true} : memref<10240xf32, #tpu.memory_space<vmem>>[vector<16xi32>], vector<16xf32>,
      %get3A_978 = arith.index_cast %add3A_971 : i32 to index
      %get3A_979 = arith.constant 32 : index
      %get3A_980 = tpu.vector_load %arg10[%get3A_978, %get3A_979] {strides = array<i32>} : memref<25x80xi32, #tpu.memory_space<vmem>>, vector<16xi32>,
      tpu.vector_store_idx %arg14[%get3A_980], %broadcast_in_dim3A_3 {add = true} : memref<10240xf32, #tpu.memory_space<vmem>>[vector<16xi32>], vector<16xf32>,
      %get3A_981 = arith.index_cast %add3A_971 : i32 to index
      %get3A_982 = arith.constant 48 : index
      %get3A_983 = tpu.vector_load %arg10[%get3A_981, %get3A_982] {strides = array<i32>} : memref<25x80xi32, #tpu.memory_space<vmem>>, vector<16xi32>,
      tpu.vector_store_idx %arg14[%get3A_983], %broadcast_in_dim3A_3 {add = true} : memref<10240xf32, #tpu.memory_space<vmem>>[vector<16xi32>], vector<16xf32>,
      %get3A_984 = arith.index_cast %add3A_971 : i32 to index
      %get3A_985 = arith.constant 64 : index
      %get3A_986 = tpu.vector_load %arg10[%get3A_984, %get3A_985] {strides = array<i32>} : memref<25x80xi32, #tpu.memory_space<vmem>>, vector<16xi32>,
      tpu.vector_store_idx %arg14[%get3A_986], %broadcast_in_dim3A_3 {add = true} : memref<10240xf32, #tpu.memory_space<vmem>>[vector<16xi32>], vector<16xf32>,
    }
    %scan3A_589 = arith.constant 7 : i32
    %dma_wait3A_590 = arith.constant 21 : i32
    %dma_wait3A_591 = arith.constant 0 : i32
    %dma_wait3A_592 = tpu.memref_slice %arg9[%dma_wait3A_590, %dma_wait3A_591] : memref<25x80xi32, #tpu.memory_space<vmem>> -> memref<1x80xi32, #tpu.memory_space<vmem>>
    %dma_wait3A_593 = tpu.memref_squeeze %dma_wait3A_592 : memref<1x80xi32, #tpu.memory_space<vmem>> -> memref<80xi32, #tpu.memory_space<vmem>>
    %dma_wait3A_594 = arith.constant 0 : i32
    %dma_wait3A_595 = arith.constant 0 : i32
    %dma_wait3A_596 = tpu.memref_slice %arg2[%dma_wait3A_594, %dma_wait3A_595] : memref<10000x128xf32, #tpu.memory_space<hbm>> -> memref<10000x128xf32, #tpu.memory_space<hbm>>
    tpu.wait_indirect_dma semaphore(%arg15 : memref<!tpu.dma_semaphore, #tpu.memory_space<semaphore_mem>>) src(%dma_wait3A_596 : memref<10000x128xf32, #tpu.memory_space<hbm>>) dst(%arg11 : memref<80x128xf32, #tpu.memory_space<vmem>>)
    %run_scoped3A_597 = arith.constant 21 : i32
    "tpu.region"() ({
      %run_scoped3A_873 = tpu.sem_alloc : memref<!tpu.dma_semaphore, #tpu.memory_space<semaphore_mem>>
      %dma_start3A_874 = arith.constant 0 : i32
      %dma_start3A_875 = tpu.memref_slice %arg10[%run_scoped3A_597, %dma_start3A_874] : memref<25x80xi32, #tpu.memory_space<vmem>> -> memref<1x80xi32, #tpu.memory_space<vmem>>
      %dma_start3A_876 = tpu.memref_squeeze %dma_start3A_875 : memref<1x80xi32, #tpu.memory_space<vmem>> -> memref<80xi32, #tpu.memory_space<vmem>>
      %dma_start3A_877 = arith.constant 0 : i32
      %dma_start3A_878 = arith.constant 0 : i32
      %dma_start3A_879 = tpu.memref_slice %arg8[%dma_start3A_877, %dma_start3A_878] : memref<10240x128xf32, #tpu.memory_space<vmem_shared>> -> memref<10240x128xf32, #tpu.memory_space<vmem_shared>>
      tpu.enqueue_indirect_dma source(%arg11 : memref<80x128xf32, #tpu.memory_space<vmem>>) target(%dma_start3A_879 : memref<10240x128xf32, #tpu.memory_space<vmem_shared>>) offsets(%dma_start3A_876 : memref<80xi32, #tpu.memory_space<vmem>>) semaphore(%run_scoped3A_873 : memref<!tpu.dma_semaphore, #tpu.memory_space<semaphore_mem>>) {add = true}
      %dma_wait3A_880 = arith.constant 0 : i32
      %dma_wait3A_881 = tpu.memref_slice %arg10[%run_scoped3A_597, %dma_wait3A_880] : memref<25x80xi32, #tpu.memory_space<vmem>> -> memref<1x80xi32, #tpu.memory_space<vmem>>
      %dma_wait3A_882 = tpu.memref_squeeze %dma_wait3A_881 : memref<1x80xi32, #tpu.memory_space<vmem>> -> memref<80xi32, #tpu.memory_space<vmem>>
      %dma_wait3A_883 = arith.constant 0 : i32
      %dma_wait3A_884 = arith.constant 0 : i32
      %dma_wait3A_885 = tpu.memref_slice %arg8[%dma_wait3A_883, %dma_wait3A_884] : memref<10240x128xf32, #tpu.memory_space<vmem_shared>> -> memref<10240x128xf32, #tpu.memory_space<vmem_shared>>
      tpu.wait_indirect_dma semaphore(%run_scoped3A_873 : memref<!tpu.dma_semaphore, #tpu.memory_space<semaphore_mem>>) src(%arg11 : memref<80x128xf32, #tpu.memory_space<vmem>>) dst(%dma_wait3A_885 : memref<10240x128xf32, #tpu.memory_space<vmem_shared>>)
      tpu.yield
    }) : () -> ()
    %dma_start3A_598 = arith.constant 24 : i32
    %dma_start3A_599 = arith.constant 0 : i32
    %dma_start3A_600 = tpu.memref_slice %arg9[%dma_start3A_598, %dma_start3A_599] : memref<25x80xi32, #tpu.memory_space<vmem>> -> memref<1x80xi32, #tpu.memory_space<vmem>>
    %dma_start3A_601 = tpu.memref_squeeze %dma_start3A_600 : memref<1x80xi32, #tpu.memory_space<vmem>> -> memref<80xi32, #tpu.memory_space<vmem>>
    %dma_start3A_602 = arith.constant 0 : i32
    %dma_start3A_603 = arith.constant 0 : i32
    %dma_start3A_604 = tpu.memref_slice %arg2[%dma_start3A_602, %dma_start3A_603] : memref<10000x128xf32, #tpu.memory_space<hbm>> -> memref<10000x128xf32, #tpu.memory_space<hbm>>
    tpu.enqueue_indirect_dma source(%dma_start3A_604 : memref<10000x128xf32, #tpu.memory_space<hbm>>) target(%arg11 : memref<80x128xf32, #tpu.memory_space<vmem>>) offsets(%dma_start3A_601 : memref<80xi32, #tpu.memory_space<vmem>>) semaphore(%arg15 : memref<!tpu.dma_semaphore, #tpu.memory_space<semaphore_mem>>)
    %get3A_605 = arith.constant 21 : i32
    %get3A_606 = arith.index_cast %get3A_605 : i32 to index
    %get3A_607 = arith.constant 0 : index
    %get3A_608 = tpu.vector_load %arg10[%get3A_606, %get3A_607] {strides = array<i32>} : memref<25x80xi32, #tpu.memory_space<vmem>>, vector<16xi32>,
    tpu.vector_store_idx %arg14[%get3A_608], %broadcast_in_dim3A_3 {add = true} : memref<10240xf32, #tpu.memory_space<vmem>>[vector<16xi32>], vector<16xf32>,
    %get3A_609 = arith.constant 21 : i32
    %get3A_610 = arith.index_cast %get3A_609 : i32 to index
    %get3A_611 = arith.constant 16 : index
    %get3A_612 = tpu.vector_load %arg10[%get3A_610, %get3A_611] {strides = array<i32>} : memref<25x80xi32, #tpu.memory_space<vmem>>, vector<16xi32>,
    tpu.vector_store_idx %arg14[%get3A_612], %broadcast_in_dim3A_3 {add = true} : memref<10240xf32, #tpu.memory_space<vmem>>[vector<16xi32>], vector<16xf32>,
    %get3A_613 = arith.constant 21 : i32
    %get3A_614 = arith.index_cast %get3A_613 : i32 to index
    %get3A_615 = arith.constant 32 : index
    %get3A_616 = tpu.vector_load %arg10[%get3A_614, %get3A_615] {strides = array<i32>} : memref<25x80xi32, #tpu.memory_space<vmem>>, vector<16xi32>,
    tpu.vector_store_idx %arg14[%get3A_616], %broadcast_in_dim3A_3 {add = true} : memref<10240xf32, #tpu.memory_space<vmem>>[vector<16xi32>], vector<16xf32>,
    %get3A_617 = arith.constant 21 : i32
    %get3A_618 = arith.index_cast %get3A_617 : i32 to index
    %get3A_619 = arith.constant 48 : index
    %get3A_620 = tpu.vector_load %arg10[%get3A_618, %get3A_619] {strides = array<i32>} : memref<25x80xi32, #tpu.memory_space<vmem>>, vector<16xi32>,
    tpu.vector_store_idx %arg14[%get3A_620], %broadcast_in_dim3A_3 {add = true} : memref<10240xf32, #tpu.memory_space<vmem>>[vector<16xi32>], vector<16xf32>,
    %get3A_621 = arith.constant 21 : i32
    %get3A_622 = arith.index_cast %get3A_621 : i32 to index
    %get3A_623 = arith.constant 64 : index
    %get3A_624 = tpu.vector_load %arg10[%get3A_622, %get3A_623] {strides = array<i32>} : memref<25x80xi32, #tpu.memory_space<vmem>>, vector<16xi32>,
    tpu.vector_store_idx %arg14[%get3A_624], %broadcast_in_dim3A_3 {add = true} : memref<10240xf32, #tpu.memory_space<vmem>>[vector<16xi32>], vector<16xf32>,
    %dma_wait3A_625 = arith.constant 22 : i32
    %dma_wait3A_626 = arith.constant 0 : i32
    %dma_wait3A_627 = tpu.memref_slice %arg9[%dma_wait3A_625, %dma_wait3A_626] : memref<25x80xi32, #tpu.memory_space<vmem>> -> memref<1x80xi32, #tpu.memory_space<vmem>>
    %dma_wait3A_628 = tpu.memref_squeeze %dma_wait3A_627 : memref<1x80xi32, #tpu.memory_space<vmem>> -> memref<80xi32, #tpu.memory_space<vmem>>
    %dma_wait3A_629 = arith.constant 0 : i32
    %dma_wait3A_630 = arith.constant 0 : i32
    %dma_wait3A_631 = tpu.memref_slice %arg2[%dma_wait3A_629, %dma_wait3A_630] : memref<10000x128xf32, #tpu.memory_space<hbm>> -> memref<10000x128xf32, #tpu.memory_space<hbm>>
    tpu.wait_indirect_dma semaphore(%arg16 : memref<!tpu.dma_semaphore, #tpu.memory_space<semaphore_mem>>) src(%dma_wait3A_631 : memref<10000x128xf32, #tpu.memory_space<hbm>>) dst(%arg12 : memref<80x128xf32, #tpu.memory_space<vmem>>)
    %run_scoped3A_632 = arith.constant 22 : i32
    "tpu.region"() ({
      %run_scoped3A_873 = tpu.sem_alloc : memref<!tpu.dma_semaphore, #tpu.memory_space<semaphore_mem>>
      %dma_start3A_874 = arith.constant 0 : i32
      %dma_start3A_875 = tpu.memref_slice %arg10[%run_scoped3A_632, %dma_start3A_874] : memref<25x80xi32, #tpu.memory_space<vmem>> -> memref<1x80xi32, #tpu.memory_space<vmem>>
      %dma_start3A_876 = tpu.memref_squeeze %dma_start3A_875 : memref<1x80xi32, #tpu.memory_space<vmem>> -> memref<80xi32, #tpu.memory_space<vmem>>
      %dma_start3A_877 = arith.constant 0 : i32
      %dma_start3A_878 = arith.constant 0 : i32
      %dma_start3A_879 = tpu.memref_slice %arg8[%dma_start3A_877, %dma_start3A_878] : memref<10240x128xf32, #tpu.memory_space<vmem_shared>> -> memref<10240x128xf32, #tpu.memory_space<vmem_shared>>
      tpu.enqueue_indirect_dma source(%arg12 : memref<80x128xf32, #tpu.memory_space<vmem>>) target(%dma_start3A_879 : memref<10240x128xf32, #tpu.memory_space<vmem_shared>>) offsets(%dma_start3A_876 : memref<80xi32, #tpu.memory_space<vmem>>) semaphore(%run_scoped3A_873 : memref<!tpu.dma_semaphore, #tpu.memory_space<semaphore_mem>>) {add = true}
      %dma_wait3A_880 = arith.constant 0 : i32
      %dma_wait3A_881 = tpu.memref_slice %arg10[%run_scoped3A_632, %dma_wait3A_880] : memref<25x80xi32, #tpu.memory_space<vmem>> -> memref<1x80xi32, #tpu.memory_space<vmem>>
      %dma_wait3A_882 = tpu.memref_squeeze %dma_wait3A_881 : memref<1x80xi32, #tpu.memory_space<vmem>> -> memref<80xi32, #tpu.memory_space<vmem>>
      %dma_wait3A_883 = arith.constant 0 : i32
      %dma_wait3A_884 = arith.constant 0 : i32
      %dma_wait3A_885 = tpu.memref_slice %arg8[%dma_wait3A_883, %dma_wait3A_884] : memref<10240x128xf32, #tpu.memory_space<vmem_shared>> -> memref<10240x128xf32, #tpu.memory_space<vmem_shared>>
      tpu.wait_indirect_dma semaphore(%run_scoped3A_873 : memref<!tpu.dma_semaphore, #tpu.memory_space<semaphore_mem>>) src(%arg12 : memref<80x128xf32, #tpu.memory_space<vmem>>) dst(%dma_wait3A_885 : memref<10240x128xf32, #tpu.memory_space<vmem_shared>>)
      tpu.yield
    }) : () -> ()
    %get3A_633 = arith.constant 22 : i32
    %get3A_634 = arith.index_cast %get3A_633 : i32 to index
    %get3A_635 = arith.constant 0 : index
    %get3A_636 = tpu.vector_load %arg10[%get3A_634, %get3A_635] {strides = array<i32>} : memref<25x80xi32, #tpu.memory_space<vmem>>, vector<16xi32>,
    tpu.vector_store_idx %arg14[%get3A_636], %broadcast_in_dim3A_3 {add = true} : memref<10240xf32, #tpu.memory_space<vmem>>[vector<16xi32>], vector<16xf32>,
    %get3A_637 = arith.constant 22 : i32
    %get3A_638 = arith.index_cast %get3A_637 : i32 to index
    %get3A_639 = arith.constant 16 : index
    %get3A_640 = tpu.vector_load %arg10[%get3A_638, %get3A_639] {strides = array<i32>} : memref<25x80xi32, #tpu.memory_space<vmem>>, vector<16xi32>,
    tpu.vector_store_idx %arg14[%get3A_640], %broadcast_in_dim3A_3 {add = true} : memref<10240xf32, #tpu.memory_space<vmem>>[vector<16xi32>], vector<16xf32>,
    %get3A_641 = arith.constant 22 : i32
    %get3A_642 = arith.index_cast %get3A_641 : i32 to index
    %get3A_643 = arith.constant 32 : index
    %get3A_644 = tpu.vector_load %arg10[%get3A_642, %get3A_643] {strides = array<i32>} : memref<25x80xi32, #tpu.memory_space<vmem>>, vector<16xi32>,
    tpu.vector_store_idx %arg14[%get3A_644], %broadcast_in_dim3A_3 {add = true} : memref<10240xf32, #tpu.memory_space<vmem>>[vector<16xi32>], vector<16xf32>,
    %get3A_645 = arith.constant 22 : i32
    %get3A_646 = arith.index_cast %get3A_645 : i32 to index
    %get3A_647 = arith.constant 48 : index
    %get3A_648 = tpu.vector_load %arg10[%get3A_646, %get3A_647] {strides = array<i32>} : memref<25x80xi32, #tpu.memory_space<vmem>>, vector<16xi32>,
    tpu.vector_store_idx %arg14[%get3A_648], %broadcast_in_dim3A_3 {add = true} : memref<10240xf32, #tpu.memory_space<vmem>>[vector<16xi32>], vector<16xf32>,
    %get3A_649 = arith.constant 22 : i32
    %get3A_650 = arith.index_cast %get3A_649 : i32 to index
    %get3A_651 = arith.constant 64 : index
    %get3A_652 = tpu.vector_load %arg10[%get3A_650, %get3A_651] {strides = array<i32>} : memref<25x80xi32, #tpu.memory_space<vmem>>, vector<16xi32>,
    tpu.vector_store_idx %arg14[%get3A_652], %broadcast_in_dim3A_3 {add = true} : memref<10240xf32, #tpu.memory_space<vmem>>[vector<16xi32>], vector<16xf32>,
    %dma_wait3A_653 = arith.constant 23 : i32
    %dma_wait3A_654 = arith.constant 0 : i32
    %dma_wait3A_655 = tpu.memref_slice %arg9[%dma_wait3A_653, %dma_wait3A_654] : memref<25x80xi32, #tpu.memory_space<vmem>> -> memref<1x80xi32, #tpu.memory_space<vmem>>
    %dma_wait3A_656 = tpu.memref_squeeze %dma_wait3A_655 : memref<1x80xi32, #tpu.memory_space<vmem>> -> memref<80xi32, #tpu.memory_space<vmem>>
    %dma_wait3A_657 = arith.constant 0 : i32
    %dma_wait3A_658 = arith.constant 0 : i32
    %dma_wait3A_659 = tpu.memref_slice %arg2[%dma_wait3A_657, %dma_wait3A_658] : memref<10000x128xf32, #tpu.memory_space<hbm>> -> memref<10000x128xf32, #tpu.memory_space<hbm>>
    tpu.wait_indirect_dma semaphore(%arg17 : memref<!tpu.dma_semaphore, #tpu.memory_space<semaphore_mem>>) src(%dma_wait3A_659 : memref<10000x128xf32, #tpu.memory_space<hbm>>) dst(%arg13 : memref<80x128xf32, #tpu.memory_space<vmem>>)
    %run_scoped3A_660 = arith.constant 23 : i32
    "tpu.region"() ({
      %run_scoped3A_873 = tpu.sem_alloc : memref<!tpu.dma_semaphore, #tpu.memory_space<semaphore_mem>>
      %dma_start3A_874 = arith.constant 0 : i32
      %dma_start3A_875 = tpu.memref_slice %arg10[%run_scoped3A_660, %dma_start3A_874] : memref<25x80xi32, #tpu.memory_space<vmem>> -> memref<1x80xi32, #tpu.memory_space<vmem>>
      %dma_start3A_876 = tpu.memref_squeeze %dma_start3A_875 : memref<1x80xi32, #tpu.memory_space<vmem>> -> memref<80xi32, #tpu.memory_space<vmem>>
      %dma_start3A_877 = arith.constant 0 : i32
      %dma_start3A_878 = arith.constant 0 : i32
      %dma_start3A_879 = tpu.memref_slice %arg8[%dma_start3A_877, %dma_start3A_878] : memref<10240x128xf32, #tpu.memory_space<vmem_shared>> -> memref<10240x128xf32, #tpu.memory_space<vmem_shared>>
      tpu.enqueue_indirect_dma source(%arg13 : memref<80x128xf32, #tpu.memory_space<vmem>>) target(%dma_start3A_879 : memref<10240x128xf32, #tpu.memory_space<vmem_shared>>) offsets(%dma_start3A_876 : memref<80xi32, #tpu.memory_space<vmem>>) semaphore(%run_scoped3A_873 : memref<!tpu.dma_semaphore, #tpu.memory_space<semaphore_mem>>) {add = true}
      %dma_wait3A_880 = arith.constant 0 : i32
      %dma_wait3A_881 = tpu.memref_slice %arg10[%run_scoped3A_660, %dma_wait3A_880] : memref<25x80xi32, #tpu.memory_space<vmem>> -> memref<1x80xi32, #tpu.memory_space<vmem>>
      %dma_wait3A_882 = tpu.memref_squeeze %dma_wait3A_881 : memref<1x80xi32, #tpu.memory_space<vmem>> -> memref<80xi32, #tpu.memory_space<vmem>>
      %dma_wait3A_883 = arith.constant 0 : i32
      %dma_wait3A_884 = arith.constant 0 : i32
      %dma_wait3A_885 = tpu.memref_slice %arg8[%dma_wait3A_883, %dma_wait3A_884] : memref<10240x128xf32, #tpu.memory_space<vmem_shared>> -> memref<10240x128xf32, #tpu.memory_space<vmem_shared>>
      tpu.wait_indirect_dma semaphore(%run_scoped3A_873 : memref<!tpu.dma_semaphore, #tpu.memory_space<semaphore_mem>>) src(%arg13 : memref<80x128xf32, #tpu.memory_space<vmem>>) dst(%dma_wait3A_885 : memref<10240x128xf32, #tpu.memory_space<vmem_shared>>)
      tpu.yield
    }) : () -> ()
    %get3A_661 = arith.constant 23 : i32
    %get3A_662 = arith.index_cast %get3A_661 : i32 to index
    %get3A_663 = arith.constant 0 : index
    %get3A_664 = tpu.vector_load %arg10[%get3A_662, %get3A_663] {strides = array<i32>} : memref<25x80xi32, #tpu.memory_space<vmem>>, vector<16xi32>,
    tpu.vector_store_idx %arg14[%get3A_664], %broadcast_in_dim3A_3 {add = true} : memref<10240xf32, #tpu.memory_space<vmem>>[vector<16xi32>], vector<16xf32>,
    %get3A_665 = arith.constant 23 : i32
    %get3A_666 = arith.index_cast %get3A_665 : i32 to index
    %get3A_667 = arith.constant 16 : index
    %get3A_668 = tpu.vector_load %arg10[%get3A_666, %get3A_667] {strides = array<i32>} : memref<25x80xi32, #tpu.memory_space<vmem>>, vector<16xi32>,
    tpu.vector_store_idx %arg14[%get3A_668], %broadcast_in_dim3A_3 {add = true} : memref<10240xf32, #tpu.memory_space<vmem>>[vector<16xi32>], vector<16xf32>,
    %get3A_669 = arith.constant 23 : i32
    %get3A_670 = arith.index_cast %get3A_669 : i32 to index
    %get3A_671 = arith.constant 32 : index
    %get3A_672 = tpu.vector_load %arg10[%get3A_670, %get3A_671] {strides = array<i32>} : memref<25x80xi32, #tpu.memory_space<vmem>>, vector<16xi32>,
    tpu.vector_store_idx %arg14[%get3A_672], %broadcast_in_dim3A_3 {add = true} : memref<10240xf32, #tpu.memory_space<vmem>>[vector<16xi32>], vector<16xf32>,
    %get3A_673 = arith.constant 23 : i32
    %get3A_674 = arith.index_cast %get3A_673 : i32 to index
    %get3A_675 = arith.constant 48 : index
    %get3A_676 = tpu.vector_load %arg10[%get3A_674, %get3A_675] {strides = array<i32>} : memref<25x80xi32, #tpu.memory_space<vmem>>, vector<16xi32>,
    tpu.vector_store_idx %arg14[%get3A_676], %broadcast_in_dim3A_3 {add = true} : memref<10240xf32, #tpu.memory_space<vmem>>[vector<16xi32>], vector<16xf32>,
    %get3A_677 = arith.constant 23 : i32
    %get3A_678 = arith.index_cast %get3A_677 : i32 to index
    %get3A_679 = arith.constant 64 : index
    %get3A_680 = tpu.vector_load %arg10[%get3A_678, %get3A_679] {strides = array<i32>} : memref<25x80xi32, #tpu.memory_space<vmem>>, vector<16xi32>,
    tpu.vector_store_idx %arg14[%get3A_680], %broadcast_in_dim3A_3 {add = true} : memref<10240xf32, #tpu.memory_space<vmem>>[vector<16xi32>], vector<16xf32>,
    %dma_wait3A_681 = arith.constant 24 : i32
    %dma_wait3A_682 = arith.constant 0 : i32
    %dma_wait3A_683 = tpu.memref_slice %arg9[%dma_wait3A_681, %dma_wait3A_682] : memref<25x80xi32, #tpu.memory_space<vmem>> -> memref<1x80xi32, #tpu.memory_space<vmem>>
    %dma_wait3A_684 = tpu.memref_squeeze %dma_wait3A_683 : memref<1x80xi32, #tpu.memory_space<vmem>> -> memref<80xi32, #tpu.memory_space<vmem>>
    %dma_wait3A_685 = arith.constant 0 : i32
    %dma_wait3A_686 = arith.constant 0 : i32
    %dma_wait3A_687 = tpu.memref_slice %arg2[%dma_wait3A_685, %dma_wait3A_686] : memref<10000x128xf32, #tpu.memory_space<hbm>> -> memref<10000x128xf32, #tpu.memory_space<hbm>>
    tpu.wait_indirect_dma semaphore(%arg15 : memref<!tpu.dma_semaphore, #tpu.memory_space<semaphore_mem>>) src(%dma_wait3A_687 : memref<10000x128xf32, #tpu.memory_space<hbm>>) dst(%arg11 : memref<80x128xf32, #tpu.memory_space<vmem>>)
    %run_scoped3A_688 = arith.constant 24 : i32
    "tpu.region"() ({
      %run_scoped3A_873 = tpu.sem_alloc : memref<!tpu.dma_semaphore, #tpu.memory_space<semaphore_mem>>
      %dma_start3A_874 = arith.constant 0 : i32
      %dma_start3A_875 = tpu.memref_slice %arg10[%run_scoped3A_688, %dma_start3A_874] : memref<25x80xi32, #tpu.memory_space<vmem>> -> memref<1x80xi32, #tpu.memory_space<vmem>>
      %dma_start3A_876 = tpu.memref_squeeze %dma_start3A_875 : memref<1x80xi32, #tpu.memory_space<vmem>> -> memref<80xi32, #tpu.memory_space<vmem>>
      %dma_start3A_877 = arith.constant 0 : i32
      %dma_start3A_878 = arith.constant 0 : i32
      %dma_start3A_879 = tpu.memref_slice %arg8[%dma_start3A_877, %dma_start3A_878] : memref<10240x128xf32, #tpu.memory_space<vmem_shared>> -> memref<10240x128xf32, #tpu.memory_space<vmem_shared>>
      tpu.enqueue_indirect_dma source(%arg11 : memref<80x128xf32, #tpu.memory_space<vmem>>) target(%dma_start3A_879 : memref<10240x128xf32, #tpu.memory_space<vmem_shared>>) offsets(%dma_start3A_876 : memref<80xi32, #tpu.memory_space<vmem>>) semaphore(%run_scoped3A_873 : memref<!tpu.dma_semaphore, #tpu.memory_space<semaphore_mem>>) {add = true}
      %dma_wait3A_880 = arith.constant 0 : i32
      %dma_wait3A_881 = tpu.memref_slice %arg10[%run_scoped3A_688, %dma_wait3A_880] : memref<25x80xi32, #tpu.memory_space<vmem>> -> memref<1x80xi32, #tpu.memory_space<vmem>>
      %dma_wait3A_882 = tpu.memref_squeeze %dma_wait3A_881 : memref<1x80xi32, #tpu.memory_space<vmem>> -> memref<80xi32, #tpu.memory_space<vmem>>
      %dma_wait3A_883 = arith.constant 0 : i32
      %dma_wait3A_884 = arith.constant 0 : i32
      %dma_wait3A_885 = tpu.memref_slice %arg8[%dma_wait3A_883, %dma_wait3A_884] : memref<10240x128xf32, #tpu.memory_space<vmem_shared>> -> memref<10240x128xf32, #tpu.memory_space<vmem_shared>>
      tpu.wait_indirect_dma semaphore(%run_scoped3A_873 : memref<!tpu.dma_semaphore, #tpu.memory_space<semaphore_mem>>) src(%arg11 : memref<80x128xf32, #tpu.memory_space<vmem>>) dst(%dma_wait3A_885 : memref<10240x128xf32, #tpu.memory_space<vmem_shared>>)
      tpu.yield
    }) : () -> ()
    %get3A_689 = arith.constant 24 : i32
    %get3A_690 = arith.index_cast %get3A_689 : i32 to index
    %get3A_691 = arith.constant 0 : index
    %get3A_692 = tpu.vector_load %arg10[%get3A_690, %get3A_691] {strides = array<i32>} : memref<25x80xi32, #tpu.memory_space<vmem>>, vector<16xi32>,
    tpu.vector_store_idx %arg14[%get3A_692], %broadcast_in_dim3A_3 {add = true} : memref<10240xf32, #tpu.memory_space<vmem>>[vector<16xi32>], vector<16xf32>,
    %get3A_693 = arith.constant 24 : i32
    %get3A_694 = arith.index_cast %get3A_693 : i32 to index
    %get3A_695 = arith.constant 16 : index
    %get3A_696 = tpu.vector_load %arg10[%get3A_694, %get3A_695] {strides = array<i32>} : memref<25x80xi32, #tpu.memory_space<vmem>>, vector<16xi32>,
    tpu.vector_store_idx %arg14[%get3A_696], %broadcast_in_dim3A_3 {add = true} : memref<10240xf32, #tpu.memory_space<vmem>>[vector<16xi32>], vector<16xf32>,
    %get3A_697 = arith.constant 24 : i32
    %get3A_698 = arith.index_cast %get3A_697 : i32 to index
    %get3A_699 = arith.constant 32 : index
    %get3A_700 = tpu.vector_load %arg10[%get3A_698, %get3A_699] {strides = array<i32>} : memref<25x80xi32, #tpu.memory_space<vmem>>, vector<16xi32>,
    tpu.vector_store_idx %arg14[%get3A_700], %broadcast_in_dim3A_3 {add = true} : memref<10240xf32, #tpu.memory_space<vmem>>[vector<16xi32>], vector<16xf32>,
    %get3A_701 = arith.constant 24 : i32
    %get3A_702 = arith.index_cast %get3A_701 : i32 to index
    %get3A_703 = arith.constant 48 : index
    %get3A_704 = tpu.vector_load %arg10[%get3A_702, %get3A_703] {strides = array<i32>} : memref<25x80xi32, #tpu.memory_space<vmem>>, vector<16xi32>,
    tpu.vector_store_idx %arg14[%get3A_704], %broadcast_in_dim3A_3 {add = true} : memref<10240xf32, #tpu.memory_space<vmem>>[vector<16xi32>], vector<16xf32>,
    %get3A_705 = arith.constant 24 : i32
    %get3A_706 = arith.index_cast %get3A_705 : i32 to index
    %get3A_707 = arith.constant 64 : index
    %get3A_708 = tpu.vector_load %arg10[%get3A_706, %get3A_707] {strides = array<i32>} : memref<25x80xi32, #tpu.memory_space<vmem>>, vector<16xi32>,
    tpu.vector_store_idx %arg14[%get3A_708], %broadcast_in_dim3A_3 {add = true} : memref<10240xf32, #tpu.memory_space<vmem>>[vector<16xi32>], vector<16xf32>,
    %mul3A_709 = arith.constant 5 : i32
    %mul3A_710 = arith.muli %add3A, %mul3A_709 : i32
    %add3A_711 = arith.constant 4 : i32
    %add3A_712 = arith.addi %mul3A_710, %add3A_711 : i32
    "tpu.region"() ({
      %run_scoped3A_873 = tpu.sem_alloc : memref<!tpu.dma_semaphore, #tpu.memory_space<semaphore_mem>>
      %dma_start3A_874 = arith.constant 0 : i32
      %dma_start3A_875 = arith.constant 0 : i32
      %dma_start3A_876 = tpu.memref_slice %arg3[%add3A_712, %dma_start3A_874, %dma_start3A_875] : memref<160x25x80xi32, #tpu.memory_space<hbm>> -> memref<1x25x80xi32, #tpu.memory_space<hbm>>
      %dma_start3A_877 = tpu.memref_squeeze %dma_start3A_876 : memref<1x25x80xi32, #tpu.memory_space<hbm>> -> memref<25x80xi32, #tpu.memory_space<hbm>>
      %dma_start3A_878 = arith.constant 0 : i32
      %dma_start3A_879 = arith.constant 0 : i32
      %dma_start3A_880 = tpu.memref_slice %arg3[%add3A_712, %dma_start3A_878, %dma_start3A_879] : memref<160x25x80xi32, #tpu.memory_space<hbm>> -> memref<1x25x80xi32, #tpu.memory_space<hbm>>
      %dma_start3A_881 = tpu.memref_squeeze %dma_start3A_880 : memref<1x25x80xi32, #tpu.memory_space<hbm>> -> memref<25x80xi32, #tpu.memory_space<hbm>>
      tpu.enqueue_dma source(%dma_start3A_881 : memref<25x80xi32, #tpu.memory_space<hbm>>) target(%arg9 : memref<25x80xi32, #tpu.memory_space<vmem>>) target_semaphore(%run_scoped3A_873 : memref<!tpu.dma_semaphore, #tpu.memory_space<semaphore_mem>>)
      %dma_wait3A_882 = arith.constant 0 : i32
      %dma_wait3A_883 = arith.constant 0 : i32
      %dma_wait3A_884 = tpu.memref_slice %arg3[%add3A_712, %dma_wait3A_882, %dma_wait3A_883] : memref<160x25x80xi32, #tpu.memory_space<hbm>> -> memref<1x25x80xi32, #tpu.memory_space<hbm>>
      %dma_wait3A_885 = tpu.memref_squeeze %dma_wait3A_884 : memref<1x25x80xi32, #tpu.memory_space<hbm>> -> memref<25x80xi32, #tpu.memory_space<hbm>>
      %dma_wait3A_886 = arith.constant 0 : i32
      %dma_wait3A_887 = arith.constant 0 : i32
      %dma_wait3A_888 = tpu.memref_slice %arg3[%add3A_712, %dma_wait3A_886, %dma_wait3A_887] : memref<160x25x80xi32, #tpu.memory_space<hbm>> -> memref<1x25x80xi32, #tpu.memory_space<hbm>>
      %dma_wait3A_889 = tpu.memref_squeeze %dma_wait3A_888 : memref<1x25x80xi32, #tpu.memory_space<hbm>> -> memref<25x80xi32, #tpu.memory_space<hbm>>
      tpu.wait_dma2 semaphore(%run_scoped3A_873 : memref<!tpu.dma_semaphore, #tpu.memory_space<semaphore_mem>>) src(%dma_wait3A_889 : memref<25x80xi32, #tpu.memory_space<hbm>>) dst(%arg9 : memref<25x80xi32, #tpu.memory_space<vmem>>)
      tpu.yield
    }) : () -> ()
    %mul3A_713 = arith.constant 5 : i32
    %mul3A_714 = arith.muli %add3A, %mul3A_713 : i32
    %add3A_715 = arith.constant 4 : i32
    %add3A_716 = arith.addi %mul3A_714, %add3A_715 : i32
    "tpu.region"() ({
      %run_scoped3A_873 = tpu.sem_alloc : memref<!tpu.dma_semaphore, #tpu.memory_space<semaphore_mem>>
      %dma_start3A_874 = arith.constant 0 : i32
      %dma_start3A_875 = arith.constant 0 : i32
      %dma_start3A_876 = tpu.memref_slice %arg4[%add3A_716, %dma_start3A_874, %dma_start3A_875] : memref<160x25x80xi32, #tpu.memory_space<hbm>> -> memref<1x25x80xi32, #tpu.memory_space<hbm>>
      %dma_start3A_877 = tpu.memref_squeeze %dma_start3A_876 : memref<1x25x80xi32, #tpu.memory_space<hbm>> -> memref<25x80xi32, #tpu.memory_space<hbm>>
      %dma_start3A_878 = arith.constant 0 : i32
      %dma_start3A_879 = arith.constant 0 : i32
      %dma_start3A_880 = tpu.memref_slice %arg4[%add3A_716, %dma_start3A_878, %dma_start3A_879] : memref<160x25x80xi32, #tpu.memory_space<hbm>> -> memref<1x25x80xi32, #tpu.memory_space<hbm>>
      %dma_start3A_881 = tpu.memref_squeeze %dma_start3A_880 : memref<1x25x80xi32, #tpu.memory_space<hbm>> -> memref<25x80xi32, #tpu.memory_space<hbm>>
      tpu.enqueue_dma source(%dma_start3A_881 : memref<25x80xi32, #tpu.memory_space<hbm>>) target(%arg10 : memref<25x80xi32, #tpu.memory_space<vmem>>) target_semaphore(%run_scoped3A_873 : memref<!tpu.dma_semaphore, #tpu.memory_space<semaphore_mem>>)
      %dma_wait3A_882 = arith.constant 0 : i32
      %dma_wait3A_883 = arith.constant 0 : i32
      %dma_wait3A_884 = tpu.memref_slice %arg4[%add3A_716, %dma_wait3A_882, %dma_wait3A_883] : memref<160x25x80xi32, #tpu.memory_space<hbm>> -> memref<1x25x80xi32, #tpu.memory_space<hbm>>
      %dma_wait3A_885 = tpu.memref_squeeze %dma_wait3A_884 : memref<1x25x80xi32, #tpu.memory_space<hbm>> -> memref<25x80xi32, #tpu.memory_space<hbm>>
      %dma_wait3A_886 = arith.constant 0 : i32
      %dma_wait3A_887 = arith.constant 0 : i32
      %dma_wait3A_888 = tpu.memref_slice %arg4[%add3A_716, %dma_wait3A_886, %dma_wait3A_887] : memref<160x25x80xi32, #tpu.memory_space<hbm>> -> memref<1x25x80xi32, #tpu.memory_space<hbm>>
      %dma_wait3A_889 = tpu.memref_squeeze %dma_wait3A_888 : memref<1x25x80xi32, #tpu.memory_space<hbm>> -> memref<25x80xi32, #tpu.memory_space<hbm>>
      tpu.wait_dma2 semaphore(%run_scoped3A_873 : memref<!tpu.dma_semaphore, #tpu.memory_space<semaphore_mem>>) src(%dma_wait3A_889 : memref<25x80xi32, #tpu.memory_space<hbm>>) dst(%arg10 : memref<25x80xi32, #tpu.memory_space<vmem>>)
      tpu.yield
    }) : () -> ()
    %dma_start3A_717 = arith.constant 0 : i32
    %dma_start3A_718 = arith.constant 0 : i32
    %dma_start3A_719 = tpu.memref_slice %arg9[%dma_start3A_717, %dma_start3A_718] : memref<25x80xi32, #tpu.memory_space<vmem>> -> memref<1x80xi32, #tpu.memory_space<vmem>>
    %dma_start3A_720 = tpu.memref_squeeze %dma_start3A_719 : memref<1x80xi32, #tpu.memory_space<vmem>> -> memref<80xi32, #tpu.memory_space<vmem>>
    %dma_start3A_721 = arith.constant 0 : i32
    %dma_start3A_722 = arith.constant 0 : i32
    %dma_start3A_723 = tpu.memref_slice %arg2[%dma_start3A_721, %dma_start3A_722] : memref<10000x128xf32, #tpu.memory_space<hbm>> -> memref<10000x128xf32, #tpu.memory_space<hbm>>
    tpu.enqueue_indirect_dma source(%dma_start3A_723 : memref<10000x128xf32, #tpu.memory_space<hbm>>) target(%arg11 : memref<80x128xf32, #tpu.memory_space<vmem>>) offsets(%dma_start3A_720 : memref<80xi32, #tpu.memory_space<vmem>>) semaphore(%arg15 : memref<!tpu.dma_semaphore, #tpu.memory_space<semaphore_mem>>)
    %dma_start3A_724 = arith.constant 1 : i32
    %dma_start3A_725 = arith.constant 0 : i32
    %dma_start3A_726 = tpu.memref_slice %arg9[%dma_start3A_724, %dma_start3A_725] : memref<25x80xi32, #tpu.memory_space<vmem>> -> memref<1x80xi32, #tpu.memory_space<vmem>>
    %dma_start3A_727 = tpu.memref_squeeze %dma_start3A_726 : memref<1x80xi32, #tpu.memory_space<vmem>> -> memref<80xi32, #tpu.memory_space<vmem>>
    %dma_start3A_728 = arith.constant 0 : i32
    %dma_start3A_729 = arith.constant 0 : i32
    %dma_start3A_730 = tpu.memref_slice %arg2[%dma_start3A_728, %dma_start3A_729] : memref<10000x128xf32, #tpu.memory_space<hbm>> -> memref<10000x128xf32, #tpu.memory_space<hbm>>
    tpu.enqueue_indirect_dma source(%dma_start3A_730 : memref<10000x128xf32, #tpu.memory_space<hbm>>) target(%arg12 : memref<80x128xf32, #tpu.memory_space<vmem>>) offsets(%dma_start3A_727 : memref<80xi32, #tpu.memory_space<vmem>>) semaphore(%arg16 : memref<!tpu.dma_semaphore, #tpu.memory_space<semaphore_mem>>)
    %dma_start3A_731 = arith.constant 2 : i32
    %dma_start3A_732 = arith.constant 0 : i32
    %dma_start3A_733 = tpu.memref_slice %arg9[%dma_start3A_731, %dma_start3A_732] : memref<25x80xi32, #tpu.memory_space<vmem>> -> memref<1x80xi32, #tpu.memory_space<vmem>>
    %dma_start3A_734 = tpu.memref_squeeze %dma_start3A_733 : memref<1x80xi32, #tpu.memory_space<vmem>> -> memref<80xi32, #tpu.memory_space<vmem>>
    %dma_start3A_735 = arith.constant 0 : i32
    %dma_start3A_736 = arith.constant 0 : i32
    %dma_start3A_737 = tpu.memref_slice %arg2[%dma_start3A_735, %dma_start3A_736] : memref<10000x128xf32, #tpu.memory_space<hbm>> -> memref<10000x128xf32, #tpu.memory_space<hbm>>
    tpu.enqueue_indirect_dma source(%dma_start3A_737 : memref<10000x128xf32, #tpu.memory_space<hbm>>) target(%arg13 : memref<80x128xf32, #tpu.memory_space<vmem>>) offsets(%dma_start3A_734 : memref<80xi32, #tpu.memory_space<vmem>>) semaphore(%arg17 : memref<!tpu.dma_semaphore, #tpu.memory_space<semaphore_mem>>)
    %scan3A_738 = arith.constant 0 : i32
    %scan3A_739 = arith.constant 0 : i32
    %scan3A_740 = arith.constant 7 : i32
    %scan3A_741 = arith.addi %scan3A_739, %scan3A_740 : i32
    %scan3A_742 = arith.constant 1 : i32
    scf.for %scan3A_873 = %scan3A_739 to %scan3A_741 step %scan3A_742  : i32 {
      %mul3A_874 = arith.constant 3 : i32
      %mul3A_875 = arith.muli %mul3A_874, %scan3A_873 : i32
      %add3A_876 = arith.constant 0 : i32
      %add3A_877 = arith.addi %mul3A_875, %add3A_876 : i32
      %dma_wait3A_878 = arith.constant 0 : i32
      %dma_wait3A_879 = tpu.memref_slice %arg9[%add3A_877, %dma_wait3A_878] : memref<25x80xi32, #tpu.memory_space<vmem>> -> memref<1x80xi32, #tpu.memory_space<vmem>>
      %dma_wait3A_880 = tpu.memref_squeeze %dma_wait3A_879 : memref<1x80xi32, #tpu.memory_space<vmem>> -> memref<80xi32, #tpu.memory_space<vmem>>
      %dma_wait3A_881 = arith.constant 0 : i32
      %dma_wait3A_882 = arith.constant 0 : i32
      %dma_wait3A_883 = tpu.memref_slice %arg2[%dma_wait3A_881, %dma_wait3A_882] : memref<10000x128xf32, #tpu.memory_space<hbm>> -> memref<10000x128xf32, #tpu.memory_space<hbm>>
      tpu.wait_indirect_dma semaphore(%arg15 : memref<!tpu.dma_semaphore, #tpu.memory_space<semaphore_mem>>) src(%dma_wait3A_883 : memref<10000x128xf32, #tpu.memory_space<hbm>>) dst(%arg11 : memref<80x128xf32, #tpu.memory_space<vmem>>)
      %add3A_884 = arith.constant 0 : i32
      %add3A_885 = arith.addi %mul3A_875, %add3A_884 : i32
      "tpu.region"() ({
        %run_scoped3A_987 = tpu.sem_alloc : memref<!tpu.dma_semaphore, #tpu.memory_space<semaphore_mem>>
        %dma_start3A_988 = arith.constant 0 : i32
        %dma_start3A_989 = tpu.memref_slice %arg10[%add3A_885, %dma_start3A_988] : memref<25x80xi32, #tpu.memory_space<vmem>> -> memref<1x80xi32, #tpu.memory_space<vmem>>
        %dma_start3A_990 = tpu.memref_squeeze %dma_start3A_989 : memref<1x80xi32, #tpu.memory_space<vmem>> -> memref<80xi32, #tpu.memory_space<vmem>>
        %dma_start3A_991 = arith.constant 0 : i32
        %dma_start3A_992 = arith.constant 0 : i32
        %dma_start3A_993 = tpu.memref_slice %arg8[%dma_start3A_991, %dma_start3A_992] : memref<10240x128xf32, #tpu.memory_space<vmem_shared>> -> memref<10240x128xf32, #tpu.memory_space<vmem_shared>>
        tpu.enqueue_indirect_dma source(%arg11 : memref<80x128xf32, #tpu.memory_space<vmem>>) target(%dma_start3A_993 : memref<10240x128xf32, #tpu.memory_space<vmem_shared>>) offsets(%dma_start3A_990 : memref<80xi32, #tpu.memory_space<vmem>>) semaphore(%run_scoped3A_987 : memref<!tpu.dma_semaphore, #tpu.memory_space<semaphore_mem>>) {add = true}
        %dma_wait3A_994 = arith.constant 0 : i32
        %dma_wait3A_995 = tpu.memref_slice %arg10[%add3A_885, %dma_wait3A_994] : memref<25x80xi32, #tpu.memory_space<vmem>> -> memref<1x80xi32, #tpu.memory_space<vmem>>
        %dma_wait3A_996 = tpu.memref_squeeze %dma_wait3A_995 : memref<1x80xi32, #tpu.memory_space<vmem>> -> memref<80xi32, #tpu.memory_space<vmem>>
        %dma_wait3A_997 = arith.constant 0 : i32
        %dma_wait3A_998 = arith.constant 0 : i32
        %dma_wait3A_999 = tpu.memref_slice %arg8[%dma_wait3A_997, %dma_wait3A_998] : memref<10240x128xf32, #tpu.memory_space<vmem_shared>> -> memref<10240x128xf32, #tpu.memory_space<vmem_shared>>
        tpu.wait_indirect_dma semaphore(%run_scoped3A_987 : memref<!tpu.dma_semaphore, #tpu.memory_space<semaphore_mem>>) src(%arg11 : memref<80x128xf32, #tpu.memory_space<vmem>>) dst(%dma_wait3A_999 : memref<10240x128xf32, #tpu.memory_space<vmem_shared>>)
        tpu.yield
      }) : () -> ()
      %add3A_886 = arith.constant 3 : i32
      %add3A_887 = arith.addi %mul3A_875, %add3A_886 : i32
      %add3A_888 = arith.constant 0 : i32
      %add3A_889 = arith.addi %add3A_887, %add3A_888 : i32
      %dma_start3A_890 = arith.constant 0 : i32
      %dma_start3A_891 = tpu.memref_slice %arg9[%add3A_889, %dma_start3A_890] : memref<25x80xi32, #tpu.memory_space<vmem>> -> memref<1x80xi32, #tpu.memory_space<vmem>>
      %dma_start3A_892 = tpu.memref_squeeze %dma_start3A_891 : memref<1x80xi32, #tpu.memory_space<vmem>> -> memref<80xi32, #tpu.memory_space<vmem>>
      %dma_start3A_893 = arith.constant 0 : i32
      %dma_start3A_894 = arith.constant 0 : i32
      %dma_start3A_895 = tpu.memref_slice %arg2[%dma_start3A_893, %dma_start3A_894] : memref<10000x128xf32, #tpu.memory_space<hbm>> -> memref<10000x128xf32, #tpu.memory_space<hbm>>
      tpu.enqueue_indirect_dma source(%dma_start3A_895 : memref<10000x128xf32, #tpu.memory_space<hbm>>) target(%arg11 : memref<80x128xf32, #tpu.memory_space<vmem>>) offsets(%dma_start3A_892 : memref<80xi32, #tpu.memory_space<vmem>>) semaphore(%arg15 : memref<!tpu.dma_semaphore, #tpu.memory_space<semaphore_mem>>)
      %add3A_896 = arith.constant 0 : i32
      %add3A_897 = arith.addi %mul3A_875, %add3A_896 : i32
      %get3A_898 = arith.index_cast %add3A_897 : i32 to index
      %get3A_899 = arith.constant 0 : index
      %get3A_900 = tpu.vector_load %arg10[%get3A_898, %get3A_899] {strides = array<i32>} : memref<25x80xi32, #tpu.memory_space<vmem>>, vector<16xi32>,
      tpu.vector_store_idx %arg14[%get3A_900], %broadcast_in_dim3A_3 {add = true} : memref<10240xf32, #tpu.memory_space<vmem>>[vector<16xi32>], vector<16xf32>,
      %get3A_901 = arith.index_cast %add3A_897 : i32 to index
      %get3A_902 = arith.constant 16 : index
      %get3A_903 = tpu.vector_load %arg10[%get3A_901, %get3A_902] {strides = array<i32>} : memref<25x80xi32, #tpu.memory_space<vmem>>, vector<16xi32>,
      tpu.vector_store_idx %arg14[%get3A_903], %broadcast_in_dim3A_3 {add = true} : memref<10240xf32, #tpu.memory_space<vmem>>[vector<16xi32>], vector<16xf32>,
      %get3A_904 = arith.index_cast %add3A_897 : i32 to index
      %get3A_905 = arith.constant 32 : index
      %get3A_906 = tpu.vector_load %arg10[%get3A_904, %get3A_905] {strides = array<i32>} : memref<25x80xi32, #tpu.memory_space<vmem>>, vector<16xi32>,
      tpu.vector_store_idx %arg14[%get3A_906], %broadcast_in_dim3A_3 {add = true} : memref<10240xf32, #tpu.memory_space<vmem>>[vector<16xi32>], vector<16xf32>,
      %get3A_907 = arith.index_cast %add3A_897 : i32 to index
      %get3A_908 = arith.constant 48 : index
      %get3A_909 = tpu.vector_load %arg10[%get3A_907, %get3A_908] {strides = array<i32>} : memref<25x80xi32, #tpu.memory_space<vmem>>, vector<16xi32>,
      tpu.vector_store_idx %arg14[%get3A_909], %broadcast_in_dim3A_3 {add = true} : memref<10240xf32, #tpu.memory_space<vmem>>[vector<16xi32>], vector<16xf32>,
      %get3A_910 = arith.index_cast %add3A_897 : i32 to index
      %get3A_911 = arith.constant 64 : index
      %get3A_912 = tpu.vector_load %arg10[%get3A_910, %get3A_911] {strides = array<i32>} : memref<25x80xi32, #tpu.memory_space<vmem>>, vector<16xi32>,
      tpu.vector_store_idx %arg14[%get3A_912], %broadcast_in_dim3A_3 {add = true} : memref<10240xf32, #tpu.memory_space<vmem>>[vector<16xi32>], vector<16xf32>,
      %add3A_913 = arith.constant 1 : i32
      %add3A_914 = arith.addi %mul3A_875, %add3A_913 : i32
      %dma_wait3A_915 = arith.constant 0 : i32
      %dma_wait3A_916 = tpu.memref_slice %arg9[%add3A_914, %dma_wait3A_915] : memref<25x80xi32, #tpu.memory_space<vmem>> -> memref<1x80xi32, #tpu.memory_space<vmem>>
      %dma_wait3A_917 = tpu.memref_squeeze %dma_wait3A_916 : memref<1x80xi32, #tpu.memory_space<vmem>> -> memref<80xi32, #tpu.memory_space<vmem>>
      %dma_wait3A_918 = arith.constant 0 : i32
      %dma_wait3A_919 = arith.constant 0 : i32
      %dma_wait3A_920 = tpu.memref_slice %arg2[%dma_wait3A_918, %dma_wait3A_919] : memref<10000x128xf32, #tpu.memory_space<hbm>> -> memref<10000x128xf32, #tpu.memory_space<hbm>>
      tpu.wait_indirect_dma semaphore(%arg16 : memref<!tpu.dma_semaphore, #tpu.memory_space<semaphore_mem>>) src(%dma_wait3A_920 : memref<10000x128xf32, #tpu.memory_space<hbm>>) dst(%arg12 : memref<80x128xf32, #tpu.memory_space<vmem>>)
      %add3A_921 = arith.constant 1 : i32
      %add3A_922 = arith.addi %mul3A_875, %add3A_921 : i32
      "tpu.region"() ({
        %run_scoped3A_987 = tpu.sem_alloc : memref<!tpu.dma_semaphore, #tpu.memory_space<semaphore_mem>>
        %dma_start3A_988 = arith.constant 0 : i32
        %dma_start3A_989 = tpu.memref_slice %arg10[%add3A_922, %dma_start3A_988] : memref<25x80xi32, #tpu.memory_space<vmem>> -> memref<1x80xi32, #tpu.memory_space<vmem>>
        %dma_start3A_990 = tpu.memref_squeeze %dma_start3A_989 : memref<1x80xi32, #tpu.memory_space<vmem>> -> memref<80xi32, #tpu.memory_space<vmem>>
        %dma_start3A_991 = arith.constant 0 : i32
        %dma_start3A_992 = arith.constant 0 : i32
        %dma_start3A_993 = tpu.memref_slice %arg8[%dma_start3A_991, %dma_start3A_992] : memref<10240x128xf32, #tpu.memory_space<vmem_shared>> -> memref<10240x128xf32, #tpu.memory_space<vmem_shared>>
        tpu.enqueue_indirect_dma source(%arg12 : memref<80x128xf32, #tpu.memory_space<vmem>>) target(%dma_start3A_993 : memref<10240x128xf32, #tpu.memory_space<vmem_shared>>) offsets(%dma_start3A_990 : memref<80xi32, #tpu.memory_space<vmem>>) semaphore(%run_scoped3A_987 : memref<!tpu.dma_semaphore, #tpu.memory_space<semaphore_mem>>) {add = true}
        %dma_wait3A_994 = arith.constant 0 : i32
        %dma_wait3A_995 = tpu.memref_slice %arg10[%add3A_922, %dma_wait3A_994] : memref<25x80xi32, #tpu.memory_space<vmem>> -> memref<1x80xi32, #tpu.memory_space<vmem>>
        %dma_wait3A_996 = tpu.memref_squeeze %dma_wait3A_995 : memref<1x80xi32, #tpu.memory_space<vmem>> -> memref<80xi32, #tpu.memory_space<vmem>>
        %dma_wait3A_997 = arith.constant 0 : i32
        %dma_wait3A_998 = arith.constant 0 : i32
        %dma_wait3A_999 = tpu.memref_slice %arg8[%dma_wait3A_997, %dma_wait3A_998] : memref<10240x128xf32, #tpu.memory_space<vmem_shared>> -> memref<10240x128xf32, #tpu.memory_space<vmem_shared>>
        tpu.wait_indirect_dma semaphore(%run_scoped3A_987 : memref<!tpu.dma_semaphore, #tpu.memory_space<semaphore_mem>>) src(%arg12 : memref<80x128xf32, #tpu.memory_space<vmem>>) dst(%dma_wait3A_999 : memref<10240x128xf32, #tpu.memory_space<vmem_shared>>)
        tpu.yield
      }) : () -> ()
      %add3A_923 = arith.constant 3 : i32
      %add3A_924 = arith.addi %mul3A_875, %add3A_923 : i32
      %add3A_925 = arith.constant 1 : i32
      %add3A_926 = arith.addi %add3A_924, %add3A_925 : i32
      %dma_start3A_927 = arith.constant 0 : i32
      %dma_start3A_928 = tpu.memref_slice %arg9[%add3A_926, %dma_start3A_927] : memref<25x80xi32, #tpu.memory_space<vmem>> -> memref<1x80xi32, #tpu.memory_space<vmem>>
      %dma_start3A_929 = tpu.memref_squeeze %dma_start3A_928 : memref<1x80xi32, #tpu.memory_space<vmem>> -> memref<80xi32, #tpu.memory_space<vmem>>
      %dma_start3A_930 = arith.constant 0 : i32
      %dma_start3A_931 = arith.constant 0 : i32
      %dma_start3A_932 = tpu.memref_slice %arg2[%dma_start3A_930, %dma_start3A_931] : memref<10000x128xf32, #tpu.memory_space<hbm>> -> memref<10000x128xf32, #tpu.memory_space<hbm>>
      tpu.enqueue_indirect_dma source(%dma_start3A_932 : memref<10000x128xf32, #tpu.memory_space<hbm>>) target(%arg12 : memref<80x128xf32, #tpu.memory_space<vmem>>) offsets(%dma_start3A_929 : memref<80xi32, #tpu.memory_space<vmem>>) semaphore(%arg16 : memref<!tpu.dma_semaphore, #tpu.memory_space<semaphore_mem>>)
      %add3A_933 = arith.constant 1 : i32
      %add3A_934 = arith.addi %mul3A_875, %add3A_933 : i32
      %get3A_935 = arith.index_cast %add3A_934 : i32 to index
      %get3A_936 = arith.constant 0 : index
      %get3A_937 = tpu.vector_load %arg10[%get3A_935, %get3A_936] {strides = array<i32>} : memref<25x80xi32, #tpu.memory_space<vmem>>, vector<16xi32>,
      tpu.vector_store_idx %arg14[%get3A_937], %broadcast_in_dim3A_3 {add = true} : memref<10240xf32, #tpu.memory_space<vmem>>[vector<16xi32>], vector<16xf32>,
      %get3A_938 = arith.index_cast %add3A_934 : i32 to index
      %get3A_939 = arith.constant 16 : index
      %get3A_940 = tpu.vector_load %arg10[%get3A_938, %get3A_939] {strides = array<i32>} : memref<25x80xi32, #tpu.memory_space<vmem>>, vector<16xi32>,
      tpu.vector_store_idx %arg14[%get3A_940], %broadcast_in_dim3A_3 {add = true} : memref<10240xf32, #tpu.memory_space<vmem>>[vector<16xi32>], vector<16xf32>,
      %get3A_941 = arith.index_cast %add3A_934 : i32 to index
      %get3A_942 = arith.constant 32 : index
      %get3A_943 = tpu.vector_load %arg10[%get3A_941, %get3A_942] {strides = array<i32>} : memref<25x80xi32, #tpu.memory_space<vmem>>, vector<16xi32>,
      tpu.vector_store_idx %arg14[%get3A_943], %broadcast_in_dim3A_3 {add = true} : memref<10240xf32, #tpu.memory_space<vmem>>[vector<16xi32>], vector<16xf32>,
      %get3A_944 = arith.index_cast %add3A_934 : i32 to index
      %get3A_945 = arith.constant 48 : index
      %get3A_946 = tpu.vector_load %arg10[%get3A_944, %get3A_945] {strides = array<i32>} : memref<25x80xi32, #tpu.memory_space<vmem>>, vector<16xi32>,
      tpu.vector_store_idx %arg14[%get3A_946], %broadcast_in_dim3A_3 {add = true} : memref<10240xf32, #tpu.memory_space<vmem>>[vector<16xi32>], vector<16xf32>,
      %get3A_947 = arith.index_cast %add3A_934 : i32 to index
      %get3A_948 = arith.constant 64 : index
      %get3A_949 = tpu.vector_load %arg10[%get3A_947, %get3A_948] {strides = array<i32>} : memref<25x80xi32, #tpu.memory_space<vmem>>, vector<16xi32>,
      tpu.vector_store_idx %arg14[%get3A_949], %broadcast_in_dim3A_3 {add = true} : memref<10240xf32, #tpu.memory_space<vmem>>[vector<16xi32>], vector<16xf32>,
      %add3A_950 = arith.constant 2 : i32
      %add3A_951 = arith.addi %mul3A_875, %add3A_950 : i32
      %dma_wait3A_952 = arith.constant 0 : i32
      %dma_wait3A_953 = tpu.memref_slice %arg9[%add3A_951, %dma_wait3A_952] : memref<25x80xi32, #tpu.memory_space<vmem>> -> memref<1x80xi32, #tpu.memory_space<vmem>>
      %dma_wait3A_954 = tpu.memref_squeeze %dma_wait3A_953 : memref<1x80xi32, #tpu.memory_space<vmem>> -> memref<80xi32, #tpu.memory_space<vmem>>
      %dma_wait3A_955 = arith.constant 0 : i32
      %dma_wait3A_956 = arith.constant 0 : i32
      %dma_wait3A_957 = tpu.memref_slice %arg2[%dma_wait3A_955, %dma_wait3A_956] : memref<10000x128xf32, #tpu.memory_space<hbm>> -> memref<10000x128xf32, #tpu.memory_space<hbm>>
      tpu.wait_indirect_dma semaphore(%arg17 : memref<!tpu.dma_semaphore, #tpu.memory_space<semaphore_mem>>) src(%dma_wait3A_957 : memref<10000x128xf32, #tpu.memory_space<hbm>>) dst(%arg13 : memref<80x128xf32, #tpu.memory_space<vmem>>)
      %add3A_958 = arith.constant 2 : i32
      %add3A_959 = arith.addi %mul3A_875, %add3A_958 : i32
      "tpu.region"() ({
        %run_scoped3A_987 = tpu.sem_alloc : memref<!tpu.dma_semaphore, #tpu.memory_space<semaphore_mem>>
        %dma_start3A_988 = arith.constant 0 : i32
        %dma_start3A_989 = tpu.memref_slice %arg10[%add3A_959, %dma_start3A_988] : memref<25x80xi32, #tpu.memory_space<vmem>> -> memref<1x80xi32, #tpu.memory_space<vmem>>
        %dma_start3A_990 = tpu.memref_squeeze %dma_start3A_989 : memref<1x80xi32, #tpu.memory_space<vmem>> -> memref<80xi32, #tpu.memory_space<vmem>>
        %dma_start3A_991 = arith.constant 0 : i32
        %dma_start3A_992 = arith.constant 0 : i32
        %dma_start3A_993 = tpu.memref_slice %arg8[%dma_start3A_991, %dma_start3A_992] : memref<10240x128xf32, #tpu.memory_space<vmem_shared>> -> memref<10240x128xf32, #tpu.memory_space<vmem_shared>>
        tpu.enqueue_indirect_dma source(%arg13 : memref<80x128xf32, #tpu.memory_space<vmem>>) target(%dma_start3A_993 : memref<10240x128xf32, #tpu.memory_space<vmem_shared>>) offsets(%dma_start3A_990 : memref<80xi32, #tpu.memory_space<vmem>>) semaphore(%run_scoped3A_987 : memref<!tpu.dma_semaphore, #tpu.memory_space<semaphore_mem>>) {add = true}
        %dma_wait3A_994 = arith.constant 0 : i32
        %dma_wait3A_995 = tpu.memref_slice %arg10[%add3A_959, %dma_wait3A_994] : memref<25x80xi32, #tpu.memory_space<vmem>> -> memref<1x80xi32, #tpu.memory_space<vmem>>
        %dma_wait3A_996 = tpu.memref_squeeze %dma_wait3A_995 : memref<1x80xi32, #tpu.memory_space<vmem>> -> memref<80xi32, #tpu.memory_space<vmem>>
        %dma_wait3A_997 = arith.constant 0 : i32
        %dma_wait3A_998 = arith.constant 0 : i32
        %dma_wait3A_999 = tpu.memref_slice %arg8[%dma_wait3A_997, %dma_wait3A_998] : memref<10240x128xf32, #tpu.memory_space<vmem_shared>> -> memref<10240x128xf32, #tpu.memory_space<vmem_shared>>
        tpu.wait_indirect_dma semaphore(%run_scoped3A_987 : memref<!tpu.dma_semaphore, #tpu.memory_space<semaphore_mem>>) src(%arg13 : memref<80x128xf32, #tpu.memory_space<vmem>>) dst(%dma_wait3A_999 : memref<10240x128xf32, #tpu.memory_space<vmem_shared>>)
        tpu.yield
      }) : () -> ()
      %add3A_960 = arith.constant 3 : i32
      %add3A_961 = arith.addi %mul3A_875, %add3A_960 : i32
      %add3A_962 = arith.constant 2 : i32
      %add3A_963 = arith.addi %add3A_961, %add3A_962 : i32
      %dma_start3A_964 = arith.constant 0 : i32
      %dma_start3A_965 = tpu.memref_slice %arg9[%add3A_963, %dma_start3A_964] : memref<25x80xi32, #tpu.memory_space<vmem>> -> memref<1x80xi32, #tpu.memory_space<vmem>>
      %dma_start3A_966 = tpu.memref_squeeze %dma_start3A_965 : memref<1x80xi32, #tpu.memory_space<vmem>> -> memref<80xi32, #tpu.memory_space<vmem>>
      %dma_start3A_967 = arith.constant 0 : i32
      %dma_start3A_968 = arith.constant 0 : i32
      %dma_start3A_969 = tpu.memref_slice %arg2[%dma_start3A_967, %dma_start3A_968] : memref<10000x128xf32, #tpu.memory_space<hbm>> -> memref<10000x128xf32, #tpu.memory_space<hbm>>
      tpu.enqueue_indirect_dma source(%dma_start3A_969 : memref<10000x128xf32, #tpu.memory_space<hbm>>) target(%arg13 : memref<80x128xf32, #tpu.memory_space<vmem>>) offsets(%dma_start3A_966 : memref<80xi32, #tpu.memory_space<vmem>>) semaphore(%arg17 : memref<!tpu.dma_semaphore, #tpu.memory_space<semaphore_mem>>)
      %add3A_970 = arith.constant 2 : i32
      %add3A_971 = arith.addi %mul3A_875, %add3A_970 : i32
      %get3A_972 = arith.index_cast %add3A_971 : i32 to index
      %get3A_973 = arith.constant 0 : index
      %get3A_974 = tpu.vector_load %arg10[%get3A_972, %get3A_973] {strides = array<i32>} : memref<25x80xi32, #tpu.memory_space<vmem>>, vector<16xi32>,
      tpu.vector_store_idx %arg14[%get3A_974], %broadcast_in_dim3A_3 {add = true} : memref<10240xf32, #tpu.memory_space<vmem>>[vector<16xi32>], vector<16xf32>,
      %get3A_975 = arith.index_cast %add3A_971 : i32 to index
      %get3A_976 = arith.constant 16 : index
      %get3A_977 = tpu.vector_load %arg10[%get3A_975, %get3A_976] {strides = array<i32>} : memref<25x80xi32, #tpu.memory_space<vmem>>, vector<16xi32>,
      tpu.vector_store_idx %arg14[%get3A_977], %broadcast_in_dim3A_3 {add = true} : memref<10240xf32, #tpu.memory_space<vmem>>[vector<16xi32>], vector<16xf32>,
      %get3A_978 = arith.index_cast %add3A_971 : i32 to index
      %get3A_979 = arith.constant 32 : index
      %get3A_980 = tpu.vector_load %arg10[%get3A_978, %get3A_979] {strides = array<i32>} : memref<25x80xi32, #tpu.memory_space<vmem>>, vector<16xi32>,
      tpu.vector_store_idx %arg14[%get3A_980], %broadcast_in_dim3A_3 {add = true} : memref<10240xf32, #tpu.memory_space<vmem>>[vector<16xi32>], vector<16xf32>,
      %get3A_981 = arith.index_cast %add3A_971 : i32 to index
      %get3A_982 = arith.constant 48 : index
      %get3A_983 = tpu.vector_load %arg10[%get3A_981, %get3A_982] {strides = array<i32>} : memref<25x80xi32, #tpu.memory_space<vmem>>, vector<16xi32>,
      tpu.vector_store_idx %arg14[%get3A_983], %broadcast_in_dim3A_3 {add = true} : memref<10240xf32, #tpu.memory_space<vmem>>[vector<16xi32>], vector<16xf32>,
      %get3A_984 = arith.index_cast %add3A_971 : i32 to index
      %get3A_985 = arith.constant 64 : index
      %get3A_986 = tpu.vector_load %arg10[%get3A_984, %get3A_985] {strides = array<i32>} : memref<25x80xi32, #tpu.memory_space<vmem>>, vector<16xi32>,
      tpu.vector_store_idx %arg14[%get3A_986], %broadcast_in_dim3A_3 {add = true} : memref<10240xf32, #tpu.memory_space<vmem>>[vector<16xi32>], vector<16xf32>,
    }
    %scan3A_743 = arith.constant 7 : i32
    %dma_wait3A_744 = arith.constant 21 : i32
    %dma_wait3A_745 = arith.constant 0 : i32
    %dma_wait3A_746 = tpu.memref_slice %arg9[%dma_wait3A_744, %dma_wait3A_745] : memref<25x80xi32, #tpu.memory_space<vmem>> -> memref<1x80xi32, #tpu.memory_space<vmem>>
    %dma_wait3A_747 = tpu.memref_squeeze %dma_wait3A_746 : memref<1x80xi32, #tpu.memory_space<vmem>> -> memref<80xi32, #tpu.memory_space<vmem>>
    %dma_wait3A_748 = arith.constant 0 : i32
    %dma_wait3A_749 = arith.constant 0 : i32
    %dma_wait3A_750 = tpu.memref_slice %arg2[%dma_wait3A_748, %dma_wait3A_749] : memref<10000x128xf32, #tpu.memory_space<hbm>> -> memref<10000x128xf32, #tpu.memory_space<hbm>>
    tpu.wait_indirect_dma semaphore(%arg15 : memref<!tpu.dma_semaphore, #tpu.memory_space<semaphore_mem>>) src(%dma_wait3A_750 : memref<10000x128xf32, #tpu.memory_space<hbm>>) dst(%arg11 : memref<80x128xf32, #tpu.memory_space<vmem>>)
    %run_scoped3A_751 = arith.constant 21 : i32
    "tpu.region"() ({
      %run_scoped3A_873 = tpu.sem_alloc : memref<!tpu.dma_semaphore, #tpu.memory_space<semaphore_mem>>
      %dma_start3A_874 = arith.constant 0 : i32
      %dma_start3A_875 = tpu.memref_slice %arg10[%run_scoped3A_751, %dma_start3A_874] : memref<25x80xi32, #tpu.memory_space<vmem>> -> memref<1x80xi32, #tpu.memory_space<vmem>>
      %dma_start3A_876 = tpu.memref_squeeze %dma_start3A_875 : memref<1x80xi32, #tpu.memory_space<vmem>> -> memref<80xi32, #tpu.memory_space<vmem>>
      %dma_start3A_877 = arith.constant 0 : i32
      %dma_start3A_878 = arith.constant 0 : i32
      %dma_start3A_879 = tpu.memref_slice %arg8[%dma_start3A_877, %dma_start3A_878] : memref<10240x128xf32, #tpu.memory_space<vmem_shared>> -> memref<10240x128xf32, #tpu.memory_space<vmem_shared>>
      tpu.enqueue_indirect_dma source(%arg11 : memref<80x128xf32, #tpu.memory_space<vmem>>) target(%dma_start3A_879 : memref<10240x128xf32, #tpu.memory_space<vmem_shared>>) offsets(%dma_start3A_876 : memref<80xi32, #tpu.memory_space<vmem>>) semaphore(%run_scoped3A_873 : memref<!tpu.dma_semaphore, #tpu.memory_space<semaphore_mem>>) {add = true}
      %dma_wait3A_880 = arith.constant 0 : i32
      %dma_wait3A_881 = tpu.memref_slice %arg10[%run_scoped3A_751, %dma_wait3A_880] : memref<25x80xi32, #tpu.memory_space<vmem>> -> memref<1x80xi32, #tpu.memory_space<vmem>>
      %dma_wait3A_882 = tpu.memref_squeeze %dma_wait3A_881 : memref<1x80xi32, #tpu.memory_space<vmem>> -> memref<80xi32, #tpu.memory_space<vmem>>
      %dma_wait3A_883 = arith.constant 0 : i32
      %dma_wait3A_884 = arith.constant 0 : i32
      %dma_wait3A_885 = tpu.memref_slice %arg8[%dma_wait3A_883, %dma_wait3A_884] : memref<10240x128xf32, #tpu.memory_space<vmem_shared>> -> memref<10240x128xf32, #tpu.memory_space<vmem_shared>>
      tpu.wait_indirect_dma semaphore(%run_scoped3A_873 : memref<!tpu.dma_semaphore, #tpu.memory_space<semaphore_mem>>) src(%arg11 : memref<80x128xf32, #tpu.memory_space<vmem>>) dst(%dma_wait3A_885 : memref<10240x128xf32, #tpu.memory_space<vmem_shared>>)
      tpu.yield
    }) : () -> ()
    %dma_start3A_752 = arith.constant 24 : i32
    %dma_start3A_753 = arith.constant 0 : i32
    %dma_start3A_754 = tpu.memref_slice %arg9[%dma_start3A_752, %dma_start3A_753] : memref<25x80xi32, #tpu.memory_space<vmem>> -> memref<1x80xi32, #tpu.memory_space<vmem>>
    %dma_start3A_755 = tpu.memref_squeeze %dma_start3A_754 : memref<1x80xi32, #tpu.memory_space<vmem>> -> memref<80xi32, #tpu.memory_space<vmem>>
    %dma_start3A_756 = arith.constant 0 : i32
    %dma_start3A_757 = arith.constant 0 : i32
    %dma_start3A_758 = tpu.memref_slice %arg2[%dma_start3A_756, %dma_start3A_757] : memref<10000x128xf32, #tpu.memory_space<hbm>> -> memref<10000x128xf32, #tpu.memory_space<hbm>>
    tpu.enqueue_indirect_dma source(%dma_start3A_758 : memref<10000x128xf32, #tpu.memory_space<hbm>>) target(%arg11 : memref<80x128xf32, #tpu.memory_space<vmem>>) offsets(%dma_start3A_755 : memref<80xi32, #tpu.memory_space<vmem>>) semaphore(%arg15 : memref<!tpu.dma_semaphore, #tpu.memory_space<semaphore_mem>>)
    %get3A_759 = arith.constant 21 : i32
    %get3A_760 = arith.index_cast %get3A_759 : i32 to index
    %get3A_761 = arith.constant 0 : index
    %get3A_762 = tpu.vector_load %arg10[%get3A_760, %get3A_761] {strides = array<i32>} : memref<25x80xi32, #tpu.memory_space<vmem>>, vector<16xi32>,
    tpu.vector_store_idx %arg14[%get3A_762], %broadcast_in_dim3A_3 {add = true} : memref<10240xf32, #tpu.memory_space<vmem>>[vector<16xi32>], vector<16xf32>,
    %get3A_763 = arith.constant 21 : i32
    %get3A_764 = arith.index_cast %get3A_763 : i32 to index
    %get3A_765 = arith.constant 16 : index
    %get3A_766 = tpu.vector_load %arg10[%get3A_764, %get3A_765] {strides = array<i32>} : memref<25x80xi32, #tpu.memory_space<vmem>>, vector<16xi32>,
    tpu.vector_store_idx %arg14[%get3A_766], %broadcast_in_dim3A_3 {add = true} : memref<10240xf32, #tpu.memory_space<vmem>>[vector<16xi32>], vector<16xf32>,
    %get3A_767 = arith.constant 21 : i32
    %get3A_768 = arith.index_cast %get3A_767 : i32 to index
    %get3A_769 = arith.constant 32 : index
    %get3A_770 = tpu.vector_load %arg10[%get3A_768, %get3A_769] {strides = array<i32>} : memref<25x80xi32, #tpu.memory_space<vmem>>, vector<16xi32>,
    tpu.vector_store_idx %arg14[%get3A_770], %broadcast_in_dim3A_3 {add = true} : memref<10240xf32, #tpu.memory_space<vmem>>[vector<16xi32>], vector<16xf32>,
    %get3A_771 = arith.constant 21 : i32
    %get3A_772 = arith.index_cast %get3A_771 : i32 to index
    %get3A_773 = arith.constant 48 : index
    %get3A_774 = tpu.vector_load %arg10[%get3A_772, %get3A_773] {strides = array<i32>} : memref<25x80xi32, #tpu.memory_space<vmem>>, vector<16xi32>,
    tpu.vector_store_idx %arg14[%get3A_774], %broadcast_in_dim3A_3 {add = true} : memref<10240xf32, #tpu.memory_space<vmem>>[vector<16xi32>], vector<16xf32>,
    %get3A_775 = arith.constant 21 : i32
    %get3A_776 = arith.index_cast %get3A_775 : i32 to index
    %get3A_777 = arith.constant 64 : index
    %get3A_778 = tpu.vector_load %arg10[%get3A_776, %get3A_777] {strides = array<i32>} : memref<25x80xi32, #tpu.memory_space<vmem>>, vector<16xi32>,
    tpu.vector_store_idx %arg14[%get3A_778], %broadcast_in_dim3A_3 {add = true} : memref<10240xf32, #tpu.memory_space<vmem>>[vector<16xi32>], vector<16xf32>,
    %dma_wait3A_779 = arith.constant 22 : i32
    %dma_wait3A_780 = arith.constant 0 : i32
    %dma_wait3A_781 = tpu.memref_slice %arg9[%dma_wait3A_779, %dma_wait3A_780] : memref<25x80xi32, #tpu.memory_space<vmem>> -> memref<1x80xi32, #tpu.memory_space<vmem>>
    %dma_wait3A_782 = tpu.memref_squeeze %dma_wait3A_781 : memref<1x80xi32, #tpu.memory_space<vmem>> -> memref<80xi32, #tpu.memory_space<vmem>>
    %dma_wait3A_783 = arith.constant 0 : i32
    %dma_wait3A_784 = arith.constant 0 : i32
    %dma_wait3A_785 = tpu.memref_slice %arg2[%dma_wait3A_783, %dma_wait3A_784] : memref<10000x128xf32, #tpu.memory_space<hbm>> -> memref<10000x128xf32, #tpu.memory_space<hbm>>
    tpu.wait_indirect_dma semaphore(%arg16 : memref<!tpu.dma_semaphore, #tpu.memory_space<semaphore_mem>>) src(%dma_wait3A_785 : memref<10000x128xf32, #tpu.memory_space<hbm>>) dst(%arg12 : memref<80x128xf32, #tpu.memory_space<vmem>>)
    %run_scoped3A_786 = arith.constant 22 : i32
    "tpu.region"() ({
      %run_scoped3A_873 = tpu.sem_alloc : memref<!tpu.dma_semaphore, #tpu.memory_space<semaphore_mem>>
      %dma_start3A_874 = arith.constant 0 : i32
      %dma_start3A_875 = tpu.memref_slice %arg10[%run_scoped3A_786, %dma_start3A_874] : memref<25x80xi32, #tpu.memory_space<vmem>> -> memref<1x80xi32, #tpu.memory_space<vmem>>
      %dma_start3A_876 = tpu.memref_squeeze %dma_start3A_875 : memref<1x80xi32, #tpu.memory_space<vmem>> -> memref<80xi32, #tpu.memory_space<vmem>>
      %dma_start3A_877 = arith.constant 0 : i32
      %dma_start3A_878 = arith.constant 0 : i32
      %dma_start3A_879 = tpu.memref_slice %arg8[%dma_start3A_877, %dma_start3A_878] : memref<10240x128xf32, #tpu.memory_space<vmem_shared>> -> memref<10240x128xf32, #tpu.memory_space<vmem_shared>>
      tpu.enqueue_indirect_dma source(%arg12 : memref<80x128xf32, #tpu.memory_space<vmem>>) target(%dma_start3A_879 : memref<10240x128xf32, #tpu.memory_space<vmem_shared>>) offsets(%dma_start3A_876 : memref<80xi32, #tpu.memory_space<vmem>>) semaphore(%run_scoped3A_873 : memref<!tpu.dma_semaphore, #tpu.memory_space<semaphore_mem>>) {add = true}
      %dma_wait3A_880 = arith.constant 0 : i32
      %dma_wait3A_881 = tpu.memref_slice %arg10[%run_scoped3A_786, %dma_wait3A_880] : memref<25x80xi32, #tpu.memory_space<vmem>> -> memref<1x80xi32, #tpu.memory_space<vmem>>
      %dma_wait3A_882 = tpu.memref_squeeze %dma_wait3A_881 : memref<1x80xi32, #tpu.memory_space<vmem>> -> memref<80xi32, #tpu.memory_space<vmem>>
      %dma_wait3A_883 = arith.constant 0 : i32
      %dma_wait3A_884 = arith.constant 0 : i32
      %dma_wait3A_885 = tpu.memref_slice %arg8[%dma_wait3A_883, %dma_wait3A_884] : memref<10240x128xf32, #tpu.memory_space<vmem_shared>> -> memref<10240x128xf32, #tpu.memory_space<vmem_shared>>
      tpu.wait_indirect_dma semaphore(%run_scoped3A_873 : memref<!tpu.dma_semaphore, #tpu.memory_space<semaphore_mem>>) src(%arg12 : memref<80x128xf32, #tpu.memory_space<vmem>>) dst(%dma_wait3A_885 : memref<10240x128xf32, #tpu.memory_space<vmem_shared>>)
      tpu.yield
    }) : () -> ()
    %get3A_787 = arith.constant 22 : i32
    %get3A_788 = arith.index_cast %get3A_787 : i32 to index
    %get3A_789 = arith.constant 0 : index
    %get3A_790 = tpu.vector_load %arg10[%get3A_788, %get3A_789] {strides = array<i32>} : memref<25x80xi32, #tpu.memory_space<vmem>>, vector<16xi32>,
    tpu.vector_store_idx %arg14[%get3A_790], %broadcast_in_dim3A_3 {add = true} : memref<10240xf32, #tpu.memory_space<vmem>>[vector<16xi32>], vector<16xf32>,
    %get3A_791 = arith.constant 22 : i32
    %get3A_792 = arith.index_cast %get3A_791 : i32 to index
    %get3A_793 = arith.constant 16 : index
    %get3A_794 = tpu.vector_load %arg10[%get3A_792, %get3A_793] {strides = array<i32>} : memref<25x80xi32, #tpu.memory_space<vmem>>, vector<16xi32>,
    tpu.vector_store_idx %arg14[%get3A_794], %broadcast_in_dim3A_3 {add = true} : memref<10240xf32, #tpu.memory_space<vmem>>[vector<16xi32>], vector<16xf32>,
    %get3A_795 = arith.constant 22 : i32
    %get3A_796 = arith.index_cast %get3A_795 : i32 to index
    %get3A_797 = arith.constant 32 : index
    %get3A_798 = tpu.vector_load %arg10[%get3A_796, %get3A_797] {strides = array<i32>} : memref<25x80xi32, #tpu.memory_space<vmem>>, vector<16xi32>,
    tpu.vector_store_idx %arg14[%get3A_798], %broadcast_in_dim3A_3 {add = true} : memref<10240xf32, #tpu.memory_space<vmem>>[vector<16xi32>], vector<16xf32>,
    %get3A_799 = arith.constant 22 : i32
    %get3A_800 = arith.index_cast %get3A_799 : i32 to index
    %get3A_801 = arith.constant 48 : index
    %get3A_802 = tpu.vector_load %arg10[%get3A_800, %get3A_801] {strides = array<i32>} : memref<25x80xi32, #tpu.memory_space<vmem>>, vector<16xi32>,
    tpu.vector_store_idx %arg14[%get3A_802], %broadcast_in_dim3A_3 {add = true} : memref<10240xf32, #tpu.memory_space<vmem>>[vector<16xi32>], vector<16xf32>,
    %get3A_803 = arith.constant 22 : i32
    %get3A_804 = arith.index_cast %get3A_803 : i32 to index
    %get3A_805 = arith.constant 64 : index
    %get3A_806 = tpu.vector_load %arg10[%get3A_804, %get3A_805] {strides = array<i32>} : memref<25x80xi32, #tpu.memory_space<vmem>>, vector<16xi32>,
    tpu.vector_store_idx %arg14[%get3A_806], %broadcast_in_dim3A_3 {add = true} : memref<10240xf32, #tpu.memory_space<vmem>>[vector<16xi32>], vector<16xf32>,
    %dma_wait3A_807 = arith.constant 23 : i32
    %dma_wait3A_808 = arith.constant 0 : i32
    %dma_wait3A_809 = tpu.memref_slice %arg9[%dma_wait3A_807, %dma_wait3A_808] : memref<25x80xi32, #tpu.memory_space<vmem>> -> memref<1x80xi32, #tpu.memory_space<vmem>>
    %dma_wait3A_810 = tpu.memref_squeeze %dma_wait3A_809 : memref<1x80xi32, #tpu.memory_space<vmem>> -> memref<80xi32, #tpu.memory_space<vmem>>
    %dma_wait3A_811 = arith.constant 0 : i32
    %dma_wait3A_812 = arith.constant 0 : i32
    %dma_wait3A_813 = tpu.memref_slice %arg2[%dma_wait3A_811, %dma_wait3A_812] : memref<10000x128xf32, #tpu.memory_space<hbm>> -> memref<10000x128xf32, #tpu.memory_space<hbm>>
    tpu.wait_indirect_dma semaphore(%arg17 : memref<!tpu.dma_semaphore, #tpu.memory_space<semaphore_mem>>) src(%dma_wait3A_813 : memref<10000x128xf32, #tpu.memory_space<hbm>>) dst(%arg13 : memref<80x128xf32, #tpu.memory_space<vmem>>)
    %run_scoped3A_814 = arith.constant 23 : i32
    "tpu.region"() ({
      %run_scoped3A_873 = tpu.sem_alloc : memref<!tpu.dma_semaphore, #tpu.memory_space<semaphore_mem>>
      %dma_start3A_874 = arith.constant 0 : i32
      %dma_start3A_875 = tpu.memref_slice %arg10[%run_scoped3A_814, %dma_start3A_874] : memref<25x80xi32, #tpu.memory_space<vmem>> -> memref<1x80xi32, #tpu.memory_space<vmem>>
      %dma_start3A_876 = tpu.memref_squeeze %dma_start3A_875 : memref<1x80xi32, #tpu.memory_space<vmem>> -> memref<80xi32, #tpu.memory_space<vmem>>
      %dma_start3A_877 = arith.constant 0 : i32
      %dma_start3A_878 = arith.constant 0 : i32
      %dma_start3A_879 = tpu.memref_slice %arg8[%dma_start3A_877, %dma_start3A_878] : memref<10240x128xf32, #tpu.memory_space<vmem_shared>> -> memref<10240x128xf32, #tpu.memory_space<vmem_shared>>
      tpu.enqueue_indirect_dma source(%arg13 : memref<80x128xf32, #tpu.memory_space<vmem>>) target(%dma_start3A_879 : memref<10240x128xf32, #tpu.memory_space<vmem_shared>>) offsets(%dma_start3A_876 : memref<80xi32, #tpu.memory_space<vmem>>) semaphore(%run_scoped3A_873 : memref<!tpu.dma_semaphore, #tpu.memory_space<semaphore_mem>>) {add = true}
      %dma_wait3A_880 = arith.constant 0 : i32
      %dma_wait3A_881 = tpu.memref_slice %arg10[%run_scoped3A_814, %dma_wait3A_880] : memref<25x80xi32, #tpu.memory_space<vmem>> -> memref<1x80xi32, #tpu.memory_space<vmem>>
      %dma_wait3A_882 = tpu.memref_squeeze %dma_wait3A_881 : memref<1x80xi32, #tpu.memory_space<vmem>> -> memref<80xi32, #tpu.memory_space<vmem>>
      %dma_wait3A_883 = arith.constant 0 : i32
      %dma_wait3A_884 = arith.constant 0 : i32
      %dma_wait3A_885 = tpu.memref_slice %arg8[%dma_wait3A_883, %dma_wait3A_884] : memref<10240x128xf32, #tpu.memory_space<vmem_shared>> -> memref<10240x128xf32, #tpu.memory_space<vmem_shared>>
      tpu.wait_indirect_dma semaphore(%run_scoped3A_873 : memref<!tpu.dma_semaphore, #tpu.memory_space<semaphore_mem>>) src(%arg13 : memref<80x128xf32, #tpu.memory_space<vmem>>) dst(%dma_wait3A_885 : memref<10240x128xf32, #tpu.memory_space<vmem_shared>>)
      tpu.yield
    }) : () -> ()
    %get3A_815 = arith.constant 23 : i32
    %get3A_816 = arith.index_cast %get3A_815 : i32 to index
    %get3A_817 = arith.constant 0 : index
    %get3A_818 = tpu.vector_load %arg10[%get3A_816, %get3A_817] {strides = array<i32>} : memref<25x80xi32, #tpu.memory_space<vmem>>, vector<16xi32>,
    tpu.vector_store_idx %arg14[%get3A_818], %broadcast_in_dim3A_3 {add = true} : memref<10240xf32, #tpu.memory_space<vmem>>[vector<16xi32>], vector<16xf32>,
    %get3A_819 = arith.constant 23 : i32
    %get3A_820 = arith.index_cast %get3A_819 : i32 to index
    %get3A_821 = arith.constant 16 : index
    %get3A_822 = tpu.vector_load %arg10[%get3A_820, %get3A_821] {strides = array<i32>} : memref<25x80xi32, #tpu.memory_space<vmem>>, vector<16xi32>,
    tpu.vector_store_idx %arg14[%get3A_822], %broadcast_in_dim3A_3 {add = true} : memref<10240xf32, #tpu.memory_space<vmem>>[vector<16xi32>], vector<16xf32>,
    %get3A_823 = arith.constant 23 : i32
    %get3A_824 = arith.index_cast %get3A_823 : i32 to index
    %get3A_825 = arith.constant 32 : index
    %get3A_826 = tpu.vector_load %arg10[%get3A_824, %get3A_825] {strides = array<i32>} : memref<25x80xi32, #tpu.memory_space<vmem>>, vector<16xi32>,
    tpu.vector_store_idx %arg14[%get3A_826], %broadcast_in_dim3A_3 {add = true} : memref<10240xf32, #tpu.memory_space<vmem>>[vector<16xi32>], vector<16xf32>,
    %get3A_827 = arith.constant 23 : i32
    %get3A_828 = arith.index_cast %get3A_827 : i32 to index
    %get3A_829 = arith.constant 48 : index
    %get3A_830 = tpu.vector_load %arg10[%get3A_828, %get3A_829] {strides = array<i32>} : memref<25x80xi32, #tpu.memory_space<vmem>>, vector<16xi32>,
    tpu.vector_store_idx %arg14[%get3A_830], %broadcast_in_dim3A_3 {add = true} : memref<10240xf32, #tpu.memory_space<vmem>>[vector<16xi32>], vector<16xf32>,
    %get3A_831 = arith.constant 23 : i32
    %get3A_832 = arith.index_cast %get3A_831 : i32 to index
    %get3A_833 = arith.constant 64 : index
    %get3A_834 = tpu.vector_load %arg10[%get3A_832, %get3A_833] {strides = array<i32>} : memref<25x80xi32, #tpu.memory_space<vmem>>, vector<16xi32>,
    tpu.vector_store_idx %arg14[%get3A_834], %broadcast_in_dim3A_3 {add = true} : memref<10240xf32, #tpu.memory_space<vmem>>[vector<16xi32>], vector<16xf32>,
    %dma_wait3A_835 = arith.constant 24 : i32
    %dma_wait3A_836 = arith.constant 0 : i32
    %dma_wait3A_837 = tpu.memref_slice %arg9[%dma_wait3A_835, %dma_wait3A_836] : memref<25x80xi32, #tpu.memory_space<vmem>> -> memref<1x80xi32, #tpu.memory_space<vmem>>
    %dma_wait3A_838 = tpu.memref_squeeze %dma_wait3A_837 : memref<1x80xi32, #tpu.memory_space<vmem>> -> memref<80xi32, #tpu.memory_space<vmem>>
    %dma_wait3A_839 = arith.constant 0 : i32
    %dma_wait3A_840 = arith.constant 0 : i32
    %dma_wait3A_841 = tpu.memref_slice %arg2[%dma_wait3A_839, %dma_wait3A_840] : memref<10000x128xf32, #tpu.memory_space<hbm>> -> memref<10000x128xf32, #tpu.memory_space<hbm>>
    tpu.wait_indirect_dma semaphore(%arg15 : memref<!tpu.dma_semaphore, #tpu.memory_space<semaphore_mem>>) src(%dma_wait3A_841 : memref<10000x128xf32, #tpu.memory_space<hbm>>) dst(%arg11 : memref<80x128xf32, #tpu.memory_space<vmem>>)
    %run_scoped3A_842 = arith.constant 24 : i32
    "tpu.region"() ({
      %run_scoped3A_873 = tpu.sem_alloc : memref<!tpu.dma_semaphore, #tpu.memory_space<semaphore_mem>>
      %dma_start3A_874 = arith.constant 0 : i32
      %dma_start3A_875 = tpu.memref_slice %arg10[%run_scoped3A_842, %dma_start3A_874] : memref<25x80xi32, #tpu.memory_space<vmem>> -> memref<1x80xi32, #tpu.memory_space<vmem>>
      %dma_start3A_876 = tpu.memref_squeeze %dma_start3A_875 : memref<1x80xi32, #tpu.memory_space<vmem>> -> memref<80xi32, #tpu.memory_space<vmem>>
      %dma_start3A_877 = arith.constant 0 : i32
      %dma_start3A_878 = arith.constant 0 : i32
      %dma_start3A_879 = tpu.memref_slice %arg8[%dma_start3A_877, %dma_start3A_878] : memref<10240x128xf32, #tpu.memory_space<vmem_shared>> -> memref<10240x128xf32, #tpu.memory_space<vmem_shared>>
      tpu.enqueue_indirect_dma source(%arg11 : memref<80x128xf32, #tpu.memory_space<vmem>>) target(%dma_start3A_879 : memref<10240x128xf32, #tpu.memory_space<vmem_shared>>) offsets(%dma_start3A_876 : memref<80xi32, #tpu.memory_space<vmem>>) semaphore(%run_scoped3A_873 : memref<!tpu.dma_semaphore, #tpu.memory_space<semaphore_mem>>) {add = true}
      %dma_wait3A_880 = arith.constant 0 : i32
      %dma_wait3A_881 = tpu.memref_slice %arg10[%run_scoped3A_842, %dma_wait3A_880] : memref<25x80xi32, #tpu.memory_space<vmem>> -> memref<1x80xi32, #tpu.memory_space<vmem>>
      %dma_wait3A_882 = tpu.memref_squeeze %dma_wait3A_881 : memref<1x80xi32, #tpu.memory_space<vmem>> -> memref<80xi32, #tpu.memory_space<vmem>>
      %dma_wait3A_883 = arith.constant 0 : i32
      %dma_wait3A_884 = arith.constant 0 : i32
      %dma_wait3A_885 = tpu.memref_slice %arg8[%dma_wait3A_883, %dma_wait3A_884] : memref<10240x128xf32, #tpu.memory_space<vmem_shared>> -> memref<10240x128xf32, #tpu.memory_space<vmem_shared>>
      tpu.wait_indirect_dma semaphore(%run_scoped3A_873 : memref<!tpu.dma_semaphore, #tpu.memory_space<semaphore_mem>>) src(%arg11 : memref<80x128xf32, #tpu.memory_space<vmem>>) dst(%dma_wait3A_885 : memref<10240x128xf32, #tpu.memory_space<vmem_shared>>)
      tpu.yield
    }) : () -> ()
    %get3A_843 = arith.constant 24 : i32
    %get3A_844 = arith.index_cast %get3A_843 : i32 to index
    %get3A_845 = arith.constant 0 : index
    %get3A_846 = tpu.vector_load %arg10[%get3A_844, %get3A_845] {strides = array<i32>} : memref<25x80xi32, #tpu.memory_space<vmem>>, vector<16xi32>,
    tpu.vector_store_idx %arg14[%get3A_846], %broadcast_in_dim3A_3 {add = true} : memref<10240xf32, #tpu.memory_space<vmem>>[vector<16xi32>], vector<16xf32>,
    %get3A_847 = arith.constant 24 : i32
    %get3A_848 = arith.index_cast %get3A_847 : i32 to index
    %get3A_849 = arith.constant 16 : index
    %get3A_850 = tpu.vector_load %arg10[%get3A_848, %get3A_849] {strides = array<i32>} : memref<25x80xi32, #tpu.memory_space<vmem>>, vector<16xi32>,
    tpu.vector_store_idx %arg14[%get3A_850], %broadcast_in_dim3A_3 {add = true} : memref<10240xf32, #tpu.memory_space<vmem>>[vector<16xi32>], vector<16xf32>,
    %get3A_851 = arith.constant 24 : i32
    %get3A_852 = arith.index_cast %get3A_851 : i32 to index
    %get3A_853 = arith.constant 32 : index
    %get3A_854 = tpu.vector_load %arg10[%get3A_852, %get3A_853] {strides = array<i32>} : memref<25x80xi32, #tpu.memory_space<vmem>>, vector<16xi32>,
    tpu.vector_store_idx %arg14[%get3A_854], %broadcast_in_dim3A_3 {add = true} : memref<10240xf32, #tpu.memory_space<vmem>>[vector<16xi32>], vector<16xf32>,
    %get3A_855 = arith.constant 24 : i32
    %get3A_856 = arith.index_cast %get3A_855 : i32 to index
    %get3A_857 = arith.constant 48 : index
    %get3A_858 = tpu.vector_load %arg10[%get3A_856, %get3A_857] {strides = array<i32>} : memref<25x80xi32, #tpu.memory_space<vmem>>, vector<16xi32>,
    tpu.vector_store_idx %arg14[%get3A_858], %broadcast_in_dim3A_3 {add = true} : memref<10240xf32, #tpu.memory_space<vmem>>[vector<16xi32>], vector<16xf32>,
    %get3A_859 = arith.constant 24 : i32
    %get3A_860 = arith.index_cast %get3A_859 : i32 to index
    %get3A_861 = arith.constant 64 : index
    %get3A_862 = tpu.vector_load %arg10[%get3A_860, %get3A_861] {strides = array<i32>} : memref<25x80xi32, #tpu.memory_space<vmem>>, vector<16xi32>,
    tpu.vector_store_idx %arg14[%get3A_862], %broadcast_in_dim3A_3 {add = true} : memref<10240xf32, #tpu.memory_space<vmem>>[vector<16xi32>], vector<16xf32>,
    %barrier3A_863 = arith.constant 0 : index
    tpu.barrier barrier_id(%barrier3A_863)
    %eq3A = arith.constant 0 : i32
    %eq3A_864 = arith.cmpi eq, %arg0, %eq3A : i32
    %convert_element_type3A = arith.extui %eq3A_864 : i1 to i32
    %cond3A = arith.constant 0 : i32
    %cond3A_865 = arith.cmpi ne, %convert_element_type3A, %cond3A : i32
    scf.if %cond3A_865 {
      "tpu.region"() ({
        %run_scoped3A_873 = tpu.sem_alloc : memref<!tpu.dma_semaphore, #tpu.memory_space<semaphore_mem>>
        %dma_start3A_874 = arith.constant 0 : i32
        %dma_start3A_875 = tpu.memref_slice %arg5[%mul3A_10, %dma_start3A_874] : memref<10240x128xf32, #tpu.memory_space<hbm>> -> memref<640x128xf32, #tpu.memory_space<hbm>>
        %dma_start3A_876 = arith.constant 0 : i32
        %dma_start3A_877 = tpu.memref_slice %arg8[%mul3A_10, %dma_start3A_876] : memref<10240x128xf32, #tpu.memory_space<vmem_shared>> -> memref<640x128xf32, #tpu.memory_space<vmem_shared>>
        tpu.enqueue_dma source(%dma_start3A_877 : memref<640x128xf32, #tpu.memory_space<vmem_shared>>) target(%dma_start3A_875 : memref<640x128xf32, #tpu.memory_space<hbm>>) target_semaphore(%run_scoped3A_873 : memref<!tpu.dma_semaphore, #tpu.memory_space<semaphore_mem>>)
        %dma_wait3A_878 = arith.constant 0 : i32
        %dma_wait3A_879 = tpu.memref_slice %arg5[%mul3A_10, %dma_wait3A_878] : memref<10240x128xf32, #tpu.memory_space<hbm>> -> memref<640x128xf32, #tpu.memory_space<hbm>>
        %dma_wait3A_880 = arith.constant 0 : i32
        %dma_wait3A_881 = tpu.memref_slice %arg8[%mul3A_10, %dma_wait3A_880] : memref<10240x128xf32, #tpu.memory_space<vmem_shared>> -> memref<640x128xf32, #tpu.memory_space<vmem_shared>>
        tpu.wait_dma2 semaphore(%run_scoped3A_873 : memref<!tpu.dma_semaphore, #tpu.memory_space<semaphore_mem>>) src(%dma_wait3A_881 : memref<640x128xf32, #tpu.memory_space<vmem_shared>>) dst(%dma_wait3A_879 : memref<640x128xf32, #tpu.memory_space<hbm>>)
        tpu.yield
      }) : () -> ()
    } else {
    }
    %eq3A_866 = arith.constant 1 : i32
    %eq3A_867 = arith.cmpi eq, %arg0, %eq3A_866 : i32
    %convert_element_type3A_868 = arith.extui %eq3A_867 : i1 to i32
    %cond3A_869 = arith.constant 0 : i32
    %cond3A_870 = arith.cmpi ne, %convert_element_type3A_868, %cond3A_869 : i32
    scf.if %cond3A_870 {
      "tpu.region"() ({
        %run_scoped3A_873 = tpu.sem_alloc : memref<!tpu.dma_semaphore, #tpu.memory_space<semaphore_mem>>
        %dma_start3A_874 = arith.constant 0 : i32
        %dma_start3A_875 = tpu.memref_slice %arg6[%mul3A_10, %dma_start3A_874] : memref<10240x128xf32, #tpu.memory_space<hbm>> -> memref<640x128xf32, #tpu.memory_space<hbm>>
        %dma_start3A_876 = arith.constant 0 : i32
        %dma_start3A_877 = tpu.memref_slice %arg8[%mul3A_10, %dma_start3A_876] : memref<10240x128xf32, #tpu.memory_space<vmem_shared>> -> memref<640x128xf32, #tpu.memory_space<vmem_shared>>
        tpu.enqueue_dma source(%dma_start3A_877 : memref<640x128xf32, #tpu.memory_space<vmem_shared>>) target(%dma_start3A_875 : memref<640x128xf32, #tpu.memory_space<hbm>>) target_semaphore(%run_scoped3A_873 : memref<!tpu.dma_semaphore, #tpu.memory_space<semaphore_mem>>)
        %dma_wait3A_878 = arith.constant 0 : i32
        %dma_wait3A_879 = tpu.memref_slice %arg6[%mul3A_10, %dma_wait3A_878] : memref<10240x128xf32, #tpu.memory_space<hbm>> -> memref<640x128xf32, #tpu.memory_space<hbm>>
        %dma_wait3A_880 = arith.constant 0 : i32
        %dma_wait3A_881 = tpu.memref_slice %arg8[%mul3A_10, %dma_wait3A_880] : memref<10240x128xf32, #tpu.memory_space<vmem_shared>> -> memref<640x128xf32, #tpu.memory_space<vmem_shared>>
        tpu.wait_dma2 semaphore(%run_scoped3A_873 : memref<!tpu.dma_semaphore, #tpu.memory_space<semaphore_mem>>) src(%dma_wait3A_881 : memref<640x128xf32, #tpu.memory_space<vmem_shared>>) dst(%dma_wait3A_879 : memref<640x128xf32, #tpu.memory_space<hbm>>)
        tpu.yield
      }) : () -> ()
    } else {
    }
    %mul3A_871 = arith.constant 10240 : i32
    %mul3A_872 = arith.muli %add3A, %mul3A_871 : i32
    "tpu.region"() ({
      %run_scoped3A_873 = tpu.sem_alloc : memref<!tpu.dma_semaphore, #tpu.memory_space<semaphore_mem>>
      %dma_start3A_874 = tpu.memref_slice %arg7[%mul3A_872] : memref<327680xf32, #tpu.memory_space<hbm>> -> memref<10240xf32, #tpu.memory_space<hbm>>
      %dma_start3A_875 = tpu.memref_slice %arg7[%mul3A_872] : memref<327680xf32, #tpu.memory_space<hbm>> -> memref<10240xf32, #tpu.memory_space<hbm>>
      tpu.enqueue_dma source(%arg14 : memref<10240xf32, #tpu.memory_space<vmem>>) target(%dma_start3A_875 : memref<10240xf32, #tpu.memory_space<hbm>>) target_semaphore(%run_scoped3A_873 : memref<!tpu.dma_semaphore, #tpu.memory_space<semaphore_mem>>)
      %dma_wait3A_876 = tpu.memref_slice %arg7[%mul3A_872] : memref<327680xf32, #tpu.memory_space<hbm>> -> memref<10240xf32, #tpu.memory_space<hbm>>
      %dma_wait3A_877 = tpu.memref_slice %arg7[%mul3A_872] : memref<327680xf32, #tpu.memory_space<hbm>> -> memref<10240xf32, #tpu.memory_space<hbm>>
      tpu.wait_dma2 semaphore(%run_scoped3A_873 : memref<!tpu.dma_semaphore, #tpu.memory_space<semaphore_mem>>) src(%arg14 : memref<10240xf32, #tpu.memory_space<vmem>>) dst(%dma_wait3A_877 : memref<10240xf32, #tpu.memory_space<hbm>>)
      tpu.yield
    }) : () -> ()
    return
  }
}

module attributes {stable_mosaic.version = 14 : i64} {
  func.func @_finalize_body(%arg0: i32, %arg1: memref<2048x128xf32, #tpu.memory_space<vmem>>, %arg2: memref<2048x128xf32, #tpu.memory_space<vmem>>, %arg3: memref<32x2048xf32, #tpu.memory_space<vmem>>, %arg4: memref<128x128xf32, #tpu.memory_space<vmem>>, %arg5: memref<1x128xf32, #tpu.memory_space<vmem>>, %arg6: memref<2048x128xf32, #tpu.memory_space<vmem>>) attributes {dimension_semantics = [#tpu.dimension_semantics<arbitrary>], iteration_bounds = array<i64: 5>, scalar_prefetch = 0 : i64, scratch_operands = 0 : i64, tpu.core_type = #tpu.core_type<tc>, window_params = [{transform_indices = @transform_0, window_bounds = array<i64: 2048, 128>}, {transform_indices = @transform_1, window_bounds = array<i64: 2048, 128>}, {transform_indices = @transform_2, window_bounds = array<i64: 32, 2048>}, {pipeline_mode = #tpu.pipeline_mode<synchronous>, transform_indices = @transform_3, window_bounds = array<i64: 128, 128>}, {pipeline_mode = #tpu.pipeline_mode<synchronous>, transform_indices = @transform_4, window_bounds = array<i64: 1, 128>}, {transform_indices = @transform_5, window_bounds = array<i64: 2048, 128>}]} {
    %get3A = arith.constant 0 : index
    %get3A_0 = arith.constant 0 : index
    %get3A_1 = vector.load %arg1[%get3A, %get3A_0] : memref<2048x128xf32, #tpu.memory_space<vmem>>, vector<2048x128xf32>
    %get3A_2 = arith.constant 0 : index
    %get3A_3 = arith.constant 0 : index
    %get3A_4 = vector.load %arg2[%get3A_2, %get3A_3] : memref<2048x128xf32, #tpu.memory_space<vmem>>, vector<2048x128xf32>
    %add3A = arith.addf %get3A_1, %get3A_4 : vector<2048x128xf32>
    %broadcast_in_dim3A = arith.constant 1.000000e+00 : f32
    %broadcast_in_dim3A_5 = vector.broadcast %broadcast_in_dim3A : f32 to vector<32x1xf32>
    %get3A_6 = arith.constant 0 : index
    %get3A_7 = arith.constant 0 : index
    %get3A_8 = vector.load %arg3[%get3A_6, %get3A_7] : memref<32x2048xf32, #tpu.memory_space<vmem>>, vector<32x2048xf32>
    %dot_general3A = arith.constant dense<0.000000e+00> : vector<2048x1xf32>
    %dot_general3A_9 = tpu.matmul %get3A_8, %broadcast_in_dim3A_5, %dot_general3A {dimension_numbers = #tpu.dot_dimension_numbers<[0], [0], [1], [1], [0, 1, 1, 1], [], []>, transpose_lhs_hint = false} : vector<32x2048xf32>, vector<32x1xf32>, vector<2048x1xf32> -> vector<2048x1xf32>
    %max3A = arith.constant 1.000000e+00 : f32
    %max3A_10 = vector.broadcast %max3A : f32 to vector<2048x1xf32>
    %max3A_11 = arith.maximumf %dot_general3A_9, %max3A_10 : vector<2048x1xf32>
    %div3A = arith.constant 1.000000e+00 : f32
    %div3A_12 = vector.broadcast %div3A : f32 to vector<2048x1xf32>
    %div3A_13 = arith.divf %div3A_12, %max3A_11 : vector<2048x1xf32>
    %mul3A = vector.broadcast %div3A_13 : vector<2048x1xf32> to vector<2048x128xf32>
    %mul3A_14 = arith.mulf %add3A, %mul3A : vector<2048x128xf32>
    %get3A_15 = arith.constant 0 : index
    %get3A_16 = arith.constant 0 : index
    %get3A_17 = vector.load %arg4[%get3A_15, %get3A_16] : memref<128x128xf32, #tpu.memory_space<vmem>>, vector<128x128xf32>
    %dot_general3A_18 = arith.constant dense<0.000000e+00> : vector<2048x128xf32>
    %dot_general3A_19 = tpu.matmul %mul3A_14, %get3A_17, %dot_general3A_18 {dimension_numbers = #tpu.dot_dimension_numbers<[1], [0], [0], [1], [0, 0, 1, 1], [], []>, transpose_lhs_hint = false} : vector<2048x128xf32>, vector<128x128xf32>, vector<2048x128xf32> -> vector<2048x128xf32>
    %get3A_20 = arith.constant 0 : index
    %get3A_21 = arith.constant 0 : index
    %get3A_22 = vector.load %arg5[%get3A_20, %get3A_21] : memref<1x128xf32, #tpu.memory_space<vmem>>, vector<1x128xf32>
    %add3A_23 = vector.broadcast %get3A_22 : vector<1x128xf32> to vector<2048x128xf32>
    %add3A_24 = arith.addf %dot_general3A_19, %add3A_23 : vector<2048x128xf32>
    %swap3A = arith.constant 0 : index
    %swap3A_25 = arith.constant 0 : index
    %swap3A_26 = vector.load %arg6[%swap3A, %swap3A_25] : memref<2048x128xf32, #tpu.memory_space<vmem>>, vector<2048x128xf32>
    tpu.vector_store %arg6[%swap3A, %swap3A_25], %add3A_24 {strides = array<i32>} : memref<2048x128xf32, #tpu.memory_space<vmem>>, vector<2048x128xf32>,
    return
  }
  func.func @transform_0(%arg0: i32) -> (i32, i32) {
    %c0_i32 = arith.constant 0 : i32
    %c0_i32_0 = arith.constant 0 : i32
    return %arg0, %c0_i32 : i32, i32
  }
  func.func @transform_1(%arg0: i32) -> (i32, i32) {
    %c0_i32 = arith.constant 0 : i32
    %c0_i32_0 = arith.constant 0 : i32
    return %arg0, %c0_i32 : i32, i32
  }
  func.func @transform_2(%arg0: i32) -> (i32, i32) {
    %c0_i32 = arith.constant 0 : i32
    %c0_i32_0 = arith.constant 0 : i32
    return %c0_i32, %arg0 : i32, i32
  }
  func.func @transform_3(%arg0: i32) -> (i32, i32) {
    %c0_i32 = arith.constant 0 : i32
    %c0_i32_0 = arith.constant 0 : i32
    %c0_i32_1 = arith.constant 0 : i32
    return %c0_i32, %c0_i32_0 : i32, i32
  }
  func.func @transform_4(%arg0: i32) -> (i32, i32) {
    %c0_i32 = arith.constant 0 : i32
    %c0_i32_0 = arith.constant 0 : i32
    %c0_i32_1 = arith.constant 0 : i32
    return %c0_i32, %c0_i32_0 : i32, i32
  }
  func.func @transform_5(%arg0: i32) -> (i32, i32) {
    %c0_i32 = arith.constant 0 : i32
    %c0_i32_0 = arith.constant 0 : i32
    return %arg0, %c0_i32 : i32, i32
  }
}

</mosaic_0001>

<sc_bundles>
// kernel: kernel.4.cloned.1.call-start
scs
__scs_entry_jumppad:
0x0: {  	(pc) =	sbr.rel $0x88, $3  }
0x1: {  	(tag) =	ssettag $0x0;
	lr =	simm.s32 $0x1  }
0x2: {  	[smem:$0x3F9D] =	sst lr;
	_ =	strace $0xD0000000  }
0x3: {  	_ = 	snop  }
0x4: {  	_ = 	snop  }
0x5: {  	_ = 	snop  }
0x6: {  	_ = 	snop  }
0x7: {  	_ = 	snop  }
__scs_overlays_trampoline_lowered:
0x8: {  	[smem:$0x3FAC] =	sst s0  }
0x9: {  	[smem:$0x3FAD] =	sst s1  }
0xa: {  	[smem:$0x3FAE] =	sst s2  }
0xb: {  	[smem:$0x3FAF] =	sst s3  }
0xc: {  	[smem:$0x3FB0] =	sst s4  }
0xd: {  	[smem:$0x3FB1] =	sst s5  }
0xe: {  	[smem:$0x3FB2] =	sst s6  }
0xf: {  	[smem:$0x3FB3] =	sst s7  }
0x10: {  	[smem:$0x3FB4] =	sst s8  }
0x11: {  	[smem:$0x3FB5] =	sst s9;
	s0 =	simm.s32 @!p0 $0x0  }
0x12: {  	s1 =	sld [smem:$0x3F9B];
	s0 =	simm.s32 @p0 $0x1  }
0x13: {  	[smem:$0x3FB6] =	sst s0;
	s0 =	simm.s32 @!p1 $0x0  }
0x14: {  	s2 =	sld [smem:$0x3F9A];
	s0 =	simm.s32 @p1 $0x1  }
0x15: {  	[smem:$0x3FB7] =	sst s0;
	s0 =	simm.s32 @!p2 $0x0  }
0x16: {  	s3 =	sld [smem:$0x3FDB];
	s0 =	simm.s32 @p2 $0x1  }
0x17: {  	s4 =	simm.s32 $0x1BF5;
	[smem:$0x3FB9] =	sst s0  }
0x18: {  	s0 =	sld [smem:$0x3F9C];
	_ =	swait.ge [sflag:s4], $0x0  }
0x19: {  	s7 =	sld [smem:$0x3F9D]  }
0x1a: {  	s8 =	sadd.s32 $0xFFFFE003, lr  }
0x1b: {  	s9 =	sadd.s32 $0xFFFFFEF7, lr;
	s5 =	simm.s32 $0xFFFFFFFF;
	p2 =	slt.u32 s8, $0xFFFFF086  }
0x1c: {  	p1 =	slt.u32 s9, $0xF7A;
	s5 =	simm.s32 @!p2 $0x0  }
0x1d: {  	s5 =	simm.s32 @p1 $0x1;
	p0 =	seq.s32 s7, s2  }
0x1e: {  	s7 =	smul.u32 @!p0 $0xF7A, s2;
	p2 =	seq.s32 @!p0 s5, $0x0  }
0x1f: {  	s9 =	smul.u32 $0xF7A, s1;
	s8 =	simm.s32 @!p0 $0x1BF5;
	p2 =	por !p2, p0  }
0x20: {  	[sflag:s8] =	ssyncset.s32 @!p0 $0xFFFFF086;
	s6 =	sadd.s32 @!p0 s3, s7;
	s7 =	simm.s32 @!p0 $0x108  }
0x21: {  	s3 =	sadd.s32 s3, s9;
	s6 =	sadd.s32 @!p0 $0x88, s6;
	s7 =	simm.s32 @p2 $0x1082  }
0x22: {  	[simem:s7], [sflag:s8] =	dma.local @!p0 [hbm:s6], $0xF7A  }
0x23: {  	s9 =	sor.u32 $0xD0000000, s2;
	s6 =	simm.s32 $0x108;
	_ =	swait.ge @!p0 [sflag:s8], $0x0  }
0x24: {  	s3 =	sadd.s32 $0x88, s3;
	s6 =	simm.s32 @!p1 $0x1082;
	[sflag:s4] =	ssyncset.s32 $0xFFFFF086  }
0x25: {  	[simem:s6], [sflag:s4] =	dma.local [hbm:s3], $0xF7A  }
0x26: {  	[smem:$0x3F9D] =	sst s1;
	(tag) =	ssettag s2;
	_ =	strace s9  }
0x27: {  	s1 =	sld [smem:$0x3FAD]  }
0x28: {  	s2 =	sld [smem:$0x3FAE]  }
0x29: {  	s4 =	sld [smem:$0x3FB0]  }
0x2a: {  	p0 =	seq.s32 s5, $0x0;
	s5 =	sld [smem:$0x3FB1]  }
0x2b: {  	s6 =	sld [smem:$0x3FB2]  }
0x2c: {  	s7 =	sld [smem:$0x3FB3]  }
0x2d: {  	s3 =	simm.s32 $0x108;
	s8 =	sld [smem:$0x3FB4]  }
0x2e: {  	s3 =	simm.s32 @!p0 $0x1082;
	s9 =	sld [smem:$0x3FB5]  }
0x2f: {  	lr =	sadd.s32 s0, s3;
	s0 =	sld [smem:$0x3FAC]  }
0x30: {  	s3 =	sld [smem:$0x3FAF]  }
0x31: {  	[smem:$0x3FB8] =	sst s10  }
0x32: {  	s10 =	sld [smem:$0x3FB6];
	_ =	sdelay $0x3  }
0x33: {  	p0 =	seq.s32 s10, $0x1;
	s10 =	sld [smem:$0x3FB8];
	_ =	sdelay $0x3  }
0x34: {  	[smem:$0x3FB8] =	sst s10  }
0x35: {  	s10 =	sld [smem:$0x3FB7];
	_ =	sdelay $0x3  }
0x36: {  	p1 =	seq.s32 s10, $0x1;
	s10 =	sld [smem:$0x3FB8];
	_ =	sdelay $0x3  }
0x37: {  	[smem:$0x3FB8] =	sst s10  }
0x38: {  	s10 =	sld [smem:$0x3FB9]  }
0x39: {  	_ = 	snop;
	(pc) =	sbr.ind lr, $3  }
0x3a: {  	_ = 	snop  }
0x3b: {  	_ = 	snop  }
0x3c: {  	p2 =	seq.s32 s10, $0x1;
	s10 =	sld [smem:$0x3FB8]  }
0x3d: {  	_ =	shalt  }
0x3e: {  	_ =	shalt  }
0x3f: {  	_ =	shalt  }
0x40: {  	_ =	shalt  }
0x41: {  	_ =	shalt  }
0x42: {  	_ =	shalt  }
0x43: {  	_ =	shalt  }
0x44: {  	_ =	shalt  }
0x45: {  	_ =	shalt  }
0x46: {  	_ =	shalt  }
0x47: {  	_ =	shalt  }
0x48: {  	_ =	shalt  }
0x49: {  	_ =	shalt  }
0x4a: {  	_ =	shalt  }
0x4b: {  	_ =	shalt  }
0x4c: {  	_ =	shalt  }
0x4d: {  	_ =	shalt  }
0x4e: {  	_ =	shalt  }
0x4f: {  	_ =	shalt  }
0x50: {  	_ =	shalt  }
0x51: {  	_ =	shalt  }
0x52: {  	_ =	shalt  }
0x53: {  	_ =	shalt  }
0x54: {  	_ =	shalt  }
0x55: {  	_ =	shalt  }
0x56: {  	_ =	shalt  }
0x57: {  	_ =	shalt  }
0x58: {  	_ =	shalt  }
0x59: {  	_ =	shalt  }
0x5a: {  	_ =	shalt  }
0x5b: {  	_ =	shalt  }
0x5c: {  	_ =	shalt  }
0x5d: {  	_ =	shalt  }
0x5e: {  	_ =	shalt  }
0x5f: {  	_ =	shalt  }
0x60: {  	_ =	shalt  }
0x61: {  	_ =	shalt  }
0x62: {  	_ =	shalt  }
0x63: {  	_ =	shalt  }
0x64: {  	_ =	shalt  }
0x65: {  	_ =	shalt  }
0x66: {  	_ =	shalt  }
0x67: {  	_ =	shalt  }
0x68: {  	_ =	shalt  }
0x69: {  	_ =	shalt  }
0x6a: {  	_ =	shalt  }
0x6b: {  	_ =	shalt  }
0x6c: {  	_ =	shalt  }
0x6d: {  	_ =	shalt  }
0x6e: {  	_ =	shalt  }
0x6f: {  	_ =	shalt  }
0x70: {  	_ =	shalt  }
0x71: {  	_ =	shalt  }
0x72: {  	_ =	shalt  }
0x73: {  	_ =	shalt  }
0x74: {  	_ =	shalt  }
0x75: {  	_ =	shalt  }
0x76: {  	_ =	shalt  }
0x77: {  	_ =	shalt  }
0x78: {  	_ =	shalt  }
0x79: {  	_ =	shalt  }
0x7a: {  	_ =	shalt  }
0x7b: {  	_ =	shalt  }
0x7c: {  	_ =	shalt  }
0x7d: {  	_ =	shalt  }
0x7e: {  	_ =	shalt  }
0x7f: {  	_ =	shalt  }
0x80: {  	_ =	shalt  }
0x81: {  	_ =	shalt  }
0x82: {  	_ =	shalt  }
0x83: {  	_ =	shalt  }
0x84: {  	_ =	shalt  }
0x85: {  	_ =	shalt  }
0x86: {  	_ =	shalt  }
0x87: {  	_ =	shalt  }
.Lfunc_end0:
.L_simem_size_0:
called_computation_lowered:
.L_overlay_start_0:
0x88: {  	s2 =	sld [smem:$0x3FD9]  }
0x89: {  	s3 =	sld [smem:$0x3FFE];
	_ =	sdelay $0x1  }
0x8a: {  	s1 =	srdreg.scid  }
0x8b: {  	s0 =	sand.u32 $0x1, s1  }
0x8c: {  	s17 =	sshll.u32 s0, $0xA;
	s2 =	sadd.s32 s3, s2  }
0x8d: {  	s2 =	sadd.s32 s2, s17  }
0x8e: {  	[smem:$0x3FC4] =	sst s2  }
0x8f: {  	_ = 	snop  }
0x90: {  	s2 =	sld [smem:$0x3FC9]  }
0x91: {  	s18 =	sld [smem:$0x3FD0];
	(tm) =	ssettm $0x1  }
0x92: {  	s4 =	sld [smem:$0x3FFB];
	_ =	sdelay $0x3  }
0x93: {  	_ =	strace s4  }
0x94: {  	s4 =	sld [smem:$0x3FFC];
	_ =	sdelay $0x3  }
0x95: {  	_ =	strace s4  }
0x96: {  	s4 =	sld [smem:$0x3FFD];
	_ =	sdelay $0x3  }
0x97: {  	_ =	strace s4  }
0x98: {  	_ =	strace $0x8FFFFFFF  }
0x99: {  	s19 =	sld [smem:$0x3FDB];
	_ =	sdelay $0x1  }
0x9a: {  	s5 =	simm.s32 $_scs_section_size  }
0x9b: {  	s6 =	simm.s32 $_size__tile_overlayer_lowered;
	s7 =	simm.s32 $_tile_overlayer_lowered  }
0x9c: {  	s22 =	simm.s32 $0x1BFF;
	s21 =	sshll.u32 s7, $0x1;
	s4 =	sadd.s32 s5, s19  }
0x9d: {  	s8 =	simm.s32 $0x0;
	s20 =	sshll.u32 s6, $0x1;
	s6 =	sadd.s32 s21, s4  }
0x9e: {  	[timem:s8], [sflag:s22] =	dma.local [hbm:s6], s20  }
0x9f: {  	_ =	swait.ge [sflag:s22], s20  }
0xa0: {  	s5 =	ssub.s32 $0x0, s20;
	[sflag:s22] =	ssyncset.done $0x0  }
0xa1: {  	[sflag:s22] =	ssyncadd.s32 s5;
	_ =	sdelay $0x1  }
0xa2: {  	s23 =	simm.s32 $0x1B8B  }
0xa3: {  	_ =	swait.ge [sflag:s23], $0x1  }
0xa4: {  	[sflag:s23] =	ssyncset.done $0x0  }
0xa5: {  	s25 =	simm.s32 $0x1B8E;
	s24 =	sld [smem:$0x3FFE];
	[sflag:s23] =	ssyncadd.s32 $0xFFFFFFFF  }
0xa6: {  	s26 =	simm.s32 $execute0_lowered;
	[smem:$0x3FD2] =	sst s25  }
0xa7: {  	s6 =	sshll.u32 s26, $0x1;
	_ =	strace $0x80000046;
	[dreg:$0x1] =	wrdreg $0xFFFFFFFF  }
0xa8: {  	s28 =	simm.s32 $_size_execute0_lowered;
	s4 =	sadd.s32 s4, s6;
	[dreg:$0x0] =	wrdreg $0x0  }
0xa9: {  	s6 =	sshll.u32 s28, $0x1;
	[dreg:$0x2] =	wrdreg s4  }
0xaa: {  	[dreg:$0x3] =	wrdreg s6  }
0xab: {  	[dreg:$0x4] =	wrdreg $0xC0  }
0xac: {  	_ =	task [dreg:s8], $0x5FFFF  }
0xad: {  	[dreg:$0x1] =	wrdreg $0xFFFFFFFF  }
0xae: {  	[dreg:$0x0] =	wrdreg $0x60  }
0xaf: {  	[dreg:$0x2] =	wrdreg s2  }
0xb0: {  	[dreg:$0x3] =	wrdreg s18  }
0xb1: {  	[dreg:$0x4] =	wrdreg s24  }
0xb2: {  	[dreg:$0x5] =	wrdreg $0x0  }
0xb3: {  	[dreg:$0x6] =	wrdreg $0x9  }
0xb4: {  	_ =	task.clear_ibuf [dreg:s8], $0x7FFFF;
	_ =	strace $0x90000046  }
0xb5: {  	s29 =	simm.s32 $0x9;
	_ =	strace $0x80000048  }
0xb6: {  	_ =	swait.ge [sflag:s29], $0x1  }
0xb7: {  	[sflag:s29] =	ssyncadd.s32 $0xFFFFFFFF  }
0xb8: {  	_ =	strace $0x90000048  }
0xb9: {  	_ =	sfence  }
0xba: {  	s30 =	sld [smem:$0x0];
	_ =	sdelay $0x2  }
0xbb: {  	s31 =	sshll.u32 s1, $0xD;
	s1 =	sshrl.u32 s1, $0x2  }
0xbc: {  	s3 =	sand.u32 $0x4000, s31;
	s1 =	sadd.s32 s1, s30  }
0xbd: {  	s0 =	sor.u32 s3, s0;
	s1 =	sshll.u32 s1, $0x11  }
0xbe: {  	s0 =	sor.u32 s1, s0  }
0xbf: {  	s0 =	sadd.s32 $0x8F2B, s0  }
0xc0: {  	[sflag:s0] =	ssyncadd.remote.s32 $0x1  }
0xc1: {  	_ =	sfence.sel $0xFFFF  }
0xc2: {  	[dreg:$0x0] =	wrdreg $0xFFFFFFFF;
	(pc) =	sbr.abs _section_cstart, $3  }
0xc3: {  	[dreg:$0x1] =	wrdreg $0xFFFFFFFF  }
0xc4: {  	_ =	task.clear_ibuf [dreg:s8], $0x2FFFF;
	_ =	strace $0x9FFFFFFF  }
0xc5: {  	(tm) =	ssettm $0x7FFFFFFF  }
tec
execute0_lowered:
.L_overlay_start_1:
0x0: {  	(tag) =	ssettag $0x1  }
0x1: {  	s1 =	rddreg [dreg:$0x0]  }
0x2: {  	s0 =	rddreg [dreg:$0x1]  }
0x3: {  	s2 =	srdreg.scid;
	s6 =	rddreg [dreg:$0x2]  }
0x4: {  	s12 =	stileid.u32;
	s3 =	rddreg [dreg:$0x3]  }
0x5: {  	s28 =	simm.s32 $0x14000;
	s29 =	simm.s32 $0x5;
	s30 =	simm.s32 $0x15000  }
0x6: {  	s31 =	simm.s32 $0x50;
	s2 =	sand.u32 $0x1, s2;
	s4 =	sshll.u32 s12, $0x1  }
0x7: {  	s8 =	smul.u32 $0x50000, s12;
	s9 =	sadd.s32 $0x800, s6;
	s7 =	sor.u32 s2, s4  }
0x8: {  	s4 =	simm.s32 $0x0;
	s10 =	ssub.s32 $0x2, s2;
	s5 =	smul.u32 $0x500, s7  }
0x9: {  	p0 =	seq.s32 s2, $0x1;
	s2 =	simm.s32 $0x16000;
	s24 =	smul.u32 $0x5000, s7  }
0xa: {  	[smem:$0x7FF] =	sst s4;
	s23 =	sshrl.u32 s10, $0x1;
	s7 =	smul.u32 $0xA00, s7  }
0xb: {  	s8 =	sshrl.u32 s8, $0x2;
	_ =	strace $0x80000047;
	s10 =	ssub.s32 s10, s23  }
0xc: {  	s11 =	sadd.s32 s5, s6;
	s5 =	sadd.s32 s8, s3;
	s15 =	sadd.s32 s0, s7  }
0xd: {  	s8 =	sshrl.u32 s24, $0x3;
	s7 =	sadd.s32 s9, s7;
	[dreg:$0x9] =	wrdreg s15  }
0xe: {  	s24 =	smul.u32 $0x2800, s12;
	s13 =	sadd.s32 $0x2800, s5;
	[dreg:$0xa] =	wrdreg s7  }
0xf: {  	s12 =	simm.s32 $0x3;
	s25 =	sadd.s32 $0x5000, s5;
	[dreg:$0x5] =	wrdreg s13  }
0x10: {  	s26 =	sadd.s32 $0x7800, s5;
	s14 =	sadd.s32 $0xA000, s5;
	[dreg:$0x6] =	wrdreg s25  }
0x11: {  	s16 =	sadd.s32 $0x200, s8;
	s18 =	sadd.s32 $0x400, s8;
	[dreg:$0x7] =	wrdreg s26  }
0x12: {  	s20 =	sadd.s32 $0x600, s8;
	[dreg:$0x8] =	wrdreg s14;
	s17 =	sadd.s32 s0, s16  }
0x13: {  	s22 =	sadd.s32 $0x800, s8;
	s7 =	sadd.s32 s9, s16;
	[dreg:$0xb] =	wrdreg s17  }
0x14: {  	s8 =	simm.s32 $0x4;
	s19 =	sadd.s32 s0, s18;
	[dreg:$0xc] =	wrdreg s7  }
0x15: {  	s15 =	simm.s32 $0x15B00;
	s21 =	sadd.s32 s0, s20;
	[dreg:$0xd] =	wrdreg s19  }
0x16: {  	s0 =	sadd.s32 s0, s22;
	s23 =	sadd.s32 s9, s22;
	[dreg:$0xf] =	wrdreg s21  }
0x17: {  	s25 =	sadd.s32 $0xC800, s5;
	s26 =	sadd.s32 $0xF000, s5;
	[dreg:$0x11] =	wrdreg s0  }
0x18: {  	s13 =	simm.s32 $0x15A80;
	s14 =	simm.s32 $0x14C00;
	[dreg:$0x12] =	wrdreg s23  }
0x19: {  	s16 =	simm.s32 $0x15B80;
	s7 =	sadd.s32 s9, s18;
	[dreg:$0x13] =	wrdreg s25  }
0x1a: {  	s0 =	simm.s32 $0x46800;
	[dreg:$0x14] =	wrdreg s26;
	s23 =	sadd.s32 $0x11800, s5  }
0x1b: {  	s25 =	smax.u32 s10, $0x1;
	s26 =	simm.s32 $0x1B000;
	s10 =	simm.s32 $0x1D800  }
0x1c: {  	s17 =	simm.s32 $0x15C00;
	s18 =	simm.s32 $0x0;
	[dreg:$0xe] =	wrdreg s7  }
0x1d: {  	s7 =	sadd.s32 s9, s20;
	s0 =	simm.s32 @!p0 $0x1E800;
	s9 =	simm.s32 $0x1  }
0x1e: {  	[dreg:$0x10] =	wrdreg s7;
	s0 =	sadd.s32 s0, s6;
	s6 =	simm.s32 $0x18800  }
0x1f: {  	s7 =	simm.s32 $0x14100;
	s0 =	sadd.s32 s0, s24;
	s24 =	sadd.s32 $0x14800, s11  }
0x20: {  	v0 =	vimm.f32 $0.0e+00;
	v1 =	vimm.f32 $1.000000000e+00;
	s11 =	simm.s32 $0x2;
	[dreg:$0x15] =	wrdreg s0;
	s0 =	simm.s32 $0x14080  }
.LBB2_1:
0x21: {  	s19 =	sand.u32 $0xFE00, s4  }
0x22: {  	s20 =	sand.u32 $0x70, s4;
	s21 =	sshrl.u32 s19, $0x2  }
0x23: {  	s19 =	simm.s32 $0x40;
	s21 =	sor.u32 s20, s21;
	s20 =	simm.s32 $0x0  }
.LBB2_2:
0x24: {  	p0 =	sne.s32 s19, $0x9FC0  }
0x25: {  	[tilespmem:s21+$0x1B000] =	vst v0;
	s20 =	sadd.s32 $0x10, s20;
	s21 =	smov.u32 s19;
	s19 =	sadd.s32 $0x40, s19  }
.Ltmp0:
0x26: {  	(pc) =	sbr.rel @p0 .LBB2_2-.Ltmp0, $4  }
0x27: {  	_ = 	snop  }
0x28: {  	s21 =	sand.u32 $0xFE00, s21  }
0x29: {  	s22 =	sand.u32 $0x70, s20;
	s21 =	sshrl.u32 s21, $0x2  }
0x2a: {  	s21 =	sor.u32 s22, s21  }
0x2b: {  	[tilespmem:s21+$0x1B000] =	vst v0  }
0x2c: {  	[spmem:s5] =	stream.linear.scatter [tilespmem:s26], [sflag:$0x4], $0x2800, $0x38;
	v63 =	vld [tilespmem:$0x0]  }
0x2d: {  	s19 =	rddreg [dreg:$0x5]  }
0x2e: {  	[spmem:s19] =	stream.linear.scatter [tilespmem:s26], [sflag:$0x4], $0x2800, $0x38;
	v63 =	vld [tilespmem:$0x0]  }
0x2f: {  	s21 =	rddreg [dreg:$0x6]  }
0x30: {  	[spmem:s21] =	stream.linear.scatter [tilespmem:s26], [sflag:$0x4], $0x2800, $0x38;
	v63 =	vld [tilespmem:$0x0]  }
0x31: {  	s22 =	rddreg [dreg:$0x7]  }
0x32: {  	[spmem:s22] =	stream.linear.scatter [tilespmem:s26], [sflag:$0x4], $0x2800, $0x38;
	v63 =	vld [tilespmem:$0x0]  }
0x33: {  	s20 =	rddreg [dreg:$0x8]  }
0x34: {  	[spmem:s20] =	stream.linear.scatter [tilespmem:s26], [sflag:$0x4], $0x2800, $0x38;
	v63 =	vld [tilespmem:$0x0]  }
0x35: {  	s21 =	rddreg [dreg:$0x13]  }
0x36: {  	[spmem:s21] =	stream.linear.scatter [tilespmem:s26], [sflag:$0x4], $0x2800, $0x38;
	v63 =	vld [tilespmem:$0x0]  }
0x37: {  	s22 =	rddreg [dreg:$0x14]  }
0x38: {  	[spmem:s22] =	stream.linear.scatter [tilespmem:s26], [sflag:$0x4], $0x2800, $0x38;
	v63 =	vld [tilespmem:$0x0]  }
0x39: {  	s19 =	simm.s32 $0x40;
	s20 =	simm.s32 $0x0  }
0x3a: {  	[spmem:s23] =	stream.linear.scatter [tilespmem:s26], [sflag:$0x4], $0x2800, $0x38;
	v63 =	vld [tilespmem:$0x0]  }
.LBB2_4:
0x3b: {  	p0 =	sne.s32 s19, $0x9FC0;
	[tilespmem:s20+$0x1D800] =	vst v0;
	s20 =	smov.u32 s19;
	s19 =	sadd.s32 $0x40, s19  }
.Ltmp1:
0x3c: {  	(pc) =	sbr.rel @p0 .LBB2_4-.Ltmp1, $2  }
0x3d: {  	_ =	sdelay $0x2  }
0x3e: {  	s20 =	sshra.s32 s20, $0x2  }
0x3f: {  	[tilespmem:s20+$0x1D800] =	vst v0;
	s19 =	simm.s32 $0x0;
	s21 =	rddreg [dreg:$0x9]  }
0x40: {  	[tilespmem:s28], [sflag:$0x5] =	stream.linear.gather [hbm4b:s21+s19], $0xC80, $0x38;
	v63 =	vld [tilespmem:$0x0]  }
0x41: {  	_ =	swait.ge [sflag:s29], $0xC80  }
0x42: {  	[sflag:s29] =	ssyncset.done $0x0  }
0x43: {  	s22 =	rddreg [dreg:$0xa];
	[sflag:s29] =	ssyncadd.s32 $0xFFFFF380  }
0x44: {  	[tilespmem:s30], [sflag:$0x5] =	stream.linear.gather [hbm4b:s22+s19], $0xC80, $0x38;
	v63 =	vld [tilespmem:$0x0]  }
0x45: {  	_ =	swait.ge [sflag:s29], $0xC80  }
0x46: {  	[sflag:s29] =	ssyncset.done $0x0  }
0x47: {  	[sflag:s29] =	ssyncadd.s32 $0xFFFFF380  }
0x48: {  	[tilespmem:s2], [sflag:$0x1] =	stream.indirect.gather [hbm4b:s1+s31], $0x80, s28, s31, $0xb8;
	v63 =	vld [tilespmem:$0x0]  }
0x49: {  	_ = 	snop  }
0x4a: {  	[tilespmem:s6], [sflag:$0x2] =	stream.indirect.gather [hbm4b:s1+s31], $0x80, s0, s31, $0xb8;
	v63 =	vld [tilespmem:$0x0]  }
0x4b: {  	_ = 	snop  }
0x4c: {  	[tilespmem:s26], [sflag:$0x3] =	stream.indirect.gather [hbm4b:s1+s31], $0x80, s7, s31, $0xb8;
	v63 =	vld [tilespmem:$0x0]  }
0x4d: {  	_ =	swait.ge [sflag:s8], $0x2800  }
0x4e: {  	[sflag:s8] =	ssyncset.done $0x0  }
0x4f: {  	[sflag:s8] =	ssyncadd.s32 $0xFFFFD800  }
0x50: {  	_ =	swait.ge [sflag:s8], $0x2800  }
0x51: {  	[sflag:s8] =	ssyncset.done $0x0  }
0x52: {  	[sflag:s8] =	ssyncadd.s32 $0xFFFFD800  }
0x53: {  	_ =	swait.ge [sflag:s8], $0x2800  }
0x54: {  	[sflag:s8] =	ssyncset.done $0x0  }
0x55: {  	[sflag:s8] =	ssyncadd.s32 $0xFFFFD800  }
0x56: {  	_ =	swait.ge [sflag:s8], $0x2800  }
0x57: {  	[sflag:s8] =	ssyncset.done $0x0  }
0x58: {  	[sflag:s8] =	ssyncadd.s32 $0xFFFFD800  }
0x59: {  	_ =	swait.ge [sflag:s8], $0x2800  }
0x5a: {  	[sflag:s8] =	ssyncset.done $0x0  }
0x5b: {  	[sflag:s8] =	ssyncadd.s32 $0xFFFFD800  }
0x5c: {  	_ =	swait.ge [sflag:s8], $0x2800  }
0x5d: {  	[sflag:s8] =	ssyncset.done $0x0  }
0x5e: {  	[sflag:s8] =	ssyncadd.s32 $0xFFFFD800  }
0x5f: {  	_ =	swait.ge [sflag:s8], $0x2800  }
0x60: {  	[sflag:s8] =	ssyncset.done $0x0  }
0x61: {  	[sflag:s8] =	ssyncadd.s32 $0xFFFFD800  }
0x62: {  	_ =	swait.ge [sflag:s8], $0x2800  }
0x63: {  	[sflag:s8] =	ssyncset.done $0x0  }
0x64: {  	[sflag:s8] =	ssyncadd.s32 $0xFFFFD800  }
0x65: {  	[bflag:$0x0] =	sbarrier.arrive $0xFFFF  }
.LBB2_6:
0x66: {  	_ =	swait.ge [sflag:s9], $0x2800  }
0x67: {  	s20 =	sshra.s32 s19, $0x2;
	[sflag:s9] =	ssyncset.done $0x0  }
0x68: {  	s21 =	sadd.s32 $0x15000, s20;
	[sflag:s9] =	ssyncadd.s32 $0xFFFFD800  }
0x69: {  	[spmem:s3] =	stream.indirect.scatter.add.f32 [tilespmem:s2], [sflag:$0x5], $0x80, s21, s31, $0xb8;
	v63 =	vld [tilespmem:$0x0]  }
0x6a: {  	_ =	swait.ge [sflag:s29], $0x2800  }
0x6b: {  	[sflag:s29] =	ssyncset.done $0x0  }
0x6c: {  	s22 =	sadd.s32 $0x14180, s20;
	[sflag:s29] =	ssyncadd.s32 $0xFFFFD800  }
0x6d: {  	[tilespmem:s2], [sflag:$0x1] =	stream.indirect.gather [hbm4b:s1+s31], $0x80, s22, s31, $0xb8;
	v63 =	vld [tilespmem:$0x0]  }
0x6e: {  	v2 =	vld [tilespmem:s20+$0x15000];
	_ =	sdelay $0x7  }
0x6f: {  	[tilespmem:v2+s10+$0x0] =	vst.idx.add.f32.msk $0xffff, v1  }
0x70: {  	v2 =	vld [tilespmem:s20+$0x15010];
	_ =	sdelay $0x7  }
0x71: {  	[tilespmem:v2+s10+$0x0] =	vst.idx.add.f32.msk $0xffff, v1  }
0x72: {  	v2 =	vld [tilespmem:s20+$0x15020];
	_ =	sdelay $0x7  }
0x73: {  	[tilespmem:v2+s10+$0x0] =	vst.idx.add.f32.msk $0xffff, v1  }
0x74: {  	v2 =	vld [tilespmem:s20+$0x15030];
	_ =	sdelay $0x7  }
0x75: {  	[tilespmem:v2+s10+$0x0] =	vst.idx.add.f32.msk $0xffff, v1  }
0x76: {  	v2 =	vld [tilespmem:s20+$0x15040];
	_ =	sdelay $0x7  }
0x77: {  	[tilespmem:v2+s10+$0x0] =	vst.idx.add.f32.msk $0xffff, v1  }
0x78: {  	_ =	swait.ge [sflag:s11], $0x2800  }
0x79: {  	[sflag:s11] =	ssyncset.done $0x0  }
0x7a: {  	s22 =	sadd.s32 $0x15080, s20;
	[sflag:s11] =	ssyncadd.s32 $0xFFFFD800  }
0x7b: {  	[spmem:s3] =	stream.indirect.scatter.add.f32 [tilespmem:s6], [sflag:$0x5], $0x80, s22, s31, $0xb8;
	v63 =	vld [tilespmem:$0x0]  }
0x7c: {  	_ =	swait.ge [sflag:s29], $0x2800  }
0x7d: {  	[sflag:s29] =	ssyncset.done $0x0  }
0x7e: {  	s22 =	sadd.s32 $0x14200, s20;
	[sflag:s29] =	ssyncadd.s32 $0xFFFFD800  }
0x7f: {  	[tilespmem:s6], [sflag:$0x2] =	stream.indirect.gather [hbm4b:s1+s31], $0x80, s22, s31, $0xb8;
	v63 =	vld [tilespmem:$0x0]  }
0x80: {  	v2 =	vld [tilespmem:s20+$0x15080];
	_ =	sdelay $0x7  }
0x81: {  	[tilespmem:v2+s10+$0x0] =	vst.idx.add.f32.msk $0xffff, v1  }
0x82: {  	v2 =	vld [tilespmem:s20+$0x15090];
	_ =	sdelay $0x7  }
0x83: {  	[tilespmem:v2+s10+$0x0] =	vst.idx.add.f32.msk $0xffff, v1  }
0x84: {  	v2 =	vld [tilespmem:s20+$0x150A0];
	_ =	sdelay $0x7  }
0x85: {  	[tilespmem:v2+s10+$0x0] =	vst.idx.add.f32.msk $0xffff, v1  }
0x86: {  	v2 =	vld [tilespmem:s20+$0x150B0];
	_ =	sdelay $0x7  }
0x87: {  	[tilespmem:v2+s10+$0x0] =	vst.idx.add.f32.msk $0xffff, v1  }
0x88: {  	v2 =	vld [tilespmem:s20+$0x150C0];
	_ =	sdelay $0x7  }
0x89: {  	[tilespmem:v2+s10+$0x0] =	vst.idx.add.f32.msk $0xffff, v1  }
0x8a: {  	_ =	swait.ge [sflag:s12], $0x2800  }
0x8b: {  	[sflag:s12] =	ssyncset.done $0x0  }
0x8c: {  	s22 =	sadd.s32 $0x15100, s20;
	[sflag:s12] =	ssyncadd.s32 $0xFFFFD800  }
0x8d: {  	[spmem:s3] =	stream.indirect.scatter.add.f32 [tilespmem:s26], [sflag:$0x5], $0x80, s22, s31, $0xb8;
	v63 =	vld [tilespmem:$0x0]  }
0x8e: {  	_ =	swait.ge [sflag:s29], $0x2800  }
0x8f: {  	[sflag:s29] =	ssyncset.done $0x0  }
0x90: {  	s22 =	sadd.s32 $0x14280, s20;
	[sflag:s29] =	ssyncadd.s32 $0xFFFFD800  }
0x91: {  	[tilespmem:s26], [sflag:$0x3] =	stream.indirect.gather [hbm4b:s1+s31], $0x80, s22, s31, $0xb8;
	v63 =	vld [tilespmem:$0x0]  }
0x92: {  	v2 =	vld [tilespmem:s20+$0x15100];
	_ =	sdelay $0x7  }
0x93: {  	[tilespmem:v2+s10+$0x0] =	vst.idx.add.f32.msk $0xffff, v1  }
0x94: {  	v2 =	vld [tilespmem:s20+$0x15110];
	_ =	sdelay $0x7  }
0x95: {  	[tilespmem:v2+s10+$0x0] =	vst.idx.add.f32.msk $0xffff, v1  }
0x96: {  	v2 =	vld [tilespmem:s20+$0x15120];
	_ =	sdelay $0x7  }
0x97: {  	[tilespmem:v2+s10+$0x0] =	vst.idx.add.f32.msk $0xffff, v1  }
0x98: {  	v2 =	vld [tilespmem:s20+$0x15130];
	_ =	sdelay $0x7  }
0x99: {  	[tilespmem:v2+s10+$0x0] =	vst.idx.add.f32.msk $0xffff, v1  }
0x9a: {  	v2 =	vld [tilespmem:s20+$0x15140];
	_ =	sdelay $0x2  }
0x9b: {  	p0 =	sne.s32 s19, $0x2400  }
.Ltmp2:
0x9c: {  	_ = 	snop;
	(pc) =	sbr.rel @p0 .LBB2_6-.Ltmp2, $2  }
0x9d: {  	_ =	sdelay $0x2  }
0x9e: {  	s19 =	sadd.s32 $0x600, s19;
	[tilespmem:v2+s10+$0x0] =	vst.idx.add.f32.msk $0xffff, v1  }
0x9f: {  	_ =	swait.ge [sflag:s9], $0x2800  }
0xa0: {  	[sflag:s9] =	ssyncset.done $0x0  }
0xa1: {  	[sflag:s9] =	ssyncadd.s32 $0xFFFFD800  }
0xa2: {  	[spmem:s3] =	stream.indirect.scatter.add.f32 [tilespmem:s2], [sflag:$0x5], $0x80, s13, s31, $0xb8;
	v63 =	vld [tilespmem:$0x0]  }
0xa3: {  	_ =	swait.ge [sflag:s29], $0x2800  }
0xa4: {  	[sflag:s29] =	ssyncset.done $0x0  }
0xa5: {  	[sflag:s29] =	ssyncadd.s32 $0xFFFFD800  }
0xa6: {  	[tilespmem:s2], [sflag:$0x1] =	stream.indirect.gather [hbm4b:s1+s31], $0x80, s14, s31, $0xb8;
	v63 =	vld [tilespmem:$0x0]  }
0xa7: {  	v2 =	vld [tilespmem:$0x15A80];
	_ =	sdelay $0x7  }
0xa8: {  	[tilespmem:v2+s10+$0x0] =	vst.idx.add.f32.msk $0xffff, v1  }
0xa9: {  	v2 =	vld [tilespmem:$0x15A90];
	_ =	sdelay $0x7  }
0xaa: {  	[tilespmem:v2+s10+$0x0] =	vst.idx.add.f32.msk $0xffff, v1  }
0xab: {  	v2 =	vld [tilespmem:$0x15AA0];
	_ =	sdelay $0x7  }
0xac: {  	[tilespmem:v2+s10+$0x0] =	vst.idx.add.f32.msk $0xffff, v1  }
0xad: {  	v2 =	vld [tilespmem:$0x15AB0];
	_ =	sdelay $0x7  }
0xae: {  	[tilespmem:v2+s10+$0x0] =	vst.idx.add.f32.msk $0xffff, v1  }
0xaf: {  	v2 =	vld [tilespmem:$0x15AC0];
	_ =	sdelay $0x7  }
0xb0: {  	[tilespmem:v2+s10+$0x0] =	vst.idx.add.f32.msk $0xffff, v1  }
0xb1: {  	_ =	swait.ge [sflag:s11], $0x2800  }
0xb2: {  	[sflag:s11] =	ssyncset.done $0x0  }
0xb3: {  	[sflag:s11] =	ssyncadd.s32 $0xFFFFD800  }
0xb4: {  	[spmem:s3] =	stream.indirect.scatter.add.f32 [tilespmem:s6], [sflag:$0x5], $0x80, s15, s31, $0xb8;
	v63 =	vld [tilespmem:$0x0]  }
0xb5: {  	_ =	swait.ge [sflag:s29], $0x2800  }
0xb6: {  	[sflag:s29] =	ssyncset.done $0x0  }
0xb7: {  	[sflag:s29] =	ssyncadd.s32 $0xFFFFD800  }
0xb8: {  	v2 =	vld [tilespmem:$0x15B00];
	_ =	sdelay $0x7  }
0xb9: {  	[tilespmem:v2+s10+$0x0] =	vst.idx.add.f32.msk $0xffff, v1  }
0xba: {  	v2 =	vld [tilespmem:$0x15B10];
	_ =	sdelay $0x7  }
0xbb: {  	[tilespmem:v2+s10+$0x0] =	vst.idx.add.f32.msk $0xffff, v1  }
0xbc: {  	v2 =	vld [tilespmem:$0x15B20];
	_ =	sdelay $0x7  }
0xbd: {  	[tilespmem:v2+s10+$0x0] =	vst.idx.add.f32.msk $0xffff, v1  }
0xbe: {  	v2 =	vld [tilespmem:$0x15B30];
	_ =	sdelay $0x7  }
0xbf: {  	[tilespmem:v2+s10+$0x0] =	vst.idx.add.f32.msk $0xffff, v1  }
0xc0: {  	v2 =	vld [tilespmem:$0x15B40];
	_ =	sdelay $0x7  }
0xc1: {  	[tilespmem:v2+s10+$0x0] =	vst.idx.add.f32.msk $0xffff, v1  }
0xc2: {  	_ =	swait.ge [sflag:s12], $0x2800  }
0xc3: {  	[sflag:s12] =	ssyncset.done $0x0  }
0xc4: {  	[sflag:s12] =	ssyncadd.s32 $0xFFFFD800  }
0xc5: {  	[spmem:s3] =	stream.indirect.scatter.add.f32 [tilespmem:s26], [sflag:$0x5], $0x80, s16, s31, $0xb8;
	v63 =	vld [tilespmem:$0x0]  }
0xc6: {  	_ =	swait.ge [sflag:s29], $0x2800  }
0xc7: {  	[sflag:s29] =	ssyncset.done $0x0  }
0xc8: {  	[sflag:s29] =	ssyncadd.s32 $0xFFFFD800  }
0xc9: {  	v2 =	vld [tilespmem:$0x15B80];
	_ =	sdelay $0x7  }
0xca: {  	[tilespmem:v2+s10+$0x0] =	vst.idx.add.f32.msk $0xffff, v1  }
0xcb: {  	v2 =	vld [tilespmem:$0x15B90];
	_ =	sdelay $0x7  }
0xcc: {  	[tilespmem:v2+s10+$0x0] =	vst.idx.add.f32.msk $0xffff, v1  }
0xcd: {  	v2 =	vld [tilespmem:$0x15BA0];
	_ =	sdelay $0x7  }
0xce: {  	[tilespmem:v2+s10+$0x0] =	vst.idx.add.f32.msk $0xffff, v1  }
0xcf: {  	v2 =	vld [tilespmem:$0x15BB0];
	_ =	sdelay $0x7  }
0xd0: {  	[tilespmem:v2+s10+$0x0] =	vst.idx.add.f32.msk $0xffff, v1  }
0xd1: {  	v2 =	vld [tilespmem:$0x15BC0];
	_ =	sdelay $0x7  }
0xd2: {  	[tilespmem:v2+s10+$0x0] =	vst.idx.add.f32.msk $0xffff, v1  }
0xd3: {  	_ =	swait.ge [sflag:s9], $0x2800  }
0xd4: {  	[sflag:s9] =	ssyncset.done $0x0  }
0xd5: {  	[sflag:s9] =	ssyncadd.s32 $0xFFFFD800  }
0xd6: {  	[spmem:s3] =	stream.indirect.scatter.add.f32 [tilespmem:s2], [sflag:$0x5], $0x80, s17, s31, $0xb8;
	v63 =	vld [tilespmem:$0x0]  }
0xd7: {  	_ =	swait.ge [sflag:s29], $0x2800  }
0xd8: {  	[sflag:s29] =	ssyncset.done $0x0  }
0xd9: {  	[sflag:s29] =	ssyncadd.s32 $0xFFFFD800  }
0xda: {  	v2 =	vld [tilespmem:$0x15C00];
	_ =	sdelay $0x7  }
0xdb: {  	[tilespmem:v2+s10+$0x0] =	vst.idx.add.f32.msk $0xffff, v1  }
0xdc: {  	v2 =	vld [tilespmem:$0x15C10];
	_ =	sdelay $0x7  }
0xdd: {  	[tilespmem:v2+s10+$0x0] =	vst.idx.add.f32.msk $0xffff, v1  }
0xde: {  	v2 =	vld [tilespmem:$0x15C20];
	_ =	sdelay $0x7  }
0xdf: {  	[tilespmem:v2+s10+$0x0] =	vst.idx.add.f32.msk $0xffff, v1  }
0xe0: {  	v2 =	vld [tilespmem:$0x15C30];
	_ =	sdelay $0x7  }
0xe1: {  	[tilespmem:v2+s10+$0x0] =	vst.idx.add.f32.msk $0xffff, v1  }
0xe2: {  	v2 =	vld [tilespmem:$0x15C40];
	_ =	sdelay $0x7  }
0xe3: {  	s19 =	simm.s32 $0x0;
	s20 =	rddreg [dreg:$0xb];
	[tilespmem:v2+s10+$0x0] =	vst.idx.add.f32.msk $0xffff, v1  }
0xe4: {  	[tilespmem:s28], [sflag:$0x5] =	stream.linear.gather [hbm4b:s20+s19], $0xC80, $0x38;
	v63 =	vld [tilespmem:$0x0]  }
0xe5: {  	_ =	swait.ge [sflag:s29], $0xC80  }
0xe6: {  	[sflag:s29] =	ssyncset.done $0x0  }
0xe7: {  	s22 =	rddreg [dreg:$0xc];
	[sflag:s29] =	ssyncadd.s32 $0xFFFFF380  }
0xe8: {  	[tilespmem:s30], [sflag:$0x5] =	stream.linear.gather [hbm4b:s22+s19], $0xC80, $0x38;
	v63 =	vld [tilespmem:$0x0]  }
0xe9: {  	_ =	swait.ge [sflag:s29], $0xC80  }
0xea: {  	[sflag:s29] =	ssyncset.done $0x0  }
0xeb: {  	[sflag:s29] =	ssyncadd.s32 $0xFFFFF380  }
0xec: {  	[tilespmem:s2], [sflag:$0x1] =	stream.indirect.gather [hbm4b:s1+s31], $0x80, s28, s31, $0xb8;
	v63 =	vld [tilespmem:$0x0]  }
0xed: {  	_ = 	snop  }
0xee: {  	[tilespmem:s6], [sflag:$0x2] =	stream.indirect.gather [hbm4b:s1+s31], $0x80, s0, s31, $0xb8;
	v63 =	vld [tilespmem:$0x0]  }
0xef: {  	_ = 	snop  }
0xf0: {  	[tilespmem:s26], [sflag:$0x3] =	stream.indirect.gather [hbm4b:s1+s31], $0x80, s7, s31, $0xb8;
	v63 =	vld [tilespmem:$0x0]  }
.LBB2_8:
0xf1: {  	_ =	swait.ge [sflag:s9], $0x2800  }
0xf2: {  	s20 =	sshra.s32 s19, $0x2;
	[sflag:s9] =	ssyncset.done $0x0  }
0xf3: {  	s21 =	sadd.s32 $0x15000, s20;
	[sflag:s9] =	ssyncadd.s32 $0xFFFFD800  }
0xf4: {  	[spmem:s3] =	stream.indirect.scatter.add.f32 [tilespmem:s2], [sflag:$0x5], $0x80, s21, s31, $0xb8;
	v63 =	vld [tilespmem:$0x0]  }
0xf5: {  	_ =	swait.ge [sflag:s29], $0x2800  }
0xf6: {  	[sflag:s29] =	ssyncset.done $0x0  }
0xf7: {  	s22 =	sadd.s32 $0x14180, s20;
	[sflag:s29] =	ssyncadd.s32 $0xFFFFD800  }
0xf8: {  	[tilespmem:s2], [sflag:$0x1] =	stream.indirect.gather [hbm4b:s1+s31], $0x80, s22, s31, $0xb8;
	v63 =	vld [tilespmem:$0x0]  }
0xf9: {  	v2 =	vld [tilespmem:s20+$0x15000];
	_ =	sdelay $0x7  }
0xfa: {  	[tilespmem:v2+s10+$0x0] =	vst.idx.add.f32.msk $0xffff, v1  }
0xfb: {  	v2 =	vld [tilespmem:s20+$0x15010];
	_ =	sdelay $0x7  }
0xfc: {  	[tilespmem:v2+s10+$0x0] =	vst.idx.add.f32.msk $0xffff, v1  }
0xfd: {  	v2 =	vld [tilespmem:s20+$0x15020];
	_ =	sdelay $0x7  }
0xfe: {  	[tilespmem:v2+s10+$0x0] =	vst.idx.add.f32.msk $0xffff, v1  }
0xff: {  	v2 =	vld [tilespmem:s20+$0x15030];
	_ =	sdelay $0x7  }
0x100: {  	[tilespmem:v2+s10+$0x0] =	vst.idx.add.f32.msk $0xffff, v1  }
0x101: {  	v2 =	vld [tilespmem:s20+$0x15040];
	_ =	sdelay $0x7  }
0x102: {  	[tilespmem:v2+s10+$0x0] =	vst.idx.add.f32.msk $0xffff, v1  }
0x103: {  	_ =	swait.ge [sflag:s11], $0x2800  }
0x104: {  	[sflag:s11] =	ssyncset.done $0x0  }
0x105: {  	s22 =	sadd.s32 $0x15080, s20;
	[sflag:s11] =	ssyncadd.s32 $0xFFFFD800  }
0x106: {  	[spmem:s3] =	stream.indirect.scatter.add.f32 [tilespmem:s6], [sflag:$0x5], $0x80, s22, s31, $0xb8;
	v63 =	vld [tilespmem:$0x0]  }
0x107: {  	_ =	swait.ge [sflag:s29], $0x2800  }
0x108: {  	[sflag:s29] =	ssyncset.done $0x0  }
0x109: {  	s22 =	sadd.s32 $0x14200, s20;
	[sflag:s29] =	ssyncadd.s32 $0xFFFFD800  }
0x10a: {  	[tilespmem:s6], [sflag:$0x2] =	stream.indirect.gather [hbm4b:s1+s31], $0x80, s22, s31, $0xb8;
	v63 =	vld [tilespmem:$0x0]  }
0x10b: {  	v2 =	vld [tilespmem:s20+$0x15080];
	_ =	sdelay $0x7  }
0x10c: {  	[tilespmem:v2+s10+$0x0] =	vst.idx.add.f32.msk $0xffff, v1  }
0x10d: {  	v2 =	vld [tilespmem:s20+$0x15090];
	_ =	sdelay $0x7  }
0x10e: {  	[tilespmem:v2+s10+$0x0] =	vst.idx.add.f32.msk $0xffff, v1  }
0x10f: {  	v2 =	vld [tilespmem:s20+$0x150A0];
	_ =	sdelay $0x7  }
0x110: {  	[tilespmem:v2+s10+$0x0] =	vst.idx.add.f32.msk $0xffff, v1  }
0x111: {  	v2 =	vld [tilespmem:s20+$0x150B0];
	_ =	sdelay $0x7  }
0x112: {  	[tilespmem:v2+s10+$0x0] =	vst.idx.add.f32.msk $0xffff, v1  }
0x113: {  	v2 =	vld [tilespmem:s20+$0x150C0];
	_ =	sdelay $0x7  }
0x114: {  	[tilespmem:v2+s10+$0x0] =	vst.idx.add.f32.msk $0xffff, v1  }
0x115: {  	_ =	swait.ge [sflag:s12], $0x2800  }
0x116: {  	[sflag:s12] =	ssyncset.done $0x0  }
0x117: {  	s22 =	sadd.s32 $0x15100, s20;
	[sflag:s12] =	ssyncadd.s32 $0xFFFFD800  }
0x118: {  	[spmem:s3] =	stream.indirect.scatter.add.f32 [tilespmem:s26], [sflag:$0x5], $0x80, s22, s31, $0xb8;
	v63 =	vld [tilespmem:$0x0]  }
0x119: {  	_ =	swait.ge [sflag:s29], $0x2800  }
0x11a: {  	[sflag:s29] =	ssyncset.done $0x0  }
0x11b: {  	s22 =	sadd.s32 $0x14280, s20;
	[sflag:s29] =	ssyncadd.s32 $0xFFFFD800  }
0x11c: {  	[tilespmem:s26], [sflag:$0x3] =	stream.indirect.gather [hbm4b:s1+s31], $0x80, s22, s31, $0xb8;
	v63 =	vld [tilespmem:$0x0]  }
0x11d: {  	v2 =	vld [tilespmem:s20+$0x15100];
	_ =	sdelay $0x7  }
0x11e: {  	[tilespmem:v2+s10+$0x0] =	vst.idx.add.f32.msk $0xffff, v1  }
0x11f: {  	v2 =	vld [tilespmem:s20+$0x15110];
	_ =	sdelay $0x7  }
0x120: {  	[tilespmem:v2+s10+$0x0] =	vst.idx.add.f32.msk $0xffff, v1  }
0x121: {  	v2 =	vld [tilespmem:s20+$0x15120];
	_ =	sdelay $0x7  }
0x122: {  	[tilespmem:v2+s10+$0x0] =	vst.idx.add.f32.msk $0xffff, v1  }
0x123: {  	v2 =	vld [tilespmem:s20+$0x15130];
	_ =	sdelay $0x7  }
0x124: {  	[tilespmem:v2+s10+$0x0] =	vst.idx.add.f32.msk $0xffff, v1  }
0x125: {  	v2 =	vld [tilespmem:s20+$0x15140];
	_ =	sdelay $0x2  }
0x126: {  	p0 =	sne.s32 s19, $0x2400  }
.Ltmp3:
0x127: {  	_ = 	snop;
	(pc) =	sbr.rel @p0 .LBB2_8-.Ltmp3, $2  }
0x128: {  	_ =	sdelay $0x2  }
0x129: {  	s19 =	sadd.s32 $0x600, s19;
	[tilespmem:v2+s10+$0x0] =	vst.idx.add.f32.msk $0xffff, v1  }
0x12a: {  	_ =	swait.ge [sflag:s9], $0x2800  }
0x12b: {  	[sflag:s9] =	ssyncset.done $0x0  }
0x12c: {  	[sflag:s9] =	ssyncadd.s32 $0xFFFFD800  }
0x12d: {  	[spmem:s3] =	stream.indirect.scatter.add.f32 [tilespmem:s2], [sflag:$0x5], $0x80, s13, s31, $0xb8;
	v63 =	vld [tilespmem:$0x0]  }
0x12e: {  	_ =	swait.ge [sflag:s29], $0x2800  }
0x12f: {  	[sflag:s29] =	ssyncset.done $0x0  }
0x130: {  	[sflag:s29] =	ssyncadd.s32 $0xFFFFD800  }
0x131: {  	[tilespmem:s2], [sflag:$0x1] =	stream.indirect.gather [hbm4b:s1+s31], $0x80, s14, s31, $0xb8;
	v63 =	vld [tilespmem:$0x0]  }
0x132: {  	v2 =	vld [tilespmem:$0x15A80];
	_ =	sdelay $0x7  }
0x133: {  	[tilespmem:v2+s10+$0x0] =	vst.idx.add.f32.msk $0xffff, v1  }
0x134: {  	v2 =	vld [tilespmem:$0x15A90];
	_ =	sdelay $0x7  }
0x135: {  	[tilespmem:v2+s10+$0x0] =	vst.idx.add.f32.msk $0xffff, v1  }
0x136: {  	v2 =	vld [tilespmem:$0x15AA0];
	_ =	sdelay $0x7  }
0x137: {  	[tilespmem:v2+s10+$0x0] =	vst.idx.add.f32.msk $0xffff, v1  }
0x138: {  	v2 =	vld [tilespmem:$0x15AB0];
	_ =	sdelay $0x7  }
0x139: {  	[tilespmem:v2+s10+$0x0] =	vst.idx.add.f32.msk $0xffff, v1  }
0x13a: {  	v2 =	vld [tilespmem:$0x15AC0];
	_ =	sdelay $0x7  }
0x13b: {  	[tilespmem:v2+s10+$0x0] =	vst.idx.add.f32.msk $0xffff, v1  }
0x13c: {  	_ =	swait.ge [sflag:s11], $0x2800  }
0x13d: {  	[sflag:s11] =	ssyncset.done $0x0  }
0x13e: {  	[sflag:s11] =	ssyncadd.s32 $0xFFFFD800  }
0x13f: {  	[spmem:s3] =	stream.indirect.scatter.add.f32 [tilespmem:s6], [sflag:$0x5], $0x80, s15, s31, $0xb8;
	v63 =	vld [tilespmem:$0x0]  }
0x140: {  	_ =	swait.ge [sflag:s29], $0x2800  }
0x141: {  	[sflag:s29] =	ssyncset.done $0x0  }
0x142: {  	[sflag:s29] =	ssyncadd.s32 $0xFFFFD800  }
0x143: {  	v2 =	vld [tilespmem:$0x15B00];
	_ =	sdelay $0x7  }
0x144: {  	[tilespmem:v2+s10+$0x0] =	vst.idx.add.f32.msk $0xffff, v1  }
0x145: {  	v2 =	vld [tilespmem:$0x15B10];
	_ =	sdelay $0x7  }
0x146: {  	[tilespmem:v2+s10+$0x0] =	vst.idx.add.f32.msk $0xffff, v1  }
0x147: {  	v2 =	vld [tilespmem:$0x15B20];
	_ =	sdelay $0x7  }
0x148: {  	[tilespmem:v2+s10+$0x0] =	vst.idx.add.f32.msk $0xffff, v1  }
0x149: {  	v2 =	vld [tilespmem:$0x15B30];
	_ =	sdelay $0x7  }
0x14a: {  	[tilespmem:v2+s10+$0x0] =	vst.idx.add.f32.msk $0xffff, v1  }
0x14b: {  	v2 =	vld [tilespmem:$0x15B40];
	_ =	sdelay $0x7  }
0x14c: {  	[tilespmem:v2+s10+$0x0] =	vst.idx.add.f32.msk $0xffff, v1  }
0x14d: {  	_ =	swait.ge [sflag:s12], $0x2800  }
0x14e: {  	[sflag:s12] =	ssyncset.done $0x0  }
0x14f: {  	[sflag:s12] =	ssyncadd.s32 $0xFFFFD800  }
0x150: {  	[spmem:s3] =	stream.indirect.scatter.add.f32 [tilespmem:s26], [sflag:$0x5], $0x80, s16, s31, $0xb8;
	v63 =	vld [tilespmem:$0x0]  }
0x151: {  	_ =	swait.ge [sflag:s29], $0x2800  }
0x152: {  	[sflag:s29] =	ssyncset.done $0x0  }
0x153: {  	[sflag:s29] =	ssyncadd.s32 $0xFFFFD800  }
0x154: {  	v2 =	vld [tilespmem:$0x15B80];
	_ =	sdelay $0x7  }
0x155: {  	[tilespmem:v2+s10+$0x0] =	vst.idx.add.f32.msk $0xffff, v1  }
0x156: {  	v2 =	vld [tilespmem:$0x15B90];
	_ =	sdelay $0x7  }
0x157: {  	[tilespmem:v2+s10+$0x0] =	vst.idx.add.f32.msk $0xffff, v1  }
0x158: {  	v2 =	vld [tilespmem:$0x15BA0];
	_ =	sdelay $0x7  }
0x159: {  	[tilespmem:v2+s10+$0x0] =	vst.idx.add.f32.msk $0xffff, v1  }
0x15a: {  	v2 =	vld [tilespmem:$0x15BB0];
	_ =	sdelay $0x7  }
0x15b: {  	[tilespmem:v2+s10+$0x0] =	vst.idx.add.f32.msk $0xffff, v1  }
0x15c: {  	v2 =	vld [tilespmem:$0x15BC0];
	_ =	sdelay $0x7  }
0x15d: {  	[tilespmem:v2+s10+$0x0] =	vst.idx.add.f32.msk $0xffff, v1  }
0x15e: {  	_ =	swait.ge [sflag:s9], $0x2800  }
0x15f: {  	[sflag:s9] =	ssyncset.done $0x0  }
0x160: {  	[sflag:s9] =	ssyncadd.s32 $0xFFFFD800  }
0x161: {  	[spmem:s3] =	stream.indirect.scatter.add.f32 [tilespmem:s2], [sflag:$0x5], $0x80, s17, s31, $0xb8;
	v63 =	vld [tilespmem:$0x0]  }
0x162: {  	_ =	swait.ge [sflag:s29], $0x2800  }
0x163: {  	[sflag:s29] =	ssyncset.done $0x0  }
0x164: {  	[sflag:s29] =	ssyncadd.s32 $0xFFFFD800  }
0x165: {  	v2 =	vld [tilespmem:$0x15C00];
	_ =	sdelay $0x7  }
0x166: {  	[tilespmem:v2+s10+$0x0] =	vst.idx.add.f32.msk $0xffff, v1  }
0x167: {  	v2 =	vld [tilespmem:$0x15C10];
	_ =	sdelay $0x7  }
0x168: {  	[tilespmem:v2+s10+$0x0] =	vst.idx.add.f32.msk $0xffff, v1  }
0x169: {  	v2 =	vld [tilespmem:$0x15C20];
	_ =	sdelay $0x7  }
0x16a: {  	[tilespmem:v2+s10+$0x0] =	vst.idx.add.f32.msk $0xffff, v1  }
0x16b: {  	v2 =	vld [tilespmem:$0x15C30];
	_ =	sdelay $0x7  }
0x16c: {  	[tilespmem:v2+s10+$0x0] =	vst.idx.add.f32.msk $0xffff, v1  }
0x16d: {  	v2 =	vld [tilespmem:$0x15C40];
	_ =	sdelay $0x7  }
0x16e: {  	s19 =	simm.s32 $0x0;
	s20 =	rddreg [dreg:$0xd];
	[tilespmem:v2+s10+$0x0] =	vst.idx.add.f32.msk $0xffff, v1  }
0x16f: {  	[tilespmem:s28], [sflag:$0x5] =	stream.linear.gather [hbm4b:s20+s19], $0xC80, $0x38;
	v63 =	vld [tilespmem:$0x0]  }
0x170: {  	_ =	swait.ge [sflag:s29], $0xC80  }
0x171: {  	[sflag:s29] =	ssyncset.done $0x0  }
0x172: {  	s22 =	rddreg [dreg:$0xe];
	[sflag:s29] =	ssyncadd.s32 $0xFFFFF380  }
0x173: {  	[tilespmem:s30], [sflag:$0x5] =	stream.linear.gather [hbm4b:s22+s19], $0xC80, $0x38;
	v63 =	vld [tilespmem:$0x0]  }
0x174: {  	_ =	swait.ge [sflag:s29], $0xC80  }
0x175: {  	[sflag:s29] =	ssyncset.done $0x0  }
0x176: {  	[sflag:s29] =	ssyncadd.s32 $0xFFFFF380  }
0x177: {  	[tilespmem:s2], [sflag:$0x1] =	stream.indirect.gather [hbm4b:s1+s31], $0x80, s28, s31, $0xb8;
	v63 =	vld [tilespmem:$0x0]  }
0x178: {  	_ = 	snop  }
0x179: {  	[tilespmem:s6], [sflag:$0x2] =	stream.indirect.gather [hbm4b:s1+s31], $0x80, s0, s31, $0xb8;
	v63 =	vld [tilespmem:$0x0]  }
0x17a: {  	_ = 	snop  }
0x17b: {  	[tilespmem:s26], [sflag:$0x3] =	stream.indirect.gather [hbm4b:s1+s31], $0x80, s7, s31, $0xb8;
	v63 =	vld [tilespmem:$0x0]  }
.LBB2_10:
0x17c: {  	_ =	swait.ge [sflag:s9], $0x2800  }
0x17d: {  	s20 =	sshra.s32 s19, $0x2;
	[sflag:s9] =	ssyncset.done $0x0  }
0x17e: {  	s21 =	sadd.s32 $0x15000, s20;
	[sflag:s9] =	ssyncadd.s32 $0xFFFFD800  }
0x17f: {  	[spmem:s3] =	stream.indirect.scatter.add.f32 [tilespmem:s2], [sflag:$0x5], $0x80, s21, s31, $0xb8;
	v63 =	vld [tilespmem:$0x0]  }
0x180: {  	_ =	swait.ge [sflag:s29], $0x2800  }
0x181: {  	[sflag:s29] =	ssyncset.done $0x0  }
0x182: {  	s22 =	sadd.s32 $0x14180, s20;
	[sflag:s29] =	ssyncadd.s32 $0xFFFFD800  }
0x183: {  	[tilespmem:s2], [sflag:$0x1] =	stream.indirect.gather [hbm4b:s1+s31], $0x80, s22, s31, $0xb8;
	v63 =	vld [tilespmem:$0x0]  }
0x184: {  	v2 =	vld [tilespmem:s20+$0x15000];
	_ =	sdelay $0x7  }
0x185: {  	[tilespmem:v2+s10+$0x0] =	vst.idx.add.f32.msk $0xffff, v1  }
0x186: {  	v2 =	vld [tilespmem:s20+$0x15010];
	_ =	sdelay $0x7  }
0x187: {  	[tilespmem:v2+s10+$0x0] =	vst.idx.add.f32.msk $0xffff, v1  }
0x188: {  	v2 =	vld [tilespmem:s20+$0x15020];
	_ =	sdelay $0x7  }
0x189: {  	[tilespmem:v2+s10+$0x0] =	vst.idx.add.f32.msk $0xffff, v1  }
0x18a: {  	v2 =	vld [tilespmem:s20+$0x15030];
	_ =	sdelay $0x7  }
0x18b: {  	[tilespmem:v2+s10+$0x0] =	vst.idx.add.f32.msk $0xffff, v1  }
0x18c: {  	v2 =	vld [tilespmem:s20+$0x15040];
	_ =	sdelay $0x7  }
0x18d: {  	[tilespmem:v2+s10+$0x0] =	vst.idx.add.f32.msk $0xffff, v1  }
0x18e: {  	_ =	swait.ge [sflag:s11], $0x2800  }
0x18f: {  	[sflag:s11] =	ssyncset.done $0x0  }
0x190: {  	s22 =	sadd.s32 $0x15080, s20;
	[sflag:s11] =	ssyncadd.s32 $0xFFFFD800  }
0x191: {  	[spmem:s3] =	stream.indirect.scatter.add.f32 [tilespmem:s6], [sflag:$0x5], $0x80, s22, s31, $0xb8;
	v63 =	vld [tilespmem:$0x0]  }
0x192: {  	_ =	swait.ge [sflag:s29], $0x2800  }
0x193: {  	[sflag:s29] =	ssyncset.done $0x0  }
0x194: {  	s22 =	sadd.s32 $0x14200, s20;
	[sflag:s29] =	ssyncadd.s32 $0xFFFFD800  }
0x195: {  	[tilespmem:s6], [sflag:$0x2] =	stream.indirect.gather [hbm4b:s1+s31], $0x80, s22, s31, $0xb8;
	v63 =	vld [tilespmem:$0x0]  }
0x196: {  	v2 =	vld [tilespmem:s20+$0x15080];
	_ =	sdelay $0x7  }
0x197: {  	[tilespmem:v2+s10+$0x0] =	vst.idx.add.f32.msk $0xffff, v1  }
0x198: {  	v2 =	vld [tilespmem:s20+$0x15090];
	_ =	sdelay $0x7  }
0x199: {  	[tilespmem:v2+s10+$0x0] =	vst.idx.add.f32.msk $0xffff, v1  }
0x19a: {  	v2 =	vld [tilespmem:s20+$0x150A0];
	_ =	sdelay $0x7  }
0x19b: {  	[tilespmem:v2+s10+$0x0] =	vst.idx.add.f32.msk $0xffff, v1  }
0x19c: {  	v2 =	vld [tilespmem:s20+$0x150B0];
	_ =	sdelay $0x7  }
0x19d: {  	[tilespmem:v2+s10+$0x0] =	vst.idx.add.f32.msk $0xffff, v1  }
0x19e: {  	v2 =	vld [tilespmem:s20+$0x150C0];
	_ =	sdelay $0x7  }
0x19f: {  	[tilespmem:v2+s10+$0x0] =	vst.idx.add.f32.msk $0xffff, v1  }
0x1a0: {  	_ =	swait.ge [sflag:s12], $0x2800  }
0x1a1: {  	[sflag:s12] =	ssyncset.done $0x0  }
0x1a2: {  	s22 =	sadd.s32 $0x15100, s20;
	[sflag:s12] =	ssyncadd.s32 $0xFFFFD800  }
0x1a3: {  	[spmem:s3] =	stream.indirect.scatter.add.f32 [tilespmem:s26], [sflag:$0x5], $0x80, s22, s31, $0xb8;
	v63 =	vld [tilespmem:$0x0]  }
0x1a4: {  	_ =	swait.ge [sflag:s29], $0x2800  }
0x1a5: {  	[sflag:s29] =	ssyncset.done $0x0  }
0x1a6: {  	s22 =	sadd.s32 $0x14280, s20;
	[sflag:s29] =	ssyncadd.s32 $0xFFFFD800  }
0x1a7: {  	[tilespmem:s26], [sflag:$0x3] =	stream.indirect.gather [hbm4b:s1+s31], $0x80, s22, s31, $0xb8;
	v63 =	vld [tilespmem:$0x0]  }
0x1a8: {  	v2 =	vld [tilespmem:s20+$0x15100];
	_ =	sdelay $0x7  }
0x1a9: {  	[tilespmem:v2+s10+$0x0] =	vst.idx.add.f32.msk $0xffff, v1  }
0x1aa: {  	v2 =	vld [tilespmem:s20+$0x15110];
	_ =	sdelay $0x7  }
0x1ab: {  	[tilespmem:v2+s10+$0x0] =	vst.idx.add.f32.msk $0xffff, v1  }
0x1ac: {  	v2 =	vld [tilespmem:s20+$0x15120];
	_ =	sdelay $0x7  }
0x1ad: {  	[tilespmem:v2+s10+$0x0] =	vst.idx.add.f32.msk $0xffff, v1  }
0x1ae: {  	v2 =	vld [tilespmem:s20+$0x15130];
	_ =	sdelay $0x7  }
0x1af: {  	[tilespmem:v2+s10+$0x0] =	vst.idx.add.f32.msk $0xffff, v1  }
0x1b0: {  	v2 =	vld [tilespmem:s20+$0x15140];
	_ =	sdelay $0x2  }
0x1b1: {  	p0 =	sne.s32 s19, $0x2400  }
.Ltmp4:
0x1b2: {  	_ = 	snop;
	(pc) =	sbr.rel @p0 .LBB2_10-.Ltmp4, $2  }
0x1b3: {  	_ =	sdelay $0x2  }
0x1b4: {  	s19 =	sadd.s32 $0x600, s19;
	[tilespmem:v2+s10+$0x0] =	vst.idx.add.f32.msk $0xffff, v1  }
0x1b5: {  	_ =	swait.ge [sflag:s9], $0x2800  }
0x1b6: {  	[sflag:s9] =	ssyncset.done $0x0  }
0x1b7: {  	[sflag:s9] =	ssyncadd.s32 $0xFFFFD800  }
0x1b8: {  	[spmem:s3] =	stream.indirect.scatter.add.f32 [tilespmem:s2], [sflag:$0x5], $0x80, s13, s31, $0xb8;
	v63 =	vld [tilespmem:$0x0]  }
0x1b9: {  	_ =	swait.ge [sflag:s29], $0x2800  }
0x1ba: {  	[sflag:s29] =	ssyncset.done $0x0  }
0x1bb: {  	[sflag:s29] =	ssyncadd.s32 $0xFFFFD800  }
0x1bc: {  	[tilespmem:s2], [sflag:$0x1] =	stream.indirect.gather [hbm4b:s1+s31], $0x80, s14, s31, $0xb8;
	v63 =	vld [tilespmem:$0x0]  }
0x1bd: {  	v2 =	vld [tilespmem:$0x15A80];
	_ =	sdelay $0x7  }
0x1be: {  	[tilespmem:v2+s10+$0x0] =	vst.idx.add.f32.msk $0xffff, v1  }
0x1bf: {  	v2 =	vld [tilespmem:$0x15A90];
	_ =	sdelay $0x7  }
0x1c0: {  	[tilespmem:v2+s10+$0x0] =	vst.idx.add.f32.msk $0xffff, v1  }
0x1c1: {  	v2 =	vld [tilespmem:$0x15AA0];
	_ =	sdelay $0x7  }
0x1c2: {  	[tilespmem:v2+s10+$0x0] =	vst.idx.add.f32.msk $0xffff, v1  }
0x1c3: {  	v2 =	vld [tilespmem:$0x15AB0];
	_ =	sdelay $0x7  }
0x1c4: {  	[tilespmem:v2+s10+$0x0] =	vst.idx.add.f32.msk $0xffff, v1  }
0x1c5: {  	v2 =	vld [tilespmem:$0x15AC0];
	_ =	sdelay $0x7  }
0x1c6: {  	[tilespmem:v2+s10+$0x0] =	vst.idx.add.f32.msk $0xffff, v1  }
0x1c7: {  	_ =	swait.ge [sflag:s11], $0x2800  }
0x1c8: {  	[sflag:s11] =	ssyncset.done $0x0  }
0x1c9: {  	[sflag:s11] =	ssyncadd.s32 $0xFFFFD800  }
0x1ca: {  	[spmem:s3] =	stream.indirect.scatter.add.f32 [tilespmem:s6], [sflag:$0x5], $0x80, s15, s31, $0xb8;
	v63 =	vld [tilespmem:$0x0]  }
0x1cb: {  	_ =	swait.ge [sflag:s29], $0x2800  }
0x1cc: {  	[sflag:s29] =	ssyncset.done $0x0  }
0x1cd: {  	[sflag:s29] =	ssyncadd.s32 $0xFFFFD800  }
0x1ce: {  	v2 =	vld [tilespmem:$0x15B00];
	_ =	sdelay $0x7  }
0x1cf: {  	[tilespmem:v2+s10+$0x0] =	vst.idx.add.f32.msk $0xffff, v1  }
0x1d0: {  	v2 =	vld [tilespmem:$0x15B10];
	_ =	sdelay $0x7  }
0x1d1: {  	[tilespmem:v2+s10+$0x0] =	vst.idx.add.f32.msk $0xffff, v1  }
0x1d2: {  	v2 =	vld [tilespmem:$0x15B20];
	_ =	sdelay $0x7  }
0x1d3: {  	[tilespmem:v2+s10+$0x0] =	vst.idx.add.f32.msk $0xffff, v1  }
0x1d4: {  	v2 =	vld [tilespmem:$0x15B30];
	_ =	sdelay $0x7  }
0x1d5: {  	[tilespmem:v2+s10+$0x0] =	vst.idx.add.f32.msk $0xffff, v1  }
0x1d6: {  	v2 =	vld [tilespmem:$0x15B40];
	_ =	sdelay $0x7  }
0x1d7: {  	[tilespmem:v2+s10+$0x0] =	vst.idx.add.f32.msk $0xffff, v1  }
0x1d8: {  	_ =	swait.ge [sflag:s12], $0x2800  }
0x1d9: {  	[sflag:s12] =	ssyncset.done $0x0  }
0x1da: {  	[sflag:s12] =	ssyncadd.s32 $0xFFFFD800  }
0x1db: {  	[spmem:s3] =	stream.indirect.scatter.add.f32 [tilespmem:s26], [sflag:$0x5], $0x80, s16, s31, $0xb8;
	v63 =	vld [tilespmem:$0x0]  }
0x1dc: {  	_ =	swait.ge [sflag:s29], $0x2800  }
0x1dd: {  	[sflag:s29] =	ssyncset.done $0x0  }
0x1de: {  	[sflag:s29] =	ssyncadd.s32 $0xFFFFD800  }
0x1df: {  	v2 =	vld [tilespmem:$0x15B80];
	_ =	sdelay $0x7  }
0x1e0: {  	[tilespmem:v2+s10+$0x0] =	vst.idx.add.f32.msk $0xffff, v1  }
0x1e1: {  	v2 =	vld [tilespmem:$0x15B90];
	_ =	sdelay $0x7  }
0x1e2: {  	[tilespmem:v2+s10+$0x0] =	vst.idx.add.f32.msk $0xffff, v1  }
0x1e3: {  	v2 =	vld [tilespmem:$0x15BA0];
	_ =	sdelay $0x7  }
0x1e4: {  	[tilespmem:v2+s10+$0x0] =	vst.idx.add.f32.msk $0xffff, v1  }
0x1e5: {  	v2 =	vld [tilespmem:$0x15BB0];
	_ =	sdelay $0x7  }
0x1e6: {  	[tilespmem:v2+s10+$0x0] =	vst.idx.add.f32.msk $0xffff, v1  }
0x1e7: {  	v2 =	vld [tilespmem:$0x15BC0];
	_ =	sdelay $0x7  }
0x1e8: {  	[tilespmem:v2+s10+$0x0] =	vst.idx.add.f32.msk $0xffff, v1  }
0x1e9: {  	_ =	swait.ge [sflag:s9], $0x2800  }
0x1ea: {  	[sflag:s9] =	ssyncset.done $0x0  }
0x1eb: {  	[sflag:s9] =	ssyncadd.s32 $0xFFFFD800  }
0x1ec: {  	[spmem:s3] =	stream.indirect.scatter.add.f32 [tilespmem:s2], [sflag:$0x5], $0x80, s17, s31, $0xb8;
	v63 =	vld [tilespmem:$0x0]  }
0x1ed: {  	_ =	swait.ge [sflag:s29], $0x2800  }
0x1ee: {  	[sflag:s29] =	ssyncset.done $0x0  }
0x1ef: {  	[sflag:s29] =	ssyncadd.s32 $0xFFFFD800  }
0x1f0: {  	v2 =	vld [tilespmem:$0x15C00];
	_ =	sdelay $0x7  }
0x1f1: {  	[tilespmem:v2+s10+$0x0] =	vst.idx.add.f32.msk $0xffff, v1  }
0x1f2: {  	v2 =	vld [tilespmem:$0x15C10];
	_ =	sdelay $0x7  }
0x1f3: {  	[tilespmem:v2+s10+$0x0] =	vst.idx.add.f32.msk $0xffff, v1  }
0x1f4: {  	v2 =	vld [tilespmem:$0x15C20];
	_ =	sdelay $0x7  }
0x1f5: {  	[tilespmem:v2+s10+$0x0] =	vst.idx.add.f32.msk $0xffff, v1  }
0x1f6: {  	v2 =	vld [tilespmem:$0x15C30];
	_ =	sdelay $0x7  }
0x1f7: {  	[tilespmem:v2+s10+$0x0] =	vst.idx.add.f32.msk $0xffff, v1  }
0x1f8: {  	v2 =	vld [tilespmem:$0x15C40];
	_ =	sdelay $0x7  }
0x1f9: {  	s19 =	simm.s32 $0x0;
	s20 =	rddreg [dreg:$0xf];
	[tilespmem:v2+s10+$0x0] =	vst.idx.add.f32.msk $0xffff, v1  }
0x1fa: {  	[tilespmem:s28], [sflag:$0x5] =	stream.linear.gather [hbm4b:s20+s19], $0xC80, $0x38;
	v63 =	vld [tilespmem:$0x0]  }
0x1fb: {  	_ =	swait.ge [sflag:s29], $0xC80  }
0x1fc: {  	[sflag:s29] =	ssyncset.done $0x0  }
0x1fd: {  	s22 =	rddreg [dreg:$0x10];
	[sflag:s29] =	ssyncadd.s32 $0xFFFFF380  }
0x1fe: {  	[tilespmem:s30], [sflag:$0x5] =	stream.linear.gather [hbm4b:s22+s19], $0xC80, $0x38;
	v63 =	vld [tilespmem:$0x0]  }
0x1ff: {  	_ =	swait.ge [sflag:s29], $0xC80  }
0x200: {  	[sflag:s29] =	ssyncset.done $0x0  }
0x201: {  	[sflag:s29] =	ssyncadd.s32 $0xFFFFF380  }
0x202: {  	[tilespmem:s2], [sflag:$0x1] =	stream.indirect.gather [hbm4b:s1+s31], $0x80, s28, s31, $0xb8;
	v63 =	vld [tilespmem:$0x0]  }
0x203: {  	_ = 	snop  }
0x204: {  	[tilespmem:s6], [sflag:$0x2] =	stream.indirect.gather [hbm4b:s1+s31], $0x80, s0, s31, $0xb8;
	v63 =	vld [tilespmem:$0x0]  }
0x205: {  	_ = 	snop  }
0x206: {  	[tilespmem:s26], [sflag:$0x3] =	stream.indirect.gather [hbm4b:s1+s31], $0x80, s7, s31, $0xb8;
	v63 =	vld [tilespmem:$0x0]  }
.LBB2_12:
0x207: {  	_ =	swait.ge [sflag:s9], $0x2800  }
0x208: {  	s20 =	sshra.s32 s19, $0x2;
	[sflag:s9] =	ssyncset.done $0x0  }
0x209: {  	s21 =	sadd.s32 $0x15000, s20;
	[sflag:s9] =	ssyncadd.s32 $0xFFFFD800  }
0x20a: {  	[spmem:s3] =	stream.indirect.scatter.add.f32 [tilespmem:s2], [sflag:$0x5], $0x80, s21, s31, $0xb8;
	v63 =	vld [tilespmem:$0x0]  }
0x20b: {  	_ =	swait.ge [sflag:s29], $0x2800  }
0x20c: {  	[sflag:s29] =	ssyncset.done $0x0  }
0x20d: {  	s22 =	sadd.s32 $0x14180, s20;
	[sflag:s29] =	ssyncadd.s32 $0xFFFFD800  }
0x20e: {  	[tilespmem:s2], [sflag:$0x1] =	stream.indirect.gather [hbm4b:s1+s31], $0x80, s22, s31, $0xb8;
	v63 =	vld [tilespmem:$0x0]  }
0x20f: {  	v2 =	vld [tilespmem:s20+$0x15000];
	_ =	sdelay $0x7  }
0x210: {  	[tilespmem:v2+s10+$0x0] =	vst.idx.add.f32.msk $0xffff, v1  }
0x211: {  	v2 =	vld [tilespmem:s20+$0x15010];
	_ =	sdelay $0x7  }
0x212: {  	[tilespmem:v2+s10+$0x0] =	vst.idx.add.f32.msk $0xffff, v1  }
0x213: {  	v2 =	vld [tilespmem:s20+$0x15020];
	_ =	sdelay $0x7  }
0x214: {  	[tilespmem:v2+s10+$0x0] =	vst.idx.add.f32.msk $0xffff, v1  }
0x215: {  	v2 =	vld [tilespmem:s20+$0x15030];
	_ =	sdelay $0x7  }
0x216: {  	[tilespmem:v2+s10+$0x0] =	vst.idx.add.f32.msk $0xffff, v1  }
0x217: {  	v2 =	vld [tilespmem:s20+$0x15040];
	_ =	sdelay $0x7  }
0x218: {  	[tilespmem:v2+s10+$0x0] =	vst.idx.add.f32.msk $0xffff, v1  }
0x219: {  	_ =	swait.ge [sflag:s11], $0x2800  }
0x21a: {  	[sflag:s11] =	ssyncset.done $0x0  }
0x21b: {  	s22 =	sadd.s32 $0x15080, s20;
	[sflag:s11] =	ssyncadd.s32 $0xFFFFD800  }
0x21c: {  	[spmem:s3] =	stream.indirect.scatter.add.f32 [tilespmem:s6], [sflag:$0x5], $0x80, s22, s31, $0xb8;
	v63 =	vld [tilespmem:$0x0]  }
0x21d: {  	_ =	swait.ge [sflag:s29], $0x2800  }
0x21e: {  	[sflag:s29] =	ssyncset.done $0x0  }
0x21f: {  	s22 =	sadd.s32 $0x14200, s20;
	[sflag:s29] =	ssyncadd.s32 $0xFFFFD800  }
0x220: {  	[tilespmem:s6], [sflag:$0x2] =	stream.indirect.gather [hbm4b:s1+s31], $0x80, s22, s31, $0xb8;
	v63 =	vld [tilespmem:$0x0]  }
0x221: {  	v2 =	vld [tilespmem:s20+$0x15080];
	_ =	sdelay $0x7  }
0x222: {  	[tilespmem:v2+s10+$0x0] =	vst.idx.add.f32.msk $0xffff, v1  }
0x223: {  	v2 =	vld [tilespmem:s20+$0x15090];
	_ =	sdelay $0x7  }
0x224: {  	[tilespmem:v2+s10+$0x0] =	vst.idx.add.f32.msk $0xffff, v1  }
0x225: {  	v2 =	vld [tilespmem:s20+$0x150A0];
	_ =	sdelay $0x7  }
0x226: {  	[tilespmem:v2+s10+$0x0] =	vst.idx.add.f32.msk $0xffff, v1  }
0x227: {  	v2 =	vld [tilespmem:s20+$0x150B0];
	_ =	sdelay $0x7  }
0x228: {  	[tilespmem:v2+s10+$0x0] =	vst.idx.add.f32.msk $0xffff, v1  }
0x229: {  	v2 =	vld [tilespmem:s20+$0x150C0];
	_ =	sdelay $0x7  }
0x22a: {  	[tilespmem:v2+s10+$0x0] =	vst.idx.add.f32.msk $0xffff, v1  }
0x22b: {  	_ =	swait.ge [sflag:s12], $0x2800  }
0x22c: {  	[sflag:s12] =	ssyncset.done $0x0  }
0x22d: {  	s22 =	sadd.s32 $0x15100, s20;
	[sflag:s12] =	ssyncadd.s32 $0xFFFFD800  }
0x22e: {  	[spmem:s3] =	stream.indirect.scatter.add.f32 [tilespmem:s26], [sflag:$0x5], $0x80, s22, s31, $0xb8;
	v63 =	vld [tilespmem:$0x0]  }
0x22f: {  	_ =	swait.ge [sflag:s29], $0x2800  }
0x230: {  	[sflag:s29] =	ssyncset.done $0x0  }
0x231: {  	s22 =	sadd.s32 $0x14280, s20;
	[sflag:s29] =	ssyncadd.s32 $0xFFFFD800  }
0x232: {  	[tilespmem:s26], [sflag:$0x3] =	stream.indirect.gather [hbm4b:s1+s31], $0x80, s22, s31, $0xb8;
	v63 =	vld [tilespmem:$0x0]  }
0x233: {  	v2 =	vld [tilespmem:s20+$0x15100];
	_ =	sdelay $0x7  }
0x234: {  	[tilespmem:v2+s10+$0x0] =	vst.idx.add.f32.msk $0xffff, v1  }
0x235: {  	v2 =	vld [tilespmem:s20+$0x15110];
	_ =	sdelay $0x7  }
0x236: {  	[tilespmem:v2+s10+$0x0] =	vst.idx.add.f32.msk $0xffff, v1  }
0x237: {  	v2 =	vld [tilespmem:s20+$0x15120];
	_ =	sdelay $0x7  }
0x238: {  	[tilespmem:v2+s10+$0x0] =	vst.idx.add.f32.msk $0xffff, v1  }
0x239: {  	v2 =	vld [tilespmem:s20+$0x15130];
	_ =	sdelay $0x7  }
0x23a: {  	[tilespmem:v2+s10+$0x0] =	vst.idx.add.f32.msk $0xffff, v1  }
0x23b: {  	v2 =	vld [tilespmem:s20+$0x15140];
	_ =	sdelay $0x2  }
0x23c: {  	p0 =	sne.s32 s19, $0x2400  }
.Ltmp5:
0x23d: {  	_ = 	snop;
	(pc) =	sbr.rel @p0 .LBB2_12-.Ltmp5, $2  }
0x23e: {  	_ =	sdelay $0x2  }
0x23f: {  	s19 =	sadd.s32 $0x600, s19;
	[tilespmem:v2+s10+$0x0] =	vst.idx.add.f32.msk $0xffff, v1  }
0x240: {  	_ =	swait.ge [sflag:s9], $0x2800  }
0x241: {  	[sflag:s9] =	ssyncset.done $0x0  }
0x242: {  	[sflag:s9] =	ssyncadd.s32 $0xFFFFD800  }
0x243: {  	[spmem:s3] =	stream.indirect.scatter.add.f32 [tilespmem:s2], [sflag:$0x5], $0x80, s13, s31, $0xb8;
	v63 =	vld [tilespmem:$0x0]  }
0x244: {  	_ =	swait.ge [sflag:s29], $0x2800  }
0x245: {  	[sflag:s29] =	ssyncset.done $0x0  }
0x246: {  	[sflag:s29] =	ssyncadd.s32 $0xFFFFD800  }
0x247: {  	[tilespmem:s2], [sflag:$0x1] =	stream.indirect.gather [hbm4b:s1+s31], $0x80, s14, s31, $0xb8;
	v63 =	vld [tilespmem:$0x0]  }
0x248: {  	v2 =	vld [tilespmem:$0x15A80];
	_ =	sdelay $0x7  }
0x249: {  	[tilespmem:v2+s10+$0x0] =	vst.idx.add.f32.msk $0xffff, v1  }
0x24a: {  	v2 =	vld [tilespmem:$0x15A90];
	_ =	sdelay $0x7  }
0x24b: {  	[tilespmem:v2+s10+$0x0] =	vst.idx.add.f32.msk $0xffff, v1  }
0x24c: {  	v2 =	vld [tilespmem:$0x15AA0];
	_ =	sdelay $0x7  }
0x24d: {  	[tilespmem:v2+s10+$0x0] =	vst.idx.add.f32.msk $0xffff, v1  }
0x24e: {  	v2 =	vld [tilespmem:$0x15AB0];
	_ =	sdelay $0x7  }
0x24f: {  	[tilespmem:v2+s10+$0x0] =	vst.idx.add.f32.msk $0xffff, v1  }
0x250: {  	v2 =	vld [tilespmem:$0x15AC0];
	_ =	sdelay $0x7  }
0x251: {  	[tilespmem:v2+s10+$0x0] =	vst.idx.add.f32.msk $0xffff, v1  }
0x252: {  	_ =	swait.ge [sflag:s11], $0x2800  }
0x253: {  	[sflag:s11] =	ssyncset.done $0x0  }
0x254: {  	[sflag:s11] =	ssyncadd.s32 $0xFFFFD800  }
0x255: {  	[spmem:s3] =	stream.indirect.scatter.add.f32 [tilespmem:s6], [sflag:$0x5], $0x80, s15, s31, $0xb8;
	v63 =	vld [tilespmem:$0x0]  }
0x256: {  	_ =	swait.ge [sflag:s29], $0x2800  }
0x257: {  	[sflag:s29] =	ssyncset.done $0x0  }
0x258: {  	[sflag:s29] =	ssyncadd.s32 $0xFFFFD800  }
0x259: {  	v2 =	vld [tilespmem:$0x15B00];
	_ =	sdelay $0x7  }
0x25a: {  	[tilespmem:v2+s10+$0x0] =	vst.idx.add.f32.msk $0xffff, v1  }
0x25b: {  	v2 =	vld [tilespmem:$0x15B10];
	_ =	sdelay $0x7  }
0x25c: {  	[tilespmem:v2+s10+$0x0] =	vst.idx.add.f32.msk $0xffff, v1  }
0x25d: {  	v2 =	vld [tilespmem:$0x15B20];
	_ =	sdelay $0x7  }
0x25e: {  	[tilespmem:v2+s10+$0x0] =	vst.idx.add.f32.msk $0xffff, v1  }
0x25f: {  	v2 =	vld [tilespmem:$0x15B30];
	_ =	sdelay $0x7  }
0x260: {  	[tilespmem:v2+s10+$0x0] =	vst.idx.add.f32.msk $0xffff, v1  }
0x261: {  	v2 =	vld [tilespmem:$0x15B40];
	_ =	sdelay $0x7  }
0x262: {  	[tilespmem:v2+s10+$0x0] =	vst.idx.add.f32.msk $0xffff, v1  }
0x263: {  	_ =	swait.ge [sflag:s12], $0x2800  }
0x264: {  	[sflag:s12] =	ssyncset.done $0x0  }
0x265: {  	[sflag:s12] =	ssyncadd.s32 $0xFFFFD800  }
0x266: {  	[spmem:s3] =	stream.indirect.scatter.add.f32 [tilespmem:s26], [sflag:$0x5], $0x80, s16, s31, $0xb8;
	v63 =	vld [tilespmem:$0x0]  }
0x267: {  	_ =	swait.ge [sflag:s29], $0x2800  }
0x268: {  	[sflag:s29] =	ssyncset.done $0x0  }
0x269: {  	[sflag:s29] =	ssyncadd.s32 $0xFFFFD800  }
0x26a: {  	v2 =	vld [tilespmem:$0x15B80];
	_ =	sdelay $0x7  }
0x26b: {  	[tilespmem:v2+s10+$0x0] =	vst.idx.add.f32.msk $0xffff, v1  }
0x26c: {  	v2 =	vld [tilespmem:$0x15B90];
	_ =	sdelay $0x7  }
0x26d: {  	[tilespmem:v2+s10+$0x0] =	vst.idx.add.f32.msk $0xffff, v1  }
0x26e: {  	v2 =	vld [tilespmem:$0x15BA0];
	_ =	sdelay $0x7  }
0x26f: {  	[tilespmem:v2+s10+$0x0] =	vst.idx.add.f32.msk $0xffff, v1  }
0x270: {  	v2 =	vld [tilespmem:$0x15BB0];
	_ =	sdelay $0x7  }
0x271: {  	[tilespmem:v2+s10+$0x0] =	vst.idx.add.f32.msk $0xffff, v1  }
0x272: {  	v2 =	vld [tilespmem:$0x15BC0];
	_ =	sdelay $0x7  }
0x273: {  	[tilespmem:v2+s10+$0x0] =	vst.idx.add.f32.msk $0xffff, v1  }
0x274: {  	_ =	swait.ge [sflag:s9], $0x2800  }
0x275: {  	[sflag:s9] =	ssyncset.done $0x0  }
0x276: {  	[sflag:s9] =	ssyncadd.s32 $0xFFFFD800  }
0x277: {  	[spmem:s3] =	stream.indirect.scatter.add.f32 [tilespmem:s2], [sflag:$0x5], $0x80, s17, s31, $0xb8;
	v63 =	vld [tilespmem:$0x0]  }
0x278: {  	_ =	swait.ge [sflag:s29], $0x2800  }
0x279: {  	[sflag:s29] =	ssyncset.done $0x0  }
0x27a: {  	[sflag:s29] =	ssyncadd.s32 $0xFFFFD800  }
0x27b: {  	v2 =	vld [tilespmem:$0x15C00];
	_ =	sdelay $0x7  }
0x27c: {  	[tilespmem:v2+s10+$0x0] =	vst.idx.add.f32.msk $0xffff, v1  }
0x27d: {  	v2 =	vld [tilespmem:$0x15C10];
	_ =	sdelay $0x7  }
0x27e: {  	[tilespmem:v2+s10+$0x0] =	vst.idx.add.f32.msk $0xffff, v1  }
0x27f: {  	v2 =	vld [tilespmem:$0x15C20];
	_ =	sdelay $0x7  }
0x280: {  	[tilespmem:v2+s10+$0x0] =	vst.idx.add.f32.msk $0xffff, v1  }
0x281: {  	v2 =	vld [tilespmem:$0x15C30];
	_ =	sdelay $0x7  }
0x282: {  	[tilespmem:v2+s10+$0x0] =	vst.idx.add.f32.msk $0xffff, v1  }
0x283: {  	v2 =	vld [tilespmem:$0x15C40];
	_ =	sdelay $0x7  }
0x284: {  	s19 =	simm.s32 $0x0;
	s20 =	rddreg [dreg:$0x11];
	[tilespmem:v2+s10+$0x0] =	vst.idx.add.f32.msk $0xffff, v1  }
0x285: {  	[tilespmem:s28], [sflag:$0x5] =	stream.linear.gather [hbm4b:s20+s19], $0xC80, $0x38;
	v63 =	vld [tilespmem:$0x0]  }
0x286: {  	_ =	swait.ge [sflag:s29], $0xC80  }
0x287: {  	[sflag:s29] =	ssyncset.done $0x0  }
0x288: {  	s22 =	rddreg [dreg:$0x12];
	[sflag:s29] =	ssyncadd.s32 $0xFFFFF380  }
0x289: {  	[tilespmem:s30], [sflag:$0x5] =	stream.linear.gather [hbm4b:s22+s19], $0xC80, $0x38;
	v63 =	vld [tilespmem:$0x0]  }
0x28a: {  	_ =	swait.ge [sflag:s29], $0xC80  }
0x28b: {  	[sflag:s29] =	ssyncset.done $0x0  }
0x28c: {  	[sflag:s29] =	ssyncadd.s32 $0xFFFFF380  }
0x28d: {  	[tilespmem:s2], [sflag:$0x1] =	stream.indirect.gather [hbm4b:s1+s31], $0x80, s28, s31, $0xb8;
	v63 =	vld [tilespmem:$0x0]  }
0x28e: {  	_ = 	snop  }
0x28f: {  	[tilespmem:s6], [sflag:$0x2] =	stream.indirect.gather [hbm4b:s1+s31], $0x80, s0, s31, $0xb8;
	v63 =	vld [tilespmem:$0x0]  }
0x290: {  	_ = 	snop  }
0x291: {  	[tilespmem:s26], [sflag:$0x3] =	stream.indirect.gather [hbm4b:s1+s31], $0x80, s7, s31, $0xb8;
	v63 =	vld [tilespmem:$0x0]  }
.LBB2_14:
0x292: {  	_ =	swait.ge [sflag:s9], $0x2800  }
0x293: {  	s20 =	sshra.s32 s19, $0x2;
	[sflag:s9] =	ssyncset.done $0x0  }
0x294: {  	s21 =	sadd.s32 $0x15000, s20;
	[sflag:s9] =	ssyncadd.s32 $0xFFFFD800  }
0x295: {  	[spmem:s3] =	stream.indirect.scatter.add.f32 [tilespmem:s2], [sflag:$0x5], $0x80, s21, s31, $0xb8;
	v63 =	vld [tilespmem:$0x0]  }
0x296: {  	_ =	swait.ge [sflag:s29], $0x2800  }
0x297: {  	[sflag:s29] =	ssyncset.done $0x0  }
0x298: {  	s22 =	sadd.s32 $0x14180, s20;
	[sflag:s29] =	ssyncadd.s32 $0xFFFFD800  }
0x299: {  	[tilespmem:s2], [sflag:$0x1] =	stream.indirect.gather [hbm4b:s1+s31], $0x80, s22, s31, $0xb8;
	v63 =	vld [tilespmem:$0x0]  }
0x29a: {  	v2 =	vld [tilespmem:s20+$0x15000];
	_ =	sdelay $0x7  }
0x29b: {  	[tilespmem:v2+s10+$0x0] =	vst.idx.add.f32.msk $0xffff, v1  }
0x29c: {  	v2 =	vld [tilespmem:s20+$0x15010];
	_ =	sdelay $0x7  }
0x29d: {  	[tilespmem:v2+s10+$0x0] =	vst.idx.add.f32.msk $0xffff, v1  }
0x29e: {  	v2 =	vld [tilespmem:s20+$0x15020];
	_ =	sdelay $0x7  }
0x29f: {  	[tilespmem:v2+s10+$0x0] =	vst.idx.add.f32.msk $0xffff, v1  }
0x2a0: {  	v2 =	vld [tilespmem:s20+$0x15030];
	_ =	sdelay $0x7  }
0x2a1: {  	[tilespmem:v2+s10+$0x0] =	vst.idx.add.f32.msk $0xffff, v1  }
0x2a2: {  	v2 =	vld [tilespmem:s20+$0x15040];
	_ =	sdelay $0x7  }
0x2a3: {  	[tilespmem:v2+s10+$0x0] =	vst.idx.add.f32.msk $0xffff, v1  }
0x2a4: {  	_ =	swait.ge [sflag:s11], $0x2800  }
0x2a5: {  	[sflag:s11] =	ssyncset.done $0x0  }
0x2a6: {  	s22 =	sadd.s32 $0x15080, s20;
	[sflag:s11] =	ssyncadd.s32 $0xFFFFD800  }
0x2a7: {  	[spmem:s3] =	stream.indirect.scatter.add.f32 [tilespmem:s6], [sflag:$0x5], $0x80, s22, s31, $0xb8;
	v63 =	vld [tilespmem:$0x0]  }
0x2a8: {  	_ =	swait.ge [sflag:s29], $0x2800  }
0x2a9: {  	[sflag:s29] =	ssyncset.done $0x0  }
0x2aa: {  	s22 =	sadd.s32 $0x14200, s20;
	[sflag:s29] =	ssyncadd.s32 $0xFFFFD800  }
0x2ab: {  	[tilespmem:s6], [sflag:$0x2] =	stream.indirect.gather [hbm4b:s1+s31], $0x80, s22, s31, $0xb8;
	v63 =	vld [tilespmem:$0x0]  }
0x2ac: {  	v2 =	vld [tilespmem:s20+$0x15080];
	_ =	sdelay $0x7  }
0x2ad: {  	[tilespmem:v2+s10+$0x0] =	vst.idx.add.f32.msk $0xffff, v1  }
0x2ae: {  	v2 =	vld [tilespmem:s20+$0x15090];
	_ =	sdelay $0x7  }
0x2af: {  	[tilespmem:v2+s10+$0x0] =	vst.idx.add.f32.msk $0xffff, v1  }
0x2b0: {  	v2 =	vld [tilespmem:s20+$0x150A0];
	_ =	sdelay $0x7  }
0x2b1: {  	[tilespmem:v2+s10+$0x0] =	vst.idx.add.f32.msk $0xffff, v1  }
0x2b2: {  	v2 =	vld [tilespmem:s20+$0x150B0];
	_ =	sdelay $0x7  }
0x2b3: {  	[tilespmem:v2+s10+$0x0] =	vst.idx.add.f32.msk $0xffff, v1  }
0x2b4: {  	v2 =	vld [tilespmem:s20+$0x150C0];
	_ =	sdelay $0x7  }
0x2b5: {  	[tilespmem:v2+s10+$0x0] =	vst.idx.add.f32.msk $0xffff, v1  }
0x2b6: {  	_ =	swait.ge [sflag:s12], $0x2800  }
0x2b7: {  	[sflag:s12] =	ssyncset.done $0x0  }
0x2b8: {  	s22 =	sadd.s32 $0x15100, s20;
	[sflag:s12] =	ssyncadd.s32 $0xFFFFD800  }
0x2b9: {  	[spmem:s3] =	stream.indirect.scatter.add.f32 [tilespmem:s26], [sflag:$0x5], $0x80, s22, s31, $0xb8;
	v63 =	vld [tilespmem:$0x0]  }
0x2ba: {  	_ =	swait.ge [sflag:s29], $0x2800  }
0x2bb: {  	[sflag:s29] =	ssyncset.done $0x0  }
0x2bc: {  	s22 =	sadd.s32 $0x14280, s20;
	[sflag:s29] =	ssyncadd.s32 $0xFFFFD800  }
0x2bd: {  	[tilespmem:s26], [sflag:$0x3] =	stream.indirect.gather [hbm4b:s1+s31], $0x80, s22, s31, $0xb8;
	v63 =	vld [tilespmem:$0x0]  }
0x2be: {  	v2 =	vld [tilespmem:s20+$0x15100];
	_ =	sdelay $0x7  }
0x2bf: {  	[tilespmem:v2+s10+$0x0] =	vst.idx.add.f32.msk $0xffff, v1  }
0x2c0: {  	v2 =	vld [tilespmem:s20+$0x15110];
	_ =	sdelay $0x7  }
0x2c1: {  	[tilespmem:v2+s10+$0x0] =	vst.idx.add.f32.msk $0xffff, v1  }
0x2c2: {  	v2 =	vld [tilespmem:s20+$0x15120];
	_ =	sdelay $0x7  }
0x2c3: {  	[tilespmem:v2+s10+$0x0] =	vst.idx.add.f32.msk $0xffff, v1  }
0x2c4: {  	v2 =	vld [tilespmem:s20+$0x15130];
	_ =	sdelay $0x7  }
0x2c5: {  	[tilespmem:v2+s10+$0x0] =	vst.idx.add.f32.msk $0xffff, v1  }
0x2c6: {  	v2 =	vld [tilespmem:s20+$0x15140];
	_ =	sdelay $0x2  }
0x2c7: {  	p0 =	sne.s32 s19, $0x2400  }
.Ltmp6:
0x2c8: {  	_ = 	snop;
	(pc) =	sbr.rel @p0 .LBB2_14-.Ltmp6, $2  }
0x2c9: {  	_ =	sdelay $0x2  }
0x2ca: {  	s19 =	sadd.s32 $0x600, s19;
	[tilespmem:v2+s10+$0x0] =	vst.idx.add.f32.msk $0xffff, v1  }
0x2cb: {  	_ =	swait.ge [sflag:s9], $0x2800  }
0x2cc: {  	[sflag:s9] =	ssyncset.done $0x0  }
0x2cd: {  	[sflag:s9] =	ssyncadd.s32 $0xFFFFD800  }
0x2ce: {  	[spmem:s3] =	stream.indirect.scatter.add.f32 [tilespmem:s2], [sflag:$0x5], $0x80, s13, s31, $0xb8;
	v63 =	vld [tilespmem:$0x0]  }
0x2cf: {  	_ =	swait.ge [sflag:s29], $0x2800  }
0x2d0: {  	[sflag:s29] =	ssyncset.done $0x0  }
0x2d1: {  	[sflag:s29] =	ssyncadd.s32 $0xFFFFD800  }
0x2d2: {  	[tilespmem:s2], [sflag:$0x1] =	stream.indirect.gather [hbm4b:s1+s31], $0x80, s14, s31, $0xb8;
	v63 =	vld [tilespmem:$0x0]  }
0x2d3: {  	v2 =	vld [tilespmem:$0x15A80];
	_ =	sdelay $0x7  }
0x2d4: {  	[tilespmem:v2+s10+$0x0] =	vst.idx.add.f32.msk $0xffff, v1  }
0x2d5: {  	v2 =	vld [tilespmem:$0x15A90];
	_ =	sdelay $0x7  }
0x2d6: {  	[tilespmem:v2+s10+$0x0] =	vst.idx.add.f32.msk $0xffff, v1  }
0x2d7: {  	v2 =	vld [tilespmem:$0x15AA0];
	_ =	sdelay $0x7  }
0x2d8: {  	[tilespmem:v2+s10+$0x0] =	vst.idx.add.f32.msk $0xffff, v1  }
0x2d9: {  	v2 =	vld [tilespmem:$0x15AB0];
	_ =	sdelay $0x7  }
0x2da: {  	[tilespmem:v2+s10+$0x0] =	vst.idx.add.f32.msk $0xffff, v1  }
0x2db: {  	v2 =	vld [tilespmem:$0x15AC0];
	_ =	sdelay $0x7  }
0x2dc: {  	[tilespmem:v2+s10+$0x0] =	vst.idx.add.f32.msk $0xffff, v1  }
0x2dd: {  	_ =	swait.ge [sflag:s11], $0x2800  }
0x2de: {  	[sflag:s11] =	ssyncset.done $0x0  }
0x2df: {  	[sflag:s11] =	ssyncadd.s32 $0xFFFFD800  }
0x2e0: {  	[spmem:s3] =	stream.indirect.scatter.add.f32 [tilespmem:s6], [sflag:$0x5], $0x80, s15, s31, $0xb8;
	v63 =	vld [tilespmem:$0x0]  }
0x2e1: {  	_ =	swait.ge [sflag:s29], $0x2800  }
0x2e2: {  	[sflag:s29] =	ssyncset.done $0x0  }
0x2e3: {  	[sflag:s29] =	ssyncadd.s32 $0xFFFFD800  }
0x2e4: {  	v2 =	vld [tilespmem:$0x15B00];
	_ =	sdelay $0x7  }
0x2e5: {  	[tilespmem:v2+s10+$0x0] =	vst.idx.add.f32.msk $0xffff, v1  }
0x2e6: {  	v2 =	vld [tilespmem:$0x15B10];
	_ =	sdelay $0x7  }
0x2e7: {  	[tilespmem:v2+s10+$0x0] =	vst.idx.add.f32.msk $0xffff, v1  }
0x2e8: {  	v2 =	vld [tilespmem:$0x15B20];
	_ =	sdelay $0x7  }
0x2e9: {  	[tilespmem:v2+s10+$0x0] =	vst.idx.add.f32.msk $0xffff, v1  }
0x2ea: {  	v2 =	vld [tilespmem:$0x15B30];
	_ =	sdelay $0x7  }
0x2eb: {  	[tilespmem:v2+s10+$0x0] =	vst.idx.add.f32.msk $0xffff, v1  }
0x2ec: {  	v2 =	vld [tilespmem:$0x15B40];
	_ =	sdelay $0x7  }
0x2ed: {  	[tilespmem:v2+s10+$0x0] =	vst.idx.add.f32.msk $0xffff, v1  }
0x2ee: {  	_ =	swait.ge [sflag:s12], $0x2800  }
0x2ef: {  	[sflag:s12] =	ssyncset.done $0x0  }
0x2f0: {  	[sflag:s12] =	ssyncadd.s32 $0xFFFFD800  }
0x2f1: {  	[spmem:s3] =	stream.indirect.scatter.add.f32 [tilespmem:s26], [sflag:$0x5], $0x80, s16, s31, $0xb8;
	v63 =	vld [tilespmem:$0x0]  }
0x2f2: {  	_ =	swait.ge [sflag:s29], $0x2800  }
0x2f3: {  	[sflag:s29] =	ssyncset.done $0x0  }
0x2f4: {  	[sflag:s29] =	ssyncadd.s32 $0xFFFFD800  }
0x2f5: {  	v2 =	vld [tilespmem:$0x15B80];
	_ =	sdelay $0x7  }
0x2f6: {  	[tilespmem:v2+s10+$0x0] =	vst.idx.add.f32.msk $0xffff, v1  }
0x2f7: {  	v2 =	vld [tilespmem:$0x15B90];
	_ =	sdelay $0x7  }
0x2f8: {  	[tilespmem:v2+s10+$0x0] =	vst.idx.add.f32.msk $0xffff, v1  }
0x2f9: {  	v2 =	vld [tilespmem:$0x15BA0];
	_ =	sdelay $0x7  }
0x2fa: {  	[tilespmem:v2+s10+$0x0] =	vst.idx.add.f32.msk $0xffff, v1  }
0x2fb: {  	v2 =	vld [tilespmem:$0x15BB0];
	_ =	sdelay $0x7  }
0x2fc: {  	[tilespmem:v2+s10+$0x0] =	vst.idx.add.f32.msk $0xffff, v1  }
0x2fd: {  	v2 =	vld [tilespmem:$0x15BC0];
	_ =	sdelay $0x7  }
0x2fe: {  	[tilespmem:v2+s10+$0x0] =	vst.idx.add.f32.msk $0xffff, v1  }
0x2ff: {  	_ =	swait.ge [sflag:s9], $0x2800  }
0x300: {  	[sflag:s9] =	ssyncset.done $0x0  }
0x301: {  	[sflag:s9] =	ssyncadd.s32 $0xFFFFD800  }
0x302: {  	[spmem:s3] =	stream.indirect.scatter.add.f32 [tilespmem:s2], [sflag:$0x5], $0x80, s17, s31, $0xb8;
	v63 =	vld [tilespmem:$0x0]  }
0x303: {  	_ =	swait.ge [sflag:s29], $0x2800  }
0x304: {  	[sflag:s29] =	ssyncset.done $0x0  }
0x305: {  	[sflag:s29] =	ssyncadd.s32 $0xFFFFD800  }
0x306: {  	v2 =	vld [tilespmem:$0x15C00];
	_ =	sdelay $0x7  }
0x307: {  	[tilespmem:v2+s10+$0x0] =	vst.idx.add.f32.msk $0xffff, v1  }
0x308: {  	v2 =	vld [tilespmem:$0x15C10];
	_ =	sdelay $0x7  }
0x309: {  	[tilespmem:v2+s10+$0x0] =	vst.idx.add.f32.msk $0xffff, v1  }
0x30a: {  	v2 =	vld [tilespmem:$0x15C20];
	_ =	sdelay $0x7  }
0x30b: {  	[tilespmem:v2+s10+$0x0] =	vst.idx.add.f32.msk $0xffff, v1  }
0x30c: {  	v2 =	vld [tilespmem:$0x15C30];
	_ =	sdelay $0x7  }
0x30d: {  	[tilespmem:v2+s10+$0x0] =	vst.idx.add.f32.msk $0xffff, v1  }
0x30e: {  	v2 =	vld [tilespmem:$0x15C40];
	_ =	sdelay $0x7  }
0x30f: {  	s19 =	stileid.u32;
	[tilespmem:v2+s10+$0x0] =	vst.idx.add.f32.msk $0xffff, v1  }
0x310: {  	s19 =	sshll.u32 s19, $0x6;
	[bflag:$0x0] =	sbarrier.arrive $0xFFFF  }
0x311: {  	s20 =	sshrl.u32 s5, $0x3;
	s19 =	sor.u32 $0x1C05, s19;
	s21 =	rddreg [dreg:$0x15]  }
0x312: {  	[hbm:s21], [sflag:s19] =	dma.local [spmem:s20], $0x2800  }
0x313: {  	s18 =	sadd.s32 $0x1, s18;
	_ =	swait.ge [sflag:s29], $0x2800  }
0x314: {  	p0 =	sne.s32 s18, s25;
	[sflag:s29] =	ssyncset.done $0x0  }
.Ltmp7:
0x315: {  	[sflag:s29] =	ssyncadd.s32 $0xFFFFD800;
	(pc) =	sbr.rel @p0 .LBB2_1-.Ltmp7, $4  }
0x316: {  	[hbm4b:s24+s4] =	stream.linear.scatter [tilespmem:s10], [sflag:$0x5], $0x2800, $0x38;
	v63 =	vld [tilespmem:$0x0]  }
0x317: {  	_ =	swait.ge [sflag:s29], $0x2800  }
0x318: {  	[sflag:s29] =	ssyncset.done $0x0  }
0x319: {  	[sflag:s29] =	ssyncadd.s32 $0xFFFFD800  }
0x31a: {  	_ =	sfence.sel $0x180000  }
0x31b: {  	[bflag:$0x0] =	sbarrier.arrive $0xFFFF  }
0x31c: {  	_ =	strace $0x90000047  }
0x31d: {  	s0 =	stileid.u32;
	[bflag:$0x2] =	sbarrier.arrive $0xFFFF  }
0x31e: {  	p0 =	sne.s32 s0, $0x0;
	s0 =	rddreg [dreg:$0x4]  }
0x31f: {  	s0 =	sadd.s32 @!p0 $0x100000, s0  }
0x320: {  	[sflag:s0] =	ssyncadd.tile.s32 @!p0 $0x1;
	_ =	shalt  }
.Lfunc_end2:
_tile_overlayer_lowered:
.L_overlay_start_2:
0x321: {  	(tag) =	ssettag $0x2  }
0x322: {  	s0 =	rddreg [dreg:$0x0];
	s2 =	stileid.u32  }
0x323: {  	s1 =	rddreg [dreg:$0x1];
	p0 =	sne.s32 s2, $0x0  }
0x324: {  	s3 =	rddreg [dreg:$0x2];
	[bflag:$0x3] =	sbarrier.arrive $0xFFFF;
	s2 =	simm.s32 @!p0 $0x1C05  }
0x325: {  	[timem:s3], [sflag:s2] =	dma.local @!p0 [hbm:s0], s1  }
0x326: {  	s0 =	simm.s32 @!p0 $0x5  }
0x327: {  	_ =	swait.ge @!p0 [sflag:s0], s1  }
0x328: {  	s1 =	ssub.s32 @!p0 $0x0, s1;
	[sflag:s0] =	ssyncset.done @!p0 $0x0  }
0x329: {  	[sflag:s0] =	ssyncadd.s32 @!p0 s1  }
0x32a: {  	[bflag:$0x3] =	sbarrier.arrive $0xFFFF  }
0x32b: {  	_ =	shalt  }

</sc_bundles>
